<compile_context>
chip_gen: v7x
topology: tpu7x:2x2x1
jax: 0.10.2.dev20260603
libtpu: 0.0.44.dev20260713+nightly
codegen_flags: <defaults>
</compile_context>

<pallas_src>
import functools

import jax
import jax.numpy as jnp
from jax import lax
from jax.experimental import pallas as pl
from jax.experimental.pallas import tpu as pltpu
from jax.experimental.pallas import tpu_sc as plsc

N = 10000
IN_CH = 128
HID = 16
HEADS = 8
OUT_CH = 128

NC = 2
NS = 16
NW = NC * NS
EB = 96
ICH = 18
NBLK0 = 126
NBLK1 = 90
TOTBLK = NS * (NBLK0 + NBLK1)
EPAD = TOTBLK * EB
NPAD = 10240
ROW = 144
RPT = NPAD // NS

_HPERM = tuple(
    (2 * jg + (m % 2)) * 16 + (m // 2)
    for jg in range(4) for m in range(32))

_mesh = plsc.VectorSubcoreMesh(core_axis_name="c", subcore_axis_name="s",
                               num_cores=NC, num_subcores=NS)

_GATHER_DN = lax.GatherDimensionNumbers(
    offset_dims=(), collapsed_slice_dims=(0,), start_index_map=(0,))


def _bcast_lane(vec, lane):
  idx = jnp.full((16, 1), lane, jnp.int32)
  return lax.gather(vec, idx, _GATHER_DN, (1,),
                    mode=lax.GatherScatterMode.PROMISE_IN_BOUNDS)


def _edge_body(nheads, tabH, tabAt, tabB, srcb, dstb, out, idx_s, idx_d,
               gh0, gh1, ga0, ga1, gb0, gb1, obuf, acc,
               semh0, semh1, sema0, sema1, semb0, semb1):
  c = lax.axis_index("c")
  s = lax.axis_index("s")
  start_blk = jnp.where(c == 0, s * NBLK0, NS * NBLK0 + s * NBLK1)
  n_chunks = jnp.where(c == 0, NBLK0 // ICH, NBLK1 // ICH)
  ghs = (gh0, gh1)
  gas = (ga0, ga1)
  gbs = (gb0, gb1)
  semh = (semh0, semh1)
  sema = (sema0, sema1)
  semb = (semb0, semb1)

  def zero_row(r, carry):
    for j in range(ROW // 16):
      obuf[r, pl.ds(j * 16, 16)] = jnp.zeros((16,), jnp.float32)
    return carry
  lax.fori_loop(0, EB, zero_row, 0)
  for k in range(RPT // EB):
    pltpu.sync_copy(obuf, acc.at[pl.ds(s * RPT + k * EB, EB)])
  rem = RPT - (RPT // EB) * EB
  if rem:
    pltpu.sync_copy(obuf.at[pl.ds(0, rem)],
                    acc.at[pl.ds(s * RPT + (RPT // EB) * EB, rem)])

  plsc.subcore_barrier()

  lanes = lax.iota(jnp.int32, 16)
  keep = lanes < nheads

  def do_chunk(ch, carry):
    pltpu.sync_copy(srcb.at[pl.ds(start_blk + ch * ICH, ICH)], idx_s)
    pltpu.sync_copy(dstb.at[pl.ds(start_blk + ch * ICH, ICH)], idx_d)
    pltpu.async_copy(tabH.at[idx_s.at[0]], gh0, semh0)
    pltpu.async_copy(tabAt.at[idx_s.at[0]], ga0, sema0)
    pltpu.async_copy(tabB.at[idx_d.at[0]], gb0, semb0)

    def do_pair(t, pcarry):
      for q in (0, 1):
        b = t * 2 + q
        nq = 1 - q

        @pl.when(b + 1 < ICH)
        def _prefetch(b=b, nq=nq):
          pltpu.async_copy(tabH.at[idx_s.at[b + 1]], ghs[nq], semh[nq])
          pltpu.async_copy(tabAt.at[idx_s.at[b + 1]], gas[nq], sema[nq])
          pltpu.async_copy(tabB.at[idx_d.at[b + 1]], gbs[nq], semb[nq])

        pltpu.make_async_copy(tabH.at[pl.ds(0, EB)], ghs[q], semh[q]).wait()
        pltpu.make_async_copy(tabAt.at[pl.ds(0, EB)], gas[q], sema[q]).wait()
        pltpu.make_async_copy(tabB.at[pl.ds(0, EB)], gbs[q], semb[q]).wait()

        gh = ghs[q]
        ga = gas[q]
        gb = gbs[q]

        @plsc.parallel_loop(0, EB, step=1, unroll=4)
        def do_edge(e):
          u = ga[e, :]
          v = gb[e, :]
          w = u + v
          a = jnp.where(w > 0, w, 0.2 * w)
          p = jnp.where(keep, jnp.exp(a), 0.0)
          obuf[e, pl.ds(128, 16)] = p
          p0 = _bcast_lane(p, 0) if nheads != HEADS else None
          for jg in range(4):
            hb = gh[e, pl.ds(jg * 32, 32)]
            ha, hc = plsc.unpack(hb, format=plsc.PackFormat.INTERLEAVED)
            pa = _bcast_lane(p, 2 * jg) if nheads == HEADS else p0
            pc = _bcast_lane(p, 2 * jg + 1) if nheads == HEADS else p0
            obuf[e, pl.ds((2 * jg) * 16, 16)] = pa * ha
            obuf[e, pl.ds((2 * jg + 1) * 16, 16)] = pc * hc

        pltpu.sync_copy(obuf, acc.at[idx_d.at[b]], add=True)
      return pcarry
    lax.fori_loop(0, ICH // 2, do_pair, 0)
    return carry
  lax.fori_loop(0, n_chunks, do_chunk, 0)

  plsc.subcore_barrier()
  pltpu.sync_copy(acc.at[pl.ds(s * RPT, RPT)],
                  out.at[c, pl.ds(s * RPT, RPT)])


def _make_edge_pass(nheads):
  return functools.partial(
      pl.kernel,
      out_type=jax.ShapeDtypeStruct((NC, NPAD, ROW), jnp.float32),
      mesh=_mesh,
      scratch_types=[
          pltpu.VMEM((ICH, EB), jnp.int32),
          pltpu.VMEM((ICH, EB), jnp.int32),
          pltpu.VMEM((EB, 128), jnp.bfloat16),
          pltpu.VMEM((EB, 128), jnp.bfloat16),
          pltpu.VMEM((EB, 16), jnp.float32),
          pltpu.VMEM((EB, 16), jnp.float32),
          pltpu.VMEM((EB, 16), jnp.float32),
          pltpu.VMEM((EB, 16), jnp.float32),
          pltpu.VMEM((EB, ROW), jnp.float32),
          pltpu.VMEM_SHARED((NPAD, ROW), jnp.float32),
          pltpu.SemaphoreType.DMA,
          pltpu.SemaphoreType.DMA,
          pltpu.SemaphoreType.DMA,
          pltpu.SemaphoreType.DMA,
          pltpu.SemaphoreType.DMA,
          pltpu.SemaphoreType.DMA,
      ],
      compiler_params=pltpu.CompilerParams(use_tc_tiling_on_sc=False,
                                           needs_layout_passes=False),
  )(functools.partial(_edge_body, nheads))


_edge_pass8 = _make_edge_pass(HEADS)
_edge_pass1 = _make_edge_pass(1)

_BN = 512


def _mm_body(x_ref, wh_ref, wat_ref, wb_ref, oh_ref, oat_ref, ob_ref):
  x = x_ref[...]
  oh_ref[...] = jnp.dot(x, wh_ref[...], preferred_element_type=jnp.float32,
                        precision=lax.Precision.HIGHEST).astype(jnp.bfloat16)
  oat_ref[...] = jnp.dot(x, wat_ref[...], preferred_element_type=jnp.float32,
                         precision=lax.Precision.HIGHEST)
  ob_ref[...] = jnp.dot(x, wb_ref[...], preferred_element_type=jnp.float32,
                        precision=lax.Precision.HIGHEST)


def _tables1(xp, wh, wat, wb):
  return pl.pallas_call(
      _mm_body,
      grid=(NPAD // _BN,),
      in_specs=[
          pl.BlockSpec((_BN, IN_CH), lambda i: (i, 0)),
          pl.BlockSpec((IN_CH, 128), lambda i: (0, 0)),
          pl.BlockSpec((IN_CH, 16), lambda i: (0, 0)),
          pl.BlockSpec((IN_CH, 16), lambda i: (0, 0)),
      ],
      out_specs=[
          pl.BlockSpec((_BN, 128), lambda i: (i, 0)),
          pl.BlockSpec((_BN, 16), lambda i: (i, 0)),
          pl.BlockSpec((_BN, 16), lambda i: (i, 0)),
      ],
      out_shape=[
          jax.ShapeDtypeStruct((NPAD, 128), jnp.bfloat16),
          jax.ShapeDtypeStruct((NPAD, 16), jnp.float32),
          jax.ShapeDtypeStruct((NPAD, 16), jnp.float32),
      ],
  )(xp, wh, wat, wb)


def _prep2_body(a_ref, r_ref, b1_ref, wh_ref, wat_ref, wb_ref,
                oh_ref, oat_ref, ob_ref):
  acc = a_ref[0] + a_ref[1]
  asum = acc[:, 128:136]
  d = jnp.dot(asum, r_ref[...], preferred_element_type=jnp.float32,
              precision=lax.Precision.HIGHEST) + 1e-16
  h1 = acc[:, :128] / d + b1_ref[...]
  e1 = jnp.where(h1 > 0, h1, jnp.exp(h1) - 1.0)
  oh_ref[...] = jnp.dot(e1, wh_ref[...], preferred_element_type=jnp.float32,
                        precision=lax.Precision.HIGHEST).astype(jnp.bfloat16)
  oat_ref[...] = jnp.dot(e1, wat_ref[...], preferred_element_type=jnp.float32,
                         precision=lax.Precision.HIGHEST)
  ob_ref[...] = jnp.dot(e1, wb_ref[...], preferred_element_type=jnp.float32,
                        precision=lax.Precision.HIGHEST)


def _tables2(accs, r, b1, wh, wat, wb):
  return pl.pallas_call(
      _prep2_body,
      grid=(NPAD // _BN,),
      in_specs=[
          pl.BlockSpec((NC, _BN, ROW), lambda i: (0, i, 0)),
          pl.BlockSpec((HEADS, 128), lambda i: (0, 0)),
          pl.BlockSpec((1, 128), lambda i: (0, 0)),
          pl.BlockSpec((IN_CH, 128), lambda i: (0, 0)),
          pl.BlockSpec((IN_CH, 16), lambda i: (0, 0)),
          pl.BlockSpec((IN_CH, 16), lambda i: (0, 0)),
      ],
      out_specs=[
          pl.BlockSpec((_BN, 128), lambda i: (i, 0)),
          pl.BlockSpec((_BN, 16), lambda i: (i, 0)),
          pl.BlockSpec((_BN, 16), lambda i: (i, 0)),
      ],
      out_shape=[
          jax.ShapeDtypeStruct((NPAD, 128), jnp.bfloat16),
          jax.ShapeDtypeStruct((NPAD, 16), jnp.float32),
          jax.ShapeDtypeStruct((NPAD, 16), jnp.float32),
      ],
  )(accs, r, b1, wh, wat, wb)


def _final_body(a_ref, b2_ref, o_ref):
  acc = a_ref[0] + a_ref[1]
  d = acc[:, 128:129] + 1e-16
  o_ref[...] = acc[:, :128] / d + b2_ref[...]


def _final(accs, b2):
  return pl.pallas_call(
      _final_body,
      grid=(NPAD // _BN,),
      in_specs=[
          pl.BlockSpec((NC, _BN, ROW), lambda i: (0, i, 0)),
          pl.BlockSpec((1, 128), lambda i: (0, 0)),
      ],
      out_specs=pl.BlockSpec((_BN, 128), lambda i: (i, 0)),
      out_shape=jax.ShapeDtypeStruct((NPAD, 128), jnp.float32),
  )(accs, b2)


@jax.jit
def kernel(x, W1, att_src1, att_dst1, b1, W2, att_src2, att_dst2, b2,
           edge_index):
  f32 = jnp.float32
  perm = jnp.array(_HPERM, jnp.int32)
  as1 = att_src1.reshape(HEADS, HID)
  ad1 = att_dst1.reshape(HEADS, HID)
  eye8 = jnp.eye(HEADS, dtype=f32)
  A_s = (eye8[:, None, :] * as1[:, :, None]).reshape(IN_CH, HEADS)
  A_d = (eye8[:, None, :] * ad1[:, :, None]).reshape(IN_CH, HEADS)
  w1h = W1[:, perm]
  w1at = jnp.concatenate([W1 @ A_s, W1 @ A_d], axis=1)
  w1b = jnp.concatenate([W1 @ A_d, jnp.zeros((IN_CH, 8), f32)], axis=1)
  a_s2 = att_src2.reshape(OUT_CH)
  a_d2 = att_dst2.reshape(OUT_CH)
  w2h = W2[:, perm]
  w2at = jnp.concatenate(
      [(W2 @ a_s2)[:, None], jnp.zeros((HEADS * HID, 15), f32)], axis=1)
  w2b = jnp.concatenate(
      [(W2 @ a_d2)[:, None], jnp.zeros((HEADS * HID, 15), f32)], axis=1)
  r8 = jnp.repeat(eye8, HID, axis=1)

  loop = jnp.arange(N, dtype=jnp.int32)
  tail = jnp.full((EPAD - N - edge_index.shape[1],), N, jnp.int32)
  src = jnp.concatenate([edge_index[0], loop, tail]).reshape(TOTBLK, EB)
  dst = jnp.concatenate([edge_index[1], loop, tail]).reshape(TOTBLK, EB)

  xp = jnp.pad(x, ((0, NPAD - N), (0, 0)))

  tabH1, tabAt1, tabB1 = _tables1(xp, w1h, w1at, w1b)
  acc1 = _edge_pass8(tabH1, tabAt1, tabB1, src, dst)
  tabH2, tabAt2, tabB2 = _tables2(acc1, r8, b1.reshape(1, 128),
                                  w2h, w2at, w2b)
  acc2 = _edge_pass1(tabH2, tabAt2, tabB2, src, dst)
  out = _final(acc2, b2.reshape(1, 128))
  return out[:N]

# --- scband reference (transcript-rebuilt; emitter-appended) ---
"""Pipeline reference for scband-gat2-14070312861883 (READ-ONLY COPY).

The authoritative reference and input builder live on the scoring server;
editing this copy changes nothing except your own understanding.
"""

import jax, jax.numpy as jnp
import numpy as np

N = 10000
E = 320000
IN_CH = 128
HID = 16
HEADS = 8
OUT_CH = 128


def add_self_loops(edge_index, num_nodes):
    loop = jnp.arange(num_nodes, dtype=edge_index.dtype)
    loops = jnp.stack([loop, loop])
    return jnp.concatenate([edge_index, loops], axis=1)


def gat_conv(x, edge_index, W, att_src, att_dst, bias, heads, out_ch, num_nodes):
    src = edge_index[0]
    dst = edge_index[1]
    h = (x @ W).reshape(num_nodes, heads, out_ch)
    a_src = (h * att_src).sum(-1)  # [N, H]
    a_dst = (h * att_dst).sum(-1)  # [N, H]
    alpha = a_src[src] + a_dst[dst]  # [E, H]
    alpha = jax.nn.leaky_relu(alpha, negative_slope=0.2)
    amax = jax.ops.segment_max(alpha, dst, num_segments=num_nodes)
    amax = jnp.where(jnp.isfinite(amax), amax, 0.0)
    amax = jax.lax.stop_gradient(amax)
    alpha = jnp.exp(alpha - amax[dst])
    asum = jax.ops.segment_sum(alpha, dst, num_segments=num_nodes)
    alpha = alpha / (asum[dst] + 1e-16)
    msg = h[src] * alpha[:, :, None]
    out = jax.ops.segment_sum(msg, dst, num_segments=num_nodes)
    return out.reshape(num_nodes, heads * out_ch) + bias


def setup_inputs(seed: int = 0):
    key = jax.random.key(seed)
    ks = jax.random.split(key, 12)
    x = jax.random.normal(ks[0], (N, IN_CH), dtype=jnp.float32)
    edge_index = jax.random.randint(ks[1], (2, E), 0, N, dtype=jnp.int32)
    s1 = np.sqrt(2.0 / (IN_CH + HEADS * HID)).astype(np.float32)
    W1 = jax.random.normal(ks[2], (IN_CH, HEADS * HID), dtype=jnp.float32) * s1
    att_src1 = jax.random.normal(ks[3], (1, HEADS, HID), dtype=jnp.float32) * 0.1
    att_dst1 = jax.random.normal(ks[4], (1, HEADS, HID), dtype=jnp.float32) * 0.1
    b1 = jnp.zeros((HEADS * HID,), dtype=jnp.float32)
    s2 = np.sqrt(2.0 / (HEADS * HID + OUT_CH)).astype(np.float32)
    W2 = jax.random.normal(ks[5], (HEADS * HID, OUT_CH), dtype=jnp.float32) * s2
    att_src2 = jax.random.normal(ks[6], (1, 1, OUT_CH), dtype=jnp.float32) * 0.1
    att_dst2 = jax.random.normal(ks[7], (1, 1, OUT_CH), dtype=jnp.float32) * 0.1
    b2 = jnp.zeros((OUT_CH,), dtype=jnp.float32)
    return {"x": x, "W1": W1, "att_src1": att_src1, "att_dst1": att_dst1, "b1": b1,
            "W2": W2, "att_src2": att_src2, "att_dst2": att_dst2, "b2": b2,
            "edge_index": edge_index}


def reference(x, W1, att_src1, att_dst1, b1, W2, att_src2, att_dst2, b2, edge_index):
    ei = add_self_loops(edge_index, N)
    h = gat_conv(x, ei, W1, att_src1, att_dst1, b1, HEADS, HID, N)
    h = jax.nn.elu(h)
    out = gat_conv(h, ei, W2, att_src2, att_dst2, b2, 1, OUT_CH, N)
    return out

if __name__ == "__main__":
    import jax
    _d = setup_inputs()
    print(jax.jit(kernel)(*tuple(_d.values())))

</pallas_src>

<mosaic_0001>
#map = affine_map<(d0, d1) -> (0, 0)>
#map1 = affine_map<(d0, d1) -> (0, 0, 0)>
module attributes {stable_mosaic.version = 14 : i64} {
  func.func @_edge_body(%arg0: i32, %arg1: i32, %arg2: memref<10240x128xbf16, #tpu.memory_space<hbm>>, %arg3: memref<10240x16xf32, #tpu.memory_space<hbm>>, %arg4: memref<10240x16xf32, #tpu.memory_space<hbm>>, %arg5: memref<3456x96xi32, #tpu.memory_space<hbm>>, %arg6: memref<3456x96xi32, #tpu.memory_space<hbm>>, %arg7: memref<2x10240x144xf32, #tpu.memory_space<hbm>>, %arg8: memref<18x96xi32, #tpu.memory_space<vmem>>, %arg9: memref<18x96xi32, #tpu.memory_space<vmem>>, %arg10: memref<96x128xbf16, #tpu.memory_space<vmem>>, %arg11: memref<96x128xbf16, #tpu.memory_space<vmem>>, %arg12: memref<96x16xf32, #tpu.memory_space<vmem>>, %arg13: memref<96x16xf32, #tpu.memory_space<vmem>>, %arg14: memref<96x16xf32, #tpu.memory_space<vmem>>, %arg15: memref<96x16xf32, #tpu.memory_space<vmem>>, %arg16: memref<96x144xf32, #tpu.memory_space<vmem>>, %arg17: memref<10240x144xf32, #tpu.memory_space<vmem_shared>>, %arg18: memref<!tpu.dma_semaphore, #tpu.memory_space<semaphore_mem>>, %arg19: memref<!tpu.dma_semaphore, #tpu.memory_space<semaphore_mem>>, %arg20: memref<!tpu.dma_semaphore, #tpu.memory_space<semaphore_mem>>, %arg21: memref<!tpu.dma_semaphore, #tpu.memory_space<semaphore_mem>>, %arg22: memref<!tpu.dma_semaphore, #tpu.memory_space<semaphore_mem>>, %arg23: memref<!tpu.dma_semaphore, #tpu.memory_space<semaphore_mem>>) attributes {dimension_semantics = [#tpu.dimension_semantics<core_parallel>, #tpu.dimension_semantics<subcore_parallel>], iteration_bounds = array<i64: 2, 16>, scalar_prefetch = 0 : i64, scratch_operands = 16 : i64, tpu.core_type = #tpu.core_type<sc_vector_subcore>, window_params = [{transform_indices = #map}, {transform_indices = #map}, {transform_indices = #map}, {transform_indices = #map}, {transform_indices = #map}, {transform_indices = #map1}]} {
    %eq3A = arith.constant 0 : i32
    %eq3A_0 = arith.cmpi eq, %arg0, %eq3A : i32
    %mul3A = arith.constant 126 : i32
    %mul3A_1 = arith.muli %arg1, %mul3A : i32
    %mul3A_2 = arith.constant 90 : i32
    %mul3A_3 = arith.muli %arg1, %mul3A_2 : i32
    %add3A = arith.constant 2016 : i32
    %add3A_4 = arith.addi %add3A, %mul3A_3 : i32
    %select_n3A = arith.select %eq3A_0, %mul3A_1, %add3A_4 : i32
    %eq3A_5 = arith.constant 0 : i32
    %eq3A_6 = arith.cmpi eq, %arg0, %eq3A_5 : i32
    %jit3A = arith.constant 7 : i32
    %jit3A_7 = arith.constant 5 : i32
    %select_n3A_8 = arith.select %eq3A_6, %jit3A, %jit3A_7 : i32
    %scan3A = arith.constant 0 : i32
    %scan3A_9 = arith.constant 0 : i32
    %scan3A_10 = arith.constant 96 : i32
    %scan3A_11 = arith.addi %scan3A_9, %scan3A_10 : i32
    %scan3A_12 = arith.constant 1 : i32
    scf.for %scan3A_58 = %scan3A_9 to %scan3A_11 step %scan3A_12  : i32 {
      %broadcast_in_dim3A = arith.constant 0.000000e+00 : f32
      %broadcast_in_dim3A_59 = vector.broadcast %broadcast_in_dim3A : f32 to vector<16xf32>
      %swap3A = arith.index_cast %scan3A_58 : i32 to index
      %swap3A_60 = arith.constant 0 : index
      %swap3A_61 = tpu.vector_load %arg16[%swap3A, %swap3A_60] {strides = array<i32>} : memref<96x144xf32, #tpu.memory_space<vmem>>, vector<16xf32>,
      tpu.vector_store %arg16[%swap3A, %swap3A_60], %broadcast_in_dim3A_59 {strides = array<i32>} : memref<96x144xf32, #tpu.memory_space<vmem>>, vector<16xf32>,
      %broadcast_in_dim3A_62 = arith.constant 0.000000e+00 : f32
      %broadcast_in_dim3A_63 = vector.broadcast %broadcast_in_dim3A_62 : f32 to vector<16xf32>
      %swap3A_64 = arith.index_cast %scan3A_58 : i32 to index
      %swap3A_65 = arith.constant 16 : index
      %swap3A_66 = tpu.vector_load %arg16[%swap3A_64, %swap3A_65] {strides = array<i32>} : memref<96x144xf32, #tpu.memory_space<vmem>>, vector<16xf32>,
      tpu.vector_store %arg16[%swap3A_64, %swap3A_65], %broadcast_in_dim3A_63 {strides = array<i32>} : memref<96x144xf32, #tpu.memory_space<vmem>>, vector<16xf32>,
      %broadcast_in_dim3A_67 = arith.constant 0.000000e+00 : f32
      %broadcast_in_dim3A_68 = vector.broadcast %broadcast_in_dim3A_67 : f32 to vector<16xf32>
      %swap3A_69 = arith.index_cast %scan3A_58 : i32 to index
      %swap3A_70 = arith.constant 32 : index
      %swap3A_71 = tpu.vector_load %arg16[%swap3A_69, %swap3A_70] {strides = array<i32>} : memref<96x144xf32, #tpu.memory_space<vmem>>, vector<16xf32>,
      tpu.vector_store %arg16[%swap3A_69, %swap3A_70], %broadcast_in_dim3A_68 {strides = array<i32>} : memref<96x144xf32, #tpu.memory_space<vmem>>, vector<16xf32>,
      %broadcast_in_dim3A_72 = arith.constant 0.000000e+00 : f32
      %broadcast_in_dim3A_73 = vector.broadcast %broadcast_in_dim3A_72 : f32 to vector<16xf32>
      %swap3A_74 = arith.index_cast %scan3A_58 : i32 to index
      %swap3A_75 = arith.constant 48 : index
      %swap3A_76 = tpu.vector_load %arg16[%swap3A_74, %swap3A_75] {strides = array<i32>} : memref<96x144xf32, #tpu.memory_space<vmem>>, vector<16xf32>,
      tpu.vector_store %arg16[%swap3A_74, %swap3A_75], %broadcast_in_dim3A_73 {strides = array<i32>} : memref<96x144xf32, #tpu.memory_space<vmem>>, vector<16xf32>,
      %broadcast_in_dim3A_77 = arith.constant 0.000000e+00 : f32
      %broadcast_in_dim3A_78 = vector.broadcast %broadcast_in_dim3A_77 : f32 to vector<16xf32>
      %swap3A_79 = arith.index_cast %scan3A_58 : i32 to index
      %swap3A_80 = arith.constant 64 : index
      %swap3A_81 = tpu.vector_load %arg16[%swap3A_79, %swap3A_80] {strides = array<i32>} : memref<96x144xf32, #tpu.memory_space<vmem>>, vector<16xf32>,
      tpu.vector_store %arg16[%swap3A_79, %swap3A_80], %broadcast_in_dim3A_78 {strides = array<i32>} : memref<96x144xf32, #tpu.memory_space<vmem>>, vector<16xf32>,
      %broadcast_in_dim3A_82 = arith.constant 0.000000e+00 : f32
      %broadcast_in_dim3A_83 = vector.broadcast %broadcast_in_dim3A_82 : f32 to vector<16xf32>
      %swap3A_84 = arith.index_cast %scan3A_58 : i32 to index
      %swap3A_85 = arith.constant 80 : index
      %swap3A_86 = tpu.vector_load %arg16[%swap3A_84, %swap3A_85] {strides = array<i32>} : memref<96x144xf32, #tpu.memory_space<vmem>>, vector<16xf32>,
      tpu.vector_store %arg16[%swap3A_84, %swap3A_85], %broadcast_in_dim3A_83 {strides = array<i32>} : memref<96x144xf32, #tpu.memory_space<vmem>>, vector<16xf32>,
      %broadcast_in_dim3A_87 = arith.constant 0.000000e+00 : f32
      %broadcast_in_dim3A_88 = vector.broadcast %broadcast_in_dim3A_87 : f32 to vector<16xf32>
      %swap3A_89 = arith.index_cast %scan3A_58 : i32 to index
      %swap3A_90 = arith.constant 96 : index
      %swap3A_91 = tpu.vector_load %arg16[%swap3A_89, %swap3A_90] {strides = array<i32>} : memref<96x144xf32, #tpu.memory_space<vmem>>, vector<16xf32>,
      tpu.vector_store %arg16[%swap3A_89, %swap3A_90], %broadcast_in_dim3A_88 {strides = array<i32>} : memref<96x144xf32, #tpu.memory_space<vmem>>, vector<16xf32>,
      %broadcast_in_dim3A_92 = arith.constant 0.000000e+00 : f32
      %broadcast_in_dim3A_93 = vector.broadcast %broadcast_in_dim3A_92 : f32 to vector<16xf32>
      %swap3A_94 = arith.index_cast %scan3A_58 : i32 to index
      %swap3A_95 = arith.constant 112 : index
      %swap3A_96 = tpu.vector_load %arg16[%swap3A_94, %swap3A_95] {strides = array<i32>} : memref<96x144xf32, #tpu.memory_space<vmem>>, vector<16xf32>,
      tpu.vector_store %arg16[%swap3A_94, %swap3A_95], %broadcast_in_dim3A_93 {strides = array<i32>} : memref<96x144xf32, #tpu.memory_space<vmem>>, vector<16xf32>,
      %broadcast_in_dim3A_97 = arith.constant 0.000000e+00 : f32
      %broadcast_in_dim3A_98 = vector.broadcast %broadcast_in_dim3A_97 : f32 to vector<16xf32>
      %swap3A_99 = arith.index_cast %scan3A_58 : i32 to index
      %swap3A_100 = arith.constant 128 : index
      %swap3A_101 = tpu.vector_load %arg16[%swap3A_99, %swap3A_100] {strides = array<i32>} : memref<96x144xf32, #tpu.memory_space<vmem>>, vector<16xf32>,
      tpu.vector_store %arg16[%swap3A_99, %swap3A_100], %broadcast_in_dim3A_98 {strides = array<i32>} : memref<96x144xf32, #tpu.memory_space<vmem>>, vector<16xf32>,
    }
    %scan3A_13 = arith.constant 96 : i32
    %mul3A_14 = arith.constant 640 : i32
    %mul3A_15 = arith.muli %arg1, %mul3A_14 : i32
    %add3A_16 = arith.constant 0 : i32
    %add3A_17 = arith.addi %mul3A_15, %add3A_16 : i32
    "tpu.region"() ({
      %run_scoped3A = tpu.sem_alloc : memref<!tpu.dma_semaphore, #tpu.memory_space<semaphore_mem>>
      %dma_start3A = arith.constant 0 : i32
      %dma_start3A_58 = tpu.memref_slice %arg17[%add3A_17, %dma_start3A] : memref<10240x144xf32, #tpu.memory_space<vmem_shared>> -> memref<96x144xf32, #tpu.memory_space<vmem_shared>>
      %dma_start3A_59 = arith.constant 0 : i32
      %dma_start3A_60 = tpu.memref_slice %arg17[%add3A_17, %dma_start3A_59] : memref<10240x144xf32, #tpu.memory_space<vmem_shared>> -> memref<96x144xf32, #tpu.memory_space<vmem_shared>>
      tpu.enqueue_dma source(%arg16 : memref<96x144xf32, #tpu.memory_space<vmem>>) target(%dma_start3A_60 : memref<96x144xf32, #tpu.memory_space<vmem_shared>>) target_semaphore(%run_scoped3A : memref<!tpu.dma_semaphore, #tpu.memory_space<semaphore_mem>>)
      %dma_wait3A = arith.constant 0 : i32
      %dma_wait3A_61 = tpu.memref_slice %arg17[%add3A_17, %dma_wait3A] : memref<10240x144xf32, #tpu.memory_space<vmem_shared>> -> memref<96x144xf32, #tpu.memory_space<vmem_shared>>
      %dma_wait3A_62 = arith.constant 0 : i32
      %dma_wait3A_63 = tpu.memref_slice %arg17[%add3A_17, %dma_wait3A_62] : memref<10240x144xf32, #tpu.memory_space<vmem_shared>> -> memref<96x144xf32, #tpu.memory_space<vmem_shared>>
      tpu.wait_dma2 semaphore(%run_scoped3A : memref<!tpu.dma_semaphore, #tpu.memory_space<semaphore_mem>>) src(%arg16 : memref<96x144xf32, #tpu.memory_space<vmem>>) dst(%dma_wait3A_63 : memref<96x144xf32, #tpu.memory_space<vmem_shared>>)
      tpu.yield
    }) : () -> ()
    %mul3A_18 = arith.constant 640 : i32
    %mul3A_19 = arith.muli %arg1, %mul3A_18 : i32
    %add3A_20 = arith.constant 96 : i32
    %add3A_21 = arith.addi %mul3A_19, %add3A_20 : i32
    "tpu.region"() ({
      %run_scoped3A = tpu.sem_alloc : memref<!tpu.dma_semaphore, #tpu.memory_space<semaphore_mem>>
      %dma_start3A = arith.constant 0 : i32
      %dma_start3A_58 = tpu.memref_slice %arg17[%add3A_21, %dma_start3A] : memref<10240x144xf32, #tpu.memory_space<vmem_shared>> -> memref<96x144xf32, #tpu.memory_space<vmem_shared>>
      %dma_start3A_59 = arith.constant 0 : i32
      %dma_start3A_60 = tpu.memref_slice %arg17[%add3A_21, %dma_start3A_59] : memref<10240x144xf32, #tpu.memory_space<vmem_shared>> -> memref<96x144xf32, #tpu.memory_space<vmem_shared>>
      tpu.enqueue_dma source(%arg16 : memref<96x144xf32, #tpu.memory_space<vmem>>) target(%dma_start3A_60 : memref<96x144xf32, #tpu.memory_space<vmem_shared>>) target_semaphore(%run_scoped3A : memref<!tpu.dma_semaphore, #tpu.memory_space<semaphore_mem>>)
      %dma_wait3A = arith.constant 0 : i32
      %dma_wait3A_61 = tpu.memref_slice %arg17[%add3A_21, %dma_wait3A] : memref<10240x144xf32, #tpu.memory_space<vmem_shared>> -> memref<96x144xf32, #tpu.memory_space<vmem_shared>>
      %dma_wait3A_62 = arith.constant 0 : i32
      %dma_wait3A_63 = tpu.memref_slice %arg17[%add3A_21, %dma_wait3A_62] : memref<10240x144xf32, #tpu.memory_space<vmem_shared>> -> memref<96x144xf32, #tpu.memory_space<vmem_shared>>
      tpu.wait_dma2 semaphore(%run_scoped3A : memref<!tpu.dma_semaphore, #tpu.memory_space<semaphore_mem>>) src(%arg16 : memref<96x144xf32, #tpu.memory_space<vmem>>) dst(%dma_wait3A_63 : memref<96x144xf32, #tpu.memory_space<vmem_shared>>)
      tpu.yield
    }) : () -> ()
    %mul3A_22 = arith.constant 640 : i32
    %mul3A_23 = arith.muli %arg1, %mul3A_22 : i32
    %add3A_24 = arith.constant 192 : i32
    %add3A_25 = arith.addi %mul3A_23, %add3A_24 : i32
    "tpu.region"() ({
      %run_scoped3A = tpu.sem_alloc : memref<!tpu.dma_semaphore, #tpu.memory_space<semaphore_mem>>
      %dma_start3A = arith.constant 0 : i32
      %dma_start3A_58 = tpu.memref_slice %arg17[%add3A_25, %dma_start3A] : memref<10240x144xf32, #tpu.memory_space<vmem_shared>> -> memref<96x144xf32, #tpu.memory_space<vmem_shared>>
      %dma_start3A_59 = arith.constant 0 : i32
      %dma_start3A_60 = tpu.memref_slice %arg17[%add3A_25, %dma_start3A_59] : memref<10240x144xf32, #tpu.memory_space<vmem_shared>> -> memref<96x144xf32, #tpu.memory_space<vmem_shared>>
      tpu.enqueue_dma source(%arg16 : memref<96x144xf32, #tpu.memory_space<vmem>>) target(%dma_start3A_60 : memref<96x144xf32, #tpu.memory_space<vmem_shared>>) target_semaphore(%run_scoped3A : memref<!tpu.dma_semaphore, #tpu.memory_space<semaphore_mem>>)
      %dma_wait3A = arith.constant 0 : i32
      %dma_wait3A_61 = tpu.memref_slice %arg17[%add3A_25, %dma_wait3A] : memref<10240x144xf32, #tpu.memory_space<vmem_shared>> -> memref<96x144xf32, #tpu.memory_space<vmem_shared>>
      %dma_wait3A_62 = arith.constant 0 : i32
      %dma_wait3A_63 = tpu.memref_slice %arg17[%add3A_25, %dma_wait3A_62] : memref<10240x144xf32, #tpu.memory_space<vmem_shared>> -> memref<96x144xf32, #tpu.memory_space<vmem_shared>>
      tpu.wait_dma2 semaphore(%run_scoped3A : memref<!tpu.dma_semaphore, #tpu.memory_space<semaphore_mem>>) src(%arg16 : memref<96x144xf32, #tpu.memory_space<vmem>>) dst(%dma_wait3A_63 : memref<96x144xf32, #tpu.memory_space<vmem_shared>>)
      tpu.yield
    }) : () -> ()
    %mul3A_26 = arith.constant 640 : i32
    %mul3A_27 = arith.muli %arg1, %mul3A_26 : i32
    %add3A_28 = arith.constant 288 : i32
    %add3A_29 = arith.addi %mul3A_27, %add3A_28 : i32
    "tpu.region"() ({
      %run_scoped3A = tpu.sem_alloc : memref<!tpu.dma_semaphore, #tpu.memory_space<semaphore_mem>>
      %dma_start3A = arith.constant 0 : i32
      %dma_start3A_58 = tpu.memref_slice %arg17[%add3A_29, %dma_start3A] : memref<10240x144xf32, #tpu.memory_space<vmem_shared>> -> memref<96x144xf32, #tpu.memory_space<vmem_shared>>
      %dma_start3A_59 = arith.constant 0 : i32
      %dma_start3A_60 = tpu.memref_slice %arg17[%add3A_29, %dma_start3A_59] : memref<10240x144xf32, #tpu.memory_space<vmem_shared>> -> memref<96x144xf32, #tpu.memory_space<vmem_shared>>
      tpu.enqueue_dma source(%arg16 : memref<96x144xf32, #tpu.memory_space<vmem>>) target(%dma_start3A_60 : memref<96x144xf32, #tpu.memory_space<vmem_shared>>) target_semaphore(%run_scoped3A : memref<!tpu.dma_semaphore, #tpu.memory_space<semaphore_mem>>)
      %dma_wait3A = arith.constant 0 : i32
      %dma_wait3A_61 = tpu.memref_slice %arg17[%add3A_29, %dma_wait3A] : memref<10240x144xf32, #tpu.memory_space<vmem_shared>> -> memref<96x144xf32, #tpu.memory_space<vmem_shared>>
      %dma_wait3A_62 = arith.constant 0 : i32
      %dma_wait3A_63 = tpu.memref_slice %arg17[%add3A_29, %dma_wait3A_62] : memref<10240x144xf32, #tpu.memory_space<vmem_shared>> -> memref<96x144xf32, #tpu.memory_space<vmem_shared>>
      tpu.wait_dma2 semaphore(%run_scoped3A : memref<!tpu.dma_semaphore, #tpu.memory_space<semaphore_mem>>) src(%arg16 : memref<96x144xf32, #tpu.memory_space<vmem>>) dst(%dma_wait3A_63 : memref<96x144xf32, #tpu.memory_space<vmem_shared>>)
      tpu.yield
    }) : () -> ()
    %mul3A_30 = arith.constant 640 : i32
    %mul3A_31 = arith.muli %arg1, %mul3A_30 : i32
    %add3A_32 = arith.constant 384 : i32
    %add3A_33 = arith.addi %mul3A_31, %add3A_32 : i32
    "tpu.region"() ({
      %run_scoped3A = tpu.sem_alloc : memref<!tpu.dma_semaphore, #tpu.memory_space<semaphore_mem>>
      %dma_start3A = arith.constant 0 : i32
      %dma_start3A_58 = tpu.memref_slice %arg17[%add3A_33, %dma_start3A] : memref<10240x144xf32, #tpu.memory_space<vmem_shared>> -> memref<96x144xf32, #tpu.memory_space<vmem_shared>>
      %dma_start3A_59 = arith.constant 0 : i32
      %dma_start3A_60 = tpu.memref_slice %arg17[%add3A_33, %dma_start3A_59] : memref<10240x144xf32, #tpu.memory_space<vmem_shared>> -> memref<96x144xf32, #tpu.memory_space<vmem_shared>>
      tpu.enqueue_dma source(%arg16 : memref<96x144xf32, #tpu.memory_space<vmem>>) target(%dma_start3A_60 : memref<96x144xf32, #tpu.memory_space<vmem_shared>>) target_semaphore(%run_scoped3A : memref<!tpu.dma_semaphore, #tpu.memory_space<semaphore_mem>>)
      %dma_wait3A = arith.constant 0 : i32
      %dma_wait3A_61 = tpu.memref_slice %arg17[%add3A_33, %dma_wait3A] : memref<10240x144xf32, #tpu.memory_space<vmem_shared>> -> memref<96x144xf32, #tpu.memory_space<vmem_shared>>
      %dma_wait3A_62 = arith.constant 0 : i32
      %dma_wait3A_63 = tpu.memref_slice %arg17[%add3A_33, %dma_wait3A_62] : memref<10240x144xf32, #tpu.memory_space<vmem_shared>> -> memref<96x144xf32, #tpu.memory_space<vmem_shared>>
      tpu.wait_dma2 semaphore(%run_scoped3A : memref<!tpu.dma_semaphore, #tpu.memory_space<semaphore_mem>>) src(%arg16 : memref<96x144xf32, #tpu.memory_space<vmem>>) dst(%dma_wait3A_63 : memref<96x144xf32, #tpu.memory_space<vmem_shared>>)
      tpu.yield
    }) : () -> ()
    %mul3A_34 = arith.constant 640 : i32
    %mul3A_35 = arith.muli %arg1, %mul3A_34 : i32
    %add3A_36 = arith.constant 480 : i32
    %add3A_37 = arith.addi %mul3A_35, %add3A_36 : i32
    "tpu.region"() ({
      %run_scoped3A = tpu.sem_alloc : memref<!tpu.dma_semaphore, #tpu.memory_space<semaphore_mem>>
      %dma_start3A = arith.constant 0 : i32
      %dma_start3A_58 = tpu.memref_slice %arg17[%add3A_37, %dma_start3A] : memref<10240x144xf32, #tpu.memory_space<vmem_shared>> -> memref<96x144xf32, #tpu.memory_space<vmem_shared>>
      %dma_start3A_59 = arith.constant 0 : i32
      %dma_start3A_60 = tpu.memref_slice %arg17[%add3A_37, %dma_start3A_59] : memref<10240x144xf32, #tpu.memory_space<vmem_shared>> -> memref<96x144xf32, #tpu.memory_space<vmem_shared>>
      tpu.enqueue_dma source(%arg16 : memref<96x144xf32, #tpu.memory_space<vmem>>) target(%dma_start3A_60 : memref<96x144xf32, #tpu.memory_space<vmem_shared>>) target_semaphore(%run_scoped3A : memref<!tpu.dma_semaphore, #tpu.memory_space<semaphore_mem>>)
      %dma_wait3A = arith.constant 0 : i32
      %dma_wait3A_61 = tpu.memref_slice %arg17[%add3A_37, %dma_wait3A] : memref<10240x144xf32, #tpu.memory_space<vmem_shared>> -> memref<96x144xf32, #tpu.memory_space<vmem_shared>>
      %dma_wait3A_62 = arith.constant 0 : i32
      %dma_wait3A_63 = tpu.memref_slice %arg17[%add3A_37, %dma_wait3A_62] : memref<10240x144xf32, #tpu.memory_space<vmem_shared>> -> memref<96x144xf32, #tpu.memory_space<vmem_shared>>
      tpu.wait_dma2 semaphore(%run_scoped3A : memref<!tpu.dma_semaphore, #tpu.memory_space<semaphore_mem>>) src(%arg16 : memref<96x144xf32, #tpu.memory_space<vmem>>) dst(%dma_wait3A_63 : memref<96x144xf32, #tpu.memory_space<vmem_shared>>)
      tpu.yield
    }) : () -> ()
    %mul3A_38 = arith.constant 640 : i32
    %mul3A_39 = arith.muli %arg1, %mul3A_38 : i32
    %add3A_40 = arith.constant 576 : i32
    %add3A_41 = arith.addi %mul3A_39, %add3A_40 : i32
    "tpu.region"() ({
      %run_scoped3A = tpu.sem_alloc : memref<!tpu.dma_semaphore, #tpu.memory_space<semaphore_mem>>
      %dma_start3A = arith.constant 0 : i32
      %dma_start3A_58 = arith.constant 0 : i32
      %dma_start3A_59 = tpu.memref_slice %arg16[%dma_start3A, %dma_start3A_58] : memref<96x144xf32, #tpu.memory_space<vmem>> -> memref<64x144xf32, #tpu.memory_space<vmem>>
      %dma_start3A_60 = arith.constant 0 : i32
      %dma_start3A_61 = tpu.memref_slice %arg17[%add3A_41, %dma_start3A_60] : memref<10240x144xf32, #tpu.memory_space<vmem_shared>> -> memref<64x144xf32, #tpu.memory_space<vmem_shared>>
      %dma_start3A_62 = arith.constant 0 : i32
      %dma_start3A_63 = tpu.memref_slice %arg17[%add3A_41, %dma_start3A_62] : memref<10240x144xf32, #tpu.memory_space<vmem_shared>> -> memref<64x144xf32, #tpu.memory_space<vmem_shared>>
      %dma_start3A_64 = arith.constant 0 : i32
      %dma_start3A_65 = arith.constant 0 : i32
      %dma_start3A_66 = tpu.memref_slice %arg16[%dma_start3A_64, %dma_start3A_65] : memref<96x144xf32, #tpu.memory_space<vmem>> -> memref<64x144xf32, #tpu.memory_space<vmem>>
      tpu.enqueue_dma source(%dma_start3A_66 : memref<64x144xf32, #tpu.memory_space<vmem>>) target(%dma_start3A_63 : memref<64x144xf32, #tpu.memory_space<vmem_shared>>) target_semaphore(%run_scoped3A : memref<!tpu.dma_semaphore, #tpu.memory_space<semaphore_mem>>)
      %dma_wait3A = arith.constant 0 : i32
      %dma_wait3A_67 = arith.constant 0 : i32
      %dma_wait3A_68 = tpu.memref_slice %arg16[%dma_wait3A, %dma_wait3A_67] : memref<96x144xf32, #tpu.memory_space<vmem>> -> memref<64x144xf32, #tpu.memory_space<vmem>>
      %dma_wait3A_69 = arith.constant 0 : i32
      %dma_wait3A_70 = tpu.memref_slice %arg17[%add3A_41, %dma_wait3A_69] : memref<10240x144xf32, #tpu.memory_space<vmem_shared>> -> memref<64x144xf32, #tpu.memory_space<vmem_shared>>
      %dma_wait3A_71 = arith.constant 0 : i32
      %dma_wait3A_72 = tpu.memref_slice %arg17[%add3A_41, %dma_wait3A_71] : memref<10240x144xf32, #tpu.memory_space<vmem_shared>> -> memref<64x144xf32, #tpu.memory_space<vmem_shared>>
      %dma_wait3A_73 = arith.constant 0 : i32
      %dma_wait3A_74 = arith.constant 0 : i32
      %dma_wait3A_75 = tpu.memref_slice %arg16[%dma_wait3A_73, %dma_wait3A_74] : memref<96x144xf32, #tpu.memory_space<vmem>> -> memref<64x144xf32, #tpu.memory_space<vmem>>
      tpu.wait_dma2 semaphore(%run_scoped3A : memref<!tpu.dma_semaphore, #tpu.memory_space<semaphore_mem>>) src(%dma_wait3A_75 : memref<64x144xf32, #tpu.memory_space<vmem>>) dst(%dma_wait3A_72 : memref<64x144xf32, #tpu.memory_space<vmem_shared>>)
      tpu.yield
    }) : () -> ()
    %barrier3A = arith.constant 0 : index
    tpu.barrier barrier_id(%barrier3A)
    %iota3A = tpu.iota {dimensions = array<i32: 0>} : vector<16xi32>
    %lt3A = arith.constant 8 : i32
    %lt3A_42 = vector.broadcast %lt3A : i32 to vector<16xi32>
    %lt3A_43 = arith.cmpi slt, %iota3A, %lt3A_42 : vector<16xi32>
    %while3A = arith.constant 0 : i32
    %while3A_44 = arith.constant 0 : i32
    %while3A_45 = arith.subi %select_n3A_8, %while3A_44 : i32
    %while3A_46 = arith.addi %while3A_44, %while3A_45 : i32
    %while3A_47 = arith.constant 1 : i32
    %while3A_48 = arith.divsi %while3A_45, %while3A_47 : i32
    %while3A_49 = arith.muli %while3A_48, %while3A_47 : i32
    %while3A_50 = arith.addi %while3A_44, %while3A_49 : i32
    %while3A_51 = arith.constant 1 : i32
    scf.for %while3A_58 = %while3A_44 to %while3A_50 step %while3A_51  : i32 {
      %mul3A_59 = arith.constant 18 : i32
      %mul3A_60 = arith.muli %while3A_58, %mul3A_59 : i32
      %add3A_61 = arith.addi %select_n3A, %mul3A_60 : i32
      "tpu.region"() ({
        %run_scoped3A = tpu.sem_alloc : memref<!tpu.dma_semaphore, #tpu.memory_space<semaphore_mem>>
        %dma_start3A_91 = arith.constant 0 : i32
        %dma_start3A_92 = tpu.memref_slice %arg5[%add3A_61, %dma_start3A_91] : memref<3456x96xi32, #tpu.memory_space<hbm>> -> memref<18x96xi32, #tpu.memory_space<hbm>>
        %dma_start3A_93 = arith.constant 0 : i32
        %dma_start3A_94 = tpu.memref_slice %arg5[%add3A_61, %dma_start3A_93] : memref<3456x96xi32, #tpu.memory_space<hbm>> -> memref<18x96xi32, #tpu.memory_space<hbm>>
        tpu.enqueue_dma source(%dma_start3A_94 : memref<18x96xi32, #tpu.memory_space<hbm>>) target(%arg8 : memref<18x96xi32, #tpu.memory_space<vmem>>) target_semaphore(%run_scoped3A : memref<!tpu.dma_semaphore, #tpu.memory_space<semaphore_mem>>)
        %dma_wait3A = arith.constant 0 : i32
        %dma_wait3A_95 = tpu.memref_slice %arg5[%add3A_61, %dma_wait3A] : memref<3456x96xi32, #tpu.memory_space<hbm>> -> memref<18x96xi32, #tpu.memory_space<hbm>>
        %dma_wait3A_96 = arith.constant 0 : i32
        %dma_wait3A_97 = tpu.memref_slice %arg5[%add3A_61, %dma_wait3A_96] : memref<3456x96xi32, #tpu.memory_space<hbm>> -> memref<18x96xi32, #tpu.memory_space<hbm>>
        tpu.wait_dma2 semaphore(%run_scoped3A : memref<!tpu.dma_semaphore, #tpu.memory_space<semaphore_mem>>) src(%dma_wait3A_97 : memref<18x96xi32, #tpu.memory_space<hbm>>) dst(%arg8 : memref<18x96xi32, #tpu.memory_space<vmem>>)
        tpu.yield
      }) : () -> ()
      %mul3A_62 = arith.constant 18 : i32
      %mul3A_63 = arith.muli %while3A_58, %mul3A_62 : i32
      %add3A_64 = arith.addi %select_n3A, %mul3A_63 : i32
      "tpu.region"() ({
        %run_scoped3A = tpu.sem_alloc : memref<!tpu.dma_semaphore, #tpu.memory_space<semaphore_mem>>
        %dma_start3A_91 = arith.constant 0 : i32
        %dma_start3A_92 = tpu.memref_slice %arg6[%add3A_64, %dma_start3A_91] : memref<3456x96xi32, #tpu.memory_space<hbm>> -> memref<18x96xi32, #tpu.memory_space<hbm>>
        %dma_start3A_93 = arith.constant 0 : i32
        %dma_start3A_94 = tpu.memref_slice %arg6[%add3A_64, %dma_start3A_93] : memref<3456x96xi32, #tpu.memory_space<hbm>> -> memref<18x96xi32, #tpu.memory_space<hbm>>
        tpu.enqueue_dma source(%dma_start3A_94 : memref<18x96xi32, #tpu.memory_space<hbm>>) target(%arg9 : memref<18x96xi32, #tpu.memory_space<vmem>>) target_semaphore(%run_scoped3A : memref<!tpu.dma_semaphore, #tpu.memory_space<semaphore_mem>>)
        %dma_wait3A = arith.constant 0 : i32
        %dma_wait3A_95 = tpu.memref_slice %arg6[%add3A_64, %dma_wait3A] : memref<3456x96xi32, #tpu.memory_space<hbm>> -> memref<18x96xi32, #tpu.memory_space<hbm>>
        %dma_wait3A_96 = arith.constant 0 : i32
        %dma_wait3A_97 = tpu.memref_slice %arg6[%add3A_64, %dma_wait3A_96] : memref<3456x96xi32, #tpu.memory_space<hbm>> -> memref<18x96xi32, #tpu.memory_space<hbm>>
        tpu.wait_dma2 semaphore(%run_scoped3A : memref<!tpu.dma_semaphore, #tpu.memory_space<semaphore_mem>>) src(%dma_wait3A_97 : memref<18x96xi32, #tpu.memory_space<hbm>>) dst(%arg9 : memref<18x96xi32, #tpu.memory_space<vmem>>)
        tpu.yield
      }) : () -> ()
      %dma_start3A = arith.constant 0 : i32
      %dma_start3A_65 = arith.constant 0 : i32
      %dma_start3A_66 = tpu.memref_slice %arg8[%dma_start3A, %dma_start3A_65] : memref<18x96xi32, #tpu.memory_space<vmem>> -> memref<1x96xi32, #tpu.memory_space<vmem>>
      %dma_start3A_67 = tpu.memref_squeeze %dma_start3A_66 : memref<1x96xi32, #tpu.memory_space<vmem>> -> memref<96xi32, #tpu.memory_space<vmem>>
      %dma_start3A_68 = arith.constant 0 : i32
      %dma_start3A_69 = arith.constant 0 : i32
      %dma_start3A_70 = tpu.memref_slice %arg2[%dma_start3A_68, %dma_start3A_69] : memref<10240x128xbf16, #tpu.memory_space<hbm>> -> memref<10240x128xbf16, #tpu.memory_space<hbm>>
      tpu.enqueue_indirect_dma source(%dma_start3A_70 : memref<10240x128xbf16, #tpu.memory_space<hbm>>) target(%arg10 : memref<96x128xbf16, #tpu.memory_space<vmem>>) offsets(%dma_start3A_67 : memref<96xi32, #tpu.memory_space<vmem>>) semaphore(%arg18 : memref<!tpu.dma_semaphore, #tpu.memory_space<semaphore_mem>>)
      %dma_start3A_71 = arith.constant 0 : i32
      %dma_start3A_72 = arith.constant 0 : i32
      %dma_start3A_73 = tpu.memref_slice %arg8[%dma_start3A_71, %dma_start3A_72] : memref<18x96xi32, #tpu.memory_space<vmem>> -> memref<1x96xi32, #tpu.memory_space<vmem>>
      %dma_start3A_74 = tpu.memref_squeeze %dma_start3A_73 : memref<1x96xi32, #tpu.memory_space<vmem>> -> memref<96xi32, #tpu.memory_space<vmem>>
      %dma_start3A_75 = arith.constant 0 : i32
      %dma_start3A_76 = arith.constant 0 : i32
      %dma_start3A_77 = tpu.memref_slice %arg3[%dma_start3A_75, %dma_start3A_76] : memref<10240x16xf32, #tpu.memory_space<hbm>> -> memref<10240x16xf32, #tpu.memory_space<hbm>>
      tpu.enqueue_indirect_dma source(%dma_start3A_77 : memref<10240x16xf32, #tpu.memory_space<hbm>>) target(%arg12 : memref<96x16xf32, #tpu.memory_space<vmem>>) offsets(%dma_start3A_74 : memref<96xi32, #tpu.memory_space<vmem>>) semaphore(%arg20 : memref<!tpu.dma_semaphore, #tpu.memory_space<semaphore_mem>>)
      %dma_start3A_78 = arith.constant 0 : i32
      %dma_start3A_79 = arith.constant 0 : i32
      %dma_start3A_80 = tpu.memref_slice %arg9[%dma_start3A_78, %dma_start3A_79] : memref<18x96xi32, #tpu.memory_space<vmem>> -> memref<1x96xi32, #tpu.memory_space<vmem>>
      %dma_start3A_81 = tpu.memref_squeeze %dma_start3A_80 : memref<1x96xi32, #tpu.memory_space<vmem>> -> memref<96xi32, #tpu.memory_space<vmem>>
      %dma_start3A_82 = arith.constant 0 : i32
      %dma_start3A_83 = arith.constant 0 : i32
      %dma_start3A_84 = tpu.memref_slice %arg4[%dma_start3A_82, %dma_start3A_83] : memref<10240x16xf32, #tpu.memory_space<hbm>> -> memref<10240x16xf32, #tpu.memory_space<hbm>>
      tpu.enqueue_indirect_dma source(%dma_start3A_84 : memref<10240x16xf32, #tpu.memory_space<hbm>>) target(%arg14 : memref<96x16xf32, #tpu.memory_space<vmem>>) offsets(%dma_start3A_81 : memref<96xi32, #tpu.memory_space<vmem>>) semaphore(%arg22 : memref<!tpu.dma_semaphore, #tpu.memory_space<semaphore_mem>>)
      %scan3A_85 = arith.constant 0 : i32
      %scan3A_86 = arith.constant 0 : i32
      %scan3A_87 = arith.constant 9 : i32
      %scan3A_88 = arith.addi %scan3A_86, %scan3A_87 : i32
      %scan3A_89 = arith.constant 1 : i32
      scf.for %scan3A_91 = %scan3A_86 to %scan3A_88 step %scan3A_89  : i32 {
        %mul3A_92 = arith.constant 2 : i32
        %mul3A_93 = arith.muli %scan3A_91, %mul3A_92 : i32
        %add3A_94 = arith.constant 0 : i32
        %add3A_95 = arith.addi %mul3A_93, %add3A_94 : i32
        %add3A_96 = arith.constant 1 : i32
        %add3A_97 = arith.addi %add3A_95, %add3A_96 : i32
        %lt3A_98 = arith.constant 18 : i32
        %lt3A_99 = arith.cmpi slt, %add3A_97, %lt3A_98 : i32
        %convert_element_type3A = arith.extui %lt3A_99 : i1 to i32
        %cond3A = arith.constant 0 : i32
        %cond3A_100 = arith.cmpi ne, %convert_element_type3A, %cond3A : i32
        scf.if %cond3A_100 {
          %add3A_152 = arith.constant 1 : i32
          %add3A_153 = arith.addi %add3A_95, %add3A_152 : i32
          %dma_start3A_154 = arith.constant 0 : i32
          %dma_start3A_155 = tpu.memref_slice %arg8[%add3A_153, %dma_start3A_154] : memref<18x96xi32, #tpu.memory_space<vmem>> -> memref<1x96xi32, #tpu.memory_space<vmem>>
          %dma_start3A_156 = tpu.memref_squeeze %dma_start3A_155 : memref<1x96xi32, #tpu.memory_space<vmem>> -> memref<96xi32, #tpu.memory_space<vmem>>
          %dma_start3A_157 = arith.constant 0 : i32
          %dma_start3A_158 = arith.constant 0 : i32
          %dma_start3A_159 = tpu.memref_slice %arg2[%dma_start3A_157, %dma_start3A_158] : memref<10240x128xbf16, #tpu.memory_space<hbm>> -> memref<10240x128xbf16, #tpu.memory_space<hbm>>
          tpu.enqueue_indirect_dma source(%dma_start3A_159 : memref<10240x128xbf16, #tpu.memory_space<hbm>>) target(%arg11 : memref<96x128xbf16, #tpu.memory_space<vmem>>) offsets(%dma_start3A_156 : memref<96xi32, #tpu.memory_space<vmem>>) semaphore(%arg19 : memref<!tpu.dma_semaphore, #tpu.memory_space<semaphore_mem>>)
          %add3A_160 = arith.constant 1 : i32
          %add3A_161 = arith.addi %add3A_95, %add3A_160 : i32
          %dma_start3A_162 = arith.constant 0 : i32
          %dma_start3A_163 = tpu.memref_slice %arg8[%add3A_161, %dma_start3A_162] : memref<18x96xi32, #tpu.memory_space<vmem>> -> memref<1x96xi32, #tpu.memory_space<vmem>>
          %dma_start3A_164 = tpu.memref_squeeze %dma_start3A_163 : memref<1x96xi32, #tpu.memory_space<vmem>> -> memref<96xi32, #tpu.memory_space<vmem>>
          %dma_start3A_165 = arith.constant 0 : i32
          %dma_start3A_166 = arith.constant 0 : i32
          %dma_start3A_167 = tpu.memref_slice %arg3[%dma_start3A_165, %dma_start3A_166] : memref<10240x16xf32, #tpu.memory_space<hbm>> -> memref<10240x16xf32, #tpu.memory_space<hbm>>
          tpu.enqueue_indirect_dma source(%dma_start3A_167 : memref<10240x16xf32, #tpu.memory_space<hbm>>) target(%arg13 : memref<96x16xf32, #tpu.memory_space<vmem>>) offsets(%dma_start3A_164 : memref<96xi32, #tpu.memory_space<vmem>>) semaphore(%arg21 : memref<!tpu.dma_semaphore, #tpu.memory_space<semaphore_mem>>)
          %add3A_168 = arith.constant 1 : i32
          %add3A_169 = arith.addi %add3A_95, %add3A_168 : i32
          %dma_start3A_170 = arith.constant 0 : i32
          %dma_start3A_171 = tpu.memref_slice %arg9[%add3A_169, %dma_start3A_170] : memref<18x96xi32, #tpu.memory_space<vmem>> -> memref<1x96xi32, #tpu.memory_space<vmem>>
          %dma_start3A_172 = tpu.memref_squeeze %dma_start3A_171 : memref<1x96xi32, #tpu.memory_space<vmem>> -> memref<96xi32, #tpu.memory_space<vmem>>
          %dma_start3A_173 = arith.constant 0 : i32
          %dma_start3A_174 = arith.constant 0 : i32
          %dma_start3A_175 = tpu.memref_slice %arg4[%dma_start3A_173, %dma_start3A_174] : memref<10240x16xf32, #tpu.memory_space<hbm>> -> memref<10240x16xf32, #tpu.memory_space<hbm>>
          tpu.enqueue_indirect_dma source(%dma_start3A_175 : memref<10240x16xf32, #tpu.memory_space<hbm>>) target(%arg15 : memref<96x16xf32, #tpu.memory_space<vmem>>) offsets(%dma_start3A_172 : memref<96xi32, #tpu.memory_space<vmem>>) semaphore(%arg23 : memref<!tpu.dma_semaphore, #tpu.memory_space<semaphore_mem>>)
        } else {
        }
        %dma_wait3A = arith.constant 0 : i32
        %dma_wait3A_101 = arith.constant 0 : i32
        %dma_wait3A_102 = tpu.memref_slice %arg2[%dma_wait3A, %dma_wait3A_101] : memref<10240x128xbf16, #tpu.memory_space<hbm>> -> memref<96x128xbf16, #tpu.memory_space<hbm>>
        %dma_wait3A_103 = arith.constant 0 : i32
        %dma_wait3A_104 = arith.constant 0 : i32
        %dma_wait3A_105 = tpu.memref_slice %arg2[%dma_wait3A_103, %dma_wait3A_104] : memref<10240x128xbf16, #tpu.memory_space<hbm>> -> memref<96x128xbf16, #tpu.memory_space<hbm>>
        tpu.wait_dma2 semaphore(%arg18 : memref<!tpu.dma_semaphore, #tpu.memory_space<semaphore_mem>>) src(%dma_wait3A_105 : memref<96x128xbf16, #tpu.memory_space<hbm>>) dst(%arg10 : memref<96x128xbf16, #tpu.memory_space<vmem>>)
        %dma_wait3A_106 = arith.constant 0 : i32
        %dma_wait3A_107 = arith.constant 0 : i32
        %dma_wait3A_108 = tpu.memref_slice %arg3[%dma_wait3A_106, %dma_wait3A_107] : memref<10240x16xf32, #tpu.memory_space<hbm>> -> memref<96x16xf32, #tpu.memory_space<hbm>>
        %dma_wait3A_109 = arith.constant 0 : i32
        %dma_wait3A_110 = arith.constant 0 : i32
        %dma_wait3A_111 = tpu.memref_slice %arg3[%dma_wait3A_109, %dma_wait3A_110] : memref<10240x16xf32, #tpu.memory_space<hbm>> -> memref<96x16xf32, #tpu.memory_space<hbm>>
        tpu.wait_dma2 semaphore(%arg20 : memref<!tpu.dma_semaphore, #tpu.memory_space<semaphore_mem>>) src(%dma_wait3A_111 : memref<96x16xf32, #tpu.memory_space<hbm>>) dst(%arg12 : memref<96x16xf32, #tpu.memory_space<vmem>>)
        %dma_wait3A_112 = arith.constant 0 : i32
        %dma_wait3A_113 = arith.constant 0 : i32
        %dma_wait3A_114 = tpu.memref_slice %arg4[%dma_wait3A_112, %dma_wait3A_113] : memref<10240x16xf32, #tpu.memory_space<hbm>> -> memref<96x16xf32, #tpu.memory_space<hbm>>
        %dma_wait3A_115 = arith.constant 0 : i32
        %dma_wait3A_116 = arith.constant 0 : i32
        %dma_wait3A_117 = tpu.memref_slice %arg4[%dma_wait3A_115, %dma_wait3A_116] : memref<10240x16xf32, #tpu.memory_space<hbm>> -> memref<96x16xf32, #tpu.memory_space<hbm>>
        tpu.wait_dma2 semaphore(%arg22 : memref<!tpu.dma_semaphore, #tpu.memory_space<semaphore_mem>>) src(%dma_wait3A_117 : memref<96x16xf32, #tpu.memory_space<hbm>>) dst(%arg14 : memref<96x16xf32, #tpu.memory_space<vmem>>)
        %parallel_loop3A = arith.constant 0 : i32
        %parallel_loop3A_118 = arith.constant 96 : i32
        %parallel_loop3A_119 = arith.constant 1 : i32
        scf.for %parallel_loop3A_152 = %parallel_loop3A to %parallel_loop3A_118 step %parallel_loop3A_119  : i32 {
          %parallel_loop3A_153 = arith.index_cast %parallel_loop3A_152 : i32 to index
          %parallel_loop3A_154 = arith.constant 0 : index
          %parallel_loop3A_155 = tpu.vector_load %arg12[%parallel_loop3A_153, %parallel_loop3A_154] {strides = array<i32>} : memref<96x16xf32, #tpu.memory_space<vmem>>, vector<16xf32>,
          %parallel_loop3A_156 = arith.index_cast %parallel_loop3A_152 : i32 to index
          %parallel_loop3A_157 = arith.constant 0 : index
          %parallel_loop3A_158 = tpu.vector_load %arg14[%parallel_loop3A_156, %parallel_loop3A_157] {strides = array<i32>} : memref<96x16xf32, #tpu.memory_space<vmem>>, vector<16xf32>,
          %parallel_loop3A_159 = arith.addf %parallel_loop3A_155, %parallel_loop3A_158 : vector<16xf32>
          %parallel_loop3A_160 = arith.constant 0.000000e+00 : f32
          %parallel_loop3A_161 = vector.broadcast %parallel_loop3A_160 : f32 to vector<16xf32>
          %parallel_loop3A_162 = arith.cmpf ogt, %parallel_loop3A_159, %parallel_loop3A_161 : vector<16xf32>
          %parallel_loop3A_163 = arith.constant 2.000000e-01 : f32
          %parallel_loop3A_164 = vector.broadcast %parallel_loop3A_163 : f32 to vector<16xf32>
          %parallel_loop3A_165 = arith.mulf %parallel_loop3A_164, %parallel_loop3A_159 : vector<16xf32>
          %parallel_loop3A_166 = arith.select %parallel_loop3A_162, %parallel_loop3A_159, %parallel_loop3A_165 : vector<16xi1>, vector<16xf32>
          %parallel_loop3A_167 = math.exp %parallel_loop3A_166 : vector<16xf32>
          %parallel_loop3A_168 = arith.constant 0.000000e+00 : f32
          %parallel_loop3A_169 = vector.broadcast %parallel_loop3A_168 : f32 to vector<16xf32>
          %parallel_loop3A_170 = arith.select %lt3A_43, %parallel_loop3A_167, %parallel_loop3A_169 : vector<16xi1>, vector<16xf32>
          %parallel_loop3A_171 = arith.index_cast %parallel_loop3A_152 : i32 to index
          %parallel_loop3A_172 = arith.constant 128 : index
          %parallel_loop3A_173 = tpu.vector_load %arg16[%parallel_loop3A_171, %parallel_loop3A_172] {strides = array<i32>} : memref<96x144xf32, #tpu.memory_space<vmem>>, vector<16xf32>,
          tpu.vector_store %arg16[%parallel_loop3A_171, %parallel_loop3A_172], %parallel_loop3A_170 {strides = array<i32>} : memref<96x144xf32, #tpu.memory_space<vmem>>, vector<16xf32>,
          %parallel_loop3A_174 = arith.index_cast %parallel_loop3A_152 : i32 to index
          %parallel_loop3A_175 = arith.constant 0 : index
          %parallel_loop3A_176 = tpu.vector_load %arg10[%parallel_loop3A_174, %parallel_loop3A_175] {strides = array<i32>} : memref<96x128xbf16, #tpu.memory_space<vmem>>, vector<32xbf16>,
          %parallel_loop3A_177 = tpu.unpack_subelements %parallel_loop3A_176, 0 {pack_format = #tpu.pack_format<interleaved>} : vector<32xbf16> -> vector<16xf32>
          %parallel_loop3A_178 = tpu.unpack_subelements %parallel_loop3A_176, 1 {pack_format = #tpu.pack_format<interleaved>} : vector<32xbf16> -> vector<16xf32>
          %parallel_loop3A_179 = arith.constant 0 : i32
          %parallel_loop3A_180 = vector.broadcast %parallel_loop3A_179 : i32 to vector<16x1xi32>
          %parallel_loop3A_181 = vector.shape_cast %parallel_loop3A_180 : vector<16x1xi32> to vector<16xi32>
          %parallel_loop3A_182 = tpu.dynamic_gather %parallel_loop3A_170[%parallel_loop3A_181] in [0] : vector<16xf32>, vector<16xi32> -> vector<16xf32>
          %parallel_loop3A_183 = arith.constant 1 : i32
          %parallel_loop3A_184 = vector.broadcast %parallel_loop3A_183 : i32 to vector<16x1xi32>
          %parallel_loop3A_185 = vector.shape_cast %parallel_loop3A_184 : vector<16x1xi32> to vector<16xi32>
          %parallel_loop3A_186 = tpu.dynamic_gather %parallel_loop3A_170[%parallel_loop3A_185] in [0] : vector<16xf32>, vector<16xi32> -> vector<16xf32>
          %parallel_loop3A_187 = arith.mulf %parallel_loop3A_182, %parallel_loop3A_177 : vector<16xf32>
          %parallel_loop3A_188 = arith.index_cast %parallel_loop3A_152 : i32 to index
          %parallel_loop3A_189 = arith.constant 0 : index
          %parallel_loop3A_190 = tpu.vector_load %arg16[%parallel_loop3A_188, %parallel_loop3A_189] {strides = array<i32>} : memref<96x144xf32, #tpu.memory_space<vmem>>, vector<16xf32>,
          tpu.vector_store %arg16[%parallel_loop3A_188, %parallel_loop3A_189], %parallel_loop3A_187 {strides = array<i32>} : memref<96x144xf32, #tpu.memory_space<vmem>>, vector<16xf32>,
          %parallel_loop3A_191 = arith.mulf %parallel_loop3A_186, %parallel_loop3A_178 : vector<16xf32>
          %parallel_loop3A_192 = arith.index_cast %parallel_loop3A_152 : i32 to index
          %parallel_loop3A_193 = arith.constant 16 : index
          %parallel_loop3A_194 = tpu.vector_load %arg16[%parallel_loop3A_192, %parallel_loop3A_193] {strides = array<i32>} : memref<96x144xf32, #tpu.memory_space<vmem>>, vector<16xf32>,
          tpu.vector_store %arg16[%parallel_loop3A_192, %parallel_loop3A_193], %parallel_loop3A_191 {strides = array<i32>} : memref<96x144xf32, #tpu.memory_space<vmem>>, vector<16xf32>,
          %parallel_loop3A_195 = arith.index_cast %parallel_loop3A_152 : i32 to index
          %parallel_loop3A_196 = arith.constant 32 : index
          %parallel_loop3A_197 = tpu.vector_load %arg10[%parallel_loop3A_195, %parallel_loop3A_196] {strides = array<i32>} : memref<96x128xbf16, #tpu.memory_space<vmem>>, vector<32xbf16>,
          %parallel_loop3A_198 = tpu.unpack_subelements %parallel_loop3A_197, 0 {pack_format = #tpu.pack_format<interleaved>} : vector<32xbf16> -> vector<16xf32>
          %parallel_loop3A_199 = tpu.unpack_subelements %parallel_loop3A_197, 1 {pack_format = #tpu.pack_format<interleaved>} : vector<32xbf16> -> vector<16xf32>
          %parallel_loop3A_200 = arith.constant 2 : i32
          %parallel_loop3A_201 = vector.broadcast %parallel_loop3A_200 : i32 to vector<16x1xi32>
          %parallel_loop3A_202 = vector.shape_cast %parallel_loop3A_201 : vector<16x1xi32> to vector<16xi32>
          %parallel_loop3A_203 = tpu.dynamic_gather %parallel_loop3A_170[%parallel_loop3A_202] in [0] : vector<16xf32>, vector<16xi32> -> vector<16xf32>
          %parallel_loop3A_204 = arith.constant 3 : i32
          %parallel_loop3A_205 = vector.broadcast %parallel_loop3A_204 : i32 to vector<16x1xi32>
          %parallel_loop3A_206 = vector.shape_cast %parallel_loop3A_205 : vector<16x1xi32> to vector<16xi32>
          %parallel_loop3A_207 = tpu.dynamic_gather %parallel_loop3A_170[%parallel_loop3A_206] in [0] : vector<16xf32>, vector<16xi32> -> vector<16xf32>
          %parallel_loop3A_208 = arith.mulf %parallel_loop3A_203, %parallel_loop3A_198 : vector<16xf32>
          %parallel_loop3A_209 = arith.index_cast %parallel_loop3A_152 : i32 to index
          %parallel_loop3A_210 = arith.constant 32 : index
          %parallel_loop3A_211 = tpu.vector_load %arg16[%parallel_loop3A_209, %parallel_loop3A_210] {strides = array<i32>} : memref<96x144xf32, #tpu.memory_space<vmem>>, vector<16xf32>,
          tpu.vector_store %arg16[%parallel_loop3A_209, %parallel_loop3A_210], %parallel_loop3A_208 {strides = array<i32>} : memref<96x144xf32, #tpu.memory_space<vmem>>, vector<16xf32>,
          %parallel_loop3A_212 = arith.mulf %parallel_loop3A_207, %parallel_loop3A_199 : vector<16xf32>
          %parallel_loop3A_213 = arith.index_cast %parallel_loop3A_152 : i32 to index
          %parallel_loop3A_214 = arith.constant 48 : index
          %parallel_loop3A_215 = tpu.vector_load %arg16[%parallel_loop3A_213, %parallel_loop3A_214] {strides = array<i32>} : memref<96x144xf32, #tpu.memory_space<vmem>>, vector<16xf32>,
          tpu.vector_store %arg16[%parallel_loop3A_213, %parallel_loop3A_214], %parallel_loop3A_212 {strides = array<i32>} : memref<96x144xf32, #tpu.memory_space<vmem>>, vector<16xf32>,
          %parallel_loop3A_216 = arith.index_cast %parallel_loop3A_152 : i32 to index
          %parallel_loop3A_217 = arith.constant 64 : index
          %parallel_loop3A_218 = tpu.vector_load %arg10[%parallel_loop3A_216, %parallel_loop3A_217] {strides = array<i32>} : memref<96x128xbf16, #tpu.memory_space<vmem>>, vector<32xbf16>,
          %parallel_loop3A_219 = tpu.unpack_subelements %parallel_loop3A_218, 0 {pack_format = #tpu.pack_format<interleaved>} : vector<32xbf16> -> vector<16xf32>
          %parallel_loop3A_220 = tpu.unpack_subelements %parallel_loop3A_218, 1 {pack_format = #tpu.pack_format<interleaved>} : vector<32xbf16> -> vector<16xf32>
          %parallel_loop3A_221 = arith.constant 4 : i32
          %parallel_loop3A_222 = vector.broadcast %parallel_loop3A_221 : i32 to vector<16x1xi32>
          %parallel_loop3A_223 = vector.shape_cast %parallel_loop3A_222 : vector<16x1xi32> to vector<16xi32>
          %parallel_loop3A_224 = tpu.dynamic_gather %parallel_loop3A_170[%parallel_loop3A_223] in [0] : vector<16xf32>, vector<16xi32> -> vector<16xf32>
          %parallel_loop3A_225 = arith.constant 5 : i32
          %parallel_loop3A_226 = vector.broadcast %parallel_loop3A_225 : i32 to vector<16x1xi32>
          %parallel_loop3A_227 = vector.shape_cast %parallel_loop3A_226 : vector<16x1xi32> to vector<16xi32>
          %parallel_loop3A_228 = tpu.dynamic_gather %parallel_loop3A_170[%parallel_loop3A_227] in [0] : vector<16xf32>, vector<16xi32> -> vector<16xf32>
          %parallel_loop3A_229 = arith.mulf %parallel_loop3A_224, %parallel_loop3A_219 : vector<16xf32>
          %parallel_loop3A_230 = arith.index_cast %parallel_loop3A_152 : i32 to index
          %parallel_loop3A_231 = arith.constant 64 : index
          %parallel_loop3A_232 = tpu.vector_load %arg16[%parallel_loop3A_230, %parallel_loop3A_231] {strides = array<i32>} : memref<96x144xf32, #tpu.memory_space<vmem>>, vector<16xf32>,
          tpu.vector_store %arg16[%parallel_loop3A_230, %parallel_loop3A_231], %parallel_loop3A_229 {strides = array<i32>} : memref<96x144xf32, #tpu.memory_space<vmem>>, vector<16xf32>,
          %parallel_loop3A_233 = arith.mulf %parallel_loop3A_228, %parallel_loop3A_220 : vector<16xf32>
          %parallel_loop3A_234 = arith.index_cast %parallel_loop3A_152 : i32 to index
          %parallel_loop3A_235 = arith.constant 80 : index
          %parallel_loop3A_236 = tpu.vector_load %arg16[%parallel_loop3A_234, %parallel_loop3A_235] {strides = array<i32>} : memref<96x144xf32, #tpu.memory_space<vmem>>, vector<16xf32>,
          tpu.vector_store %arg16[%parallel_loop3A_234, %parallel_loop3A_235], %parallel_loop3A_233 {strides = array<i32>} : memref<96x144xf32, #tpu.memory_space<vmem>>, vector<16xf32>,
          %parallel_loop3A_237 = arith.index_cast %parallel_loop3A_152 : i32 to index
          %parallel_loop3A_238 = arith.constant 96 : index
          %parallel_loop3A_239 = tpu.vector_load %arg10[%parallel_loop3A_237, %parallel_loop3A_238] {strides = array<i32>} : memref<96x128xbf16, #tpu.memory_space<vmem>>, vector<32xbf16>,
          %parallel_loop3A_240 = tpu.unpack_subelements %parallel_loop3A_239, 0 {pack_format = #tpu.pack_format<interleaved>} : vector<32xbf16> -> vector<16xf32>
          %parallel_loop3A_241 = tpu.unpack_subelements %parallel_loop3A_239, 1 {pack_format = #tpu.pack_format<interleaved>} : vector<32xbf16> -> vector<16xf32>
          %parallel_loop3A_242 = arith.constant 6 : i32
          %parallel_loop3A_243 = vector.broadcast %parallel_loop3A_242 : i32 to vector<16x1xi32>
          %parallel_loop3A_244 = vector.shape_cast %parallel_loop3A_243 : vector<16x1xi32> to vector<16xi32>
          %parallel_loop3A_245 = tpu.dynamic_gather %parallel_loop3A_170[%parallel_loop3A_244] in [0] : vector<16xf32>, vector<16xi32> -> vector<16xf32>
          %parallel_loop3A_246 = arith.constant 7 : i32
          %parallel_loop3A_247 = vector.broadcast %parallel_loop3A_246 : i32 to vector<16x1xi32>
          %parallel_loop3A_248 = vector.shape_cast %parallel_loop3A_247 : vector<16x1xi32> to vector<16xi32>
          %parallel_loop3A_249 = tpu.dynamic_gather %parallel_loop3A_170[%parallel_loop3A_248] in [0] : vector<16xf32>, vector<16xi32> -> vector<16xf32>
          %parallel_loop3A_250 = arith.mulf %parallel_loop3A_245, %parallel_loop3A_240 : vector<16xf32>
          %parallel_loop3A_251 = arith.index_cast %parallel_loop3A_152 : i32 to index
          %parallel_loop3A_252 = arith.constant 96 : index
          %parallel_loop3A_253 = tpu.vector_load %arg16[%parallel_loop3A_251, %parallel_loop3A_252] {strides = array<i32>} : memref<96x144xf32, #tpu.memory_space<vmem>>, vector<16xf32>,
          tpu.vector_store %arg16[%parallel_loop3A_251, %parallel_loop3A_252], %parallel_loop3A_250 {strides = array<i32>} : memref<96x144xf32, #tpu.memory_space<vmem>>, vector<16xf32>,
          %parallel_loop3A_254 = arith.mulf %parallel_loop3A_249, %parallel_loop3A_241 : vector<16xf32>
          %parallel_loop3A_255 = arith.index_cast %parallel_loop3A_152 : i32 to index
          %parallel_loop3A_256 = arith.constant 112 : index
          %parallel_loop3A_257 = tpu.vector_load %arg16[%parallel_loop3A_255, %parallel_loop3A_256] {strides = array<i32>} : memref<96x144xf32, #tpu.memory_space<vmem>>, vector<16xf32>,
          tpu.vector_store %arg16[%parallel_loop3A_255, %parallel_loop3A_256], %parallel_loop3A_254 {strides = array<i32>} : memref<96x144xf32, #tpu.memory_space<vmem>>, vector<16xf32>,
        } {sc.loop_unroll_factor = 4 : i64, sc.parallel_access}
        "tpu.region"() ({
          %run_scoped3A = tpu.sem_alloc : memref<!tpu.dma_semaphore, #tpu.memory_space<semaphore_mem>>
          %dma_start3A_152 = arith.constant 0 : i32
          %dma_start3A_153 = tpu.memref_slice %arg9[%add3A_95, %dma_start3A_152] : memref<18x96xi32, #tpu.memory_space<vmem>> -> memref<1x96xi32, #tpu.memory_space<vmem>>
          %dma_start3A_154 = tpu.memref_squeeze %dma_start3A_153 : memref<1x96xi32, #tpu.memory_space<vmem>> -> memref<96xi32, #tpu.memory_space<vmem>>
          %dma_start3A_155 = arith.constant 0 : i32
          %dma_start3A_156 = arith.constant 0 : i32
          %dma_start3A_157 = tpu.memref_slice %arg17[%dma_start3A_155, %dma_start3A_156] : memref<10240x144xf32, #tpu.memory_space<vmem_shared>> -> memref<10240x144xf32, #tpu.memory_space<vmem_shared>>
          tpu.enqueue_indirect_dma source(%arg16 : memref<96x144xf32, #tpu.memory_space<vmem>>) target(%dma_start3A_157 : memref<10240x144xf32, #tpu.memory_space<vmem_shared>>) offsets(%dma_start3A_154 : memref<96xi32, #tpu.memory_space<vmem>>) semaphore(%run_scoped3A : memref<!tpu.dma_semaphore, #tpu.memory_space<semaphore_mem>>) {add = true}
          %dma_wait3A_158 = arith.constant 0 : i32
          %dma_wait3A_159 = tpu.memref_slice %arg9[%add3A_95, %dma_wait3A_158] : memref<18x96xi32, #tpu.memory_space<vmem>> -> memref<1x96xi32, #tpu.memory_space<vmem>>
          %dma_wait3A_160 = tpu.memref_squeeze %dma_wait3A_159 : memref<1x96xi32, #tpu.memory_space<vmem>> -> memref<96xi32, #tpu.memory_space<vmem>>
          %dma_wait3A_161 = arith.constant 0 : i32
          %dma_wait3A_162 = arith.constant 0 : i32
          %dma_wait3A_163 = tpu.memref_slice %arg17[%dma_wait3A_161, %dma_wait3A_162] : memref<10240x144xf32, #tpu.memory_space<vmem_shared>> -> memref<10240x144xf32, #tpu.memory_space<vmem_shared>>
          tpu.wait_indirect_dma semaphore(%run_scoped3A : memref<!tpu.dma_semaphore, #tpu.memory_space<semaphore_mem>>) src(%arg16 : memref<96x144xf32, #tpu.memory_space<vmem>>) dst(%dma_wait3A_163 : memref<10240x144xf32, #tpu.memory_space<vmem_shared>>)
          tpu.yield
        }) : () -> ()
        %mul3A_120 = arith.constant 2 : i32
        %mul3A_121 = arith.muli %scan3A_91, %mul3A_120 : i32
        %add3A_122 = arith.constant 1 : i32
        %add3A_123 = arith.addi %mul3A_121, %add3A_122 : i32
        %add3A_124 = arith.constant 1 : i32
        %add3A_125 = arith.addi %add3A_123, %add3A_124 : i32
        %lt3A_126 = arith.constant 18 : i32
        %lt3A_127 = arith.cmpi slt, %add3A_125, %lt3A_126 : i32
        %convert_element_type3A_128 = arith.extui %lt3A_127 : i1 to i32
        %cond3A_129 = arith.constant 0 : i32
        %cond3A_130 = arith.cmpi ne, %convert_element_type3A_128, %cond3A_129 : i32
        scf.if %cond3A_130 {
          %add3A_152 = arith.constant 1 : i32
          %add3A_153 = arith.addi %add3A_123, %add3A_152 : i32
          %dma_start3A_154 = arith.constant 0 : i32
          %dma_start3A_155 = tpu.memref_slice %arg8[%add3A_153, %dma_start3A_154] : memref<18x96xi32, #tpu.memory_space<vmem>> -> memref<1x96xi32, #tpu.memory_space<vmem>>
          %dma_start3A_156 = tpu.memref_squeeze %dma_start3A_155 : memref<1x96xi32, #tpu.memory_space<vmem>> -> memref<96xi32, #tpu.memory_space<vmem>>
          %dma_start3A_157 = arith.constant 0 : i32
          %dma_start3A_158 = arith.constant 0 : i32
          %dma_start3A_159 = tpu.memref_slice %arg2[%dma_start3A_157, %dma_start3A_158] : memref<10240x128xbf16, #tpu.memory_space<hbm>> -> memref<10240x128xbf16, #tpu.memory_space<hbm>>
          tpu.enqueue_indirect_dma source(%dma_start3A_159 : memref<10240x128xbf16, #tpu.memory_space<hbm>>) target(%arg10 : memref<96x128xbf16, #tpu.memory_space<vmem>>) offsets(%dma_start3A_156 : memref<96xi32, #tpu.memory_space<vmem>>) semaphore(%arg18 : memref<!tpu.dma_semaphore, #tpu.memory_space<semaphore_mem>>)
          %add3A_160 = arith.constant 1 : i32
          %add3A_161 = arith.addi %add3A_123, %add3A_160 : i32
          %dma_start3A_162 = arith.constant 0 : i32
          %dma_start3A_163 = tpu.memref_slice %arg8[%add3A_161, %dma_start3A_162] : memref<18x96xi32, #tpu.memory_space<vmem>> -> memref<1x96xi32, #tpu.memory_space<vmem>>
          %dma_start3A_164 = tpu.memref_squeeze %dma_start3A_163 : memref<1x96xi32, #tpu.memory_space<vmem>> -> memref<96xi32, #tpu.memory_space<vmem>>
          %dma_start3A_165 = arith.constant 0 : i32
          %dma_start3A_166 = arith.constant 0 : i32
          %dma_start3A_167 = tpu.memref_slice %arg3[%dma_start3A_165, %dma_start3A_166] : memref<10240x16xf32, #tpu.memory_space<hbm>> -> memref<10240x16xf32, #tpu.memory_space<hbm>>
          tpu.enqueue_indirect_dma source(%dma_start3A_167 : memref<10240x16xf32, #tpu.memory_space<hbm>>) target(%arg12 : memref<96x16xf32, #tpu.memory_space<vmem>>) offsets(%dma_start3A_164 : memref<96xi32, #tpu.memory_space<vmem>>) semaphore(%arg20 : memref<!tpu.dma_semaphore, #tpu.memory_space<semaphore_mem>>)
          %add3A_168 = arith.constant 1 : i32
          %add3A_169 = arith.addi %add3A_123, %add3A_168 : i32
          %dma_start3A_170 = arith.constant 0 : i32
          %dma_start3A_171 = tpu.memref_slice %arg9[%add3A_169, %dma_start3A_170] : memref<18x96xi32, #tpu.memory_space<vmem>> -> memref<1x96xi32, #tpu.memory_space<vmem>>
          %dma_start3A_172 = tpu.memref_squeeze %dma_start3A_171 : memref<1x96xi32, #tpu.memory_space<vmem>> -> memref<96xi32, #tpu.memory_space<vmem>>
          %dma_start3A_173 = arith.constant 0 : i32
          %dma_start3A_174 = arith.constant 0 : i32
          %dma_start3A_175 = tpu.memref_slice %arg4[%dma_start3A_173, %dma_start3A_174] : memref<10240x16xf32, #tpu.memory_space<hbm>> -> memref<10240x16xf32, #tpu.memory_space<hbm>>
          tpu.enqueue_indirect_dma source(%dma_start3A_175 : memref<10240x16xf32, #tpu.memory_space<hbm>>) target(%arg14 : memref<96x16xf32, #tpu.memory_space<vmem>>) offsets(%dma_start3A_172 : memref<96xi32, #tpu.memory_space<vmem>>) semaphore(%arg22 : memref<!tpu.dma_semaphore, #tpu.memory_space<semaphore_mem>>)
        } else {
        }
        %dma_wait3A_131 = arith.constant 0 : i32
        %dma_wait3A_132 = arith.constant 0 : i32
        %dma_wait3A_133 = tpu.memref_slice %arg2[%dma_wait3A_131, %dma_wait3A_132] : memref<10240x128xbf16, #tpu.memory_space<hbm>> -> memref<96x128xbf16, #tpu.memory_space<hbm>>
        %dma_wait3A_134 = arith.constant 0 : i32
        %dma_wait3A_135 = arith.constant 0 : i32
        %dma_wait3A_136 = tpu.memref_slice %arg2[%dma_wait3A_134, %dma_wait3A_135] : memref<10240x128xbf16, #tpu.memory_space<hbm>> -> memref<96x128xbf16, #tpu.memory_space<hbm>>
        tpu.wait_dma2 semaphore(%arg19 : memref<!tpu.dma_semaphore, #tpu.memory_space<semaphore_mem>>) src(%dma_wait3A_136 : memref<96x128xbf16, #tpu.memory_space<hbm>>) dst(%arg11 : memref<96x128xbf16, #tpu.memory_space<vmem>>)
        %dma_wait3A_137 = arith.constant 0 : i32
        %dma_wait3A_138 = arith.constant 0 : i32
        %dma_wait3A_139 = tpu.memref_slice %arg3[%dma_wait3A_137, %dma_wait3A_138] : memref<10240x16xf32, #tpu.memory_space<hbm>> -> memref<96x16xf32, #tpu.memory_space<hbm>>
        %dma_wait3A_140 = arith.constant 0 : i32
        %dma_wait3A_141 = arith.constant 0 : i32
        %dma_wait3A_142 = tpu.memref_slice %arg3[%dma_wait3A_140, %dma_wait3A_141] : memref<10240x16xf32, #tpu.memory_space<hbm>> -> memref<96x16xf32, #tpu.memory_space<hbm>>
        tpu.wait_dma2 semaphore(%arg21 : memref<!tpu.dma_semaphore, #tpu.memory_space<semaphore_mem>>) src(%dma_wait3A_142 : memref<96x16xf32, #tpu.memory_space<hbm>>) dst(%arg13 : memref<96x16xf32, #tpu.memory_space<vmem>>)
        %dma_wait3A_143 = arith.constant 0 : i32
        %dma_wait3A_144 = arith.constant 0 : i32
        %dma_wait3A_145 = tpu.memref_slice %arg4[%dma_wait3A_143, %dma_wait3A_144] : memref<10240x16xf32, #tpu.memory_space<hbm>> -> memref<96x16xf32, #tpu.memory_space<hbm>>
        %dma_wait3A_146 = arith.constant 0 : i32
        %dma_wait3A_147 = arith.constant 0 : i32
        %dma_wait3A_148 = tpu.memref_slice %arg4[%dma_wait3A_146, %dma_wait3A_147] : memref<10240x16xf32, #tpu.memory_space<hbm>> -> memref<96x16xf32, #tpu.memory_space<hbm>>
        tpu.wait_dma2 semaphore(%arg23 : memref<!tpu.dma_semaphore, #tpu.memory_space<semaphore_mem>>) src(%dma_wait3A_148 : memref<96x16xf32, #tpu.memory_space<hbm>>) dst(%arg15 : memref<96x16xf32, #tpu.memory_space<vmem>>)
        %parallel_loop3A_149 = arith.constant 0 : i32
        %parallel_loop3A_150 = arith.constant 96 : i32
        %parallel_loop3A_151 = arith.constant 1 : i32
        scf.for %parallel_loop3A_152 = %parallel_loop3A_149 to %parallel_loop3A_150 step %parallel_loop3A_151  : i32 {
          %parallel_loop3A_153 = arith.index_cast %parallel_loop3A_152 : i32 to index
          %parallel_loop3A_154 = arith.constant 0 : index
          %parallel_loop3A_155 = tpu.vector_load %arg13[%parallel_loop3A_153, %parallel_loop3A_154] {strides = array<i32>} : memref<96x16xf32, #tpu.memory_space<vmem>>, vector<16xf32>,
          %parallel_loop3A_156 = arith.index_cast %parallel_loop3A_152 : i32 to index
          %parallel_loop3A_157 = arith.constant 0 : index
          %parallel_loop3A_158 = tpu.vector_load %arg15[%parallel_loop3A_156, %parallel_loop3A_157] {strides = array<i32>} : memref<96x16xf32, #tpu.memory_space<vmem>>, vector<16xf32>,
          %parallel_loop3A_159 = arith.addf %parallel_loop3A_155, %parallel_loop3A_158 : vector<16xf32>
          %parallel_loop3A_160 = arith.constant 0.000000e+00 : f32
          %parallel_loop3A_161 = vector.broadcast %parallel_loop3A_160 : f32 to vector<16xf32>
          %parallel_loop3A_162 = arith.cmpf ogt, %parallel_loop3A_159, %parallel_loop3A_161 : vector<16xf32>
          %parallel_loop3A_163 = arith.constant 2.000000e-01 : f32
          %parallel_loop3A_164 = vector.broadcast %parallel_loop3A_163 : f32 to vector<16xf32>
          %parallel_loop3A_165 = arith.mulf %parallel_loop3A_164, %parallel_loop3A_159 : vector<16xf32>
          %parallel_loop3A_166 = arith.select %parallel_loop3A_162, %parallel_loop3A_159, %parallel_loop3A_165 : vector<16xi1>, vector<16xf32>
          %parallel_loop3A_167 = math.exp %parallel_loop3A_166 : vector<16xf32>
          %parallel_loop3A_168 = arith.constant 0.000000e+00 : f32
          %parallel_loop3A_169 = vector.broadcast %parallel_loop3A_168 : f32 to vector<16xf32>
          %parallel_loop3A_170 = arith.select %lt3A_43, %parallel_loop3A_167, %parallel_loop3A_169 : vector<16xi1>, vector<16xf32>
          %parallel_loop3A_171 = arith.index_cast %parallel_loop3A_152 : i32 to index
          %parallel_loop3A_172 = arith.constant 128 : index
          %parallel_loop3A_173 = tpu.vector_load %arg16[%parallel_loop3A_171, %parallel_loop3A_172] {strides = array<i32>} : memref<96x144xf32, #tpu.memory_space<vmem>>, vector<16xf32>,
          tpu.vector_store %arg16[%parallel_loop3A_171, %parallel_loop3A_172], %parallel_loop3A_170 {strides = array<i32>} : memref<96x144xf32, #tpu.memory_space<vmem>>, vector<16xf32>,
          %parallel_loop3A_174 = arith.index_cast %parallel_loop3A_152 : i32 to index
          %parallel_loop3A_175 = arith.constant 0 : index
          %parallel_loop3A_176 = tpu.vector_load %arg11[%parallel_loop3A_174, %parallel_loop3A_175] {strides = array<i32>} : memref<96x128xbf16, #tpu.memory_space<vmem>>, vector<32xbf16>,
          %parallel_loop3A_177 = tpu.unpack_subelements %parallel_loop3A_176, 0 {pack_format = #tpu.pack_format<interleaved>} : vector<32xbf16> -> vector<16xf32>
          %parallel_loop3A_178 = tpu.unpack_subelements %parallel_loop3A_176, 1 {pack_format = #tpu.pack_format<interleaved>} : vector<32xbf16> -> vector<16xf32>
          %parallel_loop3A_179 = arith.constant 0 : i32
          %parallel_loop3A_180 = vector.broadcast %parallel_loop3A_179 : i32 to vector<16x1xi32>
          %parallel_loop3A_181 = vector.shape_cast %parallel_loop3A_180 : vector<16x1xi32> to vector<16xi32>
          %parallel_loop3A_182 = tpu.dynamic_gather %parallel_loop3A_170[%parallel_loop3A_181] in [0] : vector<16xf32>, vector<16xi32> -> vector<16xf32>
          %parallel_loop3A_183 = arith.constant 1 : i32
          %parallel_loop3A_184 = vector.broadcast %parallel_loop3A_183 : i32 to vector<16x1xi32>
          %parallel_loop3A_185 = vector.shape_cast %parallel_loop3A_184 : vector<16x1xi32> to vector<16xi32>
          %parallel_loop3A_186 = tpu.dynamic_gather %parallel_loop3A_170[%parallel_loop3A_185] in [0] : vector<16xf32>, vector<16xi32> -> vector<16xf32>
          %parallel_loop3A_187 = arith.mulf %parallel_loop3A_182, %parallel_loop3A_177 : vector<16xf32>
          %parallel_loop3A_188 = arith.index_cast %parallel_loop3A_152 : i32 to index
          %parallel_loop3A_189 = arith.constant 0 : index
          %parallel_loop3A_190 = tpu.vector_load %arg16[%parallel_loop3A_188, %parallel_loop3A_189] {strides = array<i32>} : memref<96x144xf32, #tpu.memory_space<vmem>>, vector<16xf32>,
          tpu.vector_store %arg16[%parallel_loop3A_188, %parallel_loop3A_189], %parallel_loop3A_187 {strides = array<i32>} : memref<96x144xf32, #tpu.memory_space<vmem>>, vector<16xf32>,
          %parallel_loop3A_191 = arith.mulf %parallel_loop3A_186, %parallel_loop3A_178 : vector<16xf32>
          %parallel_loop3A_192 = arith.index_cast %parallel_loop3A_152 : i32 to index
          %parallel_loop3A_193 = arith.constant 16 : index
          %parallel_loop3A_194 = tpu.vector_load %arg16[%parallel_loop3A_192, %parallel_loop3A_193] {strides = array<i32>} : memref<96x144xf32, #tpu.memory_space<vmem>>, vector<16xf32>,
          tpu.vector_store %arg16[%parallel_loop3A_192, %parallel_loop3A_193], %parallel_loop3A_191 {strides = array<i32>} : memref<96x144xf32, #tpu.memory_space<vmem>>, vector<16xf32>,
          %parallel_loop3A_195 = arith.index_cast %parallel_loop3A_152 : i32 to index
          %parallel_loop3A_196 = arith.constant 32 : index
          %parallel_loop3A_197 = tpu.vector_load %arg11[%parallel_loop3A_195, %parallel_loop3A_196] {strides = array<i32>} : memref<96x128xbf16, #tpu.memory_space<vmem>>, vector<32xbf16>,
          %parallel_loop3A_198 = tpu.unpack_subelements %parallel_loop3A_197, 0 {pack_format = #tpu.pack_format<interleaved>} : vector<32xbf16> -> vector<16xf32>
          %parallel_loop3A_199 = tpu.unpack_subelements %parallel_loop3A_197, 1 {pack_format = #tpu.pack_format<interleaved>} : vector<32xbf16> -> vector<16xf32>
          %parallel_loop3A_200 = arith.constant 2 : i32
          %parallel_loop3A_201 = vector.broadcast %parallel_loop3A_200 : i32 to vector<16x1xi32>
          %parallel_loop3A_202 = vector.shape_cast %parallel_loop3A_201 : vector<16x1xi32> to vector<16xi32>
          %parallel_loop3A_203 = tpu.dynamic_gather %parallel_loop3A_170[%parallel_loop3A_202] in [0] : vector<16xf32>, vector<16xi32> -> vector<16xf32>
          %parallel_loop3A_204 = arith.constant 3 : i32
          %parallel_loop3A_205 = vector.broadcast %parallel_loop3A_204 : i32 to vector<16x1xi32>
          %parallel_loop3A_206 = vector.shape_cast %parallel_loop3A_205 : vector<16x1xi32> to vector<16xi32>
          %parallel_loop3A_207 = tpu.dynamic_gather %parallel_loop3A_170[%parallel_loop3A_206] in [0] : vector<16xf32>, vector<16xi32> -> vector<16xf32>
          %parallel_loop3A_208 = arith.mulf %parallel_loop3A_203, %parallel_loop3A_198 : vector<16xf32>
          %parallel_loop3A_209 = arith.index_cast %parallel_loop3A_152 : i32 to index
          %parallel_loop3A_210 = arith.constant 32 : index
          %parallel_loop3A_211 = tpu.vector_load %arg16[%parallel_loop3A_209, %parallel_loop3A_210] {strides = array<i32>} : memref<96x144xf32, #tpu.memory_space<vmem>>, vector<16xf32>,
          tpu.vector_store %arg16[%parallel_loop3A_209, %parallel_loop3A_210], %parallel_loop3A_208 {strides = array<i32>} : memref<96x144xf32, #tpu.memory_space<vmem>>, vector<16xf32>,
          %parallel_loop3A_212 = arith.mulf %parallel_loop3A_207, %parallel_loop3A_199 : vector<16xf32>
          %parallel_loop3A_213 = arith.index_cast %parallel_loop3A_152 : i32 to index
          %parallel_loop3A_214 = arith.constant 48 : index
          %parallel_loop3A_215 = tpu.vector_load %arg16[%parallel_loop3A_213, %parallel_loop3A_214] {strides = array<i32>} : memref<96x144xf32, #tpu.memory_space<vmem>>, vector<16xf32>,
          tpu.vector_store %arg16[%parallel_loop3A_213, %parallel_loop3A_214], %parallel_loop3A_212 {strides = array<i32>} : memref<96x144xf32, #tpu.memory_space<vmem>>, vector<16xf32>,
          %parallel_loop3A_216 = arith.index_cast %parallel_loop3A_152 : i32 to index
          %parallel_loop3A_217 = arith.constant 64 : index
          %parallel_loop3A_218 = tpu.vector_load %arg11[%parallel_loop3A_216, %parallel_loop3A_217] {strides = array<i32>} : memref<96x128xbf16, #tpu.memory_space<vmem>>, vector<32xbf16>,
          %parallel_loop3A_219 = tpu.unpack_subelements %parallel_loop3A_218, 0 {pack_format = #tpu.pack_format<interleaved>} : vector<32xbf16> -> vector<16xf32>
          %parallel_loop3A_220 = tpu.unpack_subelements %parallel_loop3A_218, 1 {pack_format = #tpu.pack_format<interleaved>} : vector<32xbf16> -> vector<16xf32>
          %parallel_loop3A_221 = arith.constant 4 : i32
          %parallel_loop3A_222 = vector.broadcast %parallel_loop3A_221 : i32 to vector<16x1xi32>
          %parallel_loop3A_223 = vector.shape_cast %parallel_loop3A_222 : vector<16x1xi32> to vector<16xi32>
          %parallel_loop3A_224 = tpu.dynamic_gather %parallel_loop3A_170[%parallel_loop3A_223] in [0] : vector<16xf32>, vector<16xi32> -> vector<16xf32>
          %parallel_loop3A_225 = arith.constant 5 : i32
          %parallel_loop3A_226 = vector.broadcast %parallel_loop3A_225 : i32 to vector<16x1xi32>
          %parallel_loop3A_227 = vector.shape_cast %parallel_loop3A_226 : vector<16x1xi32> to vector<16xi32>
          %parallel_loop3A_228 = tpu.dynamic_gather %parallel_loop3A_170[%parallel_loop3A_227] in [0] : vector<16xf32>, vector<16xi32> -> vector<16xf32>
          %parallel_loop3A_229 = arith.mulf %parallel_loop3A_224, %parallel_loop3A_219 : vector<16xf32>
          %parallel_loop3A_230 = arith.index_cast %parallel_loop3A_152 : i32 to index
          %parallel_loop3A_231 = arith.constant 64 : index
          %parallel_loop3A_232 = tpu.vector_load %arg16[%parallel_loop3A_230, %parallel_loop3A_231] {strides = array<i32>} : memref<96x144xf32, #tpu.memory_space<vmem>>, vector<16xf32>,
          tpu.vector_store %arg16[%parallel_loop3A_230, %parallel_loop3A_231], %parallel_loop3A_229 {strides = array<i32>} : memref<96x144xf32, #tpu.memory_space<vmem>>, vector<16xf32>,
          %parallel_loop3A_233 = arith.mulf %parallel_loop3A_228, %parallel_loop3A_220 : vector<16xf32>
          %parallel_loop3A_234 = arith.index_cast %parallel_loop3A_152 : i32 to index
          %parallel_loop3A_235 = arith.constant 80 : index
          %parallel_loop3A_236 = tpu.vector_load %arg16[%parallel_loop3A_234, %parallel_loop3A_235] {strides = array<i32>} : memref<96x144xf32, #tpu.memory_space<vmem>>, vector<16xf32>,
          tpu.vector_store %arg16[%parallel_loop3A_234, %parallel_loop3A_235], %parallel_loop3A_233 {strides = array<i32>} : memref<96x144xf32, #tpu.memory_space<vmem>>, vector<16xf32>,
          %parallel_loop3A_237 = arith.index_cast %parallel_loop3A_152 : i32 to index
          %parallel_loop3A_238 = arith.constant 96 : index
          %parallel_loop3A_239 = tpu.vector_load %arg11[%parallel_loop3A_237, %parallel_loop3A_238] {strides = array<i32>} : memref<96x128xbf16, #tpu.memory_space<vmem>>, vector<32xbf16>,
          %parallel_loop3A_240 = tpu.unpack_subelements %parallel_loop3A_239, 0 {pack_format = #tpu.pack_format<interleaved>} : vector<32xbf16> -> vector<16xf32>
          %parallel_loop3A_241 = tpu.unpack_subelements %parallel_loop3A_239, 1 {pack_format = #tpu.pack_format<interleaved>} : vector<32xbf16> -> vector<16xf32>
          %parallel_loop3A_242 = arith.constant 6 : i32
          %parallel_loop3A_243 = vector.broadcast %parallel_loop3A_242 : i32 to vector<16x1xi32>
          %parallel_loop3A_244 = vector.shape_cast %parallel_loop3A_243 : vector<16x1xi32> to vector<16xi32>
          %parallel_loop3A_245 = tpu.dynamic_gather %parallel_loop3A_170[%parallel_loop3A_244] in [0] : vector<16xf32>, vector<16xi32> -> vector<16xf32>
          %parallel_loop3A_246 = arith.constant 7 : i32
          %parallel_loop3A_247 = vector.broadcast %parallel_loop3A_246 : i32 to vector<16x1xi32>
          %parallel_loop3A_248 = vector.shape_cast %parallel_loop3A_247 : vector<16x1xi32> to vector<16xi32>
          %parallel_loop3A_249 = tpu.dynamic_gather %parallel_loop3A_170[%parallel_loop3A_248] in [0] : vector<16xf32>, vector<16xi32> -> vector<16xf32>
          %parallel_loop3A_250 = arith.mulf %parallel_loop3A_245, %parallel_loop3A_240 : vector<16xf32>
          %parallel_loop3A_251 = arith.index_cast %parallel_loop3A_152 : i32 to index
          %parallel_loop3A_252 = arith.constant 96 : index
          %parallel_loop3A_253 = tpu.vector_load %arg16[%parallel_loop3A_251, %parallel_loop3A_252] {strides = array<i32>} : memref<96x144xf32, #tpu.memory_space<vmem>>, vector<16xf32>,
          tpu.vector_store %arg16[%parallel_loop3A_251, %parallel_loop3A_252], %parallel_loop3A_250 {strides = array<i32>} : memref<96x144xf32, #tpu.memory_space<vmem>>, vector<16xf32>,
          %parallel_loop3A_254 = arith.mulf %parallel_loop3A_249, %parallel_loop3A_241 : vector<16xf32>
          %parallel_loop3A_255 = arith.index_cast %parallel_loop3A_152 : i32 to index
          %parallel_loop3A_256 = arith.constant 112 : index
          %parallel_loop3A_257 = tpu.vector_load %arg16[%parallel_loop3A_255, %parallel_loop3A_256] {strides = array<i32>} : memref<96x144xf32, #tpu.memory_space<vmem>>, vector<16xf32>,
          tpu.vector_store %arg16[%parallel_loop3A_255, %parallel_loop3A_256], %parallel_loop3A_254 {strides = array<i32>} : memref<96x144xf32, #tpu.memory_space<vmem>>, vector<16xf32>,
        } {sc.loop_unroll_factor = 4 : i64, sc.parallel_access}
        "tpu.region"() ({
          %run_scoped3A = tpu.sem_alloc : memref<!tpu.dma_semaphore, #tpu.memory_space<semaphore_mem>>
          %dma_start3A_152 = arith.constant 0 : i32
          %dma_start3A_153 = tpu.memref_slice %arg9[%add3A_123, %dma_start3A_152] : memref<18x96xi32, #tpu.memory_space<vmem>> -> memref<1x96xi32, #tpu.memory_space<vmem>>
          %dma_start3A_154 = tpu.memref_squeeze %dma_start3A_153 : memref<1x96xi32, #tpu.memory_space<vmem>> -> memref<96xi32, #tpu.memory_space<vmem>>
          %dma_start3A_155 = arith.constant 0 : i32
          %dma_start3A_156 = arith.constant 0 : i32
          %dma_start3A_157 = tpu.memref_slice %arg17[%dma_start3A_155, %dma_start3A_156] : memref<10240x144xf32, #tpu.memory_space<vmem_shared>> -> memref<10240x144xf32, #tpu.memory_space<vmem_shared>>
          tpu.enqueue_indirect_dma source(%arg16 : memref<96x144xf32, #tpu.memory_space<vmem>>) target(%dma_start3A_157 : memref<10240x144xf32, #tpu.memory_space<vmem_shared>>) offsets(%dma_start3A_154 : memref<96xi32, #tpu.memory_space<vmem>>) semaphore(%run_scoped3A : memref<!tpu.dma_semaphore, #tpu.memory_space<semaphore_mem>>) {add = true}
          %dma_wait3A_158 = arith.constant 0 : i32
          %dma_wait3A_159 = tpu.memref_slice %arg9[%add3A_123, %dma_wait3A_158] : memref<18x96xi32, #tpu.memory_space<vmem>> -> memref<1x96xi32, #tpu.memory_space<vmem>>
          %dma_wait3A_160 = tpu.memref_squeeze %dma_wait3A_159 : memref<1x96xi32, #tpu.memory_space<vmem>> -> memref<96xi32, #tpu.memory_space<vmem>>
          %dma_wait3A_161 = arith.constant 0 : i32
          %dma_wait3A_162 = arith.constant 0 : i32
          %dma_wait3A_163 = tpu.memref_slice %arg17[%dma_wait3A_161, %dma_wait3A_162] : memref<10240x144xf32, #tpu.memory_space<vmem_shared>> -> memref<10240x144xf32, #tpu.memory_space<vmem_shared>>
          tpu.wait_indirect_dma semaphore(%run_scoped3A : memref<!tpu.dma_semaphore, #tpu.memory_space<semaphore_mem>>) src(%arg16 : memref<96x144xf32, #tpu.memory_space<vmem>>) dst(%dma_wait3A_163 : memref<10240x144xf32, #tpu.memory_space<vmem_shared>>)
          tpu.yield
        }) : () -> ()
      }
      %scan3A_90 = arith.constant 9 : i32
    }
    %while3A_52 = arith.constant 1 : i32
    scf.for %while3A_58 = %while3A_50 to %while3A_46 step %while3A_52  : i32 {
      %mul3A_59 = arith.constant 18 : i32
      %mul3A_60 = arith.muli %while3A_58, %mul3A_59 : i32
      %add3A_61 = arith.addi %select_n3A, %mul3A_60 : i32
      "tpu.region"() ({
        %run_scoped3A = tpu.sem_alloc : memref<!tpu.dma_semaphore, #tpu.memory_space<semaphore_mem>>
        %dma_start3A_91 = arith.constant 0 : i32
        %dma_start3A_92 = tpu.memref_slice %arg5[%add3A_61, %dma_start3A_91] : memref<3456x96xi32, #tpu.memory_space<hbm>> -> memref<18x96xi32, #tpu.memory_space<hbm>>
        %dma_start3A_93 = arith.constant 0 : i32
        %dma_start3A_94 = tpu.memref_slice %arg5[%add3A_61, %dma_start3A_93] : memref<3456x96xi32, #tpu.memory_space<hbm>> -> memref<18x96xi32, #tpu.memory_space<hbm>>
        tpu.enqueue_dma source(%dma_start3A_94 : memref<18x96xi32, #tpu.memory_space<hbm>>) target(%arg8 : memref<18x96xi32, #tpu.memory_space<vmem>>) target_semaphore(%run_scoped3A : memref<!tpu.dma_semaphore, #tpu.memory_space<semaphore_mem>>)
        %dma_wait3A = arith.constant 0 : i32
        %dma_wait3A_95 = tpu.memref_slice %arg5[%add3A_61, %dma_wait3A] : memref<3456x96xi32, #tpu.memory_space<hbm>> -> memref<18x96xi32, #tpu.memory_space<hbm>>
        %dma_wait3A_96 = arith.constant 0 : i32
        %dma_wait3A_97 = tpu.memref_slice %arg5[%add3A_61, %dma_wait3A_96] : memref<3456x96xi32, #tpu.memory_space<hbm>> -> memref<18x96xi32, #tpu.memory_space<hbm>>
        tpu.wait_dma2 semaphore(%run_scoped3A : memref<!tpu.dma_semaphore, #tpu.memory_space<semaphore_mem>>) src(%dma_wait3A_97 : memref<18x96xi32, #tpu.memory_space<hbm>>) dst(%arg8 : memref<18x96xi32, #tpu.memory_space<vmem>>)
        tpu.yield
      }) : () -> ()
      %mul3A_62 = arith.constant 18 : i32
      %mul3A_63 = arith.muli %while3A_58, %mul3A_62 : i32
      %add3A_64 = arith.addi %select_n3A, %mul3A_63 : i32
      "tpu.region"() ({
        %run_scoped3A = tpu.sem_alloc : memref<!tpu.dma_semaphore, #tpu.memory_space<semaphore_mem>>
        %dma_start3A_91 = arith.constant 0 : i32
        %dma_start3A_92 = tpu.memref_slice %arg6[%add3A_64, %dma_start3A_91] : memref<3456x96xi32, #tpu.memory_space<hbm>> -> memref<18x96xi32, #tpu.memory_space<hbm>>
        %dma_start3A_93 = arith.constant 0 : i32
        %dma_start3A_94 = tpu.memref_slice %arg6[%add3A_64, %dma_start3A_93] : memref<3456x96xi32, #tpu.memory_space<hbm>> -> memref<18x96xi32, #tpu.memory_space<hbm>>
        tpu.enqueue_dma source(%dma_start3A_94 : memref<18x96xi32, #tpu.memory_space<hbm>>) target(%arg9 : memref<18x96xi32, #tpu.memory_space<vmem>>) target_semaphore(%run_scoped3A : memref<!tpu.dma_semaphore, #tpu.memory_space<semaphore_mem>>)
        %dma_wait3A = arith.constant 0 : i32
        %dma_wait3A_95 = tpu.memref_slice %arg6[%add3A_64, %dma_wait3A] : memref<3456x96xi32, #tpu.memory_space<hbm>> -> memref<18x96xi32, #tpu.memory_space<hbm>>
        %dma_wait3A_96 = arith.constant 0 : i32
        %dma_wait3A_97 = tpu.memref_slice %arg6[%add3A_64, %dma_wait3A_96] : memref<3456x96xi32, #tpu.memory_space<hbm>> -> memref<18x96xi32, #tpu.memory_space<hbm>>
        tpu.wait_dma2 semaphore(%run_scoped3A : memref<!tpu.dma_semaphore, #tpu.memory_space<semaphore_mem>>) src(%dma_wait3A_97 : memref<18x96xi32, #tpu.memory_space<hbm>>) dst(%arg9 : memref<18x96xi32, #tpu.memory_space<vmem>>)
        tpu.yield
      }) : () -> ()
      %dma_start3A = arith.constant 0 : i32
      %dma_start3A_65 = arith.constant 0 : i32
      %dma_start3A_66 = tpu.memref_slice %arg8[%dma_start3A, %dma_start3A_65] : memref<18x96xi32, #tpu.memory_space<vmem>> -> memref<1x96xi32, #tpu.memory_space<vmem>>
      %dma_start3A_67 = tpu.memref_squeeze %dma_start3A_66 : memref<1x96xi32, #tpu.memory_space<vmem>> -> memref<96xi32, #tpu.memory_space<vmem>>
      %dma_start3A_68 = arith.constant 0 : i32
      %dma_start3A_69 = arith.constant 0 : i32
      %dma_start3A_70 = tpu.memref_slice %arg2[%dma_start3A_68, %dma_start3A_69] : memref<10240x128xbf16, #tpu.memory_space<hbm>> -> memref<10240x128xbf16, #tpu.memory_space<hbm>>
      tpu.enqueue_indirect_dma source(%dma_start3A_70 : memref<10240x128xbf16, #tpu.memory_space<hbm>>) target(%arg10 : memref<96x128xbf16, #tpu.memory_space<vmem>>) offsets(%dma_start3A_67 : memref<96xi32, #tpu.memory_space<vmem>>) semaphore(%arg18 : memref<!tpu.dma_semaphore, #tpu.memory_space<semaphore_mem>>)
      %dma_start3A_71 = arith.constant 0 : i32
      %dma_start3A_72 = arith.constant 0 : i32
      %dma_start3A_73 = tpu.memref_slice %arg8[%dma_start3A_71, %dma_start3A_72] : memref<18x96xi32, #tpu.memory_space<vmem>> -> memref<1x96xi32, #tpu.memory_space<vmem>>
      %dma_start3A_74 = tpu.memref_squeeze %dma_start3A_73 : memref<1x96xi32, #tpu.memory_space<vmem>> -> memref<96xi32, #tpu.memory_space<vmem>>
      %dma_start3A_75 = arith.constant 0 : i32
      %dma_start3A_76 = arith.constant 0 : i32
      %dma_start3A_77 = tpu.memref_slice %arg3[%dma_start3A_75, %dma_start3A_76] : memref<10240x16xf32, #tpu.memory_space<hbm>> -> memref<10240x16xf32, #tpu.memory_space<hbm>>
      tpu.enqueue_indirect_dma source(%dma_start3A_77 : memref<10240x16xf32, #tpu.memory_space<hbm>>) target(%arg12 : memref<96x16xf32, #tpu.memory_space<vmem>>) offsets(%dma_start3A_74 : memref<96xi32, #tpu.memory_space<vmem>>) semaphore(%arg20 : memref<!tpu.dma_semaphore, #tpu.memory_space<semaphore_mem>>)
      %dma_start3A_78 = arith.constant 0 : i32
      %dma_start3A_79 = arith.constant 0 : i32
      %dma_start3A_80 = tpu.memref_slice %arg9[%dma_start3A_78, %dma_start3A_79] : memref<18x96xi32, #tpu.memory_space<vmem>> -> memref<1x96xi32, #tpu.memory_space<vmem>>
      %dma_start3A_81 = tpu.memref_squeeze %dma_start3A_80 : memref<1x96xi32, #tpu.memory_space<vmem>> -> memref<96xi32, #tpu.memory_space<vmem>>
      %dma_start3A_82 = arith.constant 0 : i32
      %dma_start3A_83 = arith.constant 0 : i32
      %dma_start3A_84 = tpu.memref_slice %arg4[%dma_start3A_82, %dma_start3A_83] : memref<10240x16xf32, #tpu.memory_space<hbm>> -> memref<10240x16xf32, #tpu.memory_space<hbm>>
      tpu.enqueue_indirect_dma source(%dma_start3A_84 : memref<10240x16xf32, #tpu.memory_space<hbm>>) target(%arg14 : memref<96x16xf32, #tpu.memory_space<vmem>>) offsets(%dma_start3A_81 : memref<96xi32, #tpu.memory_space<vmem>>) semaphore(%arg22 : memref<!tpu.dma_semaphore, #tpu.memory_space<semaphore_mem>>)
      %scan3A_85 = arith.constant 0 : i32
      %scan3A_86 = arith.constant 0 : i32
      %scan3A_87 = arith.constant 9 : i32
      %scan3A_88 = arith.addi %scan3A_86, %scan3A_87 : i32
      %scan3A_89 = arith.constant 1 : i32
      scf.for %scan3A_91 = %scan3A_86 to %scan3A_88 step %scan3A_89  : i32 {
        %mul3A_92 = arith.constant 2 : i32
        %mul3A_93 = arith.muli %scan3A_91, %mul3A_92 : i32
        %add3A_94 = arith.constant 0 : i32
        %add3A_95 = arith.addi %mul3A_93, %add3A_94 : i32
        %add3A_96 = arith.constant 1 : i32
        %add3A_97 = arith.addi %add3A_95, %add3A_96 : i32
        %lt3A_98 = arith.constant 18 : i32
        %lt3A_99 = arith.cmpi slt, %add3A_97, %lt3A_98 : i32
        %convert_element_type3A = arith.extui %lt3A_99 : i1 to i32
        %cond3A = arith.constant 0 : i32
        %cond3A_100 = arith.cmpi ne, %convert_element_type3A, %cond3A : i32
        scf.if %cond3A_100 {
          %add3A_152 = arith.constant 1 : i32
          %add3A_153 = arith.addi %add3A_95, %add3A_152 : i32
          %dma_start3A_154 = arith.constant 0 : i32
          %dma_start3A_155 = tpu.memref_slice %arg8[%add3A_153, %dma_start3A_154] : memref<18x96xi32, #tpu.memory_space<vmem>> -> memref<1x96xi32, #tpu.memory_space<vmem>>
          %dma_start3A_156 = tpu.memref_squeeze %dma_start3A_155 : memref<1x96xi32, #tpu.memory_space<vmem>> -> memref<96xi32, #tpu.memory_space<vmem>>
          %dma_start3A_157 = arith.constant 0 : i32
          %dma_start3A_158 = arith.constant 0 : i32
          %dma_start3A_159 = tpu.memref_slice %arg2[%dma_start3A_157, %dma_start3A_158] : memref<10240x128xbf16, #tpu.memory_space<hbm>> -> memref<10240x128xbf16, #tpu.memory_space<hbm>>
          tpu.enqueue_indirect_dma source(%dma_start3A_159 : memref<10240x128xbf16, #tpu.memory_space<hbm>>) target(%arg11 : memref<96x128xbf16, #tpu.memory_space<vmem>>) offsets(%dma_start3A_156 : memref<96xi32, #tpu.memory_space<vmem>>) semaphore(%arg19 : memref<!tpu.dma_semaphore, #tpu.memory_space<semaphore_mem>>)
          %add3A_160 = arith.constant 1 : i32
          %add3A_161 = arith.addi %add3A_95, %add3A_160 : i32
          %dma_start3A_162 = arith.constant 0 : i32
          %dma_start3A_163 = tpu.memref_slice %arg8[%add3A_161, %dma_start3A_162] : memref<18x96xi32, #tpu.memory_space<vmem>> -> memref<1x96xi32, #tpu.memory_space<vmem>>
          %dma_start3A_164 = tpu.memref_squeeze %dma_start3A_163 : memref<1x96xi32, #tpu.memory_space<vmem>> -> memref<96xi32, #tpu.memory_space<vmem>>
          %dma_start3A_165 = arith.constant 0 : i32
          %dma_start3A_166 = arith.constant 0 : i32
          %dma_start3A_167 = tpu.memref_slice %arg3[%dma_start3A_165, %dma_start3A_166] : memref<10240x16xf32, #tpu.memory_space<hbm>> -> memref<10240x16xf32, #tpu.memory_space<hbm>>
          tpu.enqueue_indirect_dma source(%dma_start3A_167 : memref<10240x16xf32, #tpu.memory_space<hbm>>) target(%arg13 : memref<96x16xf32, #tpu.memory_space<vmem>>) offsets(%dma_start3A_164 : memref<96xi32, #tpu.memory_space<vmem>>) semaphore(%arg21 : memref<!tpu.dma_semaphore, #tpu.memory_space<semaphore_mem>>)
          %add3A_168 = arith.constant 1 : i32
          %add3A_169 = arith.addi %add3A_95, %add3A_168 : i32
          %dma_start3A_170 = arith.constant 0 : i32
          %dma_start3A_171 = tpu.memref_slice %arg9[%add3A_169, %dma_start3A_170] : memref<18x96xi32, #tpu.memory_space<vmem>> -> memref<1x96xi32, #tpu.memory_space<vmem>>
          %dma_start3A_172 = tpu.memref_squeeze %dma_start3A_171 : memref<1x96xi32, #tpu.memory_space<vmem>> -> memref<96xi32, #tpu.memory_space<vmem>>
          %dma_start3A_173 = arith.constant 0 : i32
          %dma_start3A_174 = arith.constant 0 : i32
          %dma_start3A_175 = tpu.memref_slice %arg4[%dma_start3A_173, %dma_start3A_174] : memref<10240x16xf32, #tpu.memory_space<hbm>> -> memref<10240x16xf32, #tpu.memory_space<hbm>>
          tpu.enqueue_indirect_dma source(%dma_start3A_175 : memref<10240x16xf32, #tpu.memory_space<hbm>>) target(%arg15 : memref<96x16xf32, #tpu.memory_space<vmem>>) offsets(%dma_start3A_172 : memref<96xi32, #tpu.memory_space<vmem>>) semaphore(%arg23 : memref<!tpu.dma_semaphore, #tpu.memory_space<semaphore_mem>>)
        } else {
        }
        %dma_wait3A = arith.constant 0 : i32
        %dma_wait3A_101 = arith.constant 0 : i32
        %dma_wait3A_102 = tpu.memref_slice %arg2[%dma_wait3A, %dma_wait3A_101] : memref<10240x128xbf16, #tpu.memory_space<hbm>> -> memref<96x128xbf16, #tpu.memory_space<hbm>>
        %dma_wait3A_103 = arith.constant 0 : i32
        %dma_wait3A_104 = arith.constant 0 : i32
        %dma_wait3A_105 = tpu.memref_slice %arg2[%dma_wait3A_103, %dma_wait3A_104] : memref<10240x128xbf16, #tpu.memory_space<hbm>> -> memref<96x128xbf16, #tpu.memory_space<hbm>>
        tpu.wait_dma2 semaphore(%arg18 : memref<!tpu.dma_semaphore, #tpu.memory_space<semaphore_mem>>) src(%dma_wait3A_105 : memref<96x128xbf16, #tpu.memory_space<hbm>>) dst(%arg10 : memref<96x128xbf16, #tpu.memory_space<vmem>>)
        %dma_wait3A_106 = arith.constant 0 : i32
        %dma_wait3A_107 = arith.constant 0 : i32
        %dma_wait3A_108 = tpu.memref_slice %arg3[%dma_wait3A_106, %dma_wait3A_107] : memref<10240x16xf32, #tpu.memory_space<hbm>> -> memref<96x16xf32, #tpu.memory_space<hbm>>
        %dma_wait3A_109 = arith.constant 0 : i32
        %dma_wait3A_110 = arith.constant 0 : i32
        %dma_wait3A_111 = tpu.memref_slice %arg3[%dma_wait3A_109, %dma_wait3A_110] : memref<10240x16xf32, #tpu.memory_space<hbm>> -> memref<96x16xf32, #tpu.memory_space<hbm>>
        tpu.wait_dma2 semaphore(%arg20 : memref<!tpu.dma_semaphore, #tpu.memory_space<semaphore_mem>>) src(%dma_wait3A_111 : memref<96x16xf32, #tpu.memory_space<hbm>>) dst(%arg12 : memref<96x16xf32, #tpu.memory_space<vmem>>)
        %dma_wait3A_112 = arith.constant 0 : i32
        %dma_wait3A_113 = arith.constant 0 : i32
        %dma_wait3A_114 = tpu.memref_slice %arg4[%dma_wait3A_112, %dma_wait3A_113] : memref<10240x16xf32, #tpu.memory_space<hbm>> -> memref<96x16xf32, #tpu.memory_space<hbm>>
        %dma_wait3A_115 = arith.constant 0 : i32
        %dma_wait3A_116 = arith.constant 0 : i32
        %dma_wait3A_117 = tpu.memref_slice %arg4[%dma_wait3A_115, %dma_wait3A_116] : memref<10240x16xf32, #tpu.memory_space<hbm>> -> memref<96x16xf32, #tpu.memory_space<hbm>>
        tpu.wait_dma2 semaphore(%arg22 : memref<!tpu.dma_semaphore, #tpu.memory_space<semaphore_mem>>) src(%dma_wait3A_117 : memref<96x16xf32, #tpu.memory_space<hbm>>) dst(%arg14 : memref<96x16xf32, #tpu.memory_space<vmem>>)
        %parallel_loop3A = arith.constant 0 : i32
        %parallel_loop3A_118 = arith.constant 96 : i32
        %parallel_loop3A_119 = arith.constant 1 : i32
        scf.for %parallel_loop3A_152 = %parallel_loop3A to %parallel_loop3A_118 step %parallel_loop3A_119  : i32 {
          %parallel_loop3A_153 = arith.index_cast %parallel_loop3A_152 : i32 to index
          %parallel_loop3A_154 = arith.constant 0 : index
          %parallel_loop3A_155 = tpu.vector_load %arg12[%parallel_loop3A_153, %parallel_loop3A_154] {strides = array<i32>} : memref<96x16xf32, #tpu.memory_space<vmem>>, vector<16xf32>,
          %parallel_loop3A_156 = arith.index_cast %parallel_loop3A_152 : i32 to index
          %parallel_loop3A_157 = arith.constant 0 : index
          %parallel_loop3A_158 = tpu.vector_load %arg14[%parallel_loop3A_156, %parallel_loop3A_157] {strides = array<i32>} : memref<96x16xf32, #tpu.memory_space<vmem>>, vector<16xf32>,
          %parallel_loop3A_159 = arith.addf %parallel_loop3A_155, %parallel_loop3A_158 : vector<16xf32>
          %parallel_loop3A_160 = arith.constant 0.000000e+00 : f32
          %parallel_loop3A_161 = vector.broadcast %parallel_loop3A_160 : f32 to vector<16xf32>
          %parallel_loop3A_162 = arith.cmpf ogt, %parallel_loop3A_159, %parallel_loop3A_161 : vector<16xf32>
          %parallel_loop3A_163 = arith.constant 2.000000e-01 : f32
          %parallel_loop3A_164 = vector.broadcast %parallel_loop3A_163 : f32 to vector<16xf32>
          %parallel_loop3A_165 = arith.mulf %parallel_loop3A_164, %parallel_loop3A_159 : vector<16xf32>
          %parallel_loop3A_166 = arith.select %parallel_loop3A_162, %parallel_loop3A_159, %parallel_loop3A_165 : vector<16xi1>, vector<16xf32>
          %parallel_loop3A_167 = math.exp %parallel_loop3A_166 : vector<16xf32>
          %parallel_loop3A_168 = arith.constant 0.000000e+00 : f32
          %parallel_loop3A_169 = vector.broadcast %parallel_loop3A_168 : f32 to vector<16xf32>
          %parallel_loop3A_170 = arith.select %lt3A_43, %parallel_loop3A_167, %parallel_loop3A_169 : vector<16xi1>, vector<16xf32>
          %parallel_loop3A_171 = arith.index_cast %parallel_loop3A_152 : i32 to index
          %parallel_loop3A_172 = arith.constant 128 : index
          %parallel_loop3A_173 = tpu.vector_load %arg16[%parallel_loop3A_171, %parallel_loop3A_172] {strides = array<i32>} : memref<96x144xf32, #tpu.memory_space<vmem>>, vector<16xf32>,
          tpu.vector_store %arg16[%parallel_loop3A_171, %parallel_loop3A_172], %parallel_loop3A_170 {strides = array<i32>} : memref<96x144xf32, #tpu.memory_space<vmem>>, vector<16xf32>,
          %parallel_loop3A_174 = arith.index_cast %parallel_loop3A_152 : i32 to index
          %parallel_loop3A_175 = arith.constant 0 : index
          %parallel_loop3A_176 = tpu.vector_load %arg10[%parallel_loop3A_174, %parallel_loop3A_175] {strides = array<i32>} : memref<96x128xbf16, #tpu.memory_space<vmem>>, vector<32xbf16>,
          %parallel_loop3A_177 = tpu.unpack_subelements %parallel_loop3A_176, 0 {pack_format = #tpu.pack_format<interleaved>} : vector<32xbf16> -> vector<16xf32>
          %parallel_loop3A_178 = tpu.unpack_subelements %parallel_loop3A_176, 1 {pack_format = #tpu.pack_format<interleaved>} : vector<32xbf16> -> vector<16xf32>
          %parallel_loop3A_179 = arith.constant 0 : i32
          %parallel_loop3A_180 = vector.broadcast %parallel_loop3A_179 : i32 to vector<16x1xi32>
          %parallel_loop3A_181 = vector.shape_cast %parallel_loop3A_180 : vector<16x1xi32> to vector<16xi32>
          %parallel_loop3A_182 = tpu.dynamic_gather %parallel_loop3A_170[%parallel_loop3A_181] in [0] : vector<16xf32>, vector<16xi32> -> vector<16xf32>
          %parallel_loop3A_183 = arith.constant 1 : i32
          %parallel_loop3A_184 = vector.broadcast %parallel_loop3A_183 : i32 to vector<16x1xi32>
          %parallel_loop3A_185 = vector.shape_cast %parallel_loop3A_184 : vector<16x1xi32> to vector<16xi32>
          %parallel_loop3A_186 = tpu.dynamic_gather %parallel_loop3A_170[%parallel_loop3A_185] in [0] : vector<16xf32>, vector<16xi32> -> vector<16xf32>
          %parallel_loop3A_187 = arith.mulf %parallel_loop3A_182, %parallel_loop3A_177 : vector<16xf32>
          %parallel_loop3A_188 = arith.index_cast %parallel_loop3A_152 : i32 to index
          %parallel_loop3A_189 = arith.constant 0 : index
          %parallel_loop3A_190 = tpu.vector_load %arg16[%parallel_loop3A_188, %parallel_loop3A_189] {strides = array<i32>} : memref<96x144xf32, #tpu.memory_space<vmem>>, vector<16xf32>,
          tpu.vector_store %arg16[%parallel_loop3A_188, %parallel_loop3A_189], %parallel_loop3A_187 {strides = array<i32>} : memref<96x144xf32, #tpu.memory_space<vmem>>, vector<16xf32>,
          %parallel_loop3A_191 = arith.mulf %parallel_loop3A_186, %parallel_loop3A_178 : vector<16xf32>
          %parallel_loop3A_192 = arith.index_cast %parallel_loop3A_152 : i32 to index
          %parallel_loop3A_193 = arith.constant 16 : index
          %parallel_loop3A_194 = tpu.vector_load %arg16[%parallel_loop3A_192, %parallel_loop3A_193] {strides = array<i32>} : memref<96x144xf32, #tpu.memory_space<vmem>>, vector<16xf32>,
          tpu.vector_store %arg16[%parallel_loop3A_192, %parallel_loop3A_193], %parallel_loop3A_191 {strides = array<i32>} : memref<96x144xf32, #tpu.memory_space<vmem>>, vector<16xf32>,
          %parallel_loop3A_195 = arith.index_cast %parallel_loop3A_152 : i32 to index
          %parallel_loop3A_196 = arith.constant 32 : index
          %parallel_loop3A_197 = tpu.vector_load %arg10[%parallel_loop3A_195, %parallel_loop3A_196] {strides = array<i32>} : memref<96x128xbf16, #tpu.memory_space<vmem>>, vector<32xbf16>,
          %parallel_loop3A_198 = tpu.unpack_subelements %parallel_loop3A_197, 0 {pack_format = #tpu.pack_format<interleaved>} : vector<32xbf16> -> vector<16xf32>
          %parallel_loop3A_199 = tpu.unpack_subelements %parallel_loop3A_197, 1 {pack_format = #tpu.pack_format<interleaved>} : vector<32xbf16> -> vector<16xf32>
          %parallel_loop3A_200 = arith.constant 2 : i32
          %parallel_loop3A_201 = vector.broadcast %parallel_loop3A_200 : i32 to vector<16x1xi32>
          %parallel_loop3A_202 = vector.shape_cast %parallel_loop3A_201 : vector<16x1xi32> to vector<16xi32>
          %parallel_loop3A_203 = tpu.dynamic_gather %parallel_loop3A_170[%parallel_loop3A_202] in [0] : vector<16xf32>, vector<16xi32> -> vector<16xf32>
          %parallel_loop3A_204 = arith.constant 3 : i32
          %parallel_loop3A_205 = vector.broadcast %parallel_loop3A_204 : i32 to vector<16x1xi32>
          %parallel_loop3A_206 = vector.shape_cast %parallel_loop3A_205 : vector<16x1xi32> to vector<16xi32>
          %parallel_loop3A_207 = tpu.dynamic_gather %parallel_loop3A_170[%parallel_loop3A_206] in [0] : vector<16xf32>, vector<16xi32> -> vector<16xf32>
          %parallel_loop3A_208 = arith.mulf %parallel_loop3A_203, %parallel_loop3A_198 : vector<16xf32>
          %parallel_loop3A_209 = arith.index_cast %parallel_loop3A_152 : i32 to index
          %parallel_loop3A_210 = arith.constant 32 : index
          %parallel_loop3A_211 = tpu.vector_load %arg16[%parallel_loop3A_209, %parallel_loop3A_210] {strides = array<i32>} : memref<96x144xf32, #tpu.memory_space<vmem>>, vector<16xf32>,
          tpu.vector_store %arg16[%parallel_loop3A_209, %parallel_loop3A_210], %parallel_loop3A_208 {strides = array<i32>} : memref<96x144xf32, #tpu.memory_space<vmem>>, vector<16xf32>,
          %parallel_loop3A_212 = arith.mulf %parallel_loop3A_207, %parallel_loop3A_199 : vector<16xf32>
          %parallel_loop3A_213 = arith.index_cast %parallel_loop3A_152 : i32 to index
          %parallel_loop3A_214 = arith.constant 48 : index
          %parallel_loop3A_215 = tpu.vector_load %arg16[%parallel_loop3A_213, %parallel_loop3A_214] {strides = array<i32>} : memref<96x144xf32, #tpu.memory_space<vmem>>, vector<16xf32>,
          tpu.vector_store %arg16[%parallel_loop3A_213, %parallel_loop3A_214], %parallel_loop3A_212 {strides = array<i32>} : memref<96x144xf32, #tpu.memory_space<vmem>>, vector<16xf32>,
          %parallel_loop3A_216 = arith.index_cast %parallel_loop3A_152 : i32 to index
          %parallel_loop3A_217 = arith.constant 64 : index
          %parallel_loop3A_218 = tpu.vector_load %arg10[%parallel_loop3A_216, %parallel_loop3A_217] {strides = array<i32>} : memref<96x128xbf16, #tpu.memory_space<vmem>>, vector<32xbf16>,
          %parallel_loop3A_219 = tpu.unpack_subelements %parallel_loop3A_218, 0 {pack_format = #tpu.pack_format<interleaved>} : vector<32xbf16> -> vector<16xf32>
          %parallel_loop3A_220 = tpu.unpack_subelements %parallel_loop3A_218, 1 {pack_format = #tpu.pack_format<interleaved>} : vector<32xbf16> -> vector<16xf32>
          %parallel_loop3A_221 = arith.constant 4 : i32
          %parallel_loop3A_222 = vector.broadcast %parallel_loop3A_221 : i32 to vector<16x1xi32>
          %parallel_loop3A_223 = vector.shape_cast %parallel_loop3A_222 : vector<16x1xi32> to vector<16xi32>
          %parallel_loop3A_224 = tpu.dynamic_gather %parallel_loop3A_170[%parallel_loop3A_223] in [0] : vector<16xf32>, vector<16xi32> -> vector<16xf32>
          %parallel_loop3A_225 = arith.constant 5 : i32
          %parallel_loop3A_226 = vector.broadcast %parallel_loop3A_225 : i32 to vector<16x1xi32>
          %parallel_loop3A_227 = vector.shape_cast %parallel_loop3A_226 : vector<16x1xi32> to vector<16xi32>
          %parallel_loop3A_228 = tpu.dynamic_gather %parallel_loop3A_170[%parallel_loop3A_227] in [0] : vector<16xf32>, vector<16xi32> -> vector<16xf32>
          %parallel_loop3A_229 = arith.mulf %parallel_loop3A_224, %parallel_loop3A_219 : vector<16xf32>
          %parallel_loop3A_230 = arith.index_cast %parallel_loop3A_152 : i32 to index
          %parallel_loop3A_231 = arith.constant 64 : index
          %parallel_loop3A_232 = tpu.vector_load %arg16[%parallel_loop3A_230, %parallel_loop3A_231] {strides = array<i32>} : memref<96x144xf32, #tpu.memory_space<vmem>>, vector<16xf32>,
          tpu.vector_store %arg16[%parallel_loop3A_230, %parallel_loop3A_231], %parallel_loop3A_229 {strides = array<i32>} : memref<96x144xf32, #tpu.memory_space<vmem>>, vector<16xf32>,
          %parallel_loop3A_233 = arith.mulf %parallel_loop3A_228, %parallel_loop3A_220 : vector<16xf32>
          %parallel_loop3A_234 = arith.index_cast %parallel_loop3A_152 : i32 to index
          %parallel_loop3A_235 = arith.constant 80 : index
          %parallel_loop3A_236 = tpu.vector_load %arg16[%parallel_loop3A_234, %parallel_loop3A_235] {strides = array<i32>} : memref<96x144xf32, #tpu.memory_space<vmem>>, vector<16xf32>,
          tpu.vector_store %arg16[%parallel_loop3A_234, %parallel_loop3A_235], %parallel_loop3A_233 {strides = array<i32>} : memref<96x144xf32, #tpu.memory_space<vmem>>, vector<16xf32>,
          %parallel_loop3A_237 = arith.index_cast %parallel_loop3A_152 : i32 to index
          %parallel_loop3A_238 = arith.constant 96 : index
          %parallel_loop3A_239 = tpu.vector_load %arg10[%parallel_loop3A_237, %parallel_loop3A_238] {strides = array<i32>} : memref<96x128xbf16, #tpu.memory_space<vmem>>, vector<32xbf16>,
          %parallel_loop3A_240 = tpu.unpack_subelements %parallel_loop3A_239, 0 {pack_format = #tpu.pack_format<interleaved>} : vector<32xbf16> -> vector<16xf32>
          %parallel_loop3A_241 = tpu.unpack_subelements %parallel_loop3A_239, 1 {pack_format = #tpu.pack_format<interleaved>} : vector<32xbf16> -> vector<16xf32>
          %parallel_loop3A_242 = arith.constant 6 : i32
          %parallel_loop3A_243 = vector.broadcast %parallel_loop3A_242 : i32 to vector<16x1xi32>
          %parallel_loop3A_244 = vector.shape_cast %parallel_loop3A_243 : vector<16x1xi32> to vector<16xi32>
          %parallel_loop3A_245 = tpu.dynamic_gather %parallel_loop3A_170[%parallel_loop3A_244] in [0] : vector<16xf32>, vector<16xi32> -> vector<16xf32>
          %parallel_loop3A_246 = arith.constant 7 : i32
          %parallel_loop3A_247 = vector.broadcast %parallel_loop3A_246 : i32 to vector<16x1xi32>
          %parallel_loop3A_248 = vector.shape_cast %parallel_loop3A_247 : vector<16x1xi32> to vector<16xi32>
          %parallel_loop3A_249 = tpu.dynamic_gather %parallel_loop3A_170[%parallel_loop3A_248] in [0] : vector<16xf32>, vector<16xi32> -> vector<16xf32>
          %parallel_loop3A_250 = arith.mulf %parallel_loop3A_245, %parallel_loop3A_240 : vector<16xf32>
          %parallel_loop3A_251 = arith.index_cast %parallel_loop3A_152 : i32 to index
          %parallel_loop3A_252 = arith.constant 96 : index
          %parallel_loop3A_253 = tpu.vector_load %arg16[%parallel_loop3A_251, %parallel_loop3A_252] {strides = array<i32>} : memref<96x144xf32, #tpu.memory_space<vmem>>, vector<16xf32>,
          tpu.vector_store %arg16[%parallel_loop3A_251, %parallel_loop3A_252], %parallel_loop3A_250 {strides = array<i32>} : memref<96x144xf32, #tpu.memory_space<vmem>>, vector<16xf32>,
          %parallel_loop3A_254 = arith.mulf %parallel_loop3A_249, %parallel_loop3A_241 : vector<16xf32>
          %parallel_loop3A_255 = arith.index_cast %parallel_loop3A_152 : i32 to index
          %parallel_loop3A_256 = arith.constant 112 : index
          %parallel_loop3A_257 = tpu.vector_load %arg16[%parallel_loop3A_255, %parallel_loop3A_256] {strides = array<i32>} : memref<96x144xf32, #tpu.memory_space<vmem>>, vector<16xf32>,
          tpu.vector_store %arg16[%parallel_loop3A_255, %parallel_loop3A_256], %parallel_loop3A_254 {strides = array<i32>} : memref<96x144xf32, #tpu.memory_space<vmem>>, vector<16xf32>,
        } {sc.loop_unroll_factor = 4 : i64, sc.parallel_access}
        "tpu.region"() ({
          %run_scoped3A = tpu.sem_alloc : memref<!tpu.dma_semaphore, #tpu.memory_space<semaphore_mem>>
          %dma_start3A_152 = arith.constant 0 : i32
          %dma_start3A_153 = tpu.memref_slice %arg9[%add3A_95, %dma_start3A_152] : memref<18x96xi32, #tpu.memory_space<vmem>> -> memref<1x96xi32, #tpu.memory_space<vmem>>
          %dma_start3A_154 = tpu.memref_squeeze %dma_start3A_153 : memref<1x96xi32, #tpu.memory_space<vmem>> -> memref<96xi32, #tpu.memory_space<vmem>>
          %dma_start3A_155 = arith.constant 0 : i32
          %dma_start3A_156 = arith.constant 0 : i32
          %dma_start3A_157 = tpu.memref_slice %arg17[%dma_start3A_155, %dma_start3A_156] : memref<10240x144xf32, #tpu.memory_space<vmem_shared>> -> memref<10240x144xf32, #tpu.memory_space<vmem_shared>>
          tpu.enqueue_indirect_dma source(%arg16 : memref<96x144xf32, #tpu.memory_space<vmem>>) target(%dma_start3A_157 : memref<10240x144xf32, #tpu.memory_space<vmem_shared>>) offsets(%dma_start3A_154 : memref<96xi32, #tpu.memory_space<vmem>>) semaphore(%run_scoped3A : memref<!tpu.dma_semaphore, #tpu.memory_space<semaphore_mem>>) {add = true}
          %dma_wait3A_158 = arith.constant 0 : i32
          %dma_wait3A_159 = tpu.memref_slice %arg9[%add3A_95, %dma_wait3A_158] : memref<18x96xi32, #tpu.memory_space<vmem>> -> memref<1x96xi32, #tpu.memory_space<vmem>>
          %dma_wait3A_160 = tpu.memref_squeeze %dma_wait3A_159 : memref<1x96xi32, #tpu.memory_space<vmem>> -> memref<96xi32, #tpu.memory_space<vmem>>
          %dma_wait3A_161 = arith.constant 0 : i32
          %dma_wait3A_162 = arith.constant 0 : i32
          %dma_wait3A_163 = tpu.memref_slice %arg17[%dma_wait3A_161, %dma_wait3A_162] : memref<10240x144xf32, #tpu.memory_space<vmem_shared>> -> memref<10240x144xf32, #tpu.memory_space<vmem_shared>>
          tpu.wait_indirect_dma semaphore(%run_scoped3A : memref<!tpu.dma_semaphore, #tpu.memory_space<semaphore_mem>>) src(%arg16 : memref<96x144xf32, #tpu.memory_space<vmem>>) dst(%dma_wait3A_163 : memref<10240x144xf32, #tpu.memory_space<vmem_shared>>)
          tpu.yield
        }) : () -> ()
        %mul3A_120 = arith.constant 2 : i32
        %mul3A_121 = arith.muli %scan3A_91, %mul3A_120 : i32
        %add3A_122 = arith.constant 1 : i32
        %add3A_123 = arith.addi %mul3A_121, %add3A_122 : i32
        %add3A_124 = arith.constant 1 : i32
        %add3A_125 = arith.addi %add3A_123, %add3A_124 : i32
        %lt3A_126 = arith.constant 18 : i32
        %lt3A_127 = arith.cmpi slt, %add3A_125, %lt3A_126 : i32
        %convert_element_type3A_128 = arith.extui %lt3A_127 : i1 to i32
        %cond3A_129 = arith.constant 0 : i32
        %cond3A_130 = arith.cmpi ne, %convert_element_type3A_128, %cond3A_129 : i32
        scf.if %cond3A_130 {
          %add3A_152 = arith.constant 1 : i32
          %add3A_153 = arith.addi %add3A_123, %add3A_152 : i32
          %dma_start3A_154 = arith.constant 0 : i32
          %dma_start3A_155 = tpu.memref_slice %arg8[%add3A_153, %dma_start3A_154] : memref<18x96xi32, #tpu.memory_space<vmem>> -> memref<1x96xi32, #tpu.memory_space<vmem>>
          %dma_start3A_156 = tpu.memref_squeeze %dma_start3A_155 : memref<1x96xi32, #tpu.memory_space<vmem>> -> memref<96xi32, #tpu.memory_space<vmem>>
          %dma_start3A_157 = arith.constant 0 : i32
          %dma_start3A_158 = arith.constant 0 : i32
          %dma_start3A_159 = tpu.memref_slice %arg2[%dma_start3A_157, %dma_start3A_158] : memref<10240x128xbf16, #tpu.memory_space<hbm>> -> memref<10240x128xbf16, #tpu.memory_space<hbm>>
          tpu.enqueue_indirect_dma source(%dma_start3A_159 : memref<10240x128xbf16, #tpu.memory_space<hbm>>) target(%arg10 : memref<96x128xbf16, #tpu.memory_space<vmem>>) offsets(%dma_start3A_156 : memref<96xi32, #tpu.memory_space<vmem>>) semaphore(%arg18 : memref<!tpu.dma_semaphore, #tpu.memory_space<semaphore_mem>>)
          %add3A_160 = arith.constant 1 : i32
          %add3A_161 = arith.addi %add3A_123, %add3A_160 : i32
          %dma_start3A_162 = arith.constant 0 : i32
          %dma_start3A_163 = tpu.memref_slice %arg8[%add3A_161, %dma_start3A_162] : memref<18x96xi32, #tpu.memory_space<vmem>> -> memref<1x96xi32, #tpu.memory_space<vmem>>
          %dma_start3A_164 = tpu.memref_squeeze %dma_start3A_163 : memref<1x96xi32, #tpu.memory_space<vmem>> -> memref<96xi32, #tpu.memory_space<vmem>>
          %dma_start3A_165 = arith.constant 0 : i32
          %dma_start3A_166 = arith.constant 0 : i32
          %dma_start3A_167 = tpu.memref_slice %arg3[%dma_start3A_165, %dma_start3A_166] : memref<10240x16xf32, #tpu.memory_space<hbm>> -> memref<10240x16xf32, #tpu.memory_space<hbm>>
          tpu.enqueue_indirect_dma source(%dma_start3A_167 : memref<10240x16xf32, #tpu.memory_space<hbm>>) target(%arg12 : memref<96x16xf32, #tpu.memory_space<vmem>>) offsets(%dma_start3A_164 : memref<96xi32, #tpu.memory_space<vmem>>) semaphore(%arg20 : memref<!tpu.dma_semaphore, #tpu.memory_space<semaphore_mem>>)
          %add3A_168 = arith.constant 1 : i32
          %add3A_169 = arith.addi %add3A_123, %add3A_168 : i32
          %dma_start3A_170 = arith.constant 0 : i32
          %dma_start3A_171 = tpu.memref_slice %arg9[%add3A_169, %dma_start3A_170] : memref<18x96xi32, #tpu.memory_space<vmem>> -> memref<1x96xi32, #tpu.memory_space<vmem>>
          %dma_start3A_172 = tpu.memref_squeeze %dma_start3A_171 : memref<1x96xi32, #tpu.memory_space<vmem>> -> memref<96xi32, #tpu.memory_space<vmem>>
          %dma_start3A_173 = arith.constant 0 : i32
          %dma_start3A_174 = arith.constant 0 : i32
          %dma_start3A_175 = tpu.memref_slice %arg4[%dma_start3A_173, %dma_start3A_174] : memref<10240x16xf32, #tpu.memory_space<hbm>> -> memref<10240x16xf32, #tpu.memory_space<hbm>>
          tpu.enqueue_indirect_dma source(%dma_start3A_175 : memref<10240x16xf32, #tpu.memory_space<hbm>>) target(%arg14 : memref<96x16xf32, #tpu.memory_space<vmem>>) offsets(%dma_start3A_172 : memref<96xi32, #tpu.memory_space<vmem>>) semaphore(%arg22 : memref<!tpu.dma_semaphore, #tpu.memory_space<semaphore_mem>>)
        } else {
        }
        %dma_wait3A_131 = arith.constant 0 : i32
        %dma_wait3A_132 = arith.constant 0 : i32
        %dma_wait3A_133 = tpu.memref_slice %arg2[%dma_wait3A_131, %dma_wait3A_132] : memref<10240x128xbf16, #tpu.memory_space<hbm>> -> memref<96x128xbf16, #tpu.memory_space<hbm>>
        %dma_wait3A_134 = arith.constant 0 : i32
        %dma_wait3A_135 = arith.constant 0 : i32
        %dma_wait3A_136 = tpu.memref_slice %arg2[%dma_wait3A_134, %dma_wait3A_135] : memref<10240x128xbf16, #tpu.memory_space<hbm>> -> memref<96x128xbf16, #tpu.memory_space<hbm>>
        tpu.wait_dma2 semaphore(%arg19 : memref<!tpu.dma_semaphore, #tpu.memory_space<semaphore_mem>>) src(%dma_wait3A_136 : memref<96x128xbf16, #tpu.memory_space<hbm>>) dst(%arg11 : memref<96x128xbf16, #tpu.memory_space<vmem>>)
        %dma_wait3A_137 = arith.constant 0 : i32
        %dma_wait3A_138 = arith.constant 0 : i32
        %dma_wait3A_139 = tpu.memref_slice %arg3[%dma_wait3A_137, %dma_wait3A_138] : memref<10240x16xf32, #tpu.memory_space<hbm>> -> memref<96x16xf32, #tpu.memory_space<hbm>>
        %dma_wait3A_140 = arith.constant 0 : i32
        %dma_wait3A_141 = arith.constant 0 : i32
        %dma_wait3A_142 = tpu.memref_slice %arg3[%dma_wait3A_140, %dma_wait3A_141] : memref<10240x16xf32, #tpu.memory_space<hbm>> -> memref<96x16xf32, #tpu.memory_space<hbm>>
        tpu.wait_dma2 semaphore(%arg21 : memref<!tpu.dma_semaphore, #tpu.memory_space<semaphore_mem>>) src(%dma_wait3A_142 : memref<96x16xf32, #tpu.memory_space<hbm>>) dst(%arg13 : memref<96x16xf32, #tpu.memory_space<vmem>>)
        %dma_wait3A_143 = arith.constant 0 : i32
        %dma_wait3A_144 = arith.constant 0 : i32
        %dma_wait3A_145 = tpu.memref_slice %arg4[%dma_wait3A_143, %dma_wait3A_144] : memref<10240x16xf32, #tpu.memory_space<hbm>> -> memref<96x16xf32, #tpu.memory_space<hbm>>
        %dma_wait3A_146 = arith.constant 0 : i32
        %dma_wait3A_147 = arith.constant 0 : i32
        %dma_wait3A_148 = tpu.memref_slice %arg4[%dma_wait3A_146, %dma_wait3A_147] : memref<10240x16xf32, #tpu.memory_space<hbm>> -> memref<96x16xf32, #tpu.memory_space<hbm>>
        tpu.wait_dma2 semaphore(%arg23 : memref<!tpu.dma_semaphore, #tpu.memory_space<semaphore_mem>>) src(%dma_wait3A_148 : memref<96x16xf32, #tpu.memory_space<hbm>>) dst(%arg15 : memref<96x16xf32, #tpu.memory_space<vmem>>)
        %parallel_loop3A_149 = arith.constant 0 : i32
        %parallel_loop3A_150 = arith.constant 96 : i32
        %parallel_loop3A_151 = arith.constant 1 : i32
        scf.for %parallel_loop3A_152 = %parallel_loop3A_149 to %parallel_loop3A_150 step %parallel_loop3A_151  : i32 {
          %parallel_loop3A_153 = arith.index_cast %parallel_loop3A_152 : i32 to index
          %parallel_loop3A_154 = arith.constant 0 : index
          %parallel_loop3A_155 = tpu.vector_load %arg13[%parallel_loop3A_153, %parallel_loop3A_154] {strides = array<i32>} : memref<96x16xf32, #tpu.memory_space<vmem>>, vector<16xf32>,
          %parallel_loop3A_156 = arith.index_cast %parallel_loop3A_152 : i32 to index
          %parallel_loop3A_157 = arith.constant 0 : index
          %parallel_loop3A_158 = tpu.vector_load %arg15[%parallel_loop3A_156, %parallel_loop3A_157] {strides = array<i32>} : memref<96x16xf32, #tpu.memory_space<vmem>>, vector<16xf32>,
          %parallel_loop3A_159 = arith.addf %parallel_loop3A_155, %parallel_loop3A_158 : vector<16xf32>
          %parallel_loop3A_160 = arith.constant 0.000000e+00 : f32
          %parallel_loop3A_161 = vector.broadcast %parallel_loop3A_160 : f32 to vector<16xf32>
          %parallel_loop3A_162 = arith.cmpf ogt, %parallel_loop3A_159, %parallel_loop3A_161 : vector<16xf32>
          %parallel_loop3A_163 = arith.constant 2.000000e-01 : f32
          %parallel_loop3A_164 = vector.broadcast %parallel_loop3A_163 : f32 to vector<16xf32>
          %parallel_loop3A_165 = arith.mulf %parallel_loop3A_164, %parallel_loop3A_159 : vector<16xf32>
          %parallel_loop3A_166 = arith.select %parallel_loop3A_162, %parallel_loop3A_159, %parallel_loop3A_165 : vector<16xi1>, vector<16xf32>
          %parallel_loop3A_167 = math.exp %parallel_loop3A_166 : vector<16xf32>
          %parallel_loop3A_168 = arith.constant 0.000000e+00 : f32
          %parallel_loop3A_169 = vector.broadcast %parallel_loop3A_168 : f32 to vector<16xf32>
          %parallel_loop3A_170 = arith.select %lt3A_43, %parallel_loop3A_167, %parallel_loop3A_169 : vector<16xi1>, vector<16xf32>
          %parallel_loop3A_171 = arith.index_cast %parallel_loop3A_152 : i32 to index
          %parallel_loop3A_172 = arith.constant 128 : index
          %parallel_loop3A_173 = tpu.vector_load %arg16[%parallel_loop3A_171, %parallel_loop3A_172] {strides = array<i32>} : memref<96x144xf32, #tpu.memory_space<vmem>>, vector<16xf32>,
          tpu.vector_store %arg16[%parallel_loop3A_171, %parallel_loop3A_172], %parallel_loop3A_170 {strides = array<i32>} : memref<96x144xf32, #tpu.memory_space<vmem>>, vector<16xf32>,
          %parallel_loop3A_174 = arith.index_cast %parallel_loop3A_152 : i32 to index
          %parallel_loop3A_175 = arith.constant 0 : index
          %parallel_loop3A_176 = tpu.vector_load %arg11[%parallel_loop3A_174, %parallel_loop3A_175] {strides = array<i32>} : memref<96x128xbf16, #tpu.memory_space<vmem>>, vector<32xbf16>,
          %parallel_loop3A_177 = tpu.unpack_subelements %parallel_loop3A_176, 0 {pack_format = #tpu.pack_format<interleaved>} : vector<32xbf16> -> vector<16xf32>
          %parallel_loop3A_178 = tpu.unpack_subelements %parallel_loop3A_176, 1 {pack_format = #tpu.pack_format<interleaved>} : vector<32xbf16> -> vector<16xf32>
          %parallel_loop3A_179 = arith.constant 0 : i32
          %parallel_loop3A_180 = vector.broadcast %parallel_loop3A_179 : i32 to vector<16x1xi32>
          %parallel_loop3A_181 = vector.shape_cast %parallel_loop3A_180 : vector<16x1xi32> to vector<16xi32>
          %parallel_loop3A_182 = tpu.dynamic_gather %parallel_loop3A_170[%parallel_loop3A_181] in [0] : vector<16xf32>, vector<16xi32> -> vector<16xf32>
          %parallel_loop3A_183 = arith.constant 1 : i32
          %parallel_loop3A_184 = vector.broadcast %parallel_loop3A_183 : i32 to vector<16x1xi32>
          %parallel_loop3A_185 = vector.shape_cast %parallel_loop3A_184 : vector<16x1xi32> to vector<16xi32>
          %parallel_loop3A_186 = tpu.dynamic_gather %parallel_loop3A_170[%parallel_loop3A_185] in [0] : vector<16xf32>, vector<16xi32> -> vector<16xf32>
          %parallel_loop3A_187 = arith.mulf %parallel_loop3A_182, %parallel_loop3A_177 : vector<16xf32>
          %parallel_loop3A_188 = arith.index_cast %parallel_loop3A_152 : i32 to index
          %parallel_loop3A_189 = arith.constant 0 : index
          %parallel_loop3A_190 = tpu.vector_load %arg16[%parallel_loop3A_188, %parallel_loop3A_189] {strides = array<i32>} : memref<96x144xf32, #tpu.memory_space<vmem>>, vector<16xf32>,
          tpu.vector_store %arg16[%parallel_loop3A_188, %parallel_loop3A_189], %parallel_loop3A_187 {strides = array<i32>} : memref<96x144xf32, #tpu.memory_space<vmem>>, vector<16xf32>,
          %parallel_loop3A_191 = arith.mulf %parallel_loop3A_186, %parallel_loop3A_178 : vector<16xf32>
          %parallel_loop3A_192 = arith.index_cast %parallel_loop3A_152 : i32 to index
          %parallel_loop3A_193 = arith.constant 16 : index
          %parallel_loop3A_194 = tpu.vector_load %arg16[%parallel_loop3A_192, %parallel_loop3A_193] {strides = array<i32>} : memref<96x144xf32, #tpu.memory_space<vmem>>, vector<16xf32>,
          tpu.vector_store %arg16[%parallel_loop3A_192, %parallel_loop3A_193], %parallel_loop3A_191 {strides = array<i32>} : memref<96x144xf32, #tpu.memory_space<vmem>>, vector<16xf32>,
          %parallel_loop3A_195 = arith.index_cast %parallel_loop3A_152 : i32 to index
          %parallel_loop3A_196 = arith.constant 32 : index
          %parallel_loop3A_197 = tpu.vector_load %arg11[%parallel_loop3A_195, %parallel_loop3A_196] {strides = array<i32>} : memref<96x128xbf16, #tpu.memory_space<vmem>>, vector<32xbf16>,
          %parallel_loop3A_198 = tpu.unpack_subelements %parallel_loop3A_197, 0 {pack_format = #tpu.pack_format<interleaved>} : vector<32xbf16> -> vector<16xf32>
          %parallel_loop3A_199 = tpu.unpack_subelements %parallel_loop3A_197, 1 {pack_format = #tpu.pack_format<interleaved>} : vector<32xbf16> -> vector<16xf32>
          %parallel_loop3A_200 = arith.constant 2 : i32
          %parallel_loop3A_201 = vector.broadcast %parallel_loop3A_200 : i32 to vector<16x1xi32>
          %parallel_loop3A_202 = vector.shape_cast %parallel_loop3A_201 : vector<16x1xi32> to vector<16xi32>
          %parallel_loop3A_203 = tpu.dynamic_gather %parallel_loop3A_170[%parallel_loop3A_202] in [0] : vector<16xf32>, vector<16xi32> -> vector<16xf32>
          %parallel_loop3A_204 = arith.constant 3 : i32
          %parallel_loop3A_205 = vector.broadcast %parallel_loop3A_204 : i32 to vector<16x1xi32>
          %parallel_loop3A_206 = vector.shape_cast %parallel_loop3A_205 : vector<16x1xi32> to vector<16xi32>
          %parallel_loop3A_207 = tpu.dynamic_gather %parallel_loop3A_170[%parallel_loop3A_206] in [0] : vector<16xf32>, vector<16xi32> -> vector<16xf32>
          %parallel_loop3A_208 = arith.mulf %parallel_loop3A_203, %parallel_loop3A_198 : vector<16xf32>
          %parallel_loop3A_209 = arith.index_cast %parallel_loop3A_152 : i32 to index
          %parallel_loop3A_210 = arith.constant 32 : index
          %parallel_loop3A_211 = tpu.vector_load %arg16[%parallel_loop3A_209, %parallel_loop3A_210] {strides = array<i32>} : memref<96x144xf32, #tpu.memory_space<vmem>>, vector<16xf32>,
          tpu.vector_store %arg16[%parallel_loop3A_209, %parallel_loop3A_210], %parallel_loop3A_208 {strides = array<i32>} : memref<96x144xf32, #tpu.memory_space<vmem>>, vector<16xf32>,
          %parallel_loop3A_212 = arith.mulf %parallel_loop3A_207, %parallel_loop3A_199 : vector<16xf32>
          %parallel_loop3A_213 = arith.index_cast %parallel_loop3A_152 : i32 to index
          %parallel_loop3A_214 = arith.constant 48 : index
          %parallel_loop3A_215 = tpu.vector_load %arg16[%parallel_loop3A_213, %parallel_loop3A_214] {strides = array<i32>} : memref<96x144xf32, #tpu.memory_space<vmem>>, vector<16xf32>,
          tpu.vector_store %arg16[%parallel_loop3A_213, %parallel_loop3A_214], %parallel_loop3A_212 {strides = array<i32>} : memref<96x144xf32, #tpu.memory_space<vmem>>, vector<16xf32>,
          %parallel_loop3A_216 = arith.index_cast %parallel_loop3A_152 : i32 to index
          %parallel_loop3A_217 = arith.constant 64 : index
          %parallel_loop3A_218 = tpu.vector_load %arg11[%parallel_loop3A_216, %parallel_loop3A_217] {strides = array<i32>} : memref<96x128xbf16, #tpu.memory_space<vmem>>, vector<32xbf16>,
          %parallel_loop3A_219 = tpu.unpack_subelements %parallel_loop3A_218, 0 {pack_format = #tpu.pack_format<interleaved>} : vector<32xbf16> -> vector<16xf32>
          %parallel_loop3A_220 = tpu.unpack_subelements %parallel_loop3A_218, 1 {pack_format = #tpu.pack_format<interleaved>} : vector<32xbf16> -> vector<16xf32>
          %parallel_loop3A_221 = arith.constant 4 : i32
          %parallel_loop3A_222 = vector.broadcast %parallel_loop3A_221 : i32 to vector<16x1xi32>
          %parallel_loop3A_223 = vector.shape_cast %parallel_loop3A_222 : vector<16x1xi32> to vector<16xi32>
          %parallel_loop3A_224 = tpu.dynamic_gather %parallel_loop3A_170[%parallel_loop3A_223] in [0] : vector<16xf32>, vector<16xi32> -> vector<16xf32>
          %parallel_loop3A_225 = arith.constant 5 : i32
          %parallel_loop3A_226 = vector.broadcast %parallel_loop3A_225 : i32 to vector<16x1xi32>
          %parallel_loop3A_227 = vector.shape_cast %parallel_loop3A_226 : vector<16x1xi32> to vector<16xi32>
          %parallel_loop3A_228 = tpu.dynamic_gather %parallel_loop3A_170[%parallel_loop3A_227] in [0] : vector<16xf32>, vector<16xi32> -> vector<16xf32>
          %parallel_loop3A_229 = arith.mulf %parallel_loop3A_224, %parallel_loop3A_219 : vector<16xf32>
          %parallel_loop3A_230 = arith.index_cast %parallel_loop3A_152 : i32 to index
          %parallel_loop3A_231 = arith.constant 64 : index
          %parallel_loop3A_232 = tpu.vector_load %arg16[%parallel_loop3A_230, %parallel_loop3A_231] {strides = array<i32>} : memref<96x144xf32, #tpu.memory_space<vmem>>, vector<16xf32>,
          tpu.vector_store %arg16[%parallel_loop3A_230, %parallel_loop3A_231], %parallel_loop3A_229 {strides = array<i32>} : memref<96x144xf32, #tpu.memory_space<vmem>>, vector<16xf32>,
          %parallel_loop3A_233 = arith.mulf %parallel_loop3A_228, %parallel_loop3A_220 : vector<16xf32>
          %parallel_loop3A_234 = arith.index_cast %parallel_loop3A_152 : i32 to index
          %parallel_loop3A_235 = arith.constant 80 : index
          %parallel_loop3A_236 = tpu.vector_load %arg16[%parallel_loop3A_234, %parallel_loop3A_235] {strides = array<i32>} : memref<96x144xf32, #tpu.memory_space<vmem>>, vector<16xf32>,
          tpu.vector_store %arg16[%parallel_loop3A_234, %parallel_loop3A_235], %parallel_loop3A_233 {strides = array<i32>} : memref<96x144xf32, #tpu.memory_space<vmem>>, vector<16xf32>,
          %parallel_loop3A_237 = arith.index_cast %parallel_loop3A_152 : i32 to index
          %parallel_loop3A_238 = arith.constant 96 : index
          %parallel_loop3A_239 = tpu.vector_load %arg11[%parallel_loop3A_237, %parallel_loop3A_238] {strides = array<i32>} : memref<96x128xbf16, #tpu.memory_space<vmem>>, vector<32xbf16>,
          %parallel_loop3A_240 = tpu.unpack_subelements %parallel_loop3A_239, 0 {pack_format = #tpu.pack_format<interleaved>} : vector<32xbf16> -> vector<16xf32>
          %parallel_loop3A_241 = tpu.unpack_subelements %parallel_loop3A_239, 1 {pack_format = #tpu.pack_format<interleaved>} : vector<32xbf16> -> vector<16xf32>
          %parallel_loop3A_242 = arith.constant 6 : i32
          %parallel_loop3A_243 = vector.broadcast %parallel_loop3A_242 : i32 to vector<16x1xi32>
          %parallel_loop3A_244 = vector.shape_cast %parallel_loop3A_243 : vector<16x1xi32> to vector<16xi32>
          %parallel_loop3A_245 = tpu.dynamic_gather %parallel_loop3A_170[%parallel_loop3A_244] in [0] : vector<16xf32>, vector<16xi32> -> vector<16xf32>
          %parallel_loop3A_246 = arith.constant 7 : i32
          %parallel_loop3A_247 = vector.broadcast %parallel_loop3A_246 : i32 to vector<16x1xi32>
          %parallel_loop3A_248 = vector.shape_cast %parallel_loop3A_247 : vector<16x1xi32> to vector<16xi32>
          %parallel_loop3A_249 = tpu.dynamic_gather %parallel_loop3A_170[%parallel_loop3A_248] in [0] : vector<16xf32>, vector<16xi32> -> vector<16xf32>
          %parallel_loop3A_250 = arith.mulf %parallel_loop3A_245, %parallel_loop3A_240 : vector<16xf32>
          %parallel_loop3A_251 = arith.index_cast %parallel_loop3A_152 : i32 to index
          %parallel_loop3A_252 = arith.constant 96 : index
          %parallel_loop3A_253 = tpu.vector_load %arg16[%parallel_loop3A_251, %parallel_loop3A_252] {strides = array<i32>} : memref<96x144xf32, #tpu.memory_space<vmem>>, vector<16xf32>,
          tpu.vector_store %arg16[%parallel_loop3A_251, %parallel_loop3A_252], %parallel_loop3A_250 {strides = array<i32>} : memref<96x144xf32, #tpu.memory_space<vmem>>, vector<16xf32>,
          %parallel_loop3A_254 = arith.mulf %parallel_loop3A_249, %parallel_loop3A_241 : vector<16xf32>
          %parallel_loop3A_255 = arith.index_cast %parallel_loop3A_152 : i32 to index
          %parallel_loop3A_256 = arith.constant 112 : index
          %parallel_loop3A_257 = tpu.vector_load %arg16[%parallel_loop3A_255, %parallel_loop3A_256] {strides = array<i32>} : memref<96x144xf32, #tpu.memory_space<vmem>>, vector<16xf32>,
          tpu.vector_store %arg16[%parallel_loop3A_255, %parallel_loop3A_256], %parallel_loop3A_254 {strides = array<i32>} : memref<96x144xf32, #tpu.memory_space<vmem>>, vector<16xf32>,
        } {sc.loop_unroll_factor = 4 : i64, sc.parallel_access}
        "tpu.region"() ({
          %run_scoped3A = tpu.sem_alloc : memref<!tpu.dma_semaphore, #tpu.memory_space<semaphore_mem>>
          %dma_start3A_152 = arith.constant 0 : i32
          %dma_start3A_153 = tpu.memref_slice %arg9[%add3A_123, %dma_start3A_152] : memref<18x96xi32, #tpu.memory_space<vmem>> -> memref<1x96xi32, #tpu.memory_space<vmem>>
          %dma_start3A_154 = tpu.memref_squeeze %dma_start3A_153 : memref<1x96xi32, #tpu.memory_space<vmem>> -> memref<96xi32, #tpu.memory_space<vmem>>
          %dma_start3A_155 = arith.constant 0 : i32
          %dma_start3A_156 = arith.constant 0 : i32
          %dma_start3A_157 = tpu.memref_slice %arg17[%dma_start3A_155, %dma_start3A_156] : memref<10240x144xf32, #tpu.memory_space<vmem_shared>> -> memref<10240x144xf32, #tpu.memory_space<vmem_shared>>
          tpu.enqueue_indirect_dma source(%arg16 : memref<96x144xf32, #tpu.memory_space<vmem>>) target(%dma_start3A_157 : memref<10240x144xf32, #tpu.memory_space<vmem_shared>>) offsets(%dma_start3A_154 : memref<96xi32, #tpu.memory_space<vmem>>) semaphore(%run_scoped3A : memref<!tpu.dma_semaphore, #tpu.memory_space<semaphore_mem>>) {add = true}
          %dma_wait3A_158 = arith.constant 0 : i32
          %dma_wait3A_159 = tpu.memref_slice %arg9[%add3A_123, %dma_wait3A_158] : memref<18x96xi32, #tpu.memory_space<vmem>> -> memref<1x96xi32, #tpu.memory_space<vmem>>
          %dma_wait3A_160 = tpu.memref_squeeze %dma_wait3A_159 : memref<1x96xi32, #tpu.memory_space<vmem>> -> memref<96xi32, #tpu.memory_space<vmem>>
          %dma_wait3A_161 = arith.constant 0 : i32
          %dma_wait3A_162 = arith.constant 0 : i32
          %dma_wait3A_163 = tpu.memref_slice %arg17[%dma_wait3A_161, %dma_wait3A_162] : memref<10240x144xf32, #tpu.memory_space<vmem_shared>> -> memref<10240x144xf32, #tpu.memory_space<vmem_shared>>
          tpu.wait_indirect_dma semaphore(%run_scoped3A : memref<!tpu.dma_semaphore, #tpu.memory_space<semaphore_mem>>) src(%arg16 : memref<96x144xf32, #tpu.memory_space<vmem>>) dst(%dma_wait3A_163 : memref<10240x144xf32, #tpu.memory_space<vmem_shared>>)
          tpu.yield
        }) : () -> ()
      }
      %scan3A_90 = arith.constant 9 : i32
    }
    %barrier3A_53 = arith.constant 0 : index
    tpu.barrier barrier_id(%barrier3A_53)
    %mul3A_54 = arith.constant 640 : i32
    %mul3A_55 = arith.muli %arg1, %mul3A_54 : i32
    %mul3A_56 = arith.constant 640 : i32
    %mul3A_57 = arith.muli %arg1, %mul3A_56 : i32
    "tpu.region"() ({
      %run_scoped3A = tpu.sem_alloc : memref<!tpu.dma_semaphore, #tpu.memory_space<semaphore_mem>>
      %dma_start3A = arith.constant 0 : i32
      %dma_start3A_58 = tpu.memref_slice %arg7[%arg0, %mul3A_57, %dma_start3A] : memref<2x10240x144xf32, #tpu.memory_space<hbm>> -> memref<1x640x144xf32, #tpu.memory_space<hbm>>
      %dma_start3A_59 = tpu.memref_squeeze %dma_start3A_58 : memref<1x640x144xf32, #tpu.memory_space<hbm>> -> memref<640x144xf32, #tpu.memory_space<hbm>>
      %dma_start3A_60 = arith.constant 0 : i32
      %dma_start3A_61 = tpu.memref_slice %arg17[%mul3A_55, %dma_start3A_60] : memref<10240x144xf32, #tpu.memory_space<vmem_shared>> -> memref<640x144xf32, #tpu.memory_space<vmem_shared>>
      tpu.enqueue_dma source(%dma_start3A_61 : memref<640x144xf32, #tpu.memory_space<vmem_shared>>) target(%dma_start3A_59 : memref<640x144xf32, #tpu.memory_space<hbm>>) target_semaphore(%run_scoped3A : memref<!tpu.dma_semaphore, #tpu.memory_space<semaphore_mem>>)
      %dma_wait3A = arith.constant 0 : i32
      %dma_wait3A_62 = tpu.memref_slice %arg7[%arg0, %mul3A_57, %dma_wait3A] : memref<2x10240x144xf32, #tpu.memory_space<hbm>> -> memref<1x640x144xf32, #tpu.memory_space<hbm>>
      %dma_wait3A_63 = tpu.memref_squeeze %dma_wait3A_62 : memref<1x640x144xf32, #tpu.memory_space<hbm>> -> memref<640x144xf32, #tpu.memory_space<hbm>>
      %dma_wait3A_64 = arith.constant 0 : i32
      %dma_wait3A_65 = tpu.memref_slice %arg17[%mul3A_55, %dma_wait3A_64] : memref<10240x144xf32, #tpu.memory_space<vmem_shared>> -> memref<640x144xf32, #tpu.memory_space<vmem_shared>>
      tpu.wait_dma2 semaphore(%run_scoped3A : memref<!tpu.dma_semaphore, #tpu.memory_space<semaphore_mem>>) src(%dma_wait3A_65 : memref<640x144xf32, #tpu.memory_space<vmem_shared>>) dst(%dma_wait3A_63 : memref<640x144xf32, #tpu.memory_space<hbm>>)
      tpu.yield
    }) : () -> ()
    return
  }
}

#map = affine_map<(d0, d1) -> (0, 0)>
#map1 = affine_map<(d0, d1) -> (0, 0, 0)>
module attributes {stable_mosaic.version = 14 : i64} {
  func.func @_edge_body(%arg0: i32, %arg1: i32, %arg2: memref<10240x128xbf16, #tpu.memory_space<hbm>>, %arg3: memref<10240x16xf32, #tpu.memory_space<hbm>>, %arg4: memref<10240x16xf32, #tpu.memory_space<hbm>>, %arg5: memref<3456x96xi32, #tpu.memory_space<hbm>>, %arg6: memref<3456x96xi32, #tpu.memory_space<hbm>>, %arg7: memref<2x10240x144xf32, #tpu.memory_space<hbm>>, %arg8: memref<18x96xi32, #tpu.memory_space<vmem>>, %arg9: memref<18x96xi32, #tpu.memory_space<vmem>>, %arg10: memref<96x128xbf16, #tpu.memory_space<vmem>>, %arg11: memref<96x128xbf16, #tpu.memory_space<vmem>>, %arg12: memref<96x16xf32, #tpu.memory_space<vmem>>, %arg13: memref<96x16xf32, #tpu.memory_space<vmem>>, %arg14: memref<96x16xf32, #tpu.memory_space<vmem>>, %arg15: memref<96x16xf32, #tpu.memory_space<vmem>>, %arg16: memref<96x144xf32, #tpu.memory_space<vmem>>, %arg17: memref<10240x144xf32, #tpu.memory_space<vmem_shared>>, %arg18: memref<!tpu.dma_semaphore, #tpu.memory_space<semaphore_mem>>, %arg19: memref<!tpu.dma_semaphore, #tpu.memory_space<semaphore_mem>>, %arg20: memref<!tpu.dma_semaphore, #tpu.memory_space<semaphore_mem>>, %arg21: memref<!tpu.dma_semaphore, #tpu.memory_space<semaphore_mem>>, %arg22: memref<!tpu.dma_semaphore, #tpu.memory_space<semaphore_mem>>, %arg23: memref<!tpu.dma_semaphore, #tpu.memory_space<semaphore_mem>>) attributes {dimension_semantics = [#tpu.dimension_semantics<core_parallel>, #tpu.dimension_semantics<subcore_parallel>], iteration_bounds = array<i64: 2, 16>, scalar_prefetch = 0 : i64, scratch_operands = 16 : i64, tpu.core_type = #tpu.core_type<sc_vector_subcore>, window_params = [{transform_indices = #map}, {transform_indices = #map}, {transform_indices = #map}, {transform_indices = #map}, {transform_indices = #map}, {transform_indices = #map1}]} {
    %eq3A = arith.constant 0 : i32
    %eq3A_0 = arith.cmpi eq, %arg0, %eq3A : i32
    %mul3A = arith.constant 126 : i32
    %mul3A_1 = arith.muli %arg1, %mul3A : i32
    %mul3A_2 = arith.constant 90 : i32
    %mul3A_3 = arith.muli %arg1, %mul3A_2 : i32
    %add3A = arith.constant 2016 : i32
    %add3A_4 = arith.addi %add3A, %mul3A_3 : i32
    %select_n3A = arith.select %eq3A_0, %mul3A_1, %add3A_4 : i32
    %eq3A_5 = arith.constant 0 : i32
    %eq3A_6 = arith.cmpi eq, %arg0, %eq3A_5 : i32
    %jit3A = arith.constant 7 : i32
    %jit3A_7 = arith.constant 5 : i32
    %select_n3A_8 = arith.select %eq3A_6, %jit3A, %jit3A_7 : i32
    %scan3A = arith.constant 0 : i32
    %scan3A_9 = arith.constant 0 : i32
    %scan3A_10 = arith.constant 96 : i32
    %scan3A_11 = arith.addi %scan3A_9, %scan3A_10 : i32
    %scan3A_12 = arith.constant 1 : i32
    scf.for %scan3A_58 = %scan3A_9 to %scan3A_11 step %scan3A_12  : i32 {
      %broadcast_in_dim3A = arith.constant 0.000000e+00 : f32
      %broadcast_in_dim3A_59 = vector.broadcast %broadcast_in_dim3A : f32 to vector<16xf32>
      %swap3A = arith.index_cast %scan3A_58 : i32 to index
      %swap3A_60 = arith.constant 0 : index
      %swap3A_61 = tpu.vector_load %arg16[%swap3A, %swap3A_60] {strides = array<i32>} : memref<96x144xf32, #tpu.memory_space<vmem>>, vector<16xf32>,
      tpu.vector_store %arg16[%swap3A, %swap3A_60], %broadcast_in_dim3A_59 {strides = array<i32>} : memref<96x144xf32, #tpu.memory_space<vmem>>, vector<16xf32>,
      %broadcast_in_dim3A_62 = arith.constant 0.000000e+00 : f32
      %broadcast_in_dim3A_63 = vector.broadcast %broadcast_in_dim3A_62 : f32 to vector<16xf32>
      %swap3A_64 = arith.index_cast %scan3A_58 : i32 to index
      %swap3A_65 = arith.constant 16 : index
      %swap3A_66 = tpu.vector_load %arg16[%swap3A_64, %swap3A_65] {strides = array<i32>} : memref<96x144xf32, #tpu.memory_space<vmem>>, vector<16xf32>,
      tpu.vector_store %arg16[%swap3A_64, %swap3A_65], %broadcast_in_dim3A_63 {strides = array<i32>} : memref<96x144xf32, #tpu.memory_space<vmem>>, vector<16xf32>,
      %broadcast_in_dim3A_67 = arith.constant 0.000000e+00 : f32
      %broadcast_in_dim3A_68 = vector.broadcast %broadcast_in_dim3A_67 : f32 to vector<16xf32>
      %swap3A_69 = arith.index_cast %scan3A_58 : i32 to index
      %swap3A_70 = arith.constant 32 : index
      %swap3A_71 = tpu.vector_load %arg16[%swap3A_69, %swap3A_70] {strides = array<i32>} : memref<96x144xf32, #tpu.memory_space<vmem>>, vector<16xf32>,
      tpu.vector_store %arg16[%swap3A_69, %swap3A_70], %broadcast_in_dim3A_68 {strides = array<i32>} : memref<96x144xf32, #tpu.memory_space<vmem>>, vector<16xf32>,
      %broadcast_in_dim3A_72 = arith.constant 0.000000e+00 : f32
      %broadcast_in_dim3A_73 = vector.broadcast %broadcast_in_dim3A_72 : f32 to vector<16xf32>
      %swap3A_74 = arith.index_cast %scan3A_58 : i32 to index
      %swap3A_75 = arith.constant 48 : index
      %swap3A_76 = tpu.vector_load %arg16[%swap3A_74, %swap3A_75] {strides = array<i32>} : memref<96x144xf32, #tpu.memory_space<vmem>>, vector<16xf32>,
      tpu.vector_store %arg16[%swap3A_74, %swap3A_75], %broadcast_in_dim3A_73 {strides = array<i32>} : memref<96x144xf32, #tpu.memory_space<vmem>>, vector<16xf32>,
      %broadcast_in_dim3A_77 = arith.constant 0.000000e+00 : f32
      %broadcast_in_dim3A_78 = vector.broadcast %broadcast_in_dim3A_77 : f32 to vector<16xf32>
      %swap3A_79 = arith.index_cast %scan3A_58 : i32 to index
      %swap3A_80 = arith.constant 64 : index
      %swap3A_81 = tpu.vector_load %arg16[%swap3A_79, %swap3A_80] {strides = array<i32>} : memref<96x144xf32, #tpu.memory_space<vmem>>, vector<16xf32>,
      tpu.vector_store %arg16[%swap3A_79, %swap3A_80], %broadcast_in_dim3A_78 {strides = array<i32>} : memref<96x144xf32, #tpu.memory_space<vmem>>, vector<16xf32>,
      %broadcast_in_dim3A_82 = arith.constant 0.000000e+00 : f32
      %broadcast_in_dim3A_83 = vector.broadcast %broadcast_in_dim3A_82 : f32 to vector<16xf32>
      %swap3A_84 = arith.index_cast %scan3A_58 : i32 to index
      %swap3A_85 = arith.constant 80 : index
      %swap3A_86 = tpu.vector_load %arg16[%swap3A_84, %swap3A_85] {strides = array<i32>} : memref<96x144xf32, #tpu.memory_space<vmem>>, vector<16xf32>,
      tpu.vector_store %arg16[%swap3A_84, %swap3A_85], %broadcast_in_dim3A_83 {strides = array<i32>} : memref<96x144xf32, #tpu.memory_space<vmem>>, vector<16xf32>,
      %broadcast_in_dim3A_87 = arith.constant 0.000000e+00 : f32
      %broadcast_in_dim3A_88 = vector.broadcast %broadcast_in_dim3A_87 : f32 to vector<16xf32>
      %swap3A_89 = arith.index_cast %scan3A_58 : i32 to index
      %swap3A_90 = arith.constant 96 : index
      %swap3A_91 = tpu.vector_load %arg16[%swap3A_89, %swap3A_90] {strides = array<i32>} : memref<96x144xf32, #tpu.memory_space<vmem>>, vector<16xf32>,
      tpu.vector_store %arg16[%swap3A_89, %swap3A_90], %broadcast_in_dim3A_88 {strides = array<i32>} : memref<96x144xf32, #tpu.memory_space<vmem>>, vector<16xf32>,
      %broadcast_in_dim3A_92 = arith.constant 0.000000e+00 : f32
      %broadcast_in_dim3A_93 = vector.broadcast %broadcast_in_dim3A_92 : f32 to vector<16xf32>
      %swap3A_94 = arith.index_cast %scan3A_58 : i32 to index
      %swap3A_95 = arith.constant 112 : index
      %swap3A_96 = tpu.vector_load %arg16[%swap3A_94, %swap3A_95] {strides = array<i32>} : memref<96x144xf32, #tpu.memory_space<vmem>>, vector<16xf32>,
      tpu.vector_store %arg16[%swap3A_94, %swap3A_95], %broadcast_in_dim3A_93 {strides = array<i32>} : memref<96x144xf32, #tpu.memory_space<vmem>>, vector<16xf32>,
      %broadcast_in_dim3A_97 = arith.constant 0.000000e+00 : f32
      %broadcast_in_dim3A_98 = vector.broadcast %broadcast_in_dim3A_97 : f32 to vector<16xf32>
      %swap3A_99 = arith.index_cast %scan3A_58 : i32 to index
      %swap3A_100 = arith.constant 128 : index
      %swap3A_101 = tpu.vector_load %arg16[%swap3A_99, %swap3A_100] {strides = array<i32>} : memref<96x144xf32, #tpu.memory_space<vmem>>, vector<16xf32>,
      tpu.vector_store %arg16[%swap3A_99, %swap3A_100], %broadcast_in_dim3A_98 {strides = array<i32>} : memref<96x144xf32, #tpu.memory_space<vmem>>, vector<16xf32>,
    }
    %scan3A_13 = arith.constant 96 : i32
    %mul3A_14 = arith.constant 640 : i32
    %mul3A_15 = arith.muli %arg1, %mul3A_14 : i32
    %add3A_16 = arith.constant 0 : i32
    %add3A_17 = arith.addi %mul3A_15, %add3A_16 : i32
    "tpu.region"() ({
      %run_scoped3A = tpu.sem_alloc : memref<!tpu.dma_semaphore, #tpu.memory_space<semaphore_mem>>
      %dma_start3A = arith.constant 0 : i32
      %dma_start3A_58 = tpu.memref_slice %arg17[%add3A_17, %dma_start3A] : memref<10240x144xf32, #tpu.memory_space<vmem_shared>> -> memref<96x144xf32, #tpu.memory_space<vmem_shared>>
      %dma_start3A_59 = arith.constant 0 : i32
      %dma_start3A_60 = tpu.memref_slice %arg17[%add3A_17, %dma_start3A_59] : memref<10240x144xf32, #tpu.memory_space<vmem_shared>> -> memref<96x144xf32, #tpu.memory_space<vmem_shared>>
      tpu.enqueue_dma source(%arg16 : memref<96x144xf32, #tpu.memory_space<vmem>>) target(%dma_start3A_60 : memref<96x144xf32, #tpu.memory_space<vmem_shared>>) target_semaphore(%run_scoped3A : memref<!tpu.dma_semaphore, #tpu.memory_space<semaphore_mem>>)
      %dma_wait3A = arith.constant 0 : i32
      %dma_wait3A_61 = tpu.memref_slice %arg17[%add3A_17, %dma_wait3A] : memref<10240x144xf32, #tpu.memory_space<vmem_shared>> -> memref<96x144xf32, #tpu.memory_space<vmem_shared>>
      %dma_wait3A_62 = arith.constant 0 : i32
      %dma_wait3A_63 = tpu.memref_slice %arg17[%add3A_17, %dma_wait3A_62] : memref<10240x144xf32, #tpu.memory_space<vmem_shared>> -> memref<96x144xf32, #tpu.memory_space<vmem_shared>>
      tpu.wait_dma2 semaphore(%run_scoped3A : memref<!tpu.dma_semaphore, #tpu.memory_space<semaphore_mem>>) src(%arg16 : memref<96x144xf32, #tpu.memory_space<vmem>>) dst(%dma_wait3A_63 : memref<96x144xf32, #tpu.memory_space<vmem_shared>>)
      tpu.yield
    }) : () -> ()
    %mul3A_18 = arith.constant 640 : i32
    %mul3A_19 = arith.muli %arg1, %mul3A_18 : i32
    %add3A_20 = arith.constant 96 : i32
    %add3A_21 = arith.addi %mul3A_19, %add3A_20 : i32
    "tpu.region"() ({
      %run_scoped3A = tpu.sem_alloc : memref<!tpu.dma_semaphore, #tpu.memory_space<semaphore_mem>>
      %dma_start3A = arith.constant 0 : i32
      %dma_start3A_58 = tpu.memref_slice %arg17[%add3A_21, %dma_start3A] : memref<10240x144xf32, #tpu.memory_space<vmem_shared>> -> memref<96x144xf32, #tpu.memory_space<vmem_shared>>
      %dma_start3A_59 = arith.constant 0 : i32
      %dma_start3A_60 = tpu.memref_slice %arg17[%add3A_21, %dma_start3A_59] : memref<10240x144xf32, #tpu.memory_space<vmem_shared>> -> memref<96x144xf32, #tpu.memory_space<vmem_shared>>
      tpu.enqueue_dma source(%arg16 : memref<96x144xf32, #tpu.memory_space<vmem>>) target(%dma_start3A_60 : memref<96x144xf32, #tpu.memory_space<vmem_shared>>) target_semaphore(%run_scoped3A : memref<!tpu.dma_semaphore, #tpu.memory_space<semaphore_mem>>)
      %dma_wait3A = arith.constant 0 : i32
      %dma_wait3A_61 = tpu.memref_slice %arg17[%add3A_21, %dma_wait3A] : memref<10240x144xf32, #tpu.memory_space<vmem_shared>> -> memref<96x144xf32, #tpu.memory_space<vmem_shared>>
      %dma_wait3A_62 = arith.constant 0 : i32
      %dma_wait3A_63 = tpu.memref_slice %arg17[%add3A_21, %dma_wait3A_62] : memref<10240x144xf32, #tpu.memory_space<vmem_shared>> -> memref<96x144xf32, #tpu.memory_space<vmem_shared>>
      tpu.wait_dma2 semaphore(%run_scoped3A : memref<!tpu.dma_semaphore, #tpu.memory_space<semaphore_mem>>) src(%arg16 : memref<96x144xf32, #tpu.memory_space<vmem>>) dst(%dma_wait3A_63 : memref<96x144xf32, #tpu.memory_space<vmem_shared>>)
      tpu.yield
    }) : () -> ()
    %mul3A_22 = arith.constant 640 : i32
    %mul3A_23 = arith.muli %arg1, %mul3A_22 : i32
    %add3A_24 = arith.constant 192 : i32
    %add3A_25 = arith.addi %mul3A_23, %add3A_24 : i32
    "tpu.region"() ({
      %run_scoped3A = tpu.sem_alloc : memref<!tpu.dma_semaphore, #tpu.memory_space<semaphore_mem>>
      %dma_start3A = arith.constant 0 : i32
      %dma_start3A_58 = tpu.memref_slice %arg17[%add3A_25, %dma_start3A] : memref<10240x144xf32, #tpu.memory_space<vmem_shared>> -> memref<96x144xf32, #tpu.memory_space<vmem_shared>>
      %dma_start3A_59 = arith.constant 0 : i32
      %dma_start3A_60 = tpu.memref_slice %arg17[%add3A_25, %dma_start3A_59] : memref<10240x144xf32, #tpu.memory_space<vmem_shared>> -> memref<96x144xf32, #tpu.memory_space<vmem_shared>>
      tpu.enqueue_dma source(%arg16 : memref<96x144xf32, #tpu.memory_space<vmem>>) target(%dma_start3A_60 : memref<96x144xf32, #tpu.memory_space<vmem_shared>>) target_semaphore(%run_scoped3A : memref<!tpu.dma_semaphore, #tpu.memory_space<semaphore_mem>>)
      %dma_wait3A = arith.constant 0 : i32
      %dma_wait3A_61 = tpu.memref_slice %arg17[%add3A_25, %dma_wait3A] : memref<10240x144xf32, #tpu.memory_space<vmem_shared>> -> memref<96x144xf32, #tpu.memory_space<vmem_shared>>
      %dma_wait3A_62 = arith.constant 0 : i32
      %dma_wait3A_63 = tpu.memref_slice %arg17[%add3A_25, %dma_wait3A_62] : memref<10240x144xf32, #tpu.memory_space<vmem_shared>> -> memref<96x144xf32, #tpu.memory_space<vmem_shared>>
      tpu.wait_dma2 semaphore(%run_scoped3A : memref<!tpu.dma_semaphore, #tpu.memory_space<semaphore_mem>>) src(%arg16 : memref<96x144xf32, #tpu.memory_space<vmem>>) dst(%dma_wait3A_63 : memref<96x144xf32, #tpu.memory_space<vmem_shared>>)
      tpu.yield
    }) : () -> ()
    %mul3A_26 = arith.constant 640 : i32
    %mul3A_27 = arith.muli %arg1, %mul3A_26 : i32
    %add3A_28 = arith.constant 288 : i32
    %add3A_29 = arith.addi %mul3A_27, %add3A_28 : i32
    "tpu.region"() ({
      %run_scoped3A = tpu.sem_alloc : memref<!tpu.dma_semaphore, #tpu.memory_space<semaphore_mem>>
      %dma_start3A = arith.constant 0 : i32
      %dma_start3A_58 = tpu.memref_slice %arg17[%add3A_29, %dma_start3A] : memref<10240x144xf32, #tpu.memory_space<vmem_shared>> -> memref<96x144xf32, #tpu.memory_space<vmem_shared>>
      %dma_start3A_59 = arith.constant 0 : i32
      %dma_start3A_60 = tpu.memref_slice %arg17[%add3A_29, %dma_start3A_59] : memref<10240x144xf32, #tpu.memory_space<vmem_shared>> -> memref<96x144xf32, #tpu.memory_space<vmem_shared>>
      tpu.enqueue_dma source(%arg16 : memref<96x144xf32, #tpu.memory_space<vmem>>) target(%dma_start3A_60 : memref<96x144xf32, #tpu.memory_space<vmem_shared>>) target_semaphore(%run_scoped3A : memref<!tpu.dma_semaphore, #tpu.memory_space<semaphore_mem>>)
      %dma_wait3A = arith.constant 0 : i32
      %dma_wait3A_61 = tpu.memref_slice %arg17[%add3A_29, %dma_wait3A] : memref<10240x144xf32, #tpu.memory_space<vmem_shared>> -> memref<96x144xf32, #tpu.memory_space<vmem_shared>>
      %dma_wait3A_62 = arith.constant 0 : i32
      %dma_wait3A_63 = tpu.memref_slice %arg17[%add3A_29, %dma_wait3A_62] : memref<10240x144xf32, #tpu.memory_space<vmem_shared>> -> memref<96x144xf32, #tpu.memory_space<vmem_shared>>
      tpu.wait_dma2 semaphore(%run_scoped3A : memref<!tpu.dma_semaphore, #tpu.memory_space<semaphore_mem>>) src(%arg16 : memref<96x144xf32, #tpu.memory_space<vmem>>) dst(%dma_wait3A_63 : memref<96x144xf32, #tpu.memory_space<vmem_shared>>)
      tpu.yield
    }) : () -> ()
    %mul3A_30 = arith.constant 640 : i32
    %mul3A_31 = arith.muli %arg1, %mul3A_30 : i32
    %add3A_32 = arith.constant 384 : i32
    %add3A_33 = arith.addi %mul3A_31, %add3A_32 : i32
    "tpu.region"() ({
      %run_scoped3A = tpu.sem_alloc : memref<!tpu.dma_semaphore, #tpu.memory_space<semaphore_mem>>
      %dma_start3A = arith.constant 0 : i32
      %dma_start3A_58 = tpu.memref_slice %arg17[%add3A_33, %dma_start3A] : memref<10240x144xf32, #tpu.memory_space<vmem_shared>> -> memref<96x144xf32, #tpu.memory_space<vmem_shared>>
      %dma_start3A_59 = arith.constant 0 : i32
      %dma_start3A_60 = tpu.memref_slice %arg17[%add3A_33, %dma_start3A_59] : memref<10240x144xf32, #tpu.memory_space<vmem_shared>> -> memref<96x144xf32, #tpu.memory_space<vmem_shared>>
      tpu.enqueue_dma source(%arg16 : memref<96x144xf32, #tpu.memory_space<vmem>>) target(%dma_start3A_60 : memref<96x144xf32, #tpu.memory_space<vmem_shared>>) target_semaphore(%run_scoped3A : memref<!tpu.dma_semaphore, #tpu.memory_space<semaphore_mem>>)
      %dma_wait3A = arith.constant 0 : i32
      %dma_wait3A_61 = tpu.memref_slice %arg17[%add3A_33, %dma_wait3A] : memref<10240x144xf32, #tpu.memory_space<vmem_shared>> -> memref<96x144xf32, #tpu.memory_space<vmem_shared>>
      %dma_wait3A_62 = arith.constant 0 : i32
      %dma_wait3A_63 = tpu.memref_slice %arg17[%add3A_33, %dma_wait3A_62] : memref<10240x144xf32, #tpu.memory_space<vmem_shared>> -> memref<96x144xf32, #tpu.memory_space<vmem_shared>>
      tpu.wait_dma2 semaphore(%run_scoped3A : memref<!tpu.dma_semaphore, #tpu.memory_space<semaphore_mem>>) src(%arg16 : memref<96x144xf32, #tpu.memory_space<vmem>>) dst(%dma_wait3A_63 : memref<96x144xf32, #tpu.memory_space<vmem_shared>>)
      tpu.yield
    }) : () -> ()
    %mul3A_34 = arith.constant 640 : i32
    %mul3A_35 = arith.muli %arg1, %mul3A_34 : i32
    %add3A_36 = arith.constant 480 : i32
    %add3A_37 = arith.addi %mul3A_35, %add3A_36 : i32
    "tpu.region"() ({
      %run_scoped3A = tpu.sem_alloc : memref<!tpu.dma_semaphore, #tpu.memory_space<semaphore_mem>>
      %dma_start3A = arith.constant 0 : i32
      %dma_start3A_58 = tpu.memref_slice %arg17[%add3A_37, %dma_start3A] : memref<10240x144xf32, #tpu.memory_space<vmem_shared>> -> memref<96x144xf32, #tpu.memory_space<vmem_shared>>
      %dma_start3A_59 = arith.constant 0 : i32
      %dma_start3A_60 = tpu.memref_slice %arg17[%add3A_37, %dma_start3A_59] : memref<10240x144xf32, #tpu.memory_space<vmem_shared>> -> memref<96x144xf32, #tpu.memory_space<vmem_shared>>
      tpu.enqueue_dma source(%arg16 : memref<96x144xf32, #tpu.memory_space<vmem>>) target(%dma_start3A_60 : memref<96x144xf32, #tpu.memory_space<vmem_shared>>) target_semaphore(%run_scoped3A : memref<!tpu.dma_semaphore, #tpu.memory_space<semaphore_mem>>)
      %dma_wait3A = arith.constant 0 : i32
      %dma_wait3A_61 = tpu.memref_slice %arg17[%add3A_37, %dma_wait3A] : memref<10240x144xf32, #tpu.memory_space<vmem_shared>> -> memref<96x144xf32, #tpu.memory_space<vmem_shared>>
      %dma_wait3A_62 = arith.constant 0 : i32
      %dma_wait3A_63 = tpu.memref_slice %arg17[%add3A_37, %dma_wait3A_62] : memref<10240x144xf32, #tpu.memory_space<vmem_shared>> -> memref<96x144xf32, #tpu.memory_space<vmem_shared>>
      tpu.wait_dma2 semaphore(%run_scoped3A : memref<!tpu.dma_semaphore, #tpu.memory_space<semaphore_mem>>) src(%arg16 : memref<96x144xf32, #tpu.memory_space<vmem>>) dst(%dma_wait3A_63 : memref<96x144xf32, #tpu.memory_space<vmem_shared>>)
      tpu.yield
    }) : () -> ()
    %mul3A_38 = arith.constant 640 : i32
    %mul3A_39 = arith.muli %arg1, %mul3A_38 : i32
    %add3A_40 = arith.constant 576 : i32
    %add3A_41 = arith.addi %mul3A_39, %add3A_40 : i32
    "tpu.region"() ({
      %run_scoped3A = tpu.sem_alloc : memref<!tpu.dma_semaphore, #tpu.memory_space<semaphore_mem>>
      %dma_start3A = arith.constant 0 : i32
      %dma_start3A_58 = arith.constant 0 : i32
      %dma_start3A_59 = tpu.memref_slice %arg16[%dma_start3A, %dma_start3A_58] : memref<96x144xf32, #tpu.memory_space<vmem>> -> memref<64x144xf32, #tpu.memory_space<vmem>>
      %dma_start3A_60 = arith.constant 0 : i32
      %dma_start3A_61 = tpu.memref_slice %arg17[%add3A_41, %dma_start3A_60] : memref<10240x144xf32, #tpu.memory_space<vmem_shared>> -> memref<64x144xf32, #tpu.memory_space<vmem_shared>>
      %dma_start3A_62 = arith.constant 0 : i32
      %dma_start3A_63 = tpu.memref_slice %arg17[%add3A_41, %dma_start3A_62] : memref<10240x144xf32, #tpu.memory_space<vmem_shared>> -> memref<64x144xf32, #tpu.memory_space<vmem_shared>>
      %dma_start3A_64 = arith.constant 0 : i32
      %dma_start3A_65 = arith.constant 0 : i32
      %dma_start3A_66 = tpu.memref_slice %arg16[%dma_start3A_64, %dma_start3A_65] : memref<96x144xf32, #tpu.memory_space<vmem>> -> memref<64x144xf32, #tpu.memory_space<vmem>>
      tpu.enqueue_dma source(%dma_start3A_66 : memref<64x144xf32, #tpu.memory_space<vmem>>) target(%dma_start3A_63 : memref<64x144xf32, #tpu.memory_space<vmem_shared>>) target_semaphore(%run_scoped3A : memref<!tpu.dma_semaphore, #tpu.memory_space<semaphore_mem>>)
      %dma_wait3A = arith.constant 0 : i32
      %dma_wait3A_67 = arith.constant 0 : i32
      %dma_wait3A_68 = tpu.memref_slice %arg16[%dma_wait3A, %dma_wait3A_67] : memref<96x144xf32, #tpu.memory_space<vmem>> -> memref<64x144xf32, #tpu.memory_space<vmem>>
      %dma_wait3A_69 = arith.constant 0 : i32
      %dma_wait3A_70 = tpu.memref_slice %arg17[%add3A_41, %dma_wait3A_69] : memref<10240x144xf32, #tpu.memory_space<vmem_shared>> -> memref<64x144xf32, #tpu.memory_space<vmem_shared>>
      %dma_wait3A_71 = arith.constant 0 : i32
      %dma_wait3A_72 = tpu.memref_slice %arg17[%add3A_41, %dma_wait3A_71] : memref<10240x144xf32, #tpu.memory_space<vmem_shared>> -> memref<64x144xf32, #tpu.memory_space<vmem_shared>>
      %dma_wait3A_73 = arith.constant 0 : i32
      %dma_wait3A_74 = arith.constant 0 : i32
      %dma_wait3A_75 = tpu.memref_slice %arg16[%dma_wait3A_73, %dma_wait3A_74] : memref<96x144xf32, #tpu.memory_space<vmem>> -> memref<64x144xf32, #tpu.memory_space<vmem>>
      tpu.wait_dma2 semaphore(%run_scoped3A : memref<!tpu.dma_semaphore, #tpu.memory_space<semaphore_mem>>) src(%dma_wait3A_75 : memref<64x144xf32, #tpu.memory_space<vmem>>) dst(%dma_wait3A_72 : memref<64x144xf32, #tpu.memory_space<vmem_shared>>)
      tpu.yield
    }) : () -> ()
    %barrier3A = arith.constant 0 : index
    tpu.barrier barrier_id(%barrier3A)
    %iota3A = tpu.iota {dimensions = array<i32: 0>} : vector<16xi32>
    %lt3A = arith.constant 1 : i32
    %lt3A_42 = vector.broadcast %lt3A : i32 to vector<16xi32>
    %lt3A_43 = arith.cmpi slt, %iota3A, %lt3A_42 : vector<16xi32>
    %while3A = arith.constant 0 : i32
    %while3A_44 = arith.constant 0 : i32
    %while3A_45 = arith.subi %select_n3A_8, %while3A_44 : i32
    %while3A_46 = arith.addi %while3A_44, %while3A_45 : i32
    %while3A_47 = arith.constant 1 : i32
    %while3A_48 = arith.divsi %while3A_45, %while3A_47 : i32
    %while3A_49 = arith.muli %while3A_48, %while3A_47 : i32
    %while3A_50 = arith.addi %while3A_44, %while3A_49 : i32
    %while3A_51 = arith.constant 1 : i32
    scf.for %while3A_58 = %while3A_44 to %while3A_50 step %while3A_51  : i32 {
      %mul3A_59 = arith.constant 18 : i32
      %mul3A_60 = arith.muli %while3A_58, %mul3A_59 : i32
      %add3A_61 = arith.addi %select_n3A, %mul3A_60 : i32
      "tpu.region"() ({
        %run_scoped3A = tpu.sem_alloc : memref<!tpu.dma_semaphore, #tpu.memory_space<semaphore_mem>>
        %dma_start3A_91 = arith.constant 0 : i32
        %dma_start3A_92 = tpu.memref_slice %arg5[%add3A_61, %dma_start3A_91] : memref<3456x96xi32, #tpu.memory_space<hbm>> -> memref<18x96xi32, #tpu.memory_space<hbm>>
        %dma_start3A_93 = arith.constant 0 : i32
        %dma_start3A_94 = tpu.memref_slice %arg5[%add3A_61, %dma_start3A_93] : memref<3456x96xi32, #tpu.memory_space<hbm>> -> memref<18x96xi32, #tpu.memory_space<hbm>>
        tpu.enqueue_dma source(%dma_start3A_94 : memref<18x96xi32, #tpu.memory_space<hbm>>) target(%arg8 : memref<18x96xi32, #tpu.memory_space<vmem>>) target_semaphore(%run_scoped3A : memref<!tpu.dma_semaphore, #tpu.memory_space<semaphore_mem>>)
        %dma_wait3A = arith.constant 0 : i32
        %dma_wait3A_95 = tpu.memref_slice %arg5[%add3A_61, %dma_wait3A] : memref<3456x96xi32, #tpu.memory_space<hbm>> -> memref<18x96xi32, #tpu.memory_space<hbm>>
        %dma_wait3A_96 = arith.constant 0 : i32
        %dma_wait3A_97 = tpu.memref_slice %arg5[%add3A_61, %dma_wait3A_96] : memref<3456x96xi32, #tpu.memory_space<hbm>> -> memref<18x96xi32, #tpu.memory_space<hbm>>
        tpu.wait_dma2 semaphore(%run_scoped3A : memref<!tpu.dma_semaphore, #tpu.memory_space<semaphore_mem>>) src(%dma_wait3A_97 : memref<18x96xi32, #tpu.memory_space<hbm>>) dst(%arg8 : memref<18x96xi32, #tpu.memory_space<vmem>>)
        tpu.yield
      }) : () -> ()
      %mul3A_62 = arith.constant 18 : i32
      %mul3A_63 = arith.muli %while3A_58, %mul3A_62 : i32
      %add3A_64 = arith.addi %select_n3A, %mul3A_63 : i32
      "tpu.region"() ({
        %run_scoped3A = tpu.sem_alloc : memref<!tpu.dma_semaphore, #tpu.memory_space<semaphore_mem>>
        %dma_start3A_91 = arith.constant 0 : i32
        %dma_start3A_92 = tpu.memref_slice %arg6[%add3A_64, %dma_start3A_91] : memref<3456x96xi32, #tpu.memory_space<hbm>> -> memref<18x96xi32, #tpu.memory_space<hbm>>
        %dma_start3A_93 = arith.constant 0 : i32
        %dma_start3A_94 = tpu.memref_slice %arg6[%add3A_64, %dma_start3A_93] : memref<3456x96xi32, #tpu.memory_space<hbm>> -> memref<18x96xi32, #tpu.memory_space<hbm>>
        tpu.enqueue_dma source(%dma_start3A_94 : memref<18x96xi32, #tpu.memory_space<hbm>>) target(%arg9 : memref<18x96xi32, #tpu.memory_space<vmem>>) target_semaphore(%run_scoped3A : memref<!tpu.dma_semaphore, #tpu.memory_space<semaphore_mem>>)
        %dma_wait3A = arith.constant 0 : i32
        %dma_wait3A_95 = tpu.memref_slice %arg6[%add3A_64, %dma_wait3A] : memref<3456x96xi32, #tpu.memory_space<hbm>> -> memref<18x96xi32, #tpu.memory_space<hbm>>
        %dma_wait3A_96 = arith.constant 0 : i32
        %dma_wait3A_97 = tpu.memref_slice %arg6[%add3A_64, %dma_wait3A_96] : memref<3456x96xi32, #tpu.memory_space<hbm>> -> memref<18x96xi32, #tpu.memory_space<hbm>>
        tpu.wait_dma2 semaphore(%run_scoped3A : memref<!tpu.dma_semaphore, #tpu.memory_space<semaphore_mem>>) src(%dma_wait3A_97 : memref<18x96xi32, #tpu.memory_space<hbm>>) dst(%arg9 : memref<18x96xi32, #tpu.memory_space<vmem>>)
        tpu.yield
      }) : () -> ()
      %dma_start3A = arith.constant 0 : i32
      %dma_start3A_65 = arith.constant 0 : i32
      %dma_start3A_66 = tpu.memref_slice %arg8[%dma_start3A, %dma_start3A_65] : memref<18x96xi32, #tpu.memory_space<vmem>> -> memref<1x96xi32, #tpu.memory_space<vmem>>
      %dma_start3A_67 = tpu.memref_squeeze %dma_start3A_66 : memref<1x96xi32, #tpu.memory_space<vmem>> -> memref<96xi32, #tpu.memory_space<vmem>>
      %dma_start3A_68 = arith.constant 0 : i32
      %dma_start3A_69 = arith.constant 0 : i32
      %dma_start3A_70 = tpu.memref_slice %arg2[%dma_start3A_68, %dma_start3A_69] : memref<10240x128xbf16, #tpu.memory_space<hbm>> -> memref<10240x128xbf16, #tpu.memory_space<hbm>>
      tpu.enqueue_indirect_dma source(%dma_start3A_70 : memref<10240x128xbf16, #tpu.memory_space<hbm>>) target(%arg10 : memref<96x128xbf16, #tpu.memory_space<vmem>>) offsets(%dma_start3A_67 : memref<96xi32, #tpu.memory_space<vmem>>) semaphore(%arg18 : memref<!tpu.dma_semaphore, #tpu.memory_space<semaphore_mem>>)
      %dma_start3A_71 = arith.constant 0 : i32
      %dma_start3A_72 = arith.constant 0 : i32
      %dma_start3A_73 = tpu.memref_slice %arg8[%dma_start3A_71, %dma_start3A_72] : memref<18x96xi32, #tpu.memory_space<vmem>> -> memref<1x96xi32, #tpu.memory_space<vmem>>
      %dma_start3A_74 = tpu.memref_squeeze %dma_start3A_73 : memref<1x96xi32, #tpu.memory_space<vmem>> -> memref<96xi32, #tpu.memory_space<vmem>>
      %dma_start3A_75 = arith.constant 0 : i32
      %dma_start3A_76 = arith.constant 0 : i32
      %dma_start3A_77 = tpu.memref_slice %arg3[%dma_start3A_75, %dma_start3A_76] : memref<10240x16xf32, #tpu.memory_space<hbm>> -> memref<10240x16xf32, #tpu.memory_space<hbm>>
      tpu.enqueue_indirect_dma source(%dma_start3A_77 : memref<10240x16xf32, #tpu.memory_space<hbm>>) target(%arg12 : memref<96x16xf32, #tpu.memory_space<vmem>>) offsets(%dma_start3A_74 : memref<96xi32, #tpu.memory_space<vmem>>) semaphore(%arg20 : memref<!tpu.dma_semaphore, #tpu.memory_space<semaphore_mem>>)
      %dma_start3A_78 = arith.constant 0 : i32
      %dma_start3A_79 = arith.constant 0 : i32
      %dma_start3A_80 = tpu.memref_slice %arg9[%dma_start3A_78, %dma_start3A_79] : memref<18x96xi32, #tpu.memory_space<vmem>> -> memref<1x96xi32, #tpu.memory_space<vmem>>
      %dma_start3A_81 = tpu.memref_squeeze %dma_start3A_80 : memref<1x96xi32, #tpu.memory_space<vmem>> -> memref<96xi32, #tpu.memory_space<vmem>>
      %dma_start3A_82 = arith.constant 0 : i32
      %dma_start3A_83 = arith.constant 0 : i32
      %dma_start3A_84 = tpu.memref_slice %arg4[%dma_start3A_82, %dma_start3A_83] : memref<10240x16xf32, #tpu.memory_space<hbm>> -> memref<10240x16xf32, #tpu.memory_space<hbm>>
      tpu.enqueue_indirect_dma source(%dma_start3A_84 : memref<10240x16xf32, #tpu.memory_space<hbm>>) target(%arg14 : memref<96x16xf32, #tpu.memory_space<vmem>>) offsets(%dma_start3A_81 : memref<96xi32, #tpu.memory_space<vmem>>) semaphore(%arg22 : memref<!tpu.dma_semaphore, #tpu.memory_space<semaphore_mem>>)
      %scan3A_85 = arith.constant 0 : i32
      %scan3A_86 = arith.constant 0 : i32
      %scan3A_87 = arith.constant 9 : i32
      %scan3A_88 = arith.addi %scan3A_86, %scan3A_87 : i32
      %scan3A_89 = arith.constant 1 : i32
      scf.for %scan3A_91 = %scan3A_86 to %scan3A_88 step %scan3A_89  : i32 {
        %mul3A_92 = arith.constant 2 : i32
        %mul3A_93 = arith.muli %scan3A_91, %mul3A_92 : i32
        %add3A_94 = arith.constant 0 : i32
        %add3A_95 = arith.addi %mul3A_93, %add3A_94 : i32
        %add3A_96 = arith.constant 1 : i32
        %add3A_97 = arith.addi %add3A_95, %add3A_96 : i32
        %lt3A_98 = arith.constant 18 : i32
        %lt3A_99 = arith.cmpi slt, %add3A_97, %lt3A_98 : i32
        %convert_element_type3A = arith.extui %lt3A_99 : i1 to i32
        %cond3A = arith.constant 0 : i32
        %cond3A_100 = arith.cmpi ne, %convert_element_type3A, %cond3A : i32
        scf.if %cond3A_100 {
          %add3A_152 = arith.constant 1 : i32
          %add3A_153 = arith.addi %add3A_95, %add3A_152 : i32
          %dma_start3A_154 = arith.constant 0 : i32
          %dma_start3A_155 = tpu.memref_slice %arg8[%add3A_153, %dma_start3A_154] : memref<18x96xi32, #tpu.memory_space<vmem>> -> memref<1x96xi32, #tpu.memory_space<vmem>>
          %dma_start3A_156 = tpu.memref_squeeze %dma_start3A_155 : memref<1x96xi32, #tpu.memory_space<vmem>> -> memref<96xi32, #tpu.memory_space<vmem>>
          %dma_start3A_157 = arith.constant 0 : i32
          %dma_start3A_158 = arith.constant 0 : i32
          %dma_start3A_159 = tpu.memref_slice %arg2[%dma_start3A_157, %dma_start3A_158] : memref<10240x128xbf16, #tpu.memory_space<hbm>> -> memref<10240x128xbf16, #tpu.memory_space<hbm>>
          tpu.enqueue_indirect_dma source(%dma_start3A_159 : memref<10240x128xbf16, #tpu.memory_space<hbm>>) target(%arg11 : memref<96x128xbf16, #tpu.memory_space<vmem>>) offsets(%dma_start3A_156 : memref<96xi32, #tpu.memory_space<vmem>>) semaphore(%arg19 : memref<!tpu.dma_semaphore, #tpu.memory_space<semaphore_mem>>)
          %add3A_160 = arith.constant 1 : i32
          %add3A_161 = arith.addi %add3A_95, %add3A_160 : i32
          %dma_start3A_162 = arith.constant 0 : i32
          %dma_start3A_163 = tpu.memref_slice %arg8[%add3A_161, %dma_start3A_162] : memref<18x96xi32, #tpu.memory_space<vmem>> -> memref<1x96xi32, #tpu.memory_space<vmem>>
          %dma_start3A_164 = tpu.memref_squeeze %dma_start3A_163 : memref<1x96xi32, #tpu.memory_space<vmem>> -> memref<96xi32, #tpu.memory_space<vmem>>
          %dma_start3A_165 = arith.constant 0 : i32
          %dma_start3A_166 = arith.constant 0 : i32
          %dma_start3A_167 = tpu.memref_slice %arg3[%dma_start3A_165, %dma_start3A_166] : memref<10240x16xf32, #tpu.memory_space<hbm>> -> memref<10240x16xf32, #tpu.memory_space<hbm>>
          tpu.enqueue_indirect_dma source(%dma_start3A_167 : memref<10240x16xf32, #tpu.memory_space<hbm>>) target(%arg13 : memref<96x16xf32, #tpu.memory_space<vmem>>) offsets(%dma_start3A_164 : memref<96xi32, #tpu.memory_space<vmem>>) semaphore(%arg21 : memref<!tpu.dma_semaphore, #tpu.memory_space<semaphore_mem>>)
          %add3A_168 = arith.constant 1 : i32
          %add3A_169 = arith.addi %add3A_95, %add3A_168 : i32
          %dma_start3A_170 = arith.constant 0 : i32
          %dma_start3A_171 = tpu.memref_slice %arg9[%add3A_169, %dma_start3A_170] : memref<18x96xi32, #tpu.memory_space<vmem>> -> memref<1x96xi32, #tpu.memory_space<vmem>>
          %dma_start3A_172 = tpu.memref_squeeze %dma_start3A_171 : memref<1x96xi32, #tpu.memory_space<vmem>> -> memref<96xi32, #tpu.memory_space<vmem>>
          %dma_start3A_173 = arith.constant 0 : i32
          %dma_start3A_174 = arith.constant 0 : i32
          %dma_start3A_175 = tpu.memref_slice %arg4[%dma_start3A_173, %dma_start3A_174] : memref<10240x16xf32, #tpu.memory_space<hbm>> -> memref<10240x16xf32, #tpu.memory_space<hbm>>
          tpu.enqueue_indirect_dma source(%dma_start3A_175 : memref<10240x16xf32, #tpu.memory_space<hbm>>) target(%arg15 : memref<96x16xf32, #tpu.memory_space<vmem>>) offsets(%dma_start3A_172 : memref<96xi32, #tpu.memory_space<vmem>>) semaphore(%arg23 : memref<!tpu.dma_semaphore, #tpu.memory_space<semaphore_mem>>)
        } else {
        }
        %dma_wait3A = arith.constant 0 : i32
        %dma_wait3A_101 = arith.constant 0 : i32
        %dma_wait3A_102 = tpu.memref_slice %arg2[%dma_wait3A, %dma_wait3A_101] : memref<10240x128xbf16, #tpu.memory_space<hbm>> -> memref<96x128xbf16, #tpu.memory_space<hbm>>
        %dma_wait3A_103 = arith.constant 0 : i32
        %dma_wait3A_104 = arith.constant 0 : i32
        %dma_wait3A_105 = tpu.memref_slice %arg2[%dma_wait3A_103, %dma_wait3A_104] : memref<10240x128xbf16, #tpu.memory_space<hbm>> -> memref<96x128xbf16, #tpu.memory_space<hbm>>
        tpu.wait_dma2 semaphore(%arg18 : memref<!tpu.dma_semaphore, #tpu.memory_space<semaphore_mem>>) src(%dma_wait3A_105 : memref<96x128xbf16, #tpu.memory_space<hbm>>) dst(%arg10 : memref<96x128xbf16, #tpu.memory_space<vmem>>)
        %dma_wait3A_106 = arith.constant 0 : i32
        %dma_wait3A_107 = arith.constant 0 : i32
        %dma_wait3A_108 = tpu.memref_slice %arg3[%dma_wait3A_106, %dma_wait3A_107] : memref<10240x16xf32, #tpu.memory_space<hbm>> -> memref<96x16xf32, #tpu.memory_space<hbm>>
        %dma_wait3A_109 = arith.constant 0 : i32
        %dma_wait3A_110 = arith.constant 0 : i32
        %dma_wait3A_111 = tpu.memref_slice %arg3[%dma_wait3A_109, %dma_wait3A_110] : memref<10240x16xf32, #tpu.memory_space<hbm>> -> memref<96x16xf32, #tpu.memory_space<hbm>>
        tpu.wait_dma2 semaphore(%arg20 : memref<!tpu.dma_semaphore, #tpu.memory_space<semaphore_mem>>) src(%dma_wait3A_111 : memref<96x16xf32, #tpu.memory_space<hbm>>) dst(%arg12 : memref<96x16xf32, #tpu.memory_space<vmem>>)
        %dma_wait3A_112 = arith.constant 0 : i32
        %dma_wait3A_113 = arith.constant 0 : i32
        %dma_wait3A_114 = tpu.memref_slice %arg4[%dma_wait3A_112, %dma_wait3A_113] : memref<10240x16xf32, #tpu.memory_space<hbm>> -> memref<96x16xf32, #tpu.memory_space<hbm>>
        %dma_wait3A_115 = arith.constant 0 : i32
        %dma_wait3A_116 = arith.constant 0 : i32
        %dma_wait3A_117 = tpu.memref_slice %arg4[%dma_wait3A_115, %dma_wait3A_116] : memref<10240x16xf32, #tpu.memory_space<hbm>> -> memref<96x16xf32, #tpu.memory_space<hbm>>
        tpu.wait_dma2 semaphore(%arg22 : memref<!tpu.dma_semaphore, #tpu.memory_space<semaphore_mem>>) src(%dma_wait3A_117 : memref<96x16xf32, #tpu.memory_space<hbm>>) dst(%arg14 : memref<96x16xf32, #tpu.memory_space<vmem>>)
        %parallel_loop3A = arith.constant 0 : i32
        %parallel_loop3A_118 = arith.constant 96 : i32
        %parallel_loop3A_119 = arith.constant 1 : i32
        scf.for %parallel_loop3A_152 = %parallel_loop3A to %parallel_loop3A_118 step %parallel_loop3A_119  : i32 {
          %parallel_loop3A_153 = arith.index_cast %parallel_loop3A_152 : i32 to index
          %parallel_loop3A_154 = arith.constant 0 : index
          %parallel_loop3A_155 = tpu.vector_load %arg12[%parallel_loop3A_153, %parallel_loop3A_154] {strides = array<i32>} : memref<96x16xf32, #tpu.memory_space<vmem>>, vector<16xf32>,
          %parallel_loop3A_156 = arith.index_cast %parallel_loop3A_152 : i32 to index
          %parallel_loop3A_157 = arith.constant 0 : index
          %parallel_loop3A_158 = tpu.vector_load %arg14[%parallel_loop3A_156, %parallel_loop3A_157] {strides = array<i32>} : memref<96x16xf32, #tpu.memory_space<vmem>>, vector<16xf32>,
          %parallel_loop3A_159 = arith.addf %parallel_loop3A_155, %parallel_loop3A_158 : vector<16xf32>
          %parallel_loop3A_160 = arith.constant 0.000000e+00 : f32
          %parallel_loop3A_161 = vector.broadcast %parallel_loop3A_160 : f32 to vector<16xf32>
          %parallel_loop3A_162 = arith.cmpf ogt, %parallel_loop3A_159, %parallel_loop3A_161 : vector<16xf32>
          %parallel_loop3A_163 = arith.constant 2.000000e-01 : f32
          %parallel_loop3A_164 = vector.broadcast %parallel_loop3A_163 : f32 to vector<16xf32>
          %parallel_loop3A_165 = arith.mulf %parallel_loop3A_164, %parallel_loop3A_159 : vector<16xf32>
          %parallel_loop3A_166 = arith.select %parallel_loop3A_162, %parallel_loop3A_159, %parallel_loop3A_165 : vector<16xi1>, vector<16xf32>
          %parallel_loop3A_167 = math.exp %parallel_loop3A_166 : vector<16xf32>
          %parallel_loop3A_168 = arith.constant 0.000000e+00 : f32
          %parallel_loop3A_169 = vector.broadcast %parallel_loop3A_168 : f32 to vector<16xf32>
          %parallel_loop3A_170 = arith.select %lt3A_43, %parallel_loop3A_167, %parallel_loop3A_169 : vector<16xi1>, vector<16xf32>
          %parallel_loop3A_171 = arith.index_cast %parallel_loop3A_152 : i32 to index
          %parallel_loop3A_172 = arith.constant 128 : index
          %parallel_loop3A_173 = tpu.vector_load %arg16[%parallel_loop3A_171, %parallel_loop3A_172] {strides = array<i32>} : memref<96x144xf32, #tpu.memory_space<vmem>>, vector<16xf32>,
          tpu.vector_store %arg16[%parallel_loop3A_171, %parallel_loop3A_172], %parallel_loop3A_170 {strides = array<i32>} : memref<96x144xf32, #tpu.memory_space<vmem>>, vector<16xf32>,
          %parallel_loop3A_174 = arith.constant 0 : i32
          %parallel_loop3A_175 = vector.broadcast %parallel_loop3A_174 : i32 to vector<16x1xi32>
          %parallel_loop3A_176 = vector.shape_cast %parallel_loop3A_175 : vector<16x1xi32> to vector<16xi32>
          %parallel_loop3A_177 = tpu.dynamic_gather %parallel_loop3A_170[%parallel_loop3A_176] in [0] : vector<16xf32>, vector<16xi32> -> vector<16xf32>
          %parallel_loop3A_178 = arith.index_cast %parallel_loop3A_152 : i32 to index
          %parallel_loop3A_179 = arith.constant 0 : index
          %parallel_loop3A_180 = tpu.vector_load %arg10[%parallel_loop3A_178, %parallel_loop3A_179] {strides = array<i32>} : memref<96x128xbf16, #tpu.memory_space<vmem>>, vector<32xbf16>,
          %parallel_loop3A_181 = tpu.unpack_subelements %parallel_loop3A_180, 0 {pack_format = #tpu.pack_format<interleaved>} : vector<32xbf16> -> vector<16xf32>
          %parallel_loop3A_182 = tpu.unpack_subelements %parallel_loop3A_180, 1 {pack_format = #tpu.pack_format<interleaved>} : vector<32xbf16> -> vector<16xf32>
          %parallel_loop3A_183 = arith.mulf %parallel_loop3A_177, %parallel_loop3A_181 : vector<16xf32>
          %parallel_loop3A_184 = arith.index_cast %parallel_loop3A_152 : i32 to index
          %parallel_loop3A_185 = arith.constant 0 : index
          %parallel_loop3A_186 = tpu.vector_load %arg16[%parallel_loop3A_184, %parallel_loop3A_185] {strides = array<i32>} : memref<96x144xf32, #tpu.memory_space<vmem>>, vector<16xf32>,
          tpu.vector_store %arg16[%parallel_loop3A_184, %parallel_loop3A_185], %parallel_loop3A_183 {strides = array<i32>} : memref<96x144xf32, #tpu.memory_space<vmem>>, vector<16xf32>,
          %parallel_loop3A_187 = arith.mulf %parallel_loop3A_177, %parallel_loop3A_182 : vector<16xf32>
          %parallel_loop3A_188 = arith.index_cast %parallel_loop3A_152 : i32 to index
          %parallel_loop3A_189 = arith.constant 16 : index
          %parallel_loop3A_190 = tpu.vector_load %arg16[%parallel_loop3A_188, %parallel_loop3A_189] {strides = array<i32>} : memref<96x144xf32, #tpu.memory_space<vmem>>, vector<16xf32>,
          tpu.vector_store %arg16[%parallel_loop3A_188, %parallel_loop3A_189], %parallel_loop3A_187 {strides = array<i32>} : memref<96x144xf32, #tpu.memory_space<vmem>>, vector<16xf32>,
          %parallel_loop3A_191 = arith.index_cast %parallel_loop3A_152 : i32 to index
          %parallel_loop3A_192 = arith.constant 32 : index
          %parallel_loop3A_193 = tpu.vector_load %arg10[%parallel_loop3A_191, %parallel_loop3A_192] {strides = array<i32>} : memref<96x128xbf16, #tpu.memory_space<vmem>>, vector<32xbf16>,
          %parallel_loop3A_194 = tpu.unpack_subelements %parallel_loop3A_193, 0 {pack_format = #tpu.pack_format<interleaved>} : vector<32xbf16> -> vector<16xf32>
          %parallel_loop3A_195 = tpu.unpack_subelements %parallel_loop3A_193, 1 {pack_format = #tpu.pack_format<interleaved>} : vector<32xbf16> -> vector<16xf32>
          %parallel_loop3A_196 = arith.mulf %parallel_loop3A_177, %parallel_loop3A_194 : vector<16xf32>
          %parallel_loop3A_197 = arith.index_cast %parallel_loop3A_152 : i32 to index
          %parallel_loop3A_198 = arith.constant 32 : index
          %parallel_loop3A_199 = tpu.vector_load %arg16[%parallel_loop3A_197, %parallel_loop3A_198] {strides = array<i32>} : memref<96x144xf32, #tpu.memory_space<vmem>>, vector<16xf32>,
          tpu.vector_store %arg16[%parallel_loop3A_197, %parallel_loop3A_198], %parallel_loop3A_196 {strides = array<i32>} : memref<96x144xf32, #tpu.memory_space<vmem>>, vector<16xf32>,
          %parallel_loop3A_200 = arith.mulf %parallel_loop3A_177, %parallel_loop3A_195 : vector<16xf32>
          %parallel_loop3A_201 = arith.index_cast %parallel_loop3A_152 : i32 to index
          %parallel_loop3A_202 = arith.constant 48 : index
          %parallel_loop3A_203 = tpu.vector_load %arg16[%parallel_loop3A_201, %parallel_loop3A_202] {strides = array<i32>} : memref<96x144xf32, #tpu.memory_space<vmem>>, vector<16xf32>,
          tpu.vector_store %arg16[%parallel_loop3A_201, %parallel_loop3A_202], %parallel_loop3A_200 {strides = array<i32>} : memref<96x144xf32, #tpu.memory_space<vmem>>, vector<16xf32>,
          %parallel_loop3A_204 = arith.index_cast %parallel_loop3A_152 : i32 to index
          %parallel_loop3A_205 = arith.constant 64 : index
          %parallel_loop3A_206 = tpu.vector_load %arg10[%parallel_loop3A_204, %parallel_loop3A_205] {strides = array<i32>} : memref<96x128xbf16, #tpu.memory_space<vmem>>, vector<32xbf16>,
          %parallel_loop3A_207 = tpu.unpack_subelements %parallel_loop3A_206, 0 {pack_format = #tpu.pack_format<interleaved>} : vector<32xbf16> -> vector<16xf32>
          %parallel_loop3A_208 = tpu.unpack_subelements %parallel_loop3A_206, 1 {pack_format = #tpu.pack_format<interleaved>} : vector<32xbf16> -> vector<16xf32>
          %parallel_loop3A_209 = arith.mulf %parallel_loop3A_177, %parallel_loop3A_207 : vector<16xf32>
          %parallel_loop3A_210 = arith.index_cast %parallel_loop3A_152 : i32 to index
          %parallel_loop3A_211 = arith.constant 64 : index
          %parallel_loop3A_212 = tpu.vector_load %arg16[%parallel_loop3A_210, %parallel_loop3A_211] {strides = array<i32>} : memref<96x144xf32, #tpu.memory_space<vmem>>, vector<16xf32>,
          tpu.vector_store %arg16[%parallel_loop3A_210, %parallel_loop3A_211], %parallel_loop3A_209 {strides = array<i32>} : memref<96x144xf32, #tpu.memory_space<vmem>>, vector<16xf32>,
          %parallel_loop3A_213 = arith.mulf %parallel_loop3A_177, %parallel_loop3A_208 : vector<16xf32>
          %parallel_loop3A_214 = arith.index_cast %parallel_loop3A_152 : i32 to index
          %parallel_loop3A_215 = arith.constant 80 : index
          %parallel_loop3A_216 = tpu.vector_load %arg16[%parallel_loop3A_214, %parallel_loop3A_215] {strides = array<i32>} : memref<96x144xf32, #tpu.memory_space<vmem>>, vector<16xf32>,
          tpu.vector_store %arg16[%parallel_loop3A_214, %parallel_loop3A_215], %parallel_loop3A_213 {strides = array<i32>} : memref<96x144xf32, #tpu.memory_space<vmem>>, vector<16xf32>,
          %parallel_loop3A_217 = arith.index_cast %parallel_loop3A_152 : i32 to index
          %parallel_loop3A_218 = arith.constant 96 : index
          %parallel_loop3A_219 = tpu.vector_load %arg10[%parallel_loop3A_217, %parallel_loop3A_218] {strides = array<i32>} : memref<96x128xbf16, #tpu.memory_space<vmem>>, vector<32xbf16>,
          %parallel_loop3A_220 = tpu.unpack_subelements %parallel_loop3A_219, 0 {pack_format = #tpu.pack_format<interleaved>} : vector<32xbf16> -> vector<16xf32>
          %parallel_loop3A_221 = tpu.unpack_subelements %parallel_loop3A_219, 1 {pack_format = #tpu.pack_format<interleaved>} : vector<32xbf16> -> vector<16xf32>
          %parallel_loop3A_222 = arith.mulf %parallel_loop3A_177, %parallel_loop3A_220 : vector<16xf32>
          %parallel_loop3A_223 = arith.index_cast %parallel_loop3A_152 : i32 to index
          %parallel_loop3A_224 = arith.constant 96 : index
          %parallel_loop3A_225 = tpu.vector_load %arg16[%parallel_loop3A_223, %parallel_loop3A_224] {strides = array<i32>} : memref<96x144xf32, #tpu.memory_space<vmem>>, vector<16xf32>,
          tpu.vector_store %arg16[%parallel_loop3A_223, %parallel_loop3A_224], %parallel_loop3A_222 {strides = array<i32>} : memref<96x144xf32, #tpu.memory_space<vmem>>, vector<16xf32>,
          %parallel_loop3A_226 = arith.mulf %parallel_loop3A_177, %parallel_loop3A_221 : vector<16xf32>
          %parallel_loop3A_227 = arith.index_cast %parallel_loop3A_152 : i32 to index
          %parallel_loop3A_228 = arith.constant 112 : index
          %parallel_loop3A_229 = tpu.vector_load %arg16[%parallel_loop3A_227, %parallel_loop3A_228] {strides = array<i32>} : memref<96x144xf32, #tpu.memory_space<vmem>>, vector<16xf32>,
          tpu.vector_store %arg16[%parallel_loop3A_227, %parallel_loop3A_228], %parallel_loop3A_226 {strides = array<i32>} : memref<96x144xf32, #tpu.memory_space<vmem>>, vector<16xf32>,
        } {sc.loop_unroll_factor = 4 : i64, sc.parallel_access}
        "tpu.region"() ({
          %run_scoped3A = tpu.sem_alloc : memref<!tpu.dma_semaphore, #tpu.memory_space<semaphore_mem>>
          %dma_start3A_152 = arith.constant 0 : i32
          %dma_start3A_153 = tpu.memref_slice %arg9[%add3A_95, %dma_start3A_152] : memref<18x96xi32, #tpu.memory_space<vmem>> -> memref<1x96xi32, #tpu.memory_space<vmem>>
          %dma_start3A_154 = tpu.memref_squeeze %dma_start3A_153 : memref<1x96xi32, #tpu.memory_space<vmem>> -> memref<96xi32, #tpu.memory_space<vmem>>
          %dma_start3A_155 = arith.constant 0 : i32
          %dma_start3A_156 = arith.constant 0 : i32
          %dma_start3A_157 = tpu.memref_slice %arg17[%dma_start3A_155, %dma_start3A_156] : memref<10240x144xf32, #tpu.memory_space<vmem_shared>> -> memref<10240x144xf32, #tpu.memory_space<vmem_shared>>
          tpu.enqueue_indirect_dma source(%arg16 : memref<96x144xf32, #tpu.memory_space<vmem>>) target(%dma_start3A_157 : memref<10240x144xf32, #tpu.memory_space<vmem_shared>>) offsets(%dma_start3A_154 : memref<96xi32, #tpu.memory_space<vmem>>) semaphore(%run_scoped3A : memref<!tpu.dma_semaphore, #tpu.memory_space<semaphore_mem>>) {add = true}
          %dma_wait3A_158 = arith.constant 0 : i32
          %dma_wait3A_159 = tpu.memref_slice %arg9[%add3A_95, %dma_wait3A_158] : memref<18x96xi32, #tpu.memory_space<vmem>> -> memref<1x96xi32, #tpu.memory_space<vmem>>
          %dma_wait3A_160 = tpu.memref_squeeze %dma_wait3A_159 : memref<1x96xi32, #tpu.memory_space<vmem>> -> memref<96xi32, #tpu.memory_space<vmem>>
          %dma_wait3A_161 = arith.constant 0 : i32
          %dma_wait3A_162 = arith.constant 0 : i32
          %dma_wait3A_163 = tpu.memref_slice %arg17[%dma_wait3A_161, %dma_wait3A_162] : memref<10240x144xf32, #tpu.memory_space<vmem_shared>> -> memref<10240x144xf32, #tpu.memory_space<vmem_shared>>
          tpu.wait_indirect_dma semaphore(%run_scoped3A : memref<!tpu.dma_semaphore, #tpu.memory_space<semaphore_mem>>) src(%arg16 : memref<96x144xf32, #tpu.memory_space<vmem>>) dst(%dma_wait3A_163 : memref<10240x144xf32, #tpu.memory_space<vmem_shared>>)
          tpu.yield
        }) : () -> ()
        %mul3A_120 = arith.constant 2 : i32
        %mul3A_121 = arith.muli %scan3A_91, %mul3A_120 : i32
        %add3A_122 = arith.constant 1 : i32
        %add3A_123 = arith.addi %mul3A_121, %add3A_122 : i32
        %add3A_124 = arith.constant 1 : i32
        %add3A_125 = arith.addi %add3A_123, %add3A_124 : i32
        %lt3A_126 = arith.constant 18 : i32
        %lt3A_127 = arith.cmpi slt, %add3A_125, %lt3A_126 : i32
        %convert_element_type3A_128 = arith.extui %lt3A_127 : i1 to i32
        %cond3A_129 = arith.constant 0 : i32
        %cond3A_130 = arith.cmpi ne, %convert_element_type3A_128, %cond3A_129 : i32
        scf.if %cond3A_130 {
          %add3A_152 = arith.constant 1 : i32
          %add3A_153 = arith.addi %add3A_123, %add3A_152 : i32
          %dma_start3A_154 = arith.constant 0 : i32
          %dma_start3A_155 = tpu.memref_slice %arg8[%add3A_153, %dma_start3A_154] : memref<18x96xi32, #tpu.memory_space<vmem>> -> memref<1x96xi32, #tpu.memory_space<vmem>>
          %dma_start3A_156 = tpu.memref_squeeze %dma_start3A_155 : memref<1x96xi32, #tpu.memory_space<vmem>> -> memref<96xi32, #tpu.memory_space<vmem>>
          %dma_start3A_157 = arith.constant 0 : i32
          %dma_start3A_158 = arith.constant 0 : i32
          %dma_start3A_159 = tpu.memref_slice %arg2[%dma_start3A_157, %dma_start3A_158] : memref<10240x128xbf16, #tpu.memory_space<hbm>> -> memref<10240x128xbf16, #tpu.memory_space<hbm>>
          tpu.enqueue_indirect_dma source(%dma_start3A_159 : memref<10240x128xbf16, #tpu.memory_space<hbm>>) target(%arg10 : memref<96x128xbf16, #tpu.memory_space<vmem>>) offsets(%dma_start3A_156 : memref<96xi32, #tpu.memory_space<vmem>>) semaphore(%arg18 : memref<!tpu.dma_semaphore, #tpu.memory_space<semaphore_mem>>)
          %add3A_160 = arith.constant 1 : i32
          %add3A_161 = arith.addi %add3A_123, %add3A_160 : i32
          %dma_start3A_162 = arith.constant 0 : i32
          %dma_start3A_163 = tpu.memref_slice %arg8[%add3A_161, %dma_start3A_162] : memref<18x96xi32, #tpu.memory_space<vmem>> -> memref<1x96xi32, #tpu.memory_space<vmem>>
          %dma_start3A_164 = tpu.memref_squeeze %dma_start3A_163 : memref<1x96xi32, #tpu.memory_space<vmem>> -> memref<96xi32, #tpu.memory_space<vmem>>
          %dma_start3A_165 = arith.constant 0 : i32
          %dma_start3A_166 = arith.constant 0 : i32
          %dma_start3A_167 = tpu.memref_slice %arg3[%dma_start3A_165, %dma_start3A_166] : memref<10240x16xf32, #tpu.memory_space<hbm>> -> memref<10240x16xf32, #tpu.memory_space<hbm>>
          tpu.enqueue_indirect_dma source(%dma_start3A_167 : memref<10240x16xf32, #tpu.memory_space<hbm>>) target(%arg12 : memref<96x16xf32, #tpu.memory_space<vmem>>) offsets(%dma_start3A_164 : memref<96xi32, #tpu.memory_space<vmem>>) semaphore(%arg20 : memref<!tpu.dma_semaphore, #tpu.memory_space<semaphore_mem>>)
          %add3A_168 = arith.constant 1 : i32
          %add3A_169 = arith.addi %add3A_123, %add3A_168 : i32
          %dma_start3A_170 = arith.constant 0 : i32
          %dma_start3A_171 = tpu.memref_slice %arg9[%add3A_169, %dma_start3A_170] : memref<18x96xi32, #tpu.memory_space<vmem>> -> memref<1x96xi32, #tpu.memory_space<vmem>>
          %dma_start3A_172 = tpu.memref_squeeze %dma_start3A_171 : memref<1x96xi32, #tpu.memory_space<vmem>> -> memref<96xi32, #tpu.memory_space<vmem>>
          %dma_start3A_173 = arith.constant 0 : i32
          %dma_start3A_174 = arith.constant 0 : i32
          %dma_start3A_175 = tpu.memref_slice %arg4[%dma_start3A_173, %dma_start3A_174] : memref<10240x16xf32, #tpu.memory_space<hbm>> -> memref<10240x16xf32, #tpu.memory_space<hbm>>
          tpu.enqueue_indirect_dma source(%dma_start3A_175 : memref<10240x16xf32, #tpu.memory_space<hbm>>) target(%arg14 : memref<96x16xf32, #tpu.memory_space<vmem>>) offsets(%dma_start3A_172 : memref<96xi32, #tpu.memory_space<vmem>>) semaphore(%arg22 : memref<!tpu.dma_semaphore, #tpu.memory_space<semaphore_mem>>)
        } else {
        }
        %dma_wait3A_131 = arith.constant 0 : i32
        %dma_wait3A_132 = arith.constant 0 : i32
        %dma_wait3A_133 = tpu.memref_slice %arg2[%dma_wait3A_131, %dma_wait3A_132] : memref<10240x128xbf16, #tpu.memory_space<hbm>> -> memref<96x128xbf16, #tpu.memory_space<hbm>>
        %dma_wait3A_134 = arith.constant 0 : i32
        %dma_wait3A_135 = arith.constant 0 : i32
        %dma_wait3A_136 = tpu.memref_slice %arg2[%dma_wait3A_134, %dma_wait3A_135] : memref<10240x128xbf16, #tpu.memory_space<hbm>> -> memref<96x128xbf16, #tpu.memory_space<hbm>>
        tpu.wait_dma2 semaphore(%arg19 : memref<!tpu.dma_semaphore, #tpu.memory_space<semaphore_mem>>) src(%dma_wait3A_136 : memref<96x128xbf16, #tpu.memory_space<hbm>>) dst(%arg11 : memref<96x128xbf16, #tpu.memory_space<vmem>>)
        %dma_wait3A_137 = arith.constant 0 : i32
        %dma_wait3A_138 = arith.constant 0 : i32
        %dma_wait3A_139 = tpu.memref_slice %arg3[%dma_wait3A_137, %dma_wait3A_138] : memref<10240x16xf32, #tpu.memory_space<hbm>> -> memref<96x16xf32, #tpu.memory_space<hbm>>
        %dma_wait3A_140 = arith.constant 0 : i32
        %dma_wait3A_141 = arith.constant 0 : i32
        %dma_wait3A_142 = tpu.memref_slice %arg3[%dma_wait3A_140, %dma_wait3A_141] : memref<10240x16xf32, #tpu.memory_space<hbm>> -> memref<96x16xf32, #tpu.memory_space<hbm>>
        tpu.wait_dma2 semaphore(%arg21 : memref<!tpu.dma_semaphore, #tpu.memory_space<semaphore_mem>>) src(%dma_wait3A_142 : memref<96x16xf32, #tpu.memory_space<hbm>>) dst(%arg13 : memref<96x16xf32, #tpu.memory_space<vmem>>)
        %dma_wait3A_143 = arith.constant 0 : i32
        %dma_wait3A_144 = arith.constant 0 : i32
        %dma_wait3A_145 = tpu.memref_slice %arg4[%dma_wait3A_143, %dma_wait3A_144] : memref<10240x16xf32, #tpu.memory_space<hbm>> -> memref<96x16xf32, #tpu.memory_space<hbm>>
        %dma_wait3A_146 = arith.constant 0 : i32
        %dma_wait3A_147 = arith.constant 0 : i32
        %dma_wait3A_148 = tpu.memref_slice %arg4[%dma_wait3A_146, %dma_wait3A_147] : memref<10240x16xf32, #tpu.memory_space<hbm>> -> memref<96x16xf32, #tpu.memory_space<hbm>>
        tpu.wait_dma2 semaphore(%arg23 : memref<!tpu.dma_semaphore, #tpu.memory_space<semaphore_mem>>) src(%dma_wait3A_148 : memref<96x16xf32, #tpu.memory_space<hbm>>) dst(%arg15 : memref<96x16xf32, #tpu.memory_space<vmem>>)
        %parallel_loop3A_149 = arith.constant 0 : i32
        %parallel_loop3A_150 = arith.constant 96 : i32
        %parallel_loop3A_151 = arith.constant 1 : i32
        scf.for %parallel_loop3A_152 = %parallel_loop3A_149 to %parallel_loop3A_150 step %parallel_loop3A_151  : i32 {
          %parallel_loop3A_153 = arith.index_cast %parallel_loop3A_152 : i32 to index
          %parallel_loop3A_154 = arith.constant 0 : index
          %parallel_loop3A_155 = tpu.vector_load %arg13[%parallel_loop3A_153, %parallel_loop3A_154] {strides = array<i32>} : memref<96x16xf32, #tpu.memory_space<vmem>>, vector<16xf32>,
          %parallel_loop3A_156 = arith.index_cast %parallel_loop3A_152 : i32 to index
          %parallel_loop3A_157 = arith.constant 0 : index
          %parallel_loop3A_158 = tpu.vector_load %arg15[%parallel_loop3A_156, %parallel_loop3A_157] {strides = array<i32>} : memref<96x16xf32, #tpu.memory_space<vmem>>, vector<16xf32>,
          %parallel_loop3A_159 = arith.addf %parallel_loop3A_155, %parallel_loop3A_158 : vector<16xf32>
          %parallel_loop3A_160 = arith.constant 0.000000e+00 : f32
          %parallel_loop3A_161 = vector.broadcast %parallel_loop3A_160 : f32 to vector<16xf32>
          %parallel_loop3A_162 = arith.cmpf ogt, %parallel_loop3A_159, %parallel_loop3A_161 : vector<16xf32>
          %parallel_loop3A_163 = arith.constant 2.000000e-01 : f32
          %parallel_loop3A_164 = vector.broadcast %parallel_loop3A_163 : f32 to vector<16xf32>
          %parallel_loop3A_165 = arith.mulf %parallel_loop3A_164, %parallel_loop3A_159 : vector<16xf32>
          %parallel_loop3A_166 = arith.select %parallel_loop3A_162, %parallel_loop3A_159, %parallel_loop3A_165 : vector<16xi1>, vector<16xf32>
          %parallel_loop3A_167 = math.exp %parallel_loop3A_166 : vector<16xf32>
          %parallel_loop3A_168 = arith.constant 0.000000e+00 : f32
          %parallel_loop3A_169 = vector.broadcast %parallel_loop3A_168 : f32 to vector<16xf32>
          %parallel_loop3A_170 = arith.select %lt3A_43, %parallel_loop3A_167, %parallel_loop3A_169 : vector<16xi1>, vector<16xf32>
          %parallel_loop3A_171 = arith.index_cast %parallel_loop3A_152 : i32 to index
          %parallel_loop3A_172 = arith.constant 128 : index
          %parallel_loop3A_173 = tpu.vector_load %arg16[%parallel_loop3A_171, %parallel_loop3A_172] {strides = array<i32>} : memref<96x144xf32, #tpu.memory_space<vmem>>, vector<16xf32>,
          tpu.vector_store %arg16[%parallel_loop3A_171, %parallel_loop3A_172], %parallel_loop3A_170 {strides = array<i32>} : memref<96x144xf32, #tpu.memory_space<vmem>>, vector<16xf32>,
          %parallel_loop3A_174 = arith.constant 0 : i32
          %parallel_loop3A_175 = vector.broadcast %parallel_loop3A_174 : i32 to vector<16x1xi32>
          %parallel_loop3A_176 = vector.shape_cast %parallel_loop3A_175 : vector<16x1xi32> to vector<16xi32>
          %parallel_loop3A_177 = tpu.dynamic_gather %parallel_loop3A_170[%parallel_loop3A_176] in [0] : vector<16xf32>, vector<16xi32> -> vector<16xf32>
          %parallel_loop3A_178 = arith.index_cast %parallel_loop3A_152 : i32 to index
          %parallel_loop3A_179 = arith.constant 0 : index
          %parallel_loop3A_180 = tpu.vector_load %arg11[%parallel_loop3A_178, %parallel_loop3A_179] {strides = array<i32>} : memref<96x128xbf16, #tpu.memory_space<vmem>>, vector<32xbf16>,
          %parallel_loop3A_181 = tpu.unpack_subelements %parallel_loop3A_180, 0 {pack_format = #tpu.pack_format<interleaved>} : vector<32xbf16> -> vector<16xf32>
          %parallel_loop3A_182 = tpu.unpack_subelements %parallel_loop3A_180, 1 {pack_format = #tpu.pack_format<interleaved>} : vector<32xbf16> -> vector<16xf32>
          %parallel_loop3A_183 = arith.mulf %parallel_loop3A_177, %parallel_loop3A_181 : vector<16xf32>
          %parallel_loop3A_184 = arith.index_cast %parallel_loop3A_152 : i32 to index
          %parallel_loop3A_185 = arith.constant 0 : index
          %parallel_loop3A_186 = tpu.vector_load %arg16[%parallel_loop3A_184, %parallel_loop3A_185] {strides = array<i32>} : memref<96x144xf32, #tpu.memory_space<vmem>>, vector<16xf32>,
          tpu.vector_store %arg16[%parallel_loop3A_184, %parallel_loop3A_185], %parallel_loop3A_183 {strides = array<i32>} : memref<96x144xf32, #tpu.memory_space<vmem>>, vector<16xf32>,
          %parallel_loop3A_187 = arith.mulf %parallel_loop3A_177, %parallel_loop3A_182 : vector<16xf32>
          %parallel_loop3A_188 = arith.index_cast %parallel_loop3A_152 : i32 to index
          %parallel_loop3A_189 = arith.constant 16 : index
          %parallel_loop3A_190 = tpu.vector_load %arg16[%parallel_loop3A_188, %parallel_loop3A_189] {strides = array<i32>} : memref<96x144xf32, #tpu.memory_space<vmem>>, vector<16xf32>,
          tpu.vector_store %arg16[%parallel_loop3A_188, %parallel_loop3A_189], %parallel_loop3A_187 {strides = array<i32>} : memref<96x144xf32, #tpu.memory_space<vmem>>, vector<16xf32>,
          %parallel_loop3A_191 = arith.index_cast %parallel_loop3A_152 : i32 to index
          %parallel_loop3A_192 = arith.constant 32 : index
          %parallel_loop3A_193 = tpu.vector_load %arg11[%parallel_loop3A_191, %parallel_loop3A_192] {strides = array<i32>} : memref<96x128xbf16, #tpu.memory_space<vmem>>, vector<32xbf16>,
          %parallel_loop3A_194 = tpu.unpack_subelements %parallel_loop3A_193, 0 {pack_format = #tpu.pack_format<interleaved>} : vector<32xbf16> -> vector<16xf32>
          %parallel_loop3A_195 = tpu.unpack_subelements %parallel_loop3A_193, 1 {pack_format = #tpu.pack_format<interleaved>} : vector<32xbf16> -> vector<16xf32>
          %parallel_loop3A_196 = arith.mulf %parallel_loop3A_177, %parallel_loop3A_194 : vector<16xf32>
          %parallel_loop3A_197 = arith.index_cast %parallel_loop3A_152 : i32 to index
          %parallel_loop3A_198 = arith.constant 32 : index
          %parallel_loop3A_199 = tpu.vector_load %arg16[%parallel_loop3A_197, %parallel_loop3A_198] {strides = array<i32>} : memref<96x144xf32, #tpu.memory_space<vmem>>, vector<16xf32>,
          tpu.vector_store %arg16[%parallel_loop3A_197, %parallel_loop3A_198], %parallel_loop3A_196 {strides = array<i32>} : memref<96x144xf32, #tpu.memory_space<vmem>>, vector<16xf32>,
          %parallel_loop3A_200 = arith.mulf %parallel_loop3A_177, %parallel_loop3A_195 : vector<16xf32>
          %parallel_loop3A_201 = arith.index_cast %parallel_loop3A_152 : i32 to index
          %parallel_loop3A_202 = arith.constant 48 : index
          %parallel_loop3A_203 = tpu.vector_load %arg16[%parallel_loop3A_201, %parallel_loop3A_202] {strides = array<i32>} : memref<96x144xf32, #tpu.memory_space<vmem>>, vector<16xf32>,
          tpu.vector_store %arg16[%parallel_loop3A_201, %parallel_loop3A_202], %parallel_loop3A_200 {strides = array<i32>} : memref<96x144xf32, #tpu.memory_space<vmem>>, vector<16xf32>,
          %parallel_loop3A_204 = arith.index_cast %parallel_loop3A_152 : i32 to index
          %parallel_loop3A_205 = arith.constant 64 : index
          %parallel_loop3A_206 = tpu.vector_load %arg11[%parallel_loop3A_204, %parallel_loop3A_205] {strides = array<i32>} : memref<96x128xbf16, #tpu.memory_space<vmem>>, vector<32xbf16>,
          %parallel_loop3A_207 = tpu.unpack_subelements %parallel_loop3A_206, 0 {pack_format = #tpu.pack_format<interleaved>} : vector<32xbf16> -> vector<16xf32>
          %parallel_loop3A_208 = tpu.unpack_subelements %parallel_loop3A_206, 1 {pack_format = #tpu.pack_format<interleaved>} : vector<32xbf16> -> vector<16xf32>
          %parallel_loop3A_209 = arith.mulf %parallel_loop3A_177, %parallel_loop3A_207 : vector<16xf32>
          %parallel_loop3A_210 = arith.index_cast %parallel_loop3A_152 : i32 to index
          %parallel_loop3A_211 = arith.constant 64 : index
          %parallel_loop3A_212 = tpu.vector_load %arg16[%parallel_loop3A_210, %parallel_loop3A_211] {strides = array<i32>} : memref<96x144xf32, #tpu.memory_space<vmem>>, vector<16xf32>,
          tpu.vector_store %arg16[%parallel_loop3A_210, %parallel_loop3A_211], %parallel_loop3A_209 {strides = array<i32>} : memref<96x144xf32, #tpu.memory_space<vmem>>, vector<16xf32>,
          %parallel_loop3A_213 = arith.mulf %parallel_loop3A_177, %parallel_loop3A_208 : vector<16xf32>
          %parallel_loop3A_214 = arith.index_cast %parallel_loop3A_152 : i32 to index
          %parallel_loop3A_215 = arith.constant 80 : index
          %parallel_loop3A_216 = tpu.vector_load %arg16[%parallel_loop3A_214, %parallel_loop3A_215] {strides = array<i32>} : memref<96x144xf32, #tpu.memory_space<vmem>>, vector<16xf32>,
          tpu.vector_store %arg16[%parallel_loop3A_214, %parallel_loop3A_215], %parallel_loop3A_213 {strides = array<i32>} : memref<96x144xf32, #tpu.memory_space<vmem>>, vector<16xf32>,
          %parallel_loop3A_217 = arith.index_cast %parallel_loop3A_152 : i32 to index
          %parallel_loop3A_218 = arith.constant 96 : index
          %parallel_loop3A_219 = tpu.vector_load %arg11[%parallel_loop3A_217, %parallel_loop3A_218] {strides = array<i32>} : memref<96x128xbf16, #tpu.memory_space<vmem>>, vector<32xbf16>,
          %parallel_loop3A_220 = tpu.unpack_subelements %parallel_loop3A_219, 0 {pack_format = #tpu.pack_format<interleaved>} : vector<32xbf16> -> vector<16xf32>
          %parallel_loop3A_221 = tpu.unpack_subelements %parallel_loop3A_219, 1 {pack_format = #tpu.pack_format<interleaved>} : vector<32xbf16> -> vector<16xf32>
          %parallel_loop3A_222 = arith.mulf %parallel_loop3A_177, %parallel_loop3A_220 : vector<16xf32>
          %parallel_loop3A_223 = arith.index_cast %parallel_loop3A_152 : i32 to index
          %parallel_loop3A_224 = arith.constant 96 : index
          %parallel_loop3A_225 = tpu.vector_load %arg16[%parallel_loop3A_223, %parallel_loop3A_224] {strides = array<i32>} : memref<96x144xf32, #tpu.memory_space<vmem>>, vector<16xf32>,
          tpu.vector_store %arg16[%parallel_loop3A_223, %parallel_loop3A_224], %parallel_loop3A_222 {strides = array<i32>} : memref<96x144xf32, #tpu.memory_space<vmem>>, vector<16xf32>,
          %parallel_loop3A_226 = arith.mulf %parallel_loop3A_177, %parallel_loop3A_221 : vector<16xf32>
          %parallel_loop3A_227 = arith.index_cast %parallel_loop3A_152 : i32 to index
          %parallel_loop3A_228 = arith.constant 112 : index
          %parallel_loop3A_229 = tpu.vector_load %arg16[%parallel_loop3A_227, %parallel_loop3A_228] {strides = array<i32>} : memref<96x144xf32, #tpu.memory_space<vmem>>, vector<16xf32>,
          tpu.vector_store %arg16[%parallel_loop3A_227, %parallel_loop3A_228], %parallel_loop3A_226 {strides = array<i32>} : memref<96x144xf32, #tpu.memory_space<vmem>>, vector<16xf32>,
        } {sc.loop_unroll_factor = 4 : i64, sc.parallel_access}
        "tpu.region"() ({
          %run_scoped3A = tpu.sem_alloc : memref<!tpu.dma_semaphore, #tpu.memory_space<semaphore_mem>>
          %dma_start3A_152 = arith.constant 0 : i32
          %dma_start3A_153 = tpu.memref_slice %arg9[%add3A_123, %dma_start3A_152] : memref<18x96xi32, #tpu.memory_space<vmem>> -> memref<1x96xi32, #tpu.memory_space<vmem>>
          %dma_start3A_154 = tpu.memref_squeeze %dma_start3A_153 : memref<1x96xi32, #tpu.memory_space<vmem>> -> memref<96xi32, #tpu.memory_space<vmem>>
          %dma_start3A_155 = arith.constant 0 : i32
          %dma_start3A_156 = arith.constant 0 : i32
          %dma_start3A_157 = tpu.memref_slice %arg17[%dma_start3A_155, %dma_start3A_156] : memref<10240x144xf32, #tpu.memory_space<vmem_shared>> -> memref<10240x144xf32, #tpu.memory_space<vmem_shared>>
          tpu.enqueue_indirect_dma source(%arg16 : memref<96x144xf32, #tpu.memory_space<vmem>>) target(%dma_start3A_157 : memref<10240x144xf32, #tpu.memory_space<vmem_shared>>) offsets(%dma_start3A_154 : memref<96xi32, #tpu.memory_space<vmem>>) semaphore(%run_scoped3A : memref<!tpu.dma_semaphore, #tpu.memory_space<semaphore_mem>>) {add = true}
          %dma_wait3A_158 = arith.constant 0 : i32
          %dma_wait3A_159 = tpu.memref_slice %arg9[%add3A_123, %dma_wait3A_158] : memref<18x96xi32, #tpu.memory_space<vmem>> -> memref<1x96xi32, #tpu.memory_space<vmem>>
          %dma_wait3A_160 = tpu.memref_squeeze %dma_wait3A_159 : memref<1x96xi32, #tpu.memory_space<vmem>> -> memref<96xi32, #tpu.memory_space<vmem>>
          %dma_wait3A_161 = arith.constant 0 : i32
          %dma_wait3A_162 = arith.constant 0 : i32
          %dma_wait3A_163 = tpu.memref_slice %arg17[%dma_wait3A_161, %dma_wait3A_162] : memref<10240x144xf32, #tpu.memory_space<vmem_shared>> -> memref<10240x144xf32, #tpu.memory_space<vmem_shared>>
          tpu.wait_indirect_dma semaphore(%run_scoped3A : memref<!tpu.dma_semaphore, #tpu.memory_space<semaphore_mem>>) src(%arg16 : memref<96x144xf32, #tpu.memory_space<vmem>>) dst(%dma_wait3A_163 : memref<10240x144xf32, #tpu.memory_space<vmem_shared>>)
          tpu.yield
        }) : () -> ()
      }
      %scan3A_90 = arith.constant 9 : i32
    }
    %while3A_52 = arith.constant 1 : i32
    scf.for %while3A_58 = %while3A_50 to %while3A_46 step %while3A_52  : i32 {
      %mul3A_59 = arith.constant 18 : i32
      %mul3A_60 = arith.muli %while3A_58, %mul3A_59 : i32
      %add3A_61 = arith.addi %select_n3A, %mul3A_60 : i32
      "tpu.region"() ({
        %run_scoped3A = tpu.sem_alloc : memref<!tpu.dma_semaphore, #tpu.memory_space<semaphore_mem>>
        %dma_start3A_91 = arith.constant 0 : i32
        %dma_start3A_92 = tpu.memref_slice %arg5[%add3A_61, %dma_start3A_91] : memref<3456x96xi32, #tpu.memory_space<hbm>> -> memref<18x96xi32, #tpu.memory_space<hbm>>
        %dma_start3A_93 = arith.constant 0 : i32
        %dma_start3A_94 = tpu.memref_slice %arg5[%add3A_61, %dma_start3A_93] : memref<3456x96xi32, #tpu.memory_space<hbm>> -> memref<18x96xi32, #tpu.memory_space<hbm>>
        tpu.enqueue_dma source(%dma_start3A_94 : memref<18x96xi32, #tpu.memory_space<hbm>>) target(%arg8 : memref<18x96xi32, #tpu.memory_space<vmem>>) target_semaphore(%run_scoped3A : memref<!tpu.dma_semaphore, #tpu.memory_space<semaphore_mem>>)
        %dma_wait3A = arith.constant 0 : i32
        %dma_wait3A_95 = tpu.memref_slice %arg5[%add3A_61, %dma_wait3A] : memref<3456x96xi32, #tpu.memory_space<hbm>> -> memref<18x96xi32, #tpu.memory_space<hbm>>
        %dma_wait3A_96 = arith.constant 0 : i32
        %dma_wait3A_97 = tpu.memref_slice %arg5[%add3A_61, %dma_wait3A_96] : memref<3456x96xi32, #tpu.memory_space<hbm>> -> memref<18x96xi32, #tpu.memory_space<hbm>>
        tpu.wait_dma2 semaphore(%run_scoped3A : memref<!tpu.dma_semaphore, #tpu.memory_space<semaphore_mem>>) src(%dma_wait3A_97 : memref<18x96xi32, #tpu.memory_space<hbm>>) dst(%arg8 : memref<18x96xi32, #tpu.memory_space<vmem>>)
        tpu.yield
      }) : () -> ()
      %mul3A_62 = arith.constant 18 : i32
      %mul3A_63 = arith.muli %while3A_58, %mul3A_62 : i32
      %add3A_64 = arith.addi %select_n3A, %mul3A_63 : i32
      "tpu.region"() ({
        %run_scoped3A = tpu.sem_alloc : memref<!tpu.dma_semaphore, #tpu.memory_space<semaphore_mem>>
        %dma_start3A_91 = arith.constant 0 : i32
        %dma_start3A_92 = tpu.memref_slice %arg6[%add3A_64, %dma_start3A_91] : memref<3456x96xi32, #tpu.memory_space<hbm>> -> memref<18x96xi32, #tpu.memory_space<hbm>>
        %dma_start3A_93 = arith.constant 0 : i32
        %dma_start3A_94 = tpu.memref_slice %arg6[%add3A_64, %dma_start3A_93] : memref<3456x96xi32, #tpu.memory_space<hbm>> -> memref<18x96xi32, #tpu.memory_space<hbm>>
        tpu.enqueue_dma source(%dma_start3A_94 : memref<18x96xi32, #tpu.memory_space<hbm>>) target(%arg9 : memref<18x96xi32, #tpu.memory_space<vmem>>) target_semaphore(%run_scoped3A : memref<!tpu.dma_semaphore, #tpu.memory_space<semaphore_mem>>)
        %dma_wait3A = arith.constant 0 : i32
        %dma_wait3A_95 = tpu.memref_slice %arg6[%add3A_64, %dma_wait3A] : memref<3456x96xi32, #tpu.memory_space<hbm>> -> memref<18x96xi32, #tpu.memory_space<hbm>>
        %dma_wait3A_96 = arith.constant 0 : i32
        %dma_wait3A_97 = tpu.memref_slice %arg6[%add3A_64, %dma_wait3A_96] : memref<3456x96xi32, #tpu.memory_space<hbm>> -> memref<18x96xi32, #tpu.memory_space<hbm>>
        tpu.wait_dma2 semaphore(%run_scoped3A : memref<!tpu.dma_semaphore, #tpu.memory_space<semaphore_mem>>) src(%dma_wait3A_97 : memref<18x96xi32, #tpu.memory_space<hbm>>) dst(%arg9 : memref<18x96xi32, #tpu.memory_space<vmem>>)
        tpu.yield
      }) : () -> ()
      %dma_start3A = arith.constant 0 : i32
      %dma_start3A_65 = arith.constant 0 : i32
      %dma_start3A_66 = tpu.memref_slice %arg8[%dma_start3A, %dma_start3A_65] : memref<18x96xi32, #tpu.memory_space<vmem>> -> memref<1x96xi32, #tpu.memory_space<vmem>>
      %dma_start3A_67 = tpu.memref_squeeze %dma_start3A_66 : memref<1x96xi32, #tpu.memory_space<vmem>> -> memref<96xi32, #tpu.memory_space<vmem>>
      %dma_start3A_68 = arith.constant 0 : i32
      %dma_start3A_69 = arith.constant 0 : i32
      %dma_start3A_70 = tpu.memref_slice %arg2[%dma_start3A_68, %dma_start3A_69] : memref<10240x128xbf16, #tpu.memory_space<hbm>> -> memref<10240x128xbf16, #tpu.memory_space<hbm>>
      tpu.enqueue_indirect_dma source(%dma_start3A_70 : memref<10240x128xbf16, #tpu.memory_space<hbm>>) target(%arg10 : memref<96x128xbf16, #tpu.memory_space<vmem>>) offsets(%dma_start3A_67 : memref<96xi32, #tpu.memory_space<vmem>>) semaphore(%arg18 : memref<!tpu.dma_semaphore, #tpu.memory_space<semaphore_mem>>)
      %dma_start3A_71 = arith.constant 0 : i32
      %dma_start3A_72 = arith.constant 0 : i32
      %dma_start3A_73 = tpu.memref_slice %arg8[%dma_start3A_71, %dma_start3A_72] : memref<18x96xi32, #tpu.memory_space<vmem>> -> memref<1x96xi32, #tpu.memory_space<vmem>>
      %dma_start3A_74 = tpu.memref_squeeze %dma_start3A_73 : memref<1x96xi32, #tpu.memory_space<vmem>> -> memref<96xi32, #tpu.memory_space<vmem>>
      %dma_start3A_75 = arith.constant 0 : i32
      %dma_start3A_76 = arith.constant 0 : i32
      %dma_start3A_77 = tpu.memref_slice %arg3[%dma_start3A_75, %dma_start3A_76] : memref<10240x16xf32, #tpu.memory_space<hbm>> -> memref<10240x16xf32, #tpu.memory_space<hbm>>
      tpu.enqueue_indirect_dma source(%dma_start3A_77 : memref<10240x16xf32, #tpu.memory_space<hbm>>) target(%arg12 : memref<96x16xf32, #tpu.memory_space<vmem>>) offsets(%dma_start3A_74 : memref<96xi32, #tpu.memory_space<vmem>>) semaphore(%arg20 : memref<!tpu.dma_semaphore, #tpu.memory_space<semaphore_mem>>)
      %dma_start3A_78 = arith.constant 0 : i32
      %dma_start3A_79 = arith.constant 0 : i32
      %dma_start3A_80 = tpu.memref_slice %arg9[%dma_start3A_78, %dma_start3A_79] : memref<18x96xi32, #tpu.memory_space<vmem>> -> memref<1x96xi32, #tpu.memory_space<vmem>>
      %dma_start3A_81 = tpu.memref_squeeze %dma_start3A_80 : memref<1x96xi32, #tpu.memory_space<vmem>> -> memref<96xi32, #tpu.memory_space<vmem>>
      %dma_start3A_82 = arith.constant 0 : i32
      %dma_start3A_83 = arith.constant 0 : i32
      %dma_start3A_84 = tpu.memref_slice %arg4[%dma_start3A_82, %dma_start3A_83] : memref<10240x16xf32, #tpu.memory_space<hbm>> -> memref<10240x16xf32, #tpu.memory_space<hbm>>
      tpu.enqueue_indirect_dma source(%dma_start3A_84 : memref<10240x16xf32, #tpu.memory_space<hbm>>) target(%arg14 : memref<96x16xf32, #tpu.memory_space<vmem>>) offsets(%dma_start3A_81 : memref<96xi32, #tpu.memory_space<vmem>>) semaphore(%arg22 : memref<!tpu.dma_semaphore, #tpu.memory_space<semaphore_mem>>)
      %scan3A_85 = arith.constant 0 : i32
      %scan3A_86 = arith.constant 0 : i32
      %scan3A_87 = arith.constant 9 : i32
      %scan3A_88 = arith.addi %scan3A_86, %scan3A_87 : i32
      %scan3A_89 = arith.constant 1 : i32
      scf.for %scan3A_91 = %scan3A_86 to %scan3A_88 step %scan3A_89  : i32 {
        %mul3A_92 = arith.constant 2 : i32
        %mul3A_93 = arith.muli %scan3A_91, %mul3A_92 : i32
        %add3A_94 = arith.constant 0 : i32
        %add3A_95 = arith.addi %mul3A_93, %add3A_94 : i32
        %add3A_96 = arith.constant 1 : i32
        %add3A_97 = arith.addi %add3A_95, %add3A_96 : i32
        %lt3A_98 = arith.constant 18 : i32
        %lt3A_99 = arith.cmpi slt, %add3A_97, %lt3A_98 : i32
        %convert_element_type3A = arith.extui %lt3A_99 : i1 to i32
        %cond3A = arith.constant 0 : i32
        %cond3A_100 = arith.cmpi ne, %convert_element_type3A, %cond3A : i32
        scf.if %cond3A_100 {
          %add3A_152 = arith.constant 1 : i32
          %add3A_153 = arith.addi %add3A_95, %add3A_152 : i32
          %dma_start3A_154 = arith.constant 0 : i32
          %dma_start3A_155 = tpu.memref_slice %arg8[%add3A_153, %dma_start3A_154] : memref<18x96xi32, #tpu.memory_space<vmem>> -> memref<1x96xi32, #tpu.memory_space<vmem>>
          %dma_start3A_156 = tpu.memref_squeeze %dma_start3A_155 : memref<1x96xi32, #tpu.memory_space<vmem>> -> memref<96xi32, #tpu.memory_space<vmem>>
          %dma_start3A_157 = arith.constant 0 : i32
          %dma_start3A_158 = arith.constant 0 : i32
          %dma_start3A_159 = tpu.memref_slice %arg2[%dma_start3A_157, %dma_start3A_158] : memref<10240x128xbf16, #tpu.memory_space<hbm>> -> memref<10240x128xbf16, #tpu.memory_space<hbm>>
          tpu.enqueue_indirect_dma source(%dma_start3A_159 : memref<10240x128xbf16, #tpu.memory_space<hbm>>) target(%arg11 : memref<96x128xbf16, #tpu.memory_space<vmem>>) offsets(%dma_start3A_156 : memref<96xi32, #tpu.memory_space<vmem>>) semaphore(%arg19 : memref<!tpu.dma_semaphore, #tpu.memory_space<semaphore_mem>>)
          %add3A_160 = arith.constant 1 : i32
          %add3A_161 = arith.addi %add3A_95, %add3A_160 : i32
          %dma_start3A_162 = arith.constant 0 : i32
          %dma_start3A_163 = tpu.memref_slice %arg8[%add3A_161, %dma_start3A_162] : memref<18x96xi32, #tpu.memory_space<vmem>> -> memref<1x96xi32, #tpu.memory_space<vmem>>
          %dma_start3A_164 = tpu.memref_squeeze %dma_start3A_163 : memref<1x96xi32, #tpu.memory_space<vmem>> -> memref<96xi32, #tpu.memory_space<vmem>>
          %dma_start3A_165 = arith.constant 0 : i32
          %dma_start3A_166 = arith.constant 0 : i32
          %dma_start3A_167 = tpu.memref_slice %arg3[%dma_start3A_165, %dma_start3A_166] : memref<10240x16xf32, #tpu.memory_space<hbm>> -> memref<10240x16xf32, #tpu.memory_space<hbm>>
          tpu.enqueue_indirect_dma source(%dma_start3A_167 : memref<10240x16xf32, #tpu.memory_space<hbm>>) target(%arg13 : memref<96x16xf32, #tpu.memory_space<vmem>>) offsets(%dma_start3A_164 : memref<96xi32, #tpu.memory_space<vmem>>) semaphore(%arg21 : memref<!tpu.dma_semaphore, #tpu.memory_space<semaphore_mem>>)
          %add3A_168 = arith.constant 1 : i32
          %add3A_169 = arith.addi %add3A_95, %add3A_168 : i32
          %dma_start3A_170 = arith.constant 0 : i32
          %dma_start3A_171 = tpu.memref_slice %arg9[%add3A_169, %dma_start3A_170] : memref<18x96xi32, #tpu.memory_space<vmem>> -> memref<1x96xi32, #tpu.memory_space<vmem>>
          %dma_start3A_172 = tpu.memref_squeeze %dma_start3A_171 : memref<1x96xi32, #tpu.memory_space<vmem>> -> memref<96xi32, #tpu.memory_space<vmem>>
          %dma_start3A_173 = arith.constant 0 : i32
          %dma_start3A_174 = arith.constant 0 : i32
          %dma_start3A_175 = tpu.memref_slice %arg4[%dma_start3A_173, %dma_start3A_174] : memref<10240x16xf32, #tpu.memory_space<hbm>> -> memref<10240x16xf32, #tpu.memory_space<hbm>>
          tpu.enqueue_indirect_dma source(%dma_start3A_175 : memref<10240x16xf32, #tpu.memory_space<hbm>>) target(%arg15 : memref<96x16xf32, #tpu.memory_space<vmem>>) offsets(%dma_start3A_172 : memref<96xi32, #tpu.memory_space<vmem>>) semaphore(%arg23 : memref<!tpu.dma_semaphore, #tpu.memory_space<semaphore_mem>>)
        } else {
        }
        %dma_wait3A = arith.constant 0 : i32
        %dma_wait3A_101 = arith.constant 0 : i32
        %dma_wait3A_102 = tpu.memref_slice %arg2[%dma_wait3A, %dma_wait3A_101] : memref<10240x128xbf16, #tpu.memory_space<hbm>> -> memref<96x128xbf16, #tpu.memory_space<hbm>>
        %dma_wait3A_103 = arith.constant 0 : i32
        %dma_wait3A_104 = arith.constant 0 : i32
        %dma_wait3A_105 = tpu.memref_slice %arg2[%dma_wait3A_103, %dma_wait3A_104] : memref<10240x128xbf16, #tpu.memory_space<hbm>> -> memref<96x128xbf16, #tpu.memory_space<hbm>>
        tpu.wait_dma2 semaphore(%arg18 : memref<!tpu.dma_semaphore, #tpu.memory_space<semaphore_mem>>) src(%dma_wait3A_105 : memref<96x128xbf16, #tpu.memory_space<hbm>>) dst(%arg10 : memref<96x128xbf16, #tpu.memory_space<vmem>>)
        %dma_wait3A_106 = arith.constant 0 : i32
        %dma_wait3A_107 = arith.constant 0 : i32
        %dma_wait3A_108 = tpu.memref_slice %arg3[%dma_wait3A_106, %dma_wait3A_107] : memref<10240x16xf32, #tpu.memory_space<hbm>> -> memref<96x16xf32, #tpu.memory_space<hbm>>
        %dma_wait3A_109 = arith.constant 0 : i32
        %dma_wait3A_110 = arith.constant 0 : i32
        %dma_wait3A_111 = tpu.memref_slice %arg3[%dma_wait3A_109, %dma_wait3A_110] : memref<10240x16xf32, #tpu.memory_space<hbm>> -> memref<96x16xf32, #tpu.memory_space<hbm>>
        tpu.wait_dma2 semaphore(%arg20 : memref<!tpu.dma_semaphore, #tpu.memory_space<semaphore_mem>>) src(%dma_wait3A_111 : memref<96x16xf32, #tpu.memory_space<hbm>>) dst(%arg12 : memref<96x16xf32, #tpu.memory_space<vmem>>)
        %dma_wait3A_112 = arith.constant 0 : i32
        %dma_wait3A_113 = arith.constant 0 : i32
        %dma_wait3A_114 = tpu.memref_slice %arg4[%dma_wait3A_112, %dma_wait3A_113] : memref<10240x16xf32, #tpu.memory_space<hbm>> -> memref<96x16xf32, #tpu.memory_space<hbm>>
        %dma_wait3A_115 = arith.constant 0 : i32
        %dma_wait3A_116 = arith.constant 0 : i32
        %dma_wait3A_117 = tpu.memref_slice %arg4[%dma_wait3A_115, %dma_wait3A_116] : memref<10240x16xf32, #tpu.memory_space<hbm>> -> memref<96x16xf32, #tpu.memory_space<hbm>>
        tpu.wait_dma2 semaphore(%arg22 : memref<!tpu.dma_semaphore, #tpu.memory_space<semaphore_mem>>) src(%dma_wait3A_117 : memref<96x16xf32, #tpu.memory_space<hbm>>) dst(%arg14 : memref<96x16xf32, #tpu.memory_space<vmem>>)
        %parallel_loop3A = arith.constant 0 : i32
        %parallel_loop3A_118 = arith.constant 96 : i32
        %parallel_loop3A_119 = arith.constant 1 : i32
        scf.for %parallel_loop3A_152 = %parallel_loop3A to %parallel_loop3A_118 step %parallel_loop3A_119  : i32 {
          %parallel_loop3A_153 = arith.index_cast %parallel_loop3A_152 : i32 to index
          %parallel_loop3A_154 = arith.constant 0 : index
          %parallel_loop3A_155 = tpu.vector_load %arg12[%parallel_loop3A_153, %parallel_loop3A_154] {strides = array<i32>} : memref<96x16xf32, #tpu.memory_space<vmem>>, vector<16xf32>,
          %parallel_loop3A_156 = arith.index_cast %parallel_loop3A_152 : i32 to index
          %parallel_loop3A_157 = arith.constant 0 : index
          %parallel_loop3A_158 = tpu.vector_load %arg14[%parallel_loop3A_156, %parallel_loop3A_157] {strides = array<i32>} : memref<96x16xf32, #tpu.memory_space<vmem>>, vector<16xf32>,
          %parallel_loop3A_159 = arith.addf %parallel_loop3A_155, %parallel_loop3A_158 : vector<16xf32>
          %parallel_loop3A_160 = arith.constant 0.000000e+00 : f32
          %parallel_loop3A_161 = vector.broadcast %parallel_loop3A_160 : f32 to vector<16xf32>
          %parallel_loop3A_162 = arith.cmpf ogt, %parallel_loop3A_159, %parallel_loop3A_161 : vector<16xf32>
          %parallel_loop3A_163 = arith.constant 2.000000e-01 : f32
          %parallel_loop3A_164 = vector.broadcast %parallel_loop3A_163 : f32 to vector<16xf32>
          %parallel_loop3A_165 = arith.mulf %parallel_loop3A_164, %parallel_loop3A_159 : vector<16xf32>
          %parallel_loop3A_166 = arith.select %parallel_loop3A_162, %parallel_loop3A_159, %parallel_loop3A_165 : vector<16xi1>, vector<16xf32>
          %parallel_loop3A_167 = math.exp %parallel_loop3A_166 : vector<16xf32>
          %parallel_loop3A_168 = arith.constant 0.000000e+00 : f32
          %parallel_loop3A_169 = vector.broadcast %parallel_loop3A_168 : f32 to vector<16xf32>
          %parallel_loop3A_170 = arith.select %lt3A_43, %parallel_loop3A_167, %parallel_loop3A_169 : vector<16xi1>, vector<16xf32>
          %parallel_loop3A_171 = arith.index_cast %parallel_loop3A_152 : i32 to index
          %parallel_loop3A_172 = arith.constant 128 : index
          %parallel_loop3A_173 = tpu.vector_load %arg16[%parallel_loop3A_171, %parallel_loop3A_172] {strides = array<i32>} : memref<96x144xf32, #tpu.memory_space<vmem>>, vector<16xf32>,
          tpu.vector_store %arg16[%parallel_loop3A_171, %parallel_loop3A_172], %parallel_loop3A_170 {strides = array<i32>} : memref<96x144xf32, #tpu.memory_space<vmem>>, vector<16xf32>,
          %parallel_loop3A_174 = arith.constant 0 : i32
          %parallel_loop3A_175 = vector.broadcast %parallel_loop3A_174 : i32 to vector<16x1xi32>
          %parallel_loop3A_176 = vector.shape_cast %parallel_loop3A_175 : vector<16x1xi32> to vector<16xi32>
          %parallel_loop3A_177 = tpu.dynamic_gather %parallel_loop3A_170[%parallel_loop3A_176] in [0] : vector<16xf32>, vector<16xi32> -> vector<16xf32>
          %parallel_loop3A_178 = arith.index_cast %parallel_loop3A_152 : i32 to index
          %parallel_loop3A_179 = arith.constant 0 : index
          %parallel_loop3A_180 = tpu.vector_load %arg10[%parallel_loop3A_178, %parallel_loop3A_179] {strides = array<i32>} : memref<96x128xbf16, #tpu.memory_space<vmem>>, vector<32xbf16>,
          %parallel_loop3A_181 = tpu.unpack_subelements %parallel_loop3A_180, 0 {pack_format = #tpu.pack_format<interleaved>} : vector<32xbf16> -> vector<16xf32>
          %parallel_loop3A_182 = tpu.unpack_subelements %parallel_loop3A_180, 1 {pack_format = #tpu.pack_format<interleaved>} : vector<32xbf16> -> vector<16xf32>
          %parallel_loop3A_183 = arith.mulf %parallel_loop3A_177, %parallel_loop3A_181 : vector<16xf32>
          %parallel_loop3A_184 = arith.index_cast %parallel_loop3A_152 : i32 to index
          %parallel_loop3A_185 = arith.constant 0 : index
          %parallel_loop3A_186 = tpu.vector_load %arg16[%parallel_loop3A_184, %parallel_loop3A_185] {strides = array<i32>} : memref<96x144xf32, #tpu.memory_space<vmem>>, vector<16xf32>,
          tpu.vector_store %arg16[%parallel_loop3A_184, %parallel_loop3A_185], %parallel_loop3A_183 {strides = array<i32>} : memref<96x144xf32, #tpu.memory_space<vmem>>, vector<16xf32>,
          %parallel_loop3A_187 = arith.mulf %parallel_loop3A_177, %parallel_loop3A_182 : vector<16xf32>
          %parallel_loop3A_188 = arith.index_cast %parallel_loop3A_152 : i32 to index
          %parallel_loop3A_189 = arith.constant 16 : index
          %parallel_loop3A_190 = tpu.vector_load %arg16[%parallel_loop3A_188, %parallel_loop3A_189] {strides = array<i32>} : memref<96x144xf32, #tpu.memory_space<vmem>>, vector<16xf32>,
          tpu.vector_store %arg16[%parallel_loop3A_188, %parallel_loop3A_189], %parallel_loop3A_187 {strides = array<i32>} : memref<96x144xf32, #tpu.memory_space<vmem>>, vector<16xf32>,
          %parallel_loop3A_191 = arith.index_cast %parallel_loop3A_152 : i32 to index
          %parallel_loop3A_192 = arith.constant 32 : index
          %parallel_loop3A_193 = tpu.vector_load %arg10[%parallel_loop3A_191, %parallel_loop3A_192] {strides = array<i32>} : memref<96x128xbf16, #tpu.memory_space<vmem>>, vector<32xbf16>,
          %parallel_loop3A_194 = tpu.unpack_subelements %parallel_loop3A_193, 0 {pack_format = #tpu.pack_format<interleaved>} : vector<32xbf16> -> vector<16xf32>
          %parallel_loop3A_195 = tpu.unpack_subelements %parallel_loop3A_193, 1 {pack_format = #tpu.pack_format<interleaved>} : vector<32xbf16> -> vector<16xf32>
          %parallel_loop3A_196 = arith.mulf %parallel_loop3A_177, %parallel_loop3A_194 : vector<16xf32>
          %parallel_loop3A_197 = arith.index_cast %parallel_loop3A_152 : i32 to index
          %parallel_loop3A_198 = arith.constant 32 : index
          %parallel_loop3A_199 = tpu.vector_load %arg16[%parallel_loop3A_197, %parallel_loop3A_198] {strides = array<i32>} : memref<96x144xf32, #tpu.memory_space<vmem>>, vector<16xf32>,
          tpu.vector_store %arg16[%parallel_loop3A_197, %parallel_loop3A_198], %parallel_loop3A_196 {strides = array<i32>} : memref<96x144xf32, #tpu.memory_space<vmem>>, vector<16xf32>,
          %parallel_loop3A_200 = arith.mulf %parallel_loop3A_177, %parallel_loop3A_195 : vector<16xf32>
          %parallel_loop3A_201 = arith.index_cast %parallel_loop3A_152 : i32 to index
          %parallel_loop3A_202 = arith.constant 48 : index
          %parallel_loop3A_203 = tpu.vector_load %arg16[%parallel_loop3A_201, %parallel_loop3A_202] {strides = array<i32>} : memref<96x144xf32, #tpu.memory_space<vmem>>, vector<16xf32>,
          tpu.vector_store %arg16[%parallel_loop3A_201, %parallel_loop3A_202], %parallel_loop3A_200 {strides = array<i32>} : memref<96x144xf32, #tpu.memory_space<vmem>>, vector<16xf32>,
          %parallel_loop3A_204 = arith.index_cast %parallel_loop3A_152 : i32 to index
          %parallel_loop3A_205 = arith.constant 64 : index
          %parallel_loop3A_206 = tpu.vector_load %arg10[%parallel_loop3A_204, %parallel_loop3A_205] {strides = array<i32>} : memref<96x128xbf16, #tpu.memory_space<vmem>>, vector<32xbf16>,
          %parallel_loop3A_207 = tpu.unpack_subelements %parallel_loop3A_206, 0 {pack_format = #tpu.pack_format<interleaved>} : vector<32xbf16> -> vector<16xf32>
          %parallel_loop3A_208 = tpu.unpack_subelements %parallel_loop3A_206, 1 {pack_format = #tpu.pack_format<interleaved>} : vector<32xbf16> -> vector<16xf32>
          %parallel_loop3A_209 = arith.mulf %parallel_loop3A_177, %parallel_loop3A_207 : vector<16xf32>
          %parallel_loop3A_210 = arith.index_cast %parallel_loop3A_152 : i32 to index
          %parallel_loop3A_211 = arith.constant 64 : index
          %parallel_loop3A_212 = tpu.vector_load %arg16[%parallel_loop3A_210, %parallel_loop3A_211] {strides = array<i32>} : memref<96x144xf32, #tpu.memory_space<vmem>>, vector<16xf32>,
          tpu.vector_store %arg16[%parallel_loop3A_210, %parallel_loop3A_211], %parallel_loop3A_209 {strides = array<i32>} : memref<96x144xf32, #tpu.memory_space<vmem>>, vector<16xf32>,
          %parallel_loop3A_213 = arith.mulf %parallel_loop3A_177, %parallel_loop3A_208 : vector<16xf32>
          %parallel_loop3A_214 = arith.index_cast %parallel_loop3A_152 : i32 to index
          %parallel_loop3A_215 = arith.constant 80 : index
          %parallel_loop3A_216 = tpu.vector_load %arg16[%parallel_loop3A_214, %parallel_loop3A_215] {strides = array<i32>} : memref<96x144xf32, #tpu.memory_space<vmem>>, vector<16xf32>,
          tpu.vector_store %arg16[%parallel_loop3A_214, %parallel_loop3A_215], %parallel_loop3A_213 {strides = array<i32>} : memref<96x144xf32, #tpu.memory_space<vmem>>, vector<16xf32>,
          %parallel_loop3A_217 = arith.index_cast %parallel_loop3A_152 : i32 to index
          %parallel_loop3A_218 = arith.constant 96 : index
          %parallel_loop3A_219 = tpu.vector_load %arg10[%parallel_loop3A_217, %parallel_loop3A_218] {strides = array<i32>} : memref<96x128xbf16, #tpu.memory_space<vmem>>, vector<32xbf16>,
          %parallel_loop3A_220 = tpu.unpack_subelements %parallel_loop3A_219, 0 {pack_format = #tpu.pack_format<interleaved>} : vector<32xbf16> -> vector<16xf32>
          %parallel_loop3A_221 = tpu.unpack_subelements %parallel_loop3A_219, 1 {pack_format = #tpu.pack_format<interleaved>} : vector<32xbf16> -> vector<16xf32>
          %parallel_loop3A_222 = arith.mulf %parallel_loop3A_177, %parallel_loop3A_220 : vector<16xf32>
          %parallel_loop3A_223 = arith.index_cast %parallel_loop3A_152 : i32 to index
          %parallel_loop3A_224 = arith.constant 96 : index
          %parallel_loop3A_225 = tpu.vector_load %arg16[%parallel_loop3A_223, %parallel_loop3A_224] {strides = array<i32>} : memref<96x144xf32, #tpu.memory_space<vmem>>, vector<16xf32>,
          tpu.vector_store %arg16[%parallel_loop3A_223, %parallel_loop3A_224], %parallel_loop3A_222 {strides = array<i32>} : memref<96x144xf32, #tpu.memory_space<vmem>>, vector<16xf32>,
          %parallel_loop3A_226 = arith.mulf %parallel_loop3A_177, %parallel_loop3A_221 : vector<16xf32>
          %parallel_loop3A_227 = arith.index_cast %parallel_loop3A_152 : i32 to index
          %parallel_loop3A_228 = arith.constant 112 : index
          %parallel_loop3A_229 = tpu.vector_load %arg16[%parallel_loop3A_227, %parallel_loop3A_228] {strides = array<i32>} : memref<96x144xf32, #tpu.memory_space<vmem>>, vector<16xf32>,
          tpu.vector_store %arg16[%parallel_loop3A_227, %parallel_loop3A_228], %parallel_loop3A_226 {strides = array<i32>} : memref<96x144xf32, #tpu.memory_space<vmem>>, vector<16xf32>,
        } {sc.loop_unroll_factor = 4 : i64, sc.parallel_access}
        "tpu.region"() ({
          %run_scoped3A = tpu.sem_alloc : memref<!tpu.dma_semaphore, #tpu.memory_space<semaphore_mem>>
          %dma_start3A_152 = arith.constant 0 : i32
          %dma_start3A_153 = tpu.memref_slice %arg9[%add3A_95, %dma_start3A_152] : memref<18x96xi32, #tpu.memory_space<vmem>> -> memref<1x96xi32, #tpu.memory_space<vmem>>
          %dma_start3A_154 = tpu.memref_squeeze %dma_start3A_153 : memref<1x96xi32, #tpu.memory_space<vmem>> -> memref<96xi32, #tpu.memory_space<vmem>>
          %dma_start3A_155 = arith.constant 0 : i32
          %dma_start3A_156 = arith.constant 0 : i32
          %dma_start3A_157 = tpu.memref_slice %arg17[%dma_start3A_155, %dma_start3A_156] : memref<10240x144xf32, #tpu.memory_space<vmem_shared>> -> memref<10240x144xf32, #tpu.memory_space<vmem_shared>>
          tpu.enqueue_indirect_dma source(%arg16 : memref<96x144xf32, #tpu.memory_space<vmem>>) target(%dma_start3A_157 : memref<10240x144xf32, #tpu.memory_space<vmem_shared>>) offsets(%dma_start3A_154 : memref<96xi32, #tpu.memory_space<vmem>>) semaphore(%run_scoped3A : memref<!tpu.dma_semaphore, #tpu.memory_space<semaphore_mem>>) {add = true}
          %dma_wait3A_158 = arith.constant 0 : i32
          %dma_wait3A_159 = tpu.memref_slice %arg9[%add3A_95, %dma_wait3A_158] : memref<18x96xi32, #tpu.memory_space<vmem>> -> memref<1x96xi32, #tpu.memory_space<vmem>>
          %dma_wait3A_160 = tpu.memref_squeeze %dma_wait3A_159 : memref<1x96xi32, #tpu.memory_space<vmem>> -> memref<96xi32, #tpu.memory_space<vmem>>
          %dma_wait3A_161 = arith.constant 0 : i32
          %dma_wait3A_162 = arith.constant 0 : i32
          %dma_wait3A_163 = tpu.memref_slice %arg17[%dma_wait3A_161, %dma_wait3A_162] : memref<10240x144xf32, #tpu.memory_space<vmem_shared>> -> memref<10240x144xf32, #tpu.memory_space<vmem_shared>>
          tpu.wait_indirect_dma semaphore(%run_scoped3A : memref<!tpu.dma_semaphore, #tpu.memory_space<semaphore_mem>>) src(%arg16 : memref<96x144xf32, #tpu.memory_space<vmem>>) dst(%dma_wait3A_163 : memref<10240x144xf32, #tpu.memory_space<vmem_shared>>)
          tpu.yield
        }) : () -> ()
        %mul3A_120 = arith.constant 2 : i32
        %mul3A_121 = arith.muli %scan3A_91, %mul3A_120 : i32
        %add3A_122 = arith.constant 1 : i32
        %add3A_123 = arith.addi %mul3A_121, %add3A_122 : i32
        %add3A_124 = arith.constant 1 : i32
        %add3A_125 = arith.addi %add3A_123, %add3A_124 : i32
        %lt3A_126 = arith.constant 18 : i32
        %lt3A_127 = arith.cmpi slt, %add3A_125, %lt3A_126 : i32
        %convert_element_type3A_128 = arith.extui %lt3A_127 : i1 to i32
        %cond3A_129 = arith.constant 0 : i32
        %cond3A_130 = arith.cmpi ne, %convert_element_type3A_128, %cond3A_129 : i32
        scf.if %cond3A_130 {
          %add3A_152 = arith.constant 1 : i32
          %add3A_153 = arith.addi %add3A_123, %add3A_152 : i32
          %dma_start3A_154 = arith.constant 0 : i32
          %dma_start3A_155 = tpu.memref_slice %arg8[%add3A_153, %dma_start3A_154] : memref<18x96xi32, #tpu.memory_space<vmem>> -> memref<1x96xi32, #tpu.memory_space<vmem>>
          %dma_start3A_156 = tpu.memref_squeeze %dma_start3A_155 : memref<1x96xi32, #tpu.memory_space<vmem>> -> memref<96xi32, #tpu.memory_space<vmem>>
          %dma_start3A_157 = arith.constant 0 : i32
          %dma_start3A_158 = arith.constant 0 : i32
          %dma_start3A_159 = tpu.memref_slice %arg2[%dma_start3A_157, %dma_start3A_158] : memref<10240x128xbf16, #tpu.memory_space<hbm>> -> memref<10240x128xbf16, #tpu.memory_space<hbm>>
          tpu.enqueue_indirect_dma source(%dma_start3A_159 : memref<10240x128xbf16, #tpu.memory_space<hbm>>) target(%arg10 : memref<96x128xbf16, #tpu.memory_space<vmem>>) offsets(%dma_start3A_156 : memref<96xi32, #tpu.memory_space<vmem>>) semaphore(%arg18 : memref<!tpu.dma_semaphore, #tpu.memory_space<semaphore_mem>>)
          %add3A_160 = arith.constant 1 : i32
          %add3A_161 = arith.addi %add3A_123, %add3A_160 : i32
          %dma_start3A_162 = arith.constant 0 : i32
          %dma_start3A_163 = tpu.memref_slice %arg8[%add3A_161, %dma_start3A_162] : memref<18x96xi32, #tpu.memory_space<vmem>> -> memref<1x96xi32, #tpu.memory_space<vmem>>
          %dma_start3A_164 = tpu.memref_squeeze %dma_start3A_163 : memref<1x96xi32, #tpu.memory_space<vmem>> -> memref<96xi32, #tpu.memory_space<vmem>>
          %dma_start3A_165 = arith.constant 0 : i32
          %dma_start3A_166 = arith.constant 0 : i32
          %dma_start3A_167 = tpu.memref_slice %arg3[%dma_start3A_165, %dma_start3A_166] : memref<10240x16xf32, #tpu.memory_space<hbm>> -> memref<10240x16xf32, #tpu.memory_space<hbm>>
          tpu.enqueue_indirect_dma source(%dma_start3A_167 : memref<10240x16xf32, #tpu.memory_space<hbm>>) target(%arg12 : memref<96x16xf32, #tpu.memory_space<vmem>>) offsets(%dma_start3A_164 : memref<96xi32, #tpu.memory_space<vmem>>) semaphore(%arg20 : memref<!tpu.dma_semaphore, #tpu.memory_space<semaphore_mem>>)
          %add3A_168 = arith.constant 1 : i32
          %add3A_169 = arith.addi %add3A_123, %add3A_168 : i32
          %dma_start3A_170 = arith.constant 0 : i32
          %dma_start3A_171 = tpu.memref_slice %arg9[%add3A_169, %dma_start3A_170] : memref<18x96xi32, #tpu.memory_space<vmem>> -> memref<1x96xi32, #tpu.memory_space<vmem>>
          %dma_start3A_172 = tpu.memref_squeeze %dma_start3A_171 : memref<1x96xi32, #tpu.memory_space<vmem>> -> memref<96xi32, #tpu.memory_space<vmem>>
          %dma_start3A_173 = arith.constant 0 : i32
          %dma_start3A_174 = arith.constant 0 : i32
          %dma_start3A_175 = tpu.memref_slice %arg4[%dma_start3A_173, %dma_start3A_174] : memref<10240x16xf32, #tpu.memory_space<hbm>> -> memref<10240x16xf32, #tpu.memory_space<hbm>>
          tpu.enqueue_indirect_dma source(%dma_start3A_175 : memref<10240x16xf32, #tpu.memory_space<hbm>>) target(%arg14 : memref<96x16xf32, #tpu.memory_space<vmem>>) offsets(%dma_start3A_172 : memref<96xi32, #tpu.memory_space<vmem>>) semaphore(%arg22 : memref<!tpu.dma_semaphore, #tpu.memory_space<semaphore_mem>>)
        } else {
        }
        %dma_wait3A_131 = arith.constant 0 : i32
        %dma_wait3A_132 = arith.constant 0 : i32
        %dma_wait3A_133 = tpu.memref_slice %arg2[%dma_wait3A_131, %dma_wait3A_132] : memref<10240x128xbf16, #tpu.memory_space<hbm>> -> memref<96x128xbf16, #tpu.memory_space<hbm>>
        %dma_wait3A_134 = arith.constant 0 : i32
        %dma_wait3A_135 = arith.constant 0 : i32
        %dma_wait3A_136 = tpu.memref_slice %arg2[%dma_wait3A_134, %dma_wait3A_135] : memref<10240x128xbf16, #tpu.memory_space<hbm>> -> memref<96x128xbf16, #tpu.memory_space<hbm>>
        tpu.wait_dma2 semaphore(%arg19 : memref<!tpu.dma_semaphore, #tpu.memory_space<semaphore_mem>>) src(%dma_wait3A_136 : memref<96x128xbf16, #tpu.memory_space<hbm>>) dst(%arg11 : memref<96x128xbf16, #tpu.memory_space<vmem>>)
        %dma_wait3A_137 = arith.constant 0 : i32
        %dma_wait3A_138 = arith.constant 0 : i32
        %dma_wait3A_139 = tpu.memref_slice %arg3[%dma_wait3A_137, %dma_wait3A_138] : memref<10240x16xf32, #tpu.memory_space<hbm>> -> memref<96x16xf32, #tpu.memory_space<hbm>>
        %dma_wait3A_140 = arith.constant 0 : i32
        %dma_wait3A_141 = arith.constant 0 : i32
        %dma_wait3A_142 = tpu.memref_slice %arg3[%dma_wait3A_140, %dma_wait3A_141] : memref<10240x16xf32, #tpu.memory_space<hbm>> -> memref<96x16xf32, #tpu.memory_space<hbm>>
        tpu.wait_dma2 semaphore(%arg21 : memref<!tpu.dma_semaphore, #tpu.memory_space<semaphore_mem>>) src(%dma_wait3A_142 : memref<96x16xf32, #tpu.memory_space<hbm>>) dst(%arg13 : memref<96x16xf32, #tpu.memory_space<vmem>>)
        %dma_wait3A_143 = arith.constant 0 : i32
        %dma_wait3A_144 = arith.constant 0 : i32
        %dma_wait3A_145 = tpu.memref_slice %arg4[%dma_wait3A_143, %dma_wait3A_144] : memref<10240x16xf32, #tpu.memory_space<hbm>> -> memref<96x16xf32, #tpu.memory_space<hbm>>
        %dma_wait3A_146 = arith.constant 0 : i32
        %dma_wait3A_147 = arith.constant 0 : i32
        %dma_wait3A_148 = tpu.memref_slice %arg4[%dma_wait3A_146, %dma_wait3A_147] : memref<10240x16xf32, #tpu.memory_space<hbm>> -> memref<96x16xf32, #tpu.memory_space<hbm>>
        tpu.wait_dma2 semaphore(%arg23 : memref<!tpu.dma_semaphore, #tpu.memory_space<semaphore_mem>>) src(%dma_wait3A_148 : memref<96x16xf32, #tpu.memory_space<hbm>>) dst(%arg15 : memref<96x16xf32, #tpu.memory_space<vmem>>)
        %parallel_loop3A_149 = arith.constant 0 : i32
        %parallel_loop3A_150 = arith.constant 96 : i32
        %parallel_loop3A_151 = arith.constant 1 : i32
        scf.for %parallel_loop3A_152 = %parallel_loop3A_149 to %parallel_loop3A_150 step %parallel_loop3A_151  : i32 {
          %parallel_loop3A_153 = arith.index_cast %parallel_loop3A_152 : i32 to index
          %parallel_loop3A_154 = arith.constant 0 : index
          %parallel_loop3A_155 = tpu.vector_load %arg13[%parallel_loop3A_153, %parallel_loop3A_154] {strides = array<i32>} : memref<96x16xf32, #tpu.memory_space<vmem>>, vector<16xf32>,
          %parallel_loop3A_156 = arith.index_cast %parallel_loop3A_152 : i32 to index
          %parallel_loop3A_157 = arith.constant 0 : index
          %parallel_loop3A_158 = tpu.vector_load %arg15[%parallel_loop3A_156, %parallel_loop3A_157] {strides = array<i32>} : memref<96x16xf32, #tpu.memory_space<vmem>>, vector<16xf32>,
          %parallel_loop3A_159 = arith.addf %parallel_loop3A_155, %parallel_loop3A_158 : vector<16xf32>
          %parallel_loop3A_160 = arith.constant 0.000000e+00 : f32
          %parallel_loop3A_161 = vector.broadcast %parallel_loop3A_160 : f32 to vector<16xf32>
          %parallel_loop3A_162 = arith.cmpf ogt, %parallel_loop3A_159, %parallel_loop3A_161 : vector<16xf32>
          %parallel_loop3A_163 = arith.constant 2.000000e-01 : f32
          %parallel_loop3A_164 = vector.broadcast %parallel_loop3A_163 : f32 to vector<16xf32>
          %parallel_loop3A_165 = arith.mulf %parallel_loop3A_164, %parallel_loop3A_159 : vector<16xf32>
          %parallel_loop3A_166 = arith.select %parallel_loop3A_162, %parallel_loop3A_159, %parallel_loop3A_165 : vector<16xi1>, vector<16xf32>
          %parallel_loop3A_167 = math.exp %parallel_loop3A_166 : vector<16xf32>
          %parallel_loop3A_168 = arith.constant 0.000000e+00 : f32
          %parallel_loop3A_169 = vector.broadcast %parallel_loop3A_168 : f32 to vector<16xf32>
          %parallel_loop3A_170 = arith.select %lt3A_43, %parallel_loop3A_167, %parallel_loop3A_169 : vector<16xi1>, vector<16xf32>
          %parallel_loop3A_171 = arith.index_cast %parallel_loop3A_152 : i32 to index
          %parallel_loop3A_172 = arith.constant 128 : index
          %parallel_loop3A_173 = tpu.vector_load %arg16[%parallel_loop3A_171, %parallel_loop3A_172] {strides = array<i32>} : memref<96x144xf32, #tpu.memory_space<vmem>>, vector<16xf32>,
          tpu.vector_store %arg16[%parallel_loop3A_171, %parallel_loop3A_172], %parallel_loop3A_170 {strides = array<i32>} : memref<96x144xf32, #tpu.memory_space<vmem>>, vector<16xf32>,
          %parallel_loop3A_174 = arith.constant 0 : i32
          %parallel_loop3A_175 = vector.broadcast %parallel_loop3A_174 : i32 to vector<16x1xi32>
          %parallel_loop3A_176 = vector.shape_cast %parallel_loop3A_175 : vector<16x1xi32> to vector<16xi32>
          %parallel_loop3A_177 = tpu.dynamic_gather %parallel_loop3A_170[%parallel_loop3A_176] in [0] : vector<16xf32>, vector<16xi32> -> vector<16xf32>
          %parallel_loop3A_178 = arith.index_cast %parallel_loop3A_152 : i32 to index
          %parallel_loop3A_179 = arith.constant 0 : index
          %parallel_loop3A_180 = tpu.vector_load %arg11[%parallel_loop3A_178, %parallel_loop3A_179] {strides = array<i32>} : memref<96x128xbf16, #tpu.memory_space<vmem>>, vector<32xbf16>,
          %parallel_loop3A_181 = tpu.unpack_subelements %parallel_loop3A_180, 0 {pack_format = #tpu.pack_format<interleaved>} : vector<32xbf16> -> vector<16xf32>
          %parallel_loop3A_182 = tpu.unpack_subelements %parallel_loop3A_180, 1 {pack_format = #tpu.pack_format<interleaved>} : vector<32xbf16> -> vector<16xf32>
          %parallel_loop3A_183 = arith.mulf %parallel_loop3A_177, %parallel_loop3A_181 : vector<16xf32>
          %parallel_loop3A_184 = arith.index_cast %parallel_loop3A_152 : i32 to index
          %parallel_loop3A_185 = arith.constant 0 : index
          %parallel_loop3A_186 = tpu.vector_load %arg16[%parallel_loop3A_184, %parallel_loop3A_185] {strides = array<i32>} : memref<96x144xf32, #tpu.memory_space<vmem>>, vector<16xf32>,
          tpu.vector_store %arg16[%parallel_loop3A_184, %parallel_loop3A_185], %parallel_loop3A_183 {strides = array<i32>} : memref<96x144xf32, #tpu.memory_space<vmem>>, vector<16xf32>,
          %parallel_loop3A_187 = arith.mulf %parallel_loop3A_177, %parallel_loop3A_182 : vector<16xf32>
          %parallel_loop3A_188 = arith.index_cast %parallel_loop3A_152 : i32 to index
          %parallel_loop3A_189 = arith.constant 16 : index
          %parallel_loop3A_190 = tpu.vector_load %arg16[%parallel_loop3A_188, %parallel_loop3A_189] {strides = array<i32>} : memref<96x144xf32, #tpu.memory_space<vmem>>, vector<16xf32>,
          tpu.vector_store %arg16[%parallel_loop3A_188, %parallel_loop3A_189], %parallel_loop3A_187 {strides = array<i32>} : memref<96x144xf32, #tpu.memory_space<vmem>>, vector<16xf32>,
          %parallel_loop3A_191 = arith.index_cast %parallel_loop3A_152 : i32 to index
          %parallel_loop3A_192 = arith.constant 32 : index
          %parallel_loop3A_193 = tpu.vector_load %arg11[%parallel_loop3A_191, %parallel_loop3A_192] {strides = array<i32>} : memref<96x128xbf16, #tpu.memory_space<vmem>>, vector<32xbf16>,
          %parallel_loop3A_194 = tpu.unpack_subelements %parallel_loop3A_193, 0 {pack_format = #tpu.pack_format<interleaved>} : vector<32xbf16> -> vector<16xf32>
          %parallel_loop3A_195 = tpu.unpack_subelements %parallel_loop3A_193, 1 {pack_format = #tpu.pack_format<interleaved>} : vector<32xbf16> -> vector<16xf32>
          %parallel_loop3A_196 = arith.mulf %parallel_loop3A_177, %parallel_loop3A_194 : vector<16xf32>
          %parallel_loop3A_197 = arith.index_cast %parallel_loop3A_152 : i32 to index
          %parallel_loop3A_198 = arith.constant 32 : index
          %parallel_loop3A_199 = tpu.vector_load %arg16[%parallel_loop3A_197, %parallel_loop3A_198] {strides = array<i32>} : memref<96x144xf32, #tpu.memory_space<vmem>>, vector<16xf32>,
          tpu.vector_store %arg16[%parallel_loop3A_197, %parallel_loop3A_198], %parallel_loop3A_196 {strides = array<i32>} : memref<96x144xf32, #tpu.memory_space<vmem>>, vector<16xf32>,
          %parallel_loop3A_200 = arith.mulf %parallel_loop3A_177, %parallel_loop3A_195 : vector<16xf32>
          %parallel_loop3A_201 = arith.index_cast %parallel_loop3A_152 : i32 to index
          %parallel_loop3A_202 = arith.constant 48 : index
          %parallel_loop3A_203 = tpu.vector_load %arg16[%parallel_loop3A_201, %parallel_loop3A_202] {strides = array<i32>} : memref<96x144xf32, #tpu.memory_space<vmem>>, vector<16xf32>,
          tpu.vector_store %arg16[%parallel_loop3A_201, %parallel_loop3A_202], %parallel_loop3A_200 {strides = array<i32>} : memref<96x144xf32, #tpu.memory_space<vmem>>, vector<16xf32>,
          %parallel_loop3A_204 = arith.index_cast %parallel_loop3A_152 : i32 to index
          %parallel_loop3A_205 = arith.constant 64 : index
          %parallel_loop3A_206 = tpu.vector_load %arg11[%parallel_loop3A_204, %parallel_loop3A_205] {strides = array<i32>} : memref<96x128xbf16, #tpu.memory_space<vmem>>, vector<32xbf16>,
          %parallel_loop3A_207 = tpu.unpack_subelements %parallel_loop3A_206, 0 {pack_format = #tpu.pack_format<interleaved>} : vector<32xbf16> -> vector<16xf32>
          %parallel_loop3A_208 = tpu.unpack_subelements %parallel_loop3A_206, 1 {pack_format = #tpu.pack_format<interleaved>} : vector<32xbf16> -> vector<16xf32>
          %parallel_loop3A_209 = arith.mulf %parallel_loop3A_177, %parallel_loop3A_207 : vector<16xf32>
          %parallel_loop3A_210 = arith.index_cast %parallel_loop3A_152 : i32 to index
          %parallel_loop3A_211 = arith.constant 64 : index
          %parallel_loop3A_212 = tpu.vector_load %arg16[%parallel_loop3A_210, %parallel_loop3A_211] {strides = array<i32>} : memref<96x144xf32, #tpu.memory_space<vmem>>, vector<16xf32>,
          tpu.vector_store %arg16[%parallel_loop3A_210, %parallel_loop3A_211], %parallel_loop3A_209 {strides = array<i32>} : memref<96x144xf32, #tpu.memory_space<vmem>>, vector<16xf32>,
          %parallel_loop3A_213 = arith.mulf %parallel_loop3A_177, %parallel_loop3A_208 : vector<16xf32>
          %parallel_loop3A_214 = arith.index_cast %parallel_loop3A_152 : i32 to index
          %parallel_loop3A_215 = arith.constant 80 : index
          %parallel_loop3A_216 = tpu.vector_load %arg16[%parallel_loop3A_214, %parallel_loop3A_215] {strides = array<i32>} : memref<96x144xf32, #tpu.memory_space<vmem>>, vector<16xf32>,
          tpu.vector_store %arg16[%parallel_loop3A_214, %parallel_loop3A_215], %parallel_loop3A_213 {strides = array<i32>} : memref<96x144xf32, #tpu.memory_space<vmem>>, vector<16xf32>,
          %parallel_loop3A_217 = arith.index_cast %parallel_loop3A_152 : i32 to index
          %parallel_loop3A_218 = arith.constant 96 : index
          %parallel_loop3A_219 = tpu.vector_load %arg11[%parallel_loop3A_217, %parallel_loop3A_218] {strides = array<i32>} : memref<96x128xbf16, #tpu.memory_space<vmem>>, vector<32xbf16>,
          %parallel_loop3A_220 = tpu.unpack_subelements %parallel_loop3A_219, 0 {pack_format = #tpu.pack_format<interleaved>} : vector<32xbf16> -> vector<16xf32>
          %parallel_loop3A_221 = tpu.unpack_subelements %parallel_loop3A_219, 1 {pack_format = #tpu.pack_format<interleaved>} : vector<32xbf16> -> vector<16xf32>
          %parallel_loop3A_222 = arith.mulf %parallel_loop3A_177, %parallel_loop3A_220 : vector<16xf32>
          %parallel_loop3A_223 = arith.index_cast %parallel_loop3A_152 : i32 to index
          %parallel_loop3A_224 = arith.constant 96 : index
          %parallel_loop3A_225 = tpu.vector_load %arg16[%parallel_loop3A_223, %parallel_loop3A_224] {strides = array<i32>} : memref<96x144xf32, #tpu.memory_space<vmem>>, vector<16xf32>,
          tpu.vector_store %arg16[%parallel_loop3A_223, %parallel_loop3A_224], %parallel_loop3A_222 {strides = array<i32>} : memref<96x144xf32, #tpu.memory_space<vmem>>, vector<16xf32>,
          %parallel_loop3A_226 = arith.mulf %parallel_loop3A_177, %parallel_loop3A_221 : vector<16xf32>
          %parallel_loop3A_227 = arith.index_cast %parallel_loop3A_152 : i32 to index
          %parallel_loop3A_228 = arith.constant 112 : index
          %parallel_loop3A_229 = tpu.vector_load %arg16[%parallel_loop3A_227, %parallel_loop3A_228] {strides = array<i32>} : memref<96x144xf32, #tpu.memory_space<vmem>>, vector<16xf32>,
          tpu.vector_store %arg16[%parallel_loop3A_227, %parallel_loop3A_228], %parallel_loop3A_226 {strides = array<i32>} : memref<96x144xf32, #tpu.memory_space<vmem>>, vector<16xf32>,
        } {sc.loop_unroll_factor = 4 : i64, sc.parallel_access}
        "tpu.region"() ({
          %run_scoped3A = tpu.sem_alloc : memref<!tpu.dma_semaphore, #tpu.memory_space<semaphore_mem>>
          %dma_start3A_152 = arith.constant 0 : i32
          %dma_start3A_153 = tpu.memref_slice %arg9[%add3A_123, %dma_start3A_152] : memref<18x96xi32, #tpu.memory_space<vmem>> -> memref<1x96xi32, #tpu.memory_space<vmem>>
          %dma_start3A_154 = tpu.memref_squeeze %dma_start3A_153 : memref<1x96xi32, #tpu.memory_space<vmem>> -> memref<96xi32, #tpu.memory_space<vmem>>
          %dma_start3A_155 = arith.constant 0 : i32
          %dma_start3A_156 = arith.constant 0 : i32
          %dma_start3A_157 = tpu.memref_slice %arg17[%dma_start3A_155, %dma_start3A_156] : memref<10240x144xf32, #tpu.memory_space<vmem_shared>> -> memref<10240x144xf32, #tpu.memory_space<vmem_shared>>
          tpu.enqueue_indirect_dma source(%arg16 : memref<96x144xf32, #tpu.memory_space<vmem>>) target(%dma_start3A_157 : memref<10240x144xf32, #tpu.memory_space<vmem_shared>>) offsets(%dma_start3A_154 : memref<96xi32, #tpu.memory_space<vmem>>) semaphore(%run_scoped3A : memref<!tpu.dma_semaphore, #tpu.memory_space<semaphore_mem>>) {add = true}
          %dma_wait3A_158 = arith.constant 0 : i32
          %dma_wait3A_159 = tpu.memref_slice %arg9[%add3A_123, %dma_wait3A_158] : memref<18x96xi32, #tpu.memory_space<vmem>> -> memref<1x96xi32, #tpu.memory_space<vmem>>
          %dma_wait3A_160 = tpu.memref_squeeze %dma_wait3A_159 : memref<1x96xi32, #tpu.memory_space<vmem>> -> memref<96xi32, #tpu.memory_space<vmem>>
          %dma_wait3A_161 = arith.constant 0 : i32
          %dma_wait3A_162 = arith.constant 0 : i32
          %dma_wait3A_163 = tpu.memref_slice %arg17[%dma_wait3A_161, %dma_wait3A_162] : memref<10240x144xf32, #tpu.memory_space<vmem_shared>> -> memref<10240x144xf32, #tpu.memory_space<vmem_shared>>
          tpu.wait_indirect_dma semaphore(%run_scoped3A : memref<!tpu.dma_semaphore, #tpu.memory_space<semaphore_mem>>) src(%arg16 : memref<96x144xf32, #tpu.memory_space<vmem>>) dst(%dma_wait3A_163 : memref<10240x144xf32, #tpu.memory_space<vmem_shared>>)
          tpu.yield
        }) : () -> ()
      }
      %scan3A_90 = arith.constant 9 : i32
    }
    %barrier3A_53 = arith.constant 0 : index
    tpu.barrier barrier_id(%barrier3A_53)
    %mul3A_54 = arith.constant 640 : i32
    %mul3A_55 = arith.muli %arg1, %mul3A_54 : i32
    %mul3A_56 = arith.constant 640 : i32
    %mul3A_57 = arith.muli %arg1, %mul3A_56 : i32
    "tpu.region"() ({
      %run_scoped3A = tpu.sem_alloc : memref<!tpu.dma_semaphore, #tpu.memory_space<semaphore_mem>>
      %dma_start3A = arith.constant 0 : i32
      %dma_start3A_58 = tpu.memref_slice %arg7[%arg0, %mul3A_57, %dma_start3A] : memref<2x10240x144xf32, #tpu.memory_space<hbm>> -> memref<1x640x144xf32, #tpu.memory_space<hbm>>
      %dma_start3A_59 = tpu.memref_squeeze %dma_start3A_58 : memref<1x640x144xf32, #tpu.memory_space<hbm>> -> memref<640x144xf32, #tpu.memory_space<hbm>>
      %dma_start3A_60 = arith.constant 0 : i32
      %dma_start3A_61 = tpu.memref_slice %arg17[%mul3A_55, %dma_start3A_60] : memref<10240x144xf32, #tpu.memory_space<vmem_shared>> -> memref<640x144xf32, #tpu.memory_space<vmem_shared>>
      tpu.enqueue_dma source(%dma_start3A_61 : memref<640x144xf32, #tpu.memory_space<vmem_shared>>) target(%dma_start3A_59 : memref<640x144xf32, #tpu.memory_space<hbm>>) target_semaphore(%run_scoped3A : memref<!tpu.dma_semaphore, #tpu.memory_space<semaphore_mem>>)
      %dma_wait3A = arith.constant 0 : i32
      %dma_wait3A_62 = tpu.memref_slice %arg7[%arg0, %mul3A_57, %dma_wait3A] : memref<2x10240x144xf32, #tpu.memory_space<hbm>> -> memref<1x640x144xf32, #tpu.memory_space<hbm>>
      %dma_wait3A_63 = tpu.memref_squeeze %dma_wait3A_62 : memref<1x640x144xf32, #tpu.memory_space<hbm>> -> memref<640x144xf32, #tpu.memory_space<hbm>>
      %dma_wait3A_64 = arith.constant 0 : i32
      %dma_wait3A_65 = tpu.memref_slice %arg17[%mul3A_55, %dma_wait3A_64] : memref<10240x144xf32, #tpu.memory_space<vmem_shared>> -> memref<640x144xf32, #tpu.memory_space<vmem_shared>>
      tpu.wait_dma2 semaphore(%run_scoped3A : memref<!tpu.dma_semaphore, #tpu.memory_space<semaphore_mem>>) src(%dma_wait3A_65 : memref<640x144xf32, #tpu.memory_space<vmem_shared>>) dst(%dma_wait3A_63 : memref<640x144xf32, #tpu.memory_space<hbm>>)
      tpu.yield
    }) : () -> ()
    return
  }
}

module attributes {stable_mosaic.version = 14 : i64} {
  func.func @_mm_body(%arg0: i32, %arg1: memref<512x128xf32, #tpu.memory_space<vmem>>, %arg2: memref<128x128xf32, #tpu.memory_space<vmem>>, %arg3: memref<128x16xf32, #tpu.memory_space<vmem>>, %arg4: memref<128x16xf32, #tpu.memory_space<vmem>>, %arg5: memref<512x128xbf16, #tpu.memory_space<vmem>>, %arg6: memref<512x16xf32, #tpu.memory_space<vmem>>, %arg7: memref<512x16xf32, #tpu.memory_space<vmem>>) attributes {dimension_semantics = [#tpu.dimension_semantics<arbitrary>], iteration_bounds = array<i64: 20>, scalar_prefetch = 0 : i64, scratch_operands = 0 : i64, tpu.core_type = #tpu.core_type<tc>, window_params = [{transform_indices = @transform_0, window_bounds = array<i64: 512, 128>}, {pipeline_mode = #tpu.pipeline_mode<synchronous>, transform_indices = @transform_1, window_bounds = array<i64: 128, 128>}, {pipeline_mode = #tpu.pipeline_mode<synchronous>, transform_indices = @transform_2, window_bounds = array<i64: 128, 16>}, {pipeline_mode = #tpu.pipeline_mode<synchronous>, transform_indices = @transform_3, window_bounds = array<i64: 128, 16>}, {transform_indices = @transform_4, window_bounds = array<i64: 512, 128>}, {transform_indices = @transform_5, window_bounds = array<i64: 512, 16>}, {transform_indices = @transform_6, window_bounds = array<i64: 512, 16>}]} {
    %get3A = arith.constant 0 : index
    %get3A_0 = arith.constant 0 : index
    %get3A_1 = vector.load %arg1[%get3A, %get3A_0] : memref<512x128xf32, #tpu.memory_space<vmem>>, vector<512x128xf32>
    %get3A_2 = arith.constant 0 : index
    %get3A_3 = arith.constant 0 : index
    %get3A_4 = vector.load %arg2[%get3A_2, %get3A_3] : memref<128x128xf32, #tpu.memory_space<vmem>>, vector<128x128xf32>
    %dot_general3A = arith.constant dense<0.000000e+00> : vector<512x128xf32>
    %dot_general3A_5 = tpu.matmul %get3A_1, %get3A_4, %dot_general3A {dimension_numbers = #tpu.dot_dimension_numbers<[1], [0], [0], [1], [0, 0, 1, 1], [], []>, precision = #tpu.contract_precision<fp32>, transpose_lhs_hint = false} : vector<512x128xf32>, vector<128x128xf32>, vector<512x128xf32> -> vector<512x128xf32>
    %convert_element_type3A = arith.truncf %dot_general3A_5 : vector<512x128xf32> to vector<512x128xbf16>
    %swap3A = arith.constant 0 : index
    %swap3A_6 = arith.constant 0 : index
    %swap3A_7 = vector.load %arg5[%swap3A, %swap3A_6] : memref<512x128xbf16, #tpu.memory_space<vmem>>, vector<512x128xbf16>
    tpu.vector_store %arg5[%swap3A, %swap3A_6], %convert_element_type3A {strides = array<i32>} : memref<512x128xbf16, #tpu.memory_space<vmem>>, vector<512x128xbf16>,
    %get3A_8 = arith.constant 0 : index
    %get3A_9 = arith.constant 0 : index
    %get3A_10 = vector.load %arg3[%get3A_8, %get3A_9] : memref<128x16xf32, #tpu.memory_space<vmem>>, vector<128x16xf32>
    %dot_general3A_11 = arith.constant dense<0.000000e+00> : vector<512x16xf32>
    %dot_general3A_12 = tpu.matmul %get3A_1, %get3A_10, %dot_general3A_11 {dimension_numbers = #tpu.dot_dimension_numbers<[1], [0], [0], [1], [0, 0, 1, 1], [], []>, precision = #tpu.contract_precision<fp32>, transpose_lhs_hint = false} : vector<512x128xf32>, vector<128x16xf32>, vector<512x16xf32> -> vector<512x16xf32>
    %swap3A_13 = arith.constant 0 : index
    %swap3A_14 = arith.constant 0 : index
    %swap3A_15 = vector.load %arg6[%swap3A_13, %swap3A_14] : memref<512x16xf32, #tpu.memory_space<vmem>>, vector<512x16xf32>
    tpu.vector_store %arg6[%swap3A_13, %swap3A_14], %dot_general3A_12 {strides = array<i32>} : memref<512x16xf32, #tpu.memory_space<vmem>>, vector<512x16xf32>,
    %get3A_16 = arith.constant 0 : index
    %get3A_17 = arith.constant 0 : index
    %get3A_18 = vector.load %arg4[%get3A_16, %get3A_17] : memref<128x16xf32, #tpu.memory_space<vmem>>, vector<128x16xf32>
    %dot_general3A_19 = arith.constant dense<0.000000e+00> : vector<512x16xf32>
    %dot_general3A_20 = tpu.matmul %get3A_1, %get3A_18, %dot_general3A_19 {dimension_numbers = #tpu.dot_dimension_numbers<[1], [0], [0], [1], [0, 0, 1, 1], [], []>, precision = #tpu.contract_precision<fp32>, transpose_lhs_hint = false} : vector<512x128xf32>, vector<128x16xf32>, vector<512x16xf32> -> vector<512x16xf32>
    %swap3A_21 = arith.constant 0 : index
    %swap3A_22 = arith.constant 0 : index
    %swap3A_23 = vector.load %arg7[%swap3A_21, %swap3A_22] : memref<512x16xf32, #tpu.memory_space<vmem>>, vector<512x16xf32>
    tpu.vector_store %arg7[%swap3A_21, %swap3A_22], %dot_general3A_20 {strides = array<i32>} : memref<512x16xf32, #tpu.memory_space<vmem>>, vector<512x16xf32>,
    return
  }
  func.func @transform_0(%arg0: i32) -> (i32, i32) {
    %c0_i32 = arith.constant 0 : i32
    %c0_i32_0 = arith.constant 0 : i32
    return %arg0, %c0_i32 : i32, i32
  }
  func.func @transform_1(%arg0: i32) -> (i32, i32) {
    %c0_i32 = arith.constant 0 : i32
    %c0_i32_0 = arith.constant 0 : i32
    %c0_i32_1 = arith.constant 0 : i32
    return %c0_i32, %c0_i32_0 : i32, i32
  }
  func.func @transform_2(%arg0: i32) -> (i32, i32) {
    %c0_i32 = arith.constant 0 : i32
    %c0_i32_0 = arith.constant 0 : i32
    %c0_i32_1 = arith.constant 0 : i32
    return %c0_i32, %c0_i32_0 : i32, i32
  }
  func.func @transform_3(%arg0: i32) -> (i32, i32) {
    %c0_i32 = arith.constant 0 : i32
    %c0_i32_0 = arith.constant 0 : i32
    %c0_i32_1 = arith.constant 0 : i32
    return %c0_i32, %c0_i32_0 : i32, i32
  }
  func.func @transform_4(%arg0: i32) -> (i32, i32) {
    %c0_i32 = arith.constant 0 : i32
    %c0_i32_0 = arith.constant 0 : i32
    return %arg0, %c0_i32 : i32, i32
  }
  func.func @transform_5(%arg0: i32) -> (i32, i32) {
    %c0_i32 = arith.constant 0 : i32
    %c0_i32_0 = arith.constant 0 : i32
    return %arg0, %c0_i32 : i32, i32
  }
  func.func @transform_6(%arg0: i32) -> (i32, i32) {
    %c0_i32 = arith.constant 0 : i32
    %c0_i32_0 = arith.constant 0 : i32
    return %arg0, %c0_i32 : i32, i32
  }
}

module attributes {stable_mosaic.version = 14 : i64} {
  func.func @_prep2_body(%arg0: i32, %arg1: memref<2x512x144xf32, #tpu.memory_space<vmem>>, %arg2: memref<8x128xf32, #tpu.memory_space<vmem>>, %arg3: memref<1x128xf32, #tpu.memory_space<vmem>>, %arg4: memref<128x128xf32, #tpu.memory_space<vmem>>, %arg5: memref<128x16xf32, #tpu.memory_space<vmem>>, %arg6: memref<128x16xf32, #tpu.memory_space<vmem>>, %arg7: memref<512x128xbf16, #tpu.memory_space<vmem>>, %arg8: memref<512x16xf32, #tpu.memory_space<vmem>>, %arg9: memref<512x16xf32, #tpu.memory_space<vmem>>) attributes {dimension_semantics = [#tpu.dimension_semantics<arbitrary>], iteration_bounds = array<i64: 20>, scalar_prefetch = 0 : i64, scratch_operands = 0 : i64, tpu.core_type = #tpu.core_type<tc>, window_params = [{transform_indices = @transform_0, window_bounds = array<i64: 2, 512, 144>}, {pipeline_mode = #tpu.pipeline_mode<synchronous>, transform_indices = @transform_1, window_bounds = array<i64: 8, 128>}, {pipeline_mode = #tpu.pipeline_mode<synchronous>, transform_indices = @transform_2, window_bounds = array<i64: 1, 128>}, {pipeline_mode = #tpu.pipeline_mode<synchronous>, transform_indices = @transform_3, window_bounds = array<i64: 128, 128>}, {pipeline_mode = #tpu.pipeline_mode<synchronous>, transform_indices = @transform_4, window_bounds = array<i64: 128, 16>}, {pipeline_mode = #tpu.pipeline_mode<synchronous>, transform_indices = @transform_5, window_bounds = array<i64: 128, 16>}, {transform_indices = @transform_6, window_bounds = array<i64: 512, 128>}, {transform_indices = @transform_7, window_bounds = array<i64: 512, 16>}, {transform_indices = @transform_8, window_bounds = array<i64: 512, 16>}]} {
    %get3A = arith.constant 0 : index
    %get3A_0 = arith.constant 0 : index
    %get3A_1 = arith.constant 0 : index
    %get3A_2 = vector.load %arg1[%get3A, %get3A_0, %get3A_1] : memref<2x512x144xf32, #tpu.memory_space<vmem>>, vector<1x512x144xf32>
    %get3A_3 = vector.shape_cast %get3A_2 : vector<1x512x144xf32> to vector<512x144xf32>
    %get3A_4 = arith.constant 1 : index
    %get3A_5 = arith.constant 0 : index
    %get3A_6 = arith.constant 0 : index
    %get3A_7 = vector.load %arg1[%get3A_4, %get3A_5, %get3A_6] : memref<2x512x144xf32, #tpu.memory_space<vmem>>, vector<1x512x144xf32>
    %get3A_8 = vector.shape_cast %get3A_7 : vector<1x512x144xf32> to vector<512x144xf32>
    %add3A = arith.addf %get3A_3, %get3A_8 : vector<512x144xf32>
    %slice3A = vector.extract_strided_slice %add3A {offsets = [0, 128], sizes = [512, 8], strides = [1, 1]} : vector<512x144xf32> to vector<512x8xf32>
    %get3A_9 = arith.constant 0 : index
    %get3A_10 = arith.constant 0 : index
    %get3A_11 = vector.load %arg2[%get3A_9, %get3A_10] : memref<8x128xf32, #tpu.memory_space<vmem>>, vector<8x128xf32>
    %dot_general3A = arith.constant dense<0.000000e+00> : vector<512x128xf32>
    %dot_general3A_12 = tpu.matmul %slice3A, %get3A_11, %dot_general3A {dimension_numbers = #tpu.dot_dimension_numbers<[1], [0], [0], [1], [0, 0, 1, 1], [], []>, precision = #tpu.contract_precision<fp32>, transpose_lhs_hint = false} : vector<512x8xf32>, vector<8x128xf32>, vector<512x128xf32> -> vector<512x128xf32>
    %add3A_13 = arith.constant 1.000000e-16 : f32
    %add3A_14 = vector.broadcast %add3A_13 : f32 to vector<512x128xf32>
    %add3A_15 = arith.addf %dot_general3A_12, %add3A_14 : vector<512x128xf32>
    %slice3A_16 = vector.extract_strided_slice %add3A {offsets = [0, 0], sizes = [512, 128], strides = [1, 1]} : vector<512x144xf32> to vector<512x128xf32>
    %div3A = arith.divf %slice3A_16, %add3A_15 : vector<512x128xf32>
    %get3A_17 = arith.constant 0 : index
    %get3A_18 = arith.constant 0 : index
    %get3A_19 = vector.load %arg3[%get3A_17, %get3A_18] : memref<1x128xf32, #tpu.memory_space<vmem>>, vector<1x128xf32>
    %add3A_20 = vector.broadcast %get3A_19 : vector<1x128xf32> to vector<512x128xf32>
    %add3A_21 = arith.addf %div3A, %add3A_20 : vector<512x128xf32>
    %gt3A = arith.constant 0.000000e+00 : f32
    %gt3A_22 = vector.broadcast %gt3A : f32 to vector<512x128xf32>
    %gt3A_23 = arith.cmpf ogt, %add3A_21, %gt3A_22 : vector<512x128xf32>
    %exp3A = math.exp %add3A_21 : vector<512x128xf32>
    %sub3A = arith.constant 1.000000e+00 : f32
    %sub3A_24 = vector.broadcast %sub3A : f32 to vector<512x128xf32>
    %sub3A_25 = arith.subf %exp3A, %sub3A_24 : vector<512x128xf32>
    %select_n3A = arith.select %gt3A_23, %add3A_21, %sub3A_25 : vector<512x128xi1>, vector<512x128xf32>
    %get3A_26 = arith.constant 0 : index
    %get3A_27 = arith.constant 0 : index
    %get3A_28 = vector.load %arg4[%get3A_26, %get3A_27] : memref<128x128xf32, #tpu.memory_space<vmem>>, vector<128x128xf32>
    %dot_general3A_29 = arith.constant dense<0.000000e+00> : vector<512x128xf32>
    %dot_general3A_30 = tpu.matmul %select_n3A, %get3A_28, %dot_general3A_29 {dimension_numbers = #tpu.dot_dimension_numbers<[1], [0], [0], [1], [0, 0, 1, 1], [], []>, precision = #tpu.contract_precision<fp32>, transpose_lhs_hint = false} : vector<512x128xf32>, vector<128x128xf32>, vector<512x128xf32> -> vector<512x128xf32>
    %convert_element_type3A = arith.truncf %dot_general3A_30 : vector<512x128xf32> to vector<512x128xbf16>
    %swap3A = arith.constant 0 : index
    %swap3A_31 = arith.constant 0 : index
    %swap3A_32 = vector.load %arg7[%swap3A, %swap3A_31] : memref<512x128xbf16, #tpu.memory_space<vmem>>, vector<512x128xbf16>
    tpu.vector_store %arg7[%swap3A, %swap3A_31], %convert_element_type3A {strides = array<i32>} : memref<512x128xbf16, #tpu.memory_space<vmem>>, vector<512x128xbf16>,
    %get3A_33 = arith.constant 0 : index
    %get3A_34 = arith.constant 0 : index
    %get3A_35 = vector.load %arg5[%get3A_33, %get3A_34] : memref<128x16xf32, #tpu.memory_space<vmem>>, vector<128x16xf32>
    %dot_general3A_36 = arith.constant dense<0.000000e+00> : vector<512x16xf32>
    %dot_general3A_37 = tpu.matmul %select_n3A, %get3A_35, %dot_general3A_36 {dimension_numbers = #tpu.dot_dimension_numbers<[1], [0], [0], [1], [0, 0, 1, 1], [], []>, precision = #tpu.contract_precision<fp32>, transpose_lhs_hint = false} : vector<512x128xf32>, vector<128x16xf32>, vector<512x16xf32> -> vector<512x16xf32>
    %swap3A_38 = arith.constant 0 : index
    %swap3A_39 = arith.constant 0 : index
    %swap3A_40 = vector.load %arg8[%swap3A_38, %swap3A_39] : memref<512x16xf32, #tpu.memory_space<vmem>>, vector<512x16xf32>
    tpu.vector_store %arg8[%swap3A_38, %swap3A_39], %dot_general3A_37 {strides = array<i32>} : memref<512x16xf32, #tpu.memory_space<vmem>>, vector<512x16xf32>,
    %get3A_41 = arith.constant 0 : index
    %get3A_42 = arith.constant 0 : index
    %get3A_43 = vector.load %arg6[%get3A_41, %get3A_42] : memref<128x16xf32, #tpu.memory_space<vmem>>, vector<128x16xf32>
    %dot_general3A_44 = arith.constant dense<0.000000e+00> : vector<512x16xf32>
    %dot_general3A_45 = tpu.matmul %select_n3A, %get3A_43, %dot_general3A_44 {dimension_numbers = #tpu.dot_dimension_numbers<[1], [0], [0], [1], [0, 0, 1, 1], [], []>, precision = #tpu.contract_precision<fp32>, transpose_lhs_hint = false} : vector<512x128xf32>, vector<128x16xf32>, vector<512x16xf32> -> vector<512x16xf32>
    %swap3A_46 = arith.constant 0 : index
    %swap3A_47 = arith.constant 0 : index
    %swap3A_48 = vector.load %arg9[%swap3A_46, %swap3A_47] : memref<512x16xf32, #tpu.memory_space<vmem>>, vector<512x16xf32>
    tpu.vector_store %arg9[%swap3A_46, %swap3A_47], %dot_general3A_45 {strides = array<i32>} : memref<512x16xf32, #tpu.memory_space<vmem>>, vector<512x16xf32>,
    return
  }
  func.func @transform_0(%arg0: i32) -> (i32, i32, i32) {
    %c0_i32 = arith.constant 0 : i32
    %c0_i32_0 = arith.constant 0 : i32
    %c0_i32_1 = arith.constant 0 : i32
    return %c0_i32, %arg0, %c0_i32_0 : i32, i32, i32
  }
  func.func @transform_1(%arg0: i32) -> (i32, i32) {
    %c0_i32 = arith.constant 0 : i32
    %c0_i32_0 = arith.constant 0 : i32
    %c0_i32_1 = arith.constant 0 : i32
    return %c0_i32, %c0_i32_0 : i32, i32
  }
  func.func @transform_2(%arg0: i32) -> (i32, i32) {
    %c0_i32 = arith.constant 0 : i32
    %c0_i32_0 = arith.constant 0 : i32
    %c0_i32_1 = arith.constant 0 : i32
    return %c0_i32, %c0_i32_0 : i32, i32
  }
  func.func @transform_3(%arg0: i32) -> (i32, i32) {
    %c0_i32 = arith.constant 0 : i32
    %c0_i32_0 = arith.constant 0 : i32
    %c0_i32_1 = arith.constant 0 : i32
    return %c0_i32, %c0_i32_0 : i32, i32
  }
  func.func @transform_4(%arg0: i32) -> (i32, i32) {
    %c0_i32 = arith.constant 0 : i32
    %c0_i32_0 = arith.constant 0 : i32
    %c0_i32_1 = arith.constant 0 : i32
    return %c0_i32, %c0_i32_0 : i32, i32
  }
  func.func @transform_5(%arg0: i32) -> (i32, i32) {
    %c0_i32 = arith.constant 0 : i32
    %c0_i32_0 = arith.constant 0 : i32
    %c0_i32_1 = arith.constant 0 : i32
    return %c0_i32, %c0_i32_0 : i32, i32
  }
  func.func @transform_6(%arg0: i32) -> (i32, i32) {
    %c0_i32 = arith.constant 0 : i32
    %c0_i32_0 = arith.constant 0 : i32
    return %arg0, %c0_i32 : i32, i32
  }
  func.func @transform_7(%arg0: i32) -> (i32, i32) {
    %c0_i32 = arith.constant 0 : i32
    %c0_i32_0 = arith.constant 0 : i32
    return %arg0, %c0_i32 : i32, i32
  }
  func.func @transform_8(%arg0: i32) -> (i32, i32) {
    %c0_i32 = arith.constant 0 : i32
    %c0_i32_0 = arith.constant 0 : i32
    return %arg0, %c0_i32 : i32, i32
  }
}

module attributes {stable_mosaic.version = 14 : i64} {
  func.func @_final_body(%arg0: i32, %arg1: memref<2x512x144xf32, #tpu.memory_space<vmem>>, %arg2: memref<1x128xf32, #tpu.memory_space<vmem>>, %arg3: memref<512x128xf32, #tpu.memory_space<vmem>>) attributes {dimension_semantics = [#tpu.dimension_semantics<arbitrary>], iteration_bounds = array<i64: 20>, scalar_prefetch = 0 : i64, scratch_operands = 0 : i64, tpu.core_type = #tpu.core_type<tc>, window_params = [{transform_indices = @transform_0, window_bounds = array<i64: 2, 512, 144>}, {pipeline_mode = #tpu.pipeline_mode<synchronous>, transform_indices = @transform_1, window_bounds = array<i64: 1, 128>}, {transform_indices = @transform_2, window_bounds = array<i64: 512, 128>}]} {
    %get3A = arith.constant 0 : index
    %get3A_0 = arith.constant 0 : index
    %get3A_1 = arith.constant 0 : index
    %get3A_2 = vector.load %arg1[%get3A, %get3A_0, %get3A_1] : memref<2x512x144xf32, #tpu.memory_space<vmem>>, vector<1x512x144xf32>
    %get3A_3 = vector.shape_cast %get3A_2 : vector<1x512x144xf32> to vector<512x144xf32>
    %get3A_4 = arith.constant 1 : index
    %get3A_5 = arith.constant 0 : index
    %get3A_6 = arith.constant 0 : index
    %get3A_7 = vector.load %arg1[%get3A_4, %get3A_5, %get3A_6] : memref<2x512x144xf32, #tpu.memory_space<vmem>>, vector<1x512x144xf32>
    %get3A_8 = vector.shape_cast %get3A_7 : vector<1x512x144xf32> to vector<512x144xf32>
    %add3A = arith.addf %get3A_3, %get3A_8 : vector<512x144xf32>
    %slice3A = vector.extract_strided_slice %add3A {offsets = [0, 128], sizes = [512, 1], strides = [1, 1]} : vector<512x144xf32> to vector<512x1xf32>
    %add3A_9 = arith.constant 1.000000e-16 : f32
    %add3A_10 = vector.broadcast %add3A_9 : f32 to vector<512x1xf32>
    %add3A_11 = arith.addf %slice3A, %add3A_10 : vector<512x1xf32>
    %slice3A_12 = vector.extract_strided_slice %add3A {offsets = [0, 0], sizes = [512, 128], strides = [1, 1]} : vector<512x144xf32> to vector<512x128xf32>
    %div3A = vector.broadcast %add3A_11 : vector<512x1xf32> to vector<512x128xf32>
    %div3A_13 = arith.divf %slice3A_12, %div3A : vector<512x128xf32>
    %get3A_14 = arith.constant 0 : index
    %get3A_15 = arith.constant 0 : index
    %get3A_16 = vector.load %arg2[%get3A_14, %get3A_15] : memref<1x128xf32, #tpu.memory_space<vmem>>, vector<1x128xf32>
    %add3A_17 = vector.broadcast %get3A_16 : vector<1x128xf32> to vector<512x128xf32>
    %add3A_18 = arith.addf %div3A_13, %add3A_17 : vector<512x128xf32>
    %swap3A = arith.constant 0 : index
    %swap3A_19 = arith.constant 0 : index
    %swap3A_20 = vector.load %arg3[%swap3A, %swap3A_19] : memref<512x128xf32, #tpu.memory_space<vmem>>, vector<512x128xf32>
    tpu.vector_store %arg3[%swap3A, %swap3A_19], %add3A_18 {strides = array<i32>} : memref<512x128xf32, #tpu.memory_space<vmem>>, vector<512x128xf32>,
    return
  }
  func.func @transform_0(%arg0: i32) -> (i32, i32, i32) {
    %c0_i32 = arith.constant 0 : i32
    %c0_i32_0 = arith.constant 0 : i32
    %c0_i32_1 = arith.constant 0 : i32
    return %c0_i32, %arg0, %c0_i32_0 : i32, i32, i32
  }
  func.func @transform_1(%arg0: i32) -> (i32, i32) {
    %c0_i32 = arith.constant 0 : i32
    %c0_i32_0 = arith.constant 0 : i32
    %c0_i32_1 = arith.constant 0 : i32
    return %c0_i32, %c0_i32_0 : i32, i32
  }
  func.func @transform_2(%arg0: i32) -> (i32, i32) {
    %c0_i32 = arith.constant 0 : i32
    %c0_i32_0 = arith.constant 0 : i32
    return %arg0, %c0_i32 : i32, i32
  }
}

</mosaic_0001>

<sc_bundles>
// kernel: kernel.10.cloned.1.call-start
scs
__scs_entry_jumppad:
0x0: {  	(pc) =	sbr.rel $0x88, $3  }
0x1: {  	(tag) =	ssettag $0x0;
	lr =	simm.s32 $0x1  }
0x2: {  	[smem:$0x3F97] =	sst lr;
	_ =	strace $0xD0000000  }
0x3: {  	_ = 	snop  }
0x4: {  	_ = 	snop  }
0x5: {  	_ = 	snop  }
0x6: {  	_ = 	snop  }
0x7: {  	_ = 	snop  }
__scs_overlays_trampoline_lowered:
0x8: {  	[smem:$0x3FA6] =	sst s0  }
0x9: {  	[smem:$0x3FA7] =	sst s1  }
0xa: {  	[smem:$0x3FA8] =	sst s2  }
0xb: {  	[smem:$0x3FA9] =	sst s3  }
0xc: {  	[smem:$0x3FAA] =	sst s4  }
0xd: {  	[smem:$0x3FAB] =	sst s5  }
0xe: {  	[smem:$0x3FAC] =	sst s6  }
0xf: {  	[smem:$0x3FAD] =	sst s7  }
0x10: {  	[smem:$0x3FAE] =	sst s8  }
0x11: {  	[smem:$0x3FAF] =	sst s9;
	s0 =	simm.s32 @!p0 $0x0  }
0x12: {  	s1 =	sld [smem:$0x3F95];
	s0 =	simm.s32 @p0 $0x1  }
0x13: {  	[smem:$0x3FB0] =	sst s0;
	s0 =	simm.s32 @!p1 $0x0  }
0x14: {  	s2 =	sld [smem:$0x3F94];
	s0 =	simm.s32 @p1 $0x1  }
0x15: {  	[smem:$0x3FB1] =	sst s0;
	s0 =	simm.s32 @!p2 $0x0  }
0x16: {  	s3 =	sld [smem:$0x3FDB];
	s0 =	simm.s32 @p2 $0x1  }
0x17: {  	s4 =	simm.s32 $0x1BF5;
	[smem:$0x3FB3] =	sst s0  }
0x18: {  	s0 =	sld [smem:$0x3F96];
	_ =	swait.ge [sflag:s4], $0x0  }
0x19: {  	s7 =	sld [smem:$0x3F97]  }
0x1a: {  	s8 =	sadd.s32 $0xFFFFE003, lr  }
0x1b: {  	s9 =	sadd.s32 $0xFFFFFEF7, lr;
	s5 =	simm.s32 $0xFFFFFFFF;
	p2 =	slt.u32 s8, $0xFFFFF086  }
0x1c: {  	p1 =	slt.u32 s9, $0xF7A;
	s5 =	simm.s32 @!p2 $0x0  }
0x1d: {  	s5 =	simm.s32 @p1 $0x1;
	p0 =	seq.s32 s7, s2  }
0x1e: {  	s7 =	smul.u32 @!p0 $0xF7A, s2;
	p2 =	seq.s32 @!p0 s5, $0x0  }
0x1f: {  	s9 =	smul.u32 $0xF7A, s1;
	s8 =	simm.s32 @!p0 $0x1BF5;
	p2 =	por !p2, p0  }
0x20: {  	[sflag:s8] =	ssyncset.s32 @!p0 $0xFFFFF086;
	s6 =	sadd.s32 @!p0 s3, s7;
	s7 =	simm.s32 @!p0 $0x108  }
0x21: {  	s3 =	sadd.s32 s3, s9;
	s6 =	sadd.s32 @!p0 $0x88, s6;
	s7 =	simm.s32 @p2 $0x1082  }
0x22: {  	[simem:s7], [sflag:s8] =	dma.local @!p0 [hbm:s6], $0xF7A  }
0x23: {  	s9 =	sor.u32 $0xD0000000, s2;
	s6 =	simm.s32 $0x108;
	_ =	swait.ge @!p0 [sflag:s8], $0x0  }
0x24: {  	s3 =	sadd.s32 $0x88, s3;
	s6 =	simm.s32 @!p1 $0x1082;
	[sflag:s4] =	ssyncset.s32 $0xFFFFF086  }
0x25: {  	[simem:s6], [sflag:s4] =	dma.local [hbm:s3], $0xF7A  }
0x26: {  	[smem:$0x3F97] =	sst s1;
	(tag) =	ssettag s2;
	_ =	strace s9  }
0x27: {  	s1 =	sld [smem:$0x3FA7]  }
0x28: {  	s2 =	sld [smem:$0x3FA8]  }
0x29: {  	s4 =	sld [smem:$0x3FAA]  }
0x2a: {  	p0 =	seq.s32 s5, $0x0;
	s5 =	sld [smem:$0x3FAB]  }
0x2b: {  	s6 =	sld [smem:$0x3FAC]  }
0x2c: {  	s7 =	sld [smem:$0x3FAD]  }
0x2d: {  	s3 =	simm.s32 $0x108;
	s8 =	sld [smem:$0x3FAE]  }
0x2e: {  	s3 =	simm.s32 @!p0 $0x1082;
	s9 =	sld [smem:$0x3FAF]  }
0x2f: {  	lr =	sadd.s32 s0, s3;
	s0 =	sld [smem:$0x3FA6]  }
0x30: {  	s3 =	sld [smem:$0x3FA9]  }
0x31: {  	[smem:$0x3FB2] =	sst s10  }
0x32: {  	s10 =	sld [smem:$0x3FB0];
	_ =	sdelay $0x3  }
0x33: {  	p0 =	seq.s32 s10, $0x1;
	s10 =	sld [smem:$0x3FB2];
	_ =	sdelay $0x3  }
0x34: {  	[smem:$0x3FB2] =	sst s10  }
0x35: {  	s10 =	sld [smem:$0x3FB1];
	_ =	sdelay $0x3  }
0x36: {  	p1 =	seq.s32 s10, $0x1;
	s10 =	sld [smem:$0x3FB2];
	_ =	sdelay $0x3  }
0x37: {  	[smem:$0x3FB2] =	sst s10  }
0x38: {  	s10 =	sld [smem:$0x3FB3]  }
0x39: {  	_ = 	snop;
	(pc) =	sbr.ind lr, $3  }
0x3a: {  	_ = 	snop  }
0x3b: {  	_ = 	snop  }
0x3c: {  	p2 =	seq.s32 s10, $0x1;
	s10 =	sld [smem:$0x3FB2]  }
0x3d: {  	_ =	shalt  }
0x3e: {  	_ =	shalt  }
0x3f: {  	_ =	shalt  }
0x40: {  	_ =	shalt  }
0x41: {  	_ =	shalt  }
0x42: {  	_ =	shalt  }
0x43: {  	_ =	shalt  }
0x44: {  	_ =	shalt  }
0x45: {  	_ =	shalt  }
0x46: {  	_ =	shalt  }
0x47: {  	_ =	shalt  }
0x48: {  	_ =	shalt  }
0x49: {  	_ =	shalt  }
0x4a: {  	_ =	shalt  }
0x4b: {  	_ =	shalt  }
0x4c: {  	_ =	shalt  }
0x4d: {  	_ =	shalt  }
0x4e: {  	_ =	shalt  }
0x4f: {  	_ =	shalt  }
0x50: {  	_ =	shalt  }
0x51: {  	_ =	shalt  }
0x52: {  	_ =	shalt  }
0x53: {  	_ =	shalt  }
0x54: {  	_ =	shalt  }
0x55: {  	_ =	shalt  }
0x56: {  	_ =	shalt  }
0x57: {  	_ =	shalt  }
0x58: {  	_ =	shalt  }
0x59: {  	_ =	shalt  }
0x5a: {  	_ =	shalt  }
0x5b: {  	_ =	shalt  }
0x5c: {  	_ =	shalt  }
0x5d: {  	_ =	shalt  }
0x5e: {  	_ =	shalt  }
0x5f: {  	_ =	shalt  }
0x60: {  	_ =	shalt  }
0x61: {  	_ =	shalt  }
0x62: {  	_ =	shalt  }
0x63: {  	_ =	shalt  }
0x64: {  	_ =	shalt  }
0x65: {  	_ =	shalt  }
0x66: {  	_ =	shalt  }
0x67: {  	_ =	shalt  }
0x68: {  	_ =	shalt  }
0x69: {  	_ =	shalt  }
0x6a: {  	_ =	shalt  }
0x6b: {  	_ =	shalt  }
0x6c: {  	_ =	shalt  }
0x6d: {  	_ =	shalt  }
0x6e: {  	_ =	shalt  }
0x6f: {  	_ =	shalt  }
0x70: {  	_ =	shalt  }
0x71: {  	_ =	shalt  }
0x72: {  	_ =	shalt  }
0x73: {  	_ =	shalt  }
0x74: {  	_ =	shalt  }
0x75: {  	_ =	shalt  }
0x76: {  	_ =	shalt  }
0x77: {  	_ =	shalt  }
0x78: {  	_ =	shalt  }
0x79: {  	_ =	shalt  }
0x7a: {  	_ =	shalt  }
0x7b: {  	_ =	shalt  }
0x7c: {  	_ =	shalt  }
0x7d: {  	_ =	shalt  }
0x7e: {  	_ =	shalt  }
0x7f: {  	_ =	shalt  }
0x80: {  	_ =	shalt  }
0x81: {  	_ =	shalt  }
0x82: {  	_ =	shalt  }
0x83: {  	_ =	shalt  }
0x84: {  	_ =	shalt  }
0x85: {  	_ =	shalt  }
0x86: {  	_ =	shalt  }
0x87: {  	_ =	shalt  }
.Lfunc_end0:
.L_simem_size_0:
called_computation.1_lowered:
.L_overlay_start_0:
0x88: {  	s2 =	sld [smem:$0x3FD9]  }
0x89: {  	s3 =	sld [smem:$0x3FFE];
	_ =	sdelay $0x1  }
0x8a: {  	s1 =	srdreg.scid  }
0x8b: {  	s0 =	sand.u32 $0x1, s1  }
0x8c: {  	s17 =	sshll.u32 s0, $0xA;
	s2 =	sadd.s32 s3, s2  }
0x8d: {  	s2 =	sadd.s32 s2, s17  }
0x8e: {  	[smem:$0x3FBE] =	sst s2  }
0x8f: {  	_ = 	snop  }
0x90: {  	s2 =	sld [smem:$0x3FD0];
	(tm) =	ssettm $0x1  }
0x91: {  	s18 =	sld [smem:$0x3FFB];
	_ =	sdelay $0x3  }
0x92: {  	_ =	strace s18  }
0x93: {  	s3 =	sld [smem:$0x3FFC];
	_ =	sdelay $0x3  }
0x94: {  	_ =	strace s3  }
0x95: {  	s3 =	sld [smem:$0x3FFD];
	_ =	sdelay $0x3  }
0x96: {  	_ =	strace s3  }
0x97: {  	_ =	strace $0x8FFFFFFF  }
0x98: {  	s19 =	sld [smem:$0x3FDB];
	_ =	sdelay $0x1  }
0x99: {  	s4 =	simm.s32 $_scs_section_size  }
0x9a: {  	s5 =	simm.s32 $_size__tile_overlayer_lowered;
	s6 =	simm.s32 $_tile_overlayer_lowered  }
0x9b: {  	s22 =	simm.s32 $0x1BFF;
	s21 =	sshll.u32 s6, $0x1;
	s3 =	sadd.s32 s4, s19  }
0x9c: {  	s7 =	simm.s32 $0x0;
	s20 =	sshll.u32 s5, $0x1;
	s5 =	sadd.s32 s21, s3  }
0x9d: {  	[timem:s7], [sflag:s22] =	dma.local [hbm:s5], s20  }
0x9e: {  	_ =	swait.ge [sflag:s22], s20  }
0x9f: {  	s4 =	ssub.s32 $0x0, s20;
	[sflag:s22] =	ssyncset.done $0x0  }
0xa0: {  	[sflag:s22] =	ssyncadd.s32 s4;
	_ =	sdelay $0x1  }
0xa1: {  	s23 =	simm.s32 $0x1B8B  }
0xa2: {  	_ =	swait.ge [sflag:s23], $0x1  }
0xa3: {  	[sflag:s23] =	ssyncset.done $0x0  }
0xa4: {  	s25 =	simm.s32 $0x1B8E;
	s24 =	sld [smem:$0x3FFE];
	[sflag:s23] =	ssyncadd.s32 $0xFFFFFFFF  }
0xa5: {  	s26 =	simm.s32 $execute0_lowered;
	[smem:$0x3FD2] =	sst s25  }
0xa6: {  	s5 =	sshll.u32 s26, $0x1;
	_ =	strace $0x80000049;
	[dreg:$0x1] =	wrdreg $0xFFFFFFFF  }
0xa7: {  	s28 =	simm.s32 $_size_execute0_lowered;
	s3 =	sadd.s32 s3, s5;
	[dreg:$0x0] =	wrdreg $0x0  }
0xa8: {  	s5 =	sshll.u32 s28, $0x1;
	[dreg:$0x2] =	wrdreg s3  }
0xa9: {  	[dreg:$0x3] =	wrdreg s5  }
0xaa: {  	[dreg:$0x4] =	wrdreg $0xC0  }
0xab: {  	_ =	task [dreg:s7], $0x5FFFF  }
0xac: {  	[dreg:$0x1] =	wrdreg $0xFFFFFFFF  }
0xad: {  	[dreg:$0x0] =	wrdreg $0x60  }
0xae: {  	[dreg:$0x2] =	wrdreg s2  }
0xaf: {  	[dreg:$0x3] =	wrdreg s24  }
0xb0: {  	[dreg:$0x4] =	wrdreg $0x8B800  }
0xb1: {  	[dreg:$0x5] =	wrdreg $0x9  }
0xb2: {  	_ =	task.clear_ibuf [dreg:s7], $0x6FFFF;
	_ =	strace $0x90000049  }
0xb3: {  	s29 =	simm.s32 $0x9;
	_ =	strace $0x8000004B  }
0xb4: {  	_ =	swait.ge [sflag:s29], $0x1  }
0xb5: {  	[sflag:s29] =	ssyncadd.s32 $0xFFFFFFFF  }
0xb6: {  	_ =	strace $0x9000004B  }
0xb7: {  	_ =	sfence  }
0xb8: {  	s30 =	sld [smem:$0x0];
	_ =	sdelay $0x2  }
0xb9: {  	s31 =	sshll.u32 s1, $0xD;
	s1 =	sshrl.u32 s1, $0x2  }
0xba: {  	s3 =	sand.u32 $0x4000, s31;
	s1 =	sadd.s32 s1, s30  }
0xbb: {  	s0 =	sor.u32 s3, s0;
	s1 =	sshll.u32 s1, $0x11  }
0xbc: {  	s0 =	sor.u32 s1, s0  }
0xbd: {  	s0 =	sadd.s32 $0x8F2B, s0  }
0xbe: {  	[sflag:s0] =	ssyncadd.remote.s32 $0x1  }
0xbf: {  	_ =	sfence.sel $0xFFFF  }
0xc0: {  	[dreg:$0x0] =	wrdreg $0xFFFFFFFF;
	(pc) =	sbr.abs _section_cstart, $3  }
0xc1: {  	[dreg:$0x1] =	wrdreg $0xFFFFFFFF  }
0xc2: {  	_ =	task.clear_ibuf [dreg:s7], $0x2FFFF;
	_ =	strace $0x9FFFFFFF  }
0xc3: {  	(tm) =	ssettm $0x7FFFFFFF  }
tec
execute0_lowered:
.L_overlay_start_1:
0x0: {  	(tag) =	ssettag $0x1  }
0x1: {  	s1 =	rddreg [dreg:$0x0]  }
0x2: {  	s0 =	rddreg [dreg:$0x1]  }
0x3: {  	s3 =	rddreg [dreg:$0x2];
	s12 =	simm.s32 $0x0;
	s2 =	srdreg.scid  }
0x4: {  	s11 =	stileid.u32;
	s28 =	simm.s32 $0x2580;
	s29 =	simm.s32 $0x4380  }
0x5: {  	s30 =	simm.s32 $0x4F80;
	s31 =	simm.s32 $0x1;
	s13 =	simm.s32 $0x2  }
0x6: {  	s14 =	simm.s32 $0x4;
	s15 =	simm.s32 $0x6;
	s4 =	smul.u32 $0x16800, s11  }
0x7: {  	s16 =	simm.s32 $0x0;
	s2 =	sand.u32 $0x1, s2;
	s10 =	smul.u32 $0x5A, s11  }
0x8: {  	[smem:$0x7FF] =	sst s12;
	s8 =	sadd.s32 $0xBC00, s0;
	s7 =	smul.u32 $0x168000, s2  }
0x9: {  	_ =	strace $0x8000004A;
	[dreg:$0x5] =	wrdreg s8;
	s8 =	smul.u32 $0x7E, s11  }
0xa: {  	s5 =	sadd.s32 $0x15E00, s0;
	s18 =	sadd.s32 $0x1A00, s0;
	s11 =	smul.u32 $0x5A000, s11  }
0xb: {  	s6 =	sadd.s32 $0x1AE00, s0;
	[dreg:$0x6] =	wrdreg s18;
	s9 =	ssub.s32 $0x2, s2  }
0xc: {  	p0 =	seq.s32 s2, $0x0;
	s7 =	sadd.s32 s4, s7;
	s20 =	sshrl.u32 s11, $0x2  }
0xd: {  	s19 =	sshrl.u32 s9, $0x1;
	s7 =	sshrl.u32 s7, $0x3;
	s2 =	sadd.s32 s20, s3  }
0xe: {  	s11 =	simm.s32 $0x7;
	s0 =	sadd.s32 s7, s0;
	s21 =	sadd.s32 $0x3600, s2  }
0xf: {  	s7 =	ssub.s32 s9, s19;
	s22 =	sadd.s32 $0x6C00, s2;
	[dreg:$0x8] =	wrdreg s21  }
0x10: {  	s9 =	sadd.s32 $0x7E0, s10;
	s23 =	sadd.s32 $0xA200, s2;
	[dreg:$0x9] =	wrdreg s22  }
0x11: {  	s10 =	simm.s32 $0x7;
	s24 =	sadd.s32 $0xD800, s2;
	[dreg:$0xa] =	wrdreg s23  }
0x12: {  	s25 =	sadd.s32 $0x10E00, s2;
	s2 =	sadd.s32 $0x14400, s2;
	[dreg:$0xb] =	wrdreg s24  }
0x13: {  	s9 =	smov.u32 @p0 s8;
	s10 =	simm.s32 @!p0 $0x5;
	[dreg:$0xc] =	wrdreg s25  }
0x14: {  	s8 =	sadd.s32 s4, s3;
	[dreg:$0xd] =	wrdreg s2;
	s0 =	sadd.s32 $0x1FE00, s0  }
0x15: {  	s26 =	smax.u32 s7, $0x1;
	s21 =	simm.s32 $0x5580;
	[dreg:$0xe] =	wrdreg s0  }
0x16: {  	s22 =	simm.s32 $0x6C0;
	s23 =	simm.s32 $0x60;
	[dreg:$0xf] =	wrdreg s26  }
0x17: {  	v0 =	vimm.f32 $0.0e+00;
	vm0 =	vmmov $0x1;
	v1 =	vimm.s32 $0x0;
	s2 =	simm.s32 $0x5;
	s0 =	simm.s32 $0x3;
	[dreg:$0x7] =	wrdreg s8  }
.LBB2_1:
0x18: {  	[dreg:$0x4] =	wrdreg s12;
	s4 =	simm.s32 $0x0;
	s7 =	simm.s32 $0x240  }
.LBB2_2:
0x19: {  	p0 =	sne.s32 s7, $0xD5C0;
	[tilespmem:s4+$0x5600] =	vst v0  }
0x1a: {  	[tilespmem:s4+$0x5580] =	vst v0  }
0x1b: {  	[tilespmem:s4+$0x5590] =	vst v0  }
0x1c: {  	[tilespmem:s4+$0x55A0] =	vst v0  }
.Ltmp0:
0x1d: {  	[tilespmem:s4+$0x55B0] =	vst v0;
	(pc) =	sbr.rel @p0 .LBB2_2-.Ltmp0, $4  }
0x1e: {  	[tilespmem:s4+$0x55C0] =	vst v0  }
0x1f: {  	[tilespmem:s4+$0x55D0] =	vst v0  }
0x20: {  	[tilespmem:s4+$0x55E0] =	vst v0  }
0x21: {  	[tilespmem:s4+$0x55F0] =	vst v0;
	s4 =	sshra.s32 s7, $0x2;
	s7 =	sadd.s32 $0x240, s7  }
0x22: {  	[tilespmem:s4+$0x5600] =	vst v0  }
0x23: {  	[tilespmem:s4+$0x5580] =	vst v0  }
0x24: {  	[tilespmem:s4+$0x5590] =	vst v0  }
0x25: {  	[tilespmem:s4+$0x55A0] =	vst v0  }
0x26: {  	[tilespmem:s4+$0x55B0] =	vst v0  }
0x27: {  	[tilespmem:s4+$0x55C0] =	vst v0  }
0x28: {  	[tilespmem:s4+$0x55D0] =	vst v0  }
0x29: {  	[tilespmem:s4+$0x55E0] =	vst v0  }
0x2a: {  	[tilespmem:s4+$0x55F0] =	vst v0  }
0x2b: {  	[spmem:s8] =	stream.linear.scatter [tilespmem:s21], [sflag:$0x7], $0x3600, $0x38;
	[tilespmem:$0x1F380] =	vst v63  }
0x2c: {  	_ =	swait.ge [sflag:s11], $0x3600  }
0x2d: {  	[sflag:s11] =	ssyncset.done $0x0  }
0x2e: {  	s18 =	rddreg [dreg:$0x8];
	[sflag:s11] =	ssyncadd.s32 $0xFFFFCA00  }
0x2f: {  	[spmem:s18] =	stream.linear.scatter [tilespmem:s21], [sflag:$0x7], $0x3600, $0x38;
	[tilespmem:$0x1F380] =	vst v63  }
0x30: {  	_ =	swait.ge [sflag:s11], $0x3600  }
0x31: {  	[sflag:s11] =	ssyncset.done $0x0  }
0x32: {  	s19 =	rddreg [dreg:$0x9];
	[sflag:s11] =	ssyncadd.s32 $0xFFFFCA00  }
0x33: {  	[spmem:s19] =	stream.linear.scatter [tilespmem:s21], [sflag:$0x7], $0x3600, $0x38;
	[tilespmem:$0x1F380] =	vst v63  }
0x34: {  	_ =	swait.ge [sflag:s11], $0x3600  }
0x35: {  	[sflag:s11] =	ssyncset.done $0x0  }
0x36: {  	s20 =	rddreg [dreg:$0xa];
	[sflag:s11] =	ssyncadd.s32 $0xFFFFCA00  }
0x37: {  	[spmem:s20] =	stream.linear.scatter [tilespmem:s21], [sflag:$0x7], $0x3600, $0x38;
	[tilespmem:$0x1F380] =	vst v63  }
0x38: {  	_ =	swait.ge [sflag:s11], $0x3600  }
0x39: {  	[sflag:s11] =	ssyncset.done $0x0  }
0x3a: {  	s24 =	rddreg [dreg:$0xb];
	[sflag:s11] =	ssyncadd.s32 $0xFFFFCA00  }
0x3b: {  	[spmem:s24] =	stream.linear.scatter [tilespmem:s21], [sflag:$0x7], $0x3600, $0x38;
	[tilespmem:$0x1F380] =	vst v63  }
0x3c: {  	_ =	swait.ge [sflag:s11], $0x3600  }
0x3d: {  	[sflag:s11] =	ssyncset.done $0x0  }
0x3e: {  	s25 =	rddreg [dreg:$0xc];
	[sflag:s11] =	ssyncadd.s32 $0xFFFFCA00  }
0x3f: {  	[spmem:s25] =	stream.linear.scatter [tilespmem:s21], [sflag:$0x7], $0x3600, $0x38;
	[tilespmem:$0x1F380] =	vst v63  }
0x40: {  	_ =	swait.ge [sflag:s11], $0x3600  }
0x41: {  	[sflag:s11] =	ssyncset.done $0x0  }
0x42: {  	s26 =	rddreg [dreg:$0xd];
	[sflag:s11] =	ssyncadd.s32 $0xFFFFCA00  }
0x43: {  	[spmem:s26] =	stream.linear.scatter [tilespmem:s21], [sflag:$0x7], $0x2400, $0x38;
	[tilespmem:$0x1F380] =	vst v63  }
0x44: {  	_ =	swait.ge [sflag:s11], $0x2400  }
0x45: {  	[sflag:s11] =	ssyncset.done $0x0  }
0x46: {  	[sflag:s11] =	ssyncadd.s32 $0xFFFFDC00  }
0x47: {  	s17 =	simm.s32 $0x0;
	[bflag:$0x0] =	sbarrier.arrive $0xFFFF  }
.LBB2_4:
0x48: {  	s4 =	smul.u32 $0x12, s17;
	_ =	sdelay $0x1  }
0x49: {  	s4 =	sadd.s32 s9, s4  }
0x4a: {  	s4 =	smul.u32 $0xC, s4  }
0x4b: {  	s7 =	rddreg [dreg:$0x5]  }
0x4c: {  	s7 =	sadd.s32 s7, s4  }
0x4d: {  	[tilespmem:s16], [sflag:$0x7] =	stream.linear.gather [hbm4b:s7+s16], $0x6C0, $0x38;
	[tilespmem:$0x1F380] =	vst v63  }
0x4e: {  	_ =	swait.ge [sflag:s11], $0x6C0  }
0x4f: {  	[sflag:s11] =	ssyncset.done $0x0;
	s20 =	rddreg [dreg:$0x6]  }
0x50: {  	[sflag:s11] =	ssyncadd.s32 $0xFFFFF940;
	s4 =	sadd.s32 s20, s4  }
0x51: {  	[tilespmem:s22], [sflag:$0x7] =	stream.linear.gather [hbm4b:s4+s16], $0x6C0, $0x38;
	[tilespmem:$0x1F380] =	vst v63  }
0x52: {  	_ =	swait.ge [sflag:s11], $0x6C0  }
0x53: {  	[sflag:s11] =	ssyncset.done $0x0  }
0x54: {  	s24 =	simm.s32 $0xD80;
	[sflag:s11] =	ssyncadd.s32 $0xFFFFF940  }
0x55: {  	[tilespmem:s24], [sflag:$0x1] =	stream.indirect.gather [hbm4b:s1+s23], $0x40, s16, s23, $0xb8;
	[tilespmem:$0x1F380] =	vst v63  }
0x56: {  	s25 =	simm.s32 $0x3D80  }
0x57: {  	[tilespmem:s25], [sflag:$0x3] =	stream.indirect.gather [hbm4b:s5+s23], $0x10, s16, s23, $0xb8;
	[tilespmem:$0x1F380] =	vst v63  }
0x58: {  	s26 =	simm.s32 $0x4980;
	s18 =	simm.s32 $0x0  }
0x59: {  	[tilespmem:s26], [sflag:$0x5] =	stream.indirect.gather [hbm4b:s6+s23], $0x10, s22, s23, $0xb8;
	[tilespmem:$0x1F380] =	vst v63  }
.LBB2_5:
0x5a: {  	s19 =	sshllo.u32 s18, $0x1  }
0x5b: {  	s4 =	smul.u32 $0x60, s19;
	_ =	sdelay $0x1  }
0x5c: {  	[tilespmem:s28], [sflag:$0x2] =	stream.indirect.gather [hbm4b:s1+s23], $0x40, s4, s23, $0xb8;
	[tilespmem:$0x1F380] =	vst v63  }
0x5d: {  	_ = 	snop  }
0x5e: {  	[tilespmem:s29], [sflag:$0x4] =	stream.indirect.gather [hbm4b:s5+s23], $0x10, s4, s23, $0xb8;
	[tilespmem:$0x1F380] =	vst v63  }
0x5f: {  	s4 =	sadd.s32 $0x6C0, s4  }
0x60: {  	[tilespmem:s30], [sflag:$0x6] =	stream.indirect.gather [hbm4b:s6+s23], $0x10, s4, s23, $0xb8;
	[tilespmem:$0x1F380] =	vst v63  }
0x61: {  	_ =	swait.ge [sflag:s31], $0x1800  }
0x62: {  	[sflag:s31] =	ssyncset.done $0x0  }
0x63: {  	[sflag:s31] =	ssyncadd.s32 $0xFFFFE800  }
0x64: {  	_ =	swait.ge [sflag:s0], $0x600  }
0x65: {  	[sflag:s0] =	ssyncset.done $0x0  }
0x66: {  	[sflag:s0] =	ssyncadd.s32 $0xFFFFFA00  }
0x67: {  	_ =	swait.ge [sflag:s2], $0x600  }
0x68: {  	[sflag:s2] =	ssyncset.done $0x0  }
0x69: {  	s8 =	simm.s32 $0x3DA0;
	[sflag:s2] =	ssyncadd.s32 $0xFFFFFA00  }
0x6a: {  	s7 =	simm.s32 $0x49A0;
	v2 =	vld [tilespmem:s8+$0x10]  }
0x6b: {  	v3 =	vld [tilespmem:s7+$0x10];
	_ =	sdelay $0x4  }
0x6c: {  	v2 =	vadd.f32 v3, v2;
	_ =	sdelay $0x1  }
0x6d: {  	v5 =	vld [tilespmem:s8+$0xFFFFFFE0];
	v4 =	vmul.f32 $2.000000030e-01, v2  }
0x6e: {  	v6 =	vld [tilespmem:s8+$0xFFFFFFF0];
	vm1 =	vgt.f32 v2, $0.0e+00  }
0x6f: {  	v3 =	vld [tilespmem:s7+$0xFFFFFFE0];
	v2 =	vsel vm1, v2, v4  }
0x70: {  	v7 =	vld [tilespmem:s8+$0x0];
	v2 =	vmul.f32 $1.442695020e+00, v2  }
0x71: {  	v4 =	vld [tilespmem:s7+$0xFFFFFFF0]  }
0x72: {  	v8 =	vld [tilespmem:s7+$0x0];
	(erf) = vpow2.f32 v2;
	_ =	sdelay $0x1  }
0x73: {  	v2 =	vadd.f32 v3, v5;
	_ =	sdelay $0x1  }
0x74: {  	v3 =	vmul.f32 $2.000000030e-01, v2;
	v4 =	vadd.f32 v4, v6  }
0x75: {  	v5 =	vadd.f32 v8, v7;
	vm1 =	vgt.f32 v2, $0.0e+00  }
0x76: {  	v2 =	vsel vm1, v2, v3;
	v3 =	vmul.f32 $2.000000030e-01, v4  }
0x77: {  	v6 =	vmul.f32 $2.000000030e-01, v5;
	vm1 =	vgt.f32 v4, $0.0e+00;
	v2 =	vmul.f32 $1.442695020e+00, v2  }
0x78: {  	vm2 =	vgt.f32 v5, $0.0e+00;
	v3 =	vsel vm1, v4, v3  }
0x79: {  	(erf) = vpow2.f32 v2;
	v2 =	vsel vm2, v5, v6;
	v3 =	vmul.f32 $1.442695020e+00, v3;
	v4 =	vpop (erf)  }
0x7a: {  	s20 =	simm.s32 $0x56A0;
	v2 =	vmul.f32 $1.442695020e+00, v2;
	v4 =	vnsel vm0, $0x0, v4  }
0x7b: {  	s24 =	simm.s32 $0xE00;
	(erf) = vpow2.f32 v3;
	[tilespmem:s20+$0x110] =	vst v4  }
0x7c: {  	(erf) = vpow2.f32 v2;
	v2 =	vld [tilespmem:s24+$0x40];
	_ =	sdelay $0x3  }
0x7d: {  	s12 =	simm.s32 $0x3DE0;
	v9 =	vperm.xlane v4, v1  }
0x7e: {  	s25 =	simm.s32 $0x49E0;
	v5 =	vld [tilespmem:s12+$0x10];
	v4 =	vunpack.i.l.bf16.f32 v2  }
0x7f: {  	v6 =	vld [tilespmem:s25+$0x10];
	v2 =	vunpack.i.u.bf16.f32 v2;
	v4 =	vmul.f32 v4, v9  }
0x80: {  	v2 =	vmul.f32 v2, v9  }
0x81: {  	[tilespmem:s20+$0x90] =	vst v4  }
0x82: {  	v16 =	vld [tilespmem:s25+$0xFFFFFFF0];
	v3 =	vpop (erf);
	[tilespmem:s20+$0xA0] =	vst v2  }
0x83: {  	v3 =	vnsel vm0, $0x0, v3;
	v11 =	vld [tilespmem:s24+$0x50]  }
0x84: {  	v5 =	vadd.f32 v6, v5;
	[tilespmem:s20+$0xFFFFFF60] =	vst v3;
	v7 =	vpop (erf);
	v8 =	vperm.xlane v3, v1;
	v3 =	vld [tilespmem:s25+$0xFFFFFFE0]  }
0x85: {  	v10 =	vld [tilespmem:s24+$0xFFFFFF80];
	v4 =	vnsel vm0, $0x0, v7;
	v7 =	vpop (erf)  }
0x86: {  	v14 =	vmul.f32 $2.000000030e-01, v5;
	[tilespmem:s20+$0xFFFFFFF0] =	vst v4;
	v2 =	vnsel vm0, $0x0, v7;
	v7 =	vperm.xlane v4, v1;
	v4 =	vld [tilespmem:s12+$0xFFFFFFE0]  }
0x87: {  	vm1 =	vgt.f32 v5, $0.0e+00;
	v12 =	vld [tilespmem:s24+$0xFFFFFFC0]  }
0x88: {  	v5 =	vsel vm1, v5, v14;
	[tilespmem:s20+$0x80] =	vst v2;
	v6 =	vperm.xlane v2, v1;
	v2 =	vld [tilespmem:s12+$0xFFFFFFF0];
	v15 =	vunpack.i.l.bf16.f32 v11  }
0x89: {  	v5 =	vmul.f32 $1.442695020e+00, v5;
	v13 =	vld [tilespmem:s24+$0x0];
	v11 =	vunpack.i.u.bf16.f32 v11;
	v15 =	vmul.f32 v15, v9  }
0x8a: {  	v11 =	vmul.f32 v11, v9  }
0x8b: {  	v17 =	vld [tilespmem:s12+$0x0];
	(erf) = vpow2.f32 v5;
	v14 =	vunpack.i.l.bf16.f32 v10;
	[tilespmem:s20+$0xB0] =	vst v15  }
0x8c: {  	v19 =	vld [tilespmem:s25+$0x0];
	v10 =	vunpack.i.u.bf16.f32 v10;
	v14 =	vmul.f32 v14, v8;
	v3 =	vadd.f32 v3, v4;
	[tilespmem:s20+$0xC0] =	vst v11  }
0x8d: {  	v4 =	vmul.f32 v10, v8;
	v18 =	vunpack.i.u.bf16.f32 v12;
	v12 =	vunpack.i.l.bf16.f32 v12;
	v11 =	vld [tilespmem:s24+$0x60]  }
0x8e: {  	[tilespmem:s20+$0xFFFFFEE0] =	vst v14;
	v2 =	vadd.f32 v16, v2;
	v5 =	vunpack.i.u.bf16.f32 v13;
	v10 =	vmul.f32 v12, v7  }
0x8f: {  	v12 =	vunpack.i.l.bf16.f32 v13;
	v13 =	vmul.f32 v18, v7;
	v14 =	vmul.f32 $2.000000030e-01, v3;
	[tilespmem:s20+$0xFFFFFEF0] =	vst v4  }
0x90: {  	vm1 =	vgt.f32 v3, $0.0e+00;
	v4 =	vmul.f32 v12, v6;
	v5 =	vmul.f32 v5, v6;
	[tilespmem:s20+$0xFFFFFF70] =	vst v10;
	v10 =	vld [tilespmem:s24+$0xFFFFFF90]  }
0x91: {  	v12 =	vadd.f32 v19, v17;
	v3 =	vsel vm1, v3, v14;
	[tilespmem:s20+$0xFFFFFF80] =	vst v13;
	v13 =	vmul.f32 $2.000000030e-01, v2  }
0x92: {  	vm1 =	vgt.f32 v2, $0.0e+00;
	v3 =	vmul.f32 $1.442695020e+00, v3;
	[tilespmem:s20+$0x0] =	vst v4;
	v4 =	vld [tilespmem:s24+$0xFFFFFFD0];
	v15 =	vunpack.i.l.bf16.f32 v11  }
0x93: {  	v14 =	vmul.f32 $2.000000030e-01, v12;
	[tilespmem:s20+$0x10] =	vst v5;
	v5 =	vunpack.i.u.bf16.f32 v11;
	v11 =	vmul.f32 v15, v9  }
0x94: {  	v2 =	vsel vm1, v2, v13;
	(erf) = vpow2.f32 v3;
	v3 =	vld [tilespmem:s24+$0x10];
	v5 =	vmul.f32 v5, v9  }
0x95: {  	vm2 =	vgt.f32 v12, $0.0e+00;
	v2 =	vmul.f32 $1.442695020e+00, v2;
	v13 =	vpop (erf);
	[tilespmem:s20+$0xD0] =	vst v11;
	v11 =	vunpack.i.l.bf16.f32 v10  }
0x96: {  	s12 =	simm.s32 $0x58E0;
	v10 =	vunpack.i.u.bf16.f32 v10;
	[tilespmem:s20+$0xE0] =	vst v5;
	v5 =	vmul.f32 v11, v8;
	v11 =	vnsel vm0, $0x0, v13  }
0x97: {  	v12 =	vsel vm2, v12, v14;
	v13 =	vunpack.i.l.bf16.f32 v4;
	v10 =	vmul.f32 v10, v8;
	[tilespmem:s12+$0x110] =	vst v11  }
0x98: {  	s4 =	simm.s32 $0xF00;
	(erf) = vpow2.f32 v2;
	v4 =	vunpack.i.u.bf16.f32 v4;
	v2 =	vmul.f32 v13, v7;
	[tilespmem:s20+$0xFFFFFF00] =	vst v5  }
0x99: {  	v12 =	vmul.f32 $1.442695020e+00, v12;
	v4 =	vmul.f32 v4, v7;
	v13 =	vld [tilespmem:s4+$0x40];
	v5 =	vunpack.i.l.bf16.f32 v3;
	[tilespmem:s20+$0xFFFFFF10] =	vst v10  }
0x9a: {  	v3 =	vunpack.i.u.bf16.f32 v3;
	v5 =	vmul.f32 v5, v6;
	[tilespmem:s20+$0xFFFFFF90] =	vst v2  }
0x9b: {  	(erf) = vpow2.f32 v12;
	v2 =	vld [tilespmem:s24+$0x70];
	v3 =	vmul.f32 v3, v6;
	[tilespmem:s20+$0xFFFFFFA0] =	vst v4  }
0x9c: {  	v10 =	vld [tilespmem:s24+$0xFFFFFFA0];
	[tilespmem:s20+$0x20] =	vst v5  }
0x9d: {  	v4 =	vpop (erf);
	v5 =	vperm.xlane v11, v1;
	[tilespmem:s20+$0x30] =	vst v3  }
0x9e: {  	s26 =	simm.s32 $0x3E20;
	v4 =	vnsel vm0, $0x0, v4;
	v12 =	vld [tilespmem:s24+$0x20];
	v3 =	vunpack.i.l.bf16.f32 v13  }
0x9f: {  	v16 =	vld [tilespmem:s26+$0x10];
	[tilespmem:s12+$0xFFFFFF60] =	vst v4;
	v13 =	vunpack.i.u.bf16.f32 v13;
	v3 =	vmul.f32 v3, v5  }
0xa0: {  	v4 =	vperm.xlane v4, v1;
	v14 =	vld [tilespmem:s4+$0xFFFFFF80];
	v13 =	vmul.f32 v13, v5  }
0xa1: {  	s25 =	simm.s32 $0x4A20;
	v11 =	vld [tilespmem:s24+$0xFFFFFFE0];
	v15 =	vunpack.i.u.bf16.f32 v2;
	v18 =	vunpack.i.u.bf16.f32 v10;
	v10 =	vunpack.i.l.bf16.f32 v10;
	[tilespmem:s12+$0x90] =	vst v3  }
0xa2: {  	v17 =	vunpack.i.l.bf16.f32 v2;
	v15 =	vmul.f32 v15, v9;
	v10 =	vmul.f32 v10, v8;
	[tilespmem:s12+$0xA0] =	vst v13;
	v13 =	vld [tilespmem:s25+$0x10]  }
0xa3: {  	v18 =	vmul.f32 v18, v8;
	v19 =	vld [tilespmem:s4+$0x50];
	v23 =	vunpack.i.u.bf16.f32 v12;
	v12 =	vunpack.i.l.bf16.f32 v12;
	v3 =	vpop (erf)  }
0xa4: {  	v27 =	vld [tilespmem:s26+$0xFFFFFFE0];
	v9 =	vmul.f32 v17, v9;
	[tilespmem:s20+$0x100] =	vst v15;
	v12 =	vmul.f32 v12, v6;
	v2 =	vnsel vm0, $0x0, v3;
	v3 =	vpop (erf)  }
0xa5: {  	v24 =	vld [tilespmem:s25+$0xFFFFFFE0];
	v15 =	vunpack.i.u.bf16.f32 v14;
	v14 =	vunpack.i.l.bf16.f32 v14;
	[tilespmem:s12+$0xFFFFFFF0] =	vst v2;
	v20 =	vnsel vm0, $0x0, v3  }
0xa6: {  	v3 =	vperm.xlane v2, v1;
	v14 =	vmul.f32 v14, v4;
	v21 =	vld [tilespmem:s4+$0xFFFFFFC0];
	[tilespmem:s12+$0x80] =	vst v20  }
0xa7: {  	v15 =	vmul.f32 v15, v4;
	v2 =	vperm.xlane v20, v1;
	v13 =	vadd.f32 v13, v16;
	v22 =	vld [tilespmem:s4+$0x0]  }
0xa8: {  	[tilespmem:s20+$0xFFFFFF20] =	vst v10;
	v10 =	vld [tilespmem:s25+$0xFFFFFFF0];
	v20 =	vunpack.i.u.bf16.f32 v11;
	v11 =	vunpack.i.l.bf16.f32 v11;
	v25 =	vunpack.i.l.bf16.f32 v19  }
0xa9: {  	[tilespmem:s20+$0xFFFFFF30] =	vst v18;
	v16 =	vld [tilespmem:s26+$0xFFFFFFF0];
	v19 =	vunpack.i.u.bf16.f32 v19;
	v25 =	vmul.f32 v25, v5;
	v26 =	vmul.f32 $2.000000030e-01, v13  }
0xaa: {  	v11 =	vmul.f32 v11, v7;
	[tilespmem:s12+$0xFFFFFEF0] =	vst v15;
	v19 =	vmul.f32 v19, v5;
	vm1 =	vgt.f32 v13, $0.0e+00  }
0xab: {  	v18 =	vld [tilespmem:s26+$0x0];
	v15 =	vadd.f32 v24, v27;
	v13 =	vsel vm1, v13, v26;
	[tilespmem:s12+$0xB0] =	vst v25;
	v26 =	vunpack.i.u.bf16.f32 v21  }
0xac: {  	[tilespmem:s12+$0xC0] =	vst v19;
	v19 =	vld [tilespmem:s25+$0x0];
	v21 =	vunpack.i.l.bf16.f32 v21;
	v13 =	vmul.f32 $1.442695020e+00, v13;
	v25 =	vunpack.i.u.bf16.f32 v22  }
0xad: {  	[tilespmem:s20+$0xFFFFFFB0] =	vst v11;
	v22 =	vunpack.i.l.bf16.f32 v22;
	v11 =	vmul.f32 v21, v3;
	v21 =	vmul.f32 v26, v3;
	v26 =	vld [tilespmem:s4+$0x60]  }
0xae: {  	v20 =	vmul.f32 v20, v7;
	[tilespmem:s12+$0xFFFFFEE0] =	vst v14;
	v10 =	vadd.f32 v10, v16;
	v14 =	vmul.f32 v22, v2  }
0xaf: {  	(erf) = vpow2.f32 v13;
	v13 =	vmul.f32 $2.000000030e-01, v15;
	[tilespmem:s12+$0xFFFFFF70] =	vst v11  }
0xb0: {  	vm2 =	vgt.f32 v15, $0.0e+00;
	v16 =	vld [tilespmem:s4+$0xFFFFFF90];
	v22 =	vmul.f32 v25, v2;
	v17 =	vmul.f32 $2.000000030e-01, v10;
	[tilespmem:s12+$0xFFFFFF80] =	vst v21  }
0xb1: {  	vm1 =	vgt.f32 v10, $0.0e+00;
	v18 =	vadd.f32 v19, v18;
	[tilespmem:s12+$0x0] =	vst v14;
	v19 =	vld [tilespmem:s4+$0xFFFFFFD0];
	v13 =	vsel vm2, v15, v13  }
0xb2: {  	v11 =	vmul.f32 v23, v6;
	[tilespmem:s12+$0x10] =	vst v22;
	v13 =	vmul.f32 $1.442695020e+00, v13;
	v14 =	vunpack.i.l.bf16.f32 v26  }
0xb3: {  	[tilespmem:s20+$0xFFFFFFC0] =	vst v20;
	v10 =	vsel vm1, v10, v17;
	v22 =	vld [tilespmem:s4+$0x10];
	v20 =	vmul.f32 $2.000000030e-01, v18;
	v14 =	vmul.f32 v14, v5  }
0xb4: {  	[tilespmem:s20+$0x40] =	vst v12;
	v10 =	vmul.f32 $1.442695020e+00, v10;
	v21 =	vunpack.i.u.bf16.f32 v26;
	vm2 =	vgt.f32 v18, $0.0e+00  }
0xb5: {  	v17 =	vunpack.i.u.bf16.f32 v16;
	v15 =	vmul.f32 v21, v5;
	v21 =	vld [tilespmem:s24+$0xFFFFFFB0];
	[tilespmem:s12+$0xD0] =	vst v14;
	v14 =	vsel vm2, v18, v20  }
0xb6: {  	[tilespmem:s20+$0x50] =	vst v11;
	(erf) = vpow2.f32 v13;
	v13 =	vld [tilespmem:s24+$0xFFFFFFF0];
	v11 =	vunpack.i.u.bf16.f32 v19;
	v12 =	vmul.f32 $1.442695020e+00, v14  }
0xb7: {  	(erf) = vpow2.f32 v10;
	[tilespmem:s12+$0xE0] =	vst v15;
	v14 =	vunpack.i.l.bf16.f32 v16;
	v11 =	vmul.f32 v11, v3  }
0xb8: {  	[tilespmem:s20+$0xF0] =	vst v9;
	v15 =	vld [tilespmem:s4+$0x70];
	v9 =	vunpack.i.u.bf16.f32 v22;
	v10 =	vmul.f32 v14, v4;
	(erf) = vpow2.f32 v12  }
0xb9: {  	v16 =	vunpack.i.l.bf16.f32 v19;
	v14 =	vld [tilespmem:s24+$0x30];
	v19 =	vpop (erf);
	v20 =	vmul.f32 v9, v2;
	v12 =	vmul.f32 v17, v4;
	[tilespmem:s12+$0xFFFFFFA0] =	vst v11  }
0xba: {  	s24 =	simm.s32 $0x5B20;
	v17 =	vunpack.i.l.bf16.f32 v22;
	[tilespmem:s12+$0xFFFFFF00] =	vst v10;
	v10 =	vmul.f32 v16, v3;
	v16 =	vnsel vm0, $0x0, v19  }
0xbb: {  	s26 =	simm.s32 $0x1000;
	v18 =	vunpack.i.u.bf16.f32 v21;
	v9 =	vunpack.i.u.bf16.f32 v13;
	v13 =	vunpack.i.l.bf16.f32 v13;
	[tilespmem:s24+$0x110] =	vst v16  }
0xbc: {  	v17 =	vmul.f32 v17, v2;
	v13 =	vmul.f32 v13, v7;
	[tilespmem:s12+$0xFFFFFF10] =	vst v12;
	v12 =	vunpack.i.l.bf16.f32 v21;
	v21 =	vld [tilespmem:s26+$0x40]  }
0xbd: {  	[tilespmem:s12+$0x30] =	vst v20;
	v19 =	vunpack.i.u.bf16.f32 v15;
	v26 =	vmul.f32 v12, v8;
	v15 =	vunpack.i.l.bf16.f32 v15  }
0xbe: {  	[tilespmem:s12+$0xFFFFFF90] =	vst v10;
	v23 =	vld [tilespmem:s4+$0xFFFFFFA0];
	v12 =	vmul.f32 v9, v7;
	v10 =	vmul.f32 v19, v5;
	v19 =	vunpack.i.u.bf16.f32 v14  }
0xbf: {  	[tilespmem:s12+$0x20] =	vst v17;
	v11 =	vunpack.i.l.bf16.f32 v14;
	v14 =	vmul.f32 v18, v8;
	v24 =	vld [tilespmem:s4+$0xFFFFFFE0];
	v7 =	vpop (erf);
	v9 =	vmul.f32 v19, v6  }
0xc0: {  	[tilespmem:s12+$0x100] =	vst v10;
	v10 =	vmul.f32 v11, v6;
	v6 =	vnsel vm0, $0x0, v7;
	v11 =	vperm.xlane v16, v1;
	v7 =	vpop (erf)  }
0xc1: {  	v17 =	vld [tilespmem:s4+$0x20];
	[tilespmem:s24+$0xFFFFFF60] =	vst v6;
	v6 =	vperm.xlane v6, v1;
	v7 =	vnsel vm0, $0x0, v7;
	v8 =	vunpack.i.l.bf16.f32 v21;
	v16 =	vpop (erf)  }
0xc2: {  	[tilespmem:s24+$0xFFFFFFF0] =	vst v7;
	v18 =	vunpack.i.u.bf16.f32 v21;
	v22 =	vld [tilespmem:s26+$0xFFFFFF80];
	v19 =	vmul.f32 v8, v11;
	v16 =	vnsel vm0, $0x0, v16  }
0xc3: {  	v27 =	vunpack.i.u.bf16.f32 v23;
	v23 =	vunpack.i.l.bf16.f32 v23;
	v25 =	vmul.f32 v18, v11;
	v21 =	vld [tilespmem:s26+$0xFFFFFFC0];
	[tilespmem:s24+$0x80] =	vst v16  }
0xc4: {  	v8 =	vperm.xlane v7, v1;
	v20 =	vunpack.i.u.bf16.f32 v24;
	v7 =	vperm.xlane v16, v1;
	[tilespmem:s24+$0x90] =	vst v19;
	v18 =	vld [tilespmem:s26+$0x0]  }
0xc5: {  	v16 =	vunpack.i.l.bf16.f32 v24;
	[tilespmem:s24+$0xA0] =	vst v25;
	v25 =	vmul.f32 v23, v4;
	v24 =	vmul.f32 v27, v4  }
0xc6: {  	s8 =	simm.s32 $0x3E60;
	s7 =	simm.s32 $0x8;
	[tilespmem:s20+$0xFFFFFF40] =	vst v26;
	v19 =	vld [tilespmem:s26+$0x50];
	v23 =	vmul.f32 v16, v3;
	v16 =	vunpack.i.u.bf16.f32 v17;
	v17 =	vunpack.i.l.bf16.f32 v17  }
.LBB2_6:
0xc7: {  	v26 =	vld [tilespmem:s8+$0x10];
	v27 =	vunpack.i.u.bf16.f32 v22;
	v22 =	vunpack.i.l.bf16.f32 v22;
	s25 =	sadd.s32 $0x40, s25;
	[tilespmem:s12+$0xFFFFFF20] =	vst v25;
	v20 =	vmul.f32 v20, v3  }
0xc8: {  	v25 =	vld [tilespmem:s25+$0x10];
	v22 =	vmul.f32 v22, v6;
	v28 =	vunpack.i.u.bf16.f32 v21;
	v21 =	vunpack.i.l.bf16.f32 v21;
	[tilespmem:s12+$0xFFFFFF30] =	vst v24  }
0xc9: {  	v27 =	vmul.f32 v27, v6;
	v24 =	vld [tilespmem:s25+$0xFFFFFFE0];
	v29 =	vunpack.i.u.bf16.f32 v18;
	v18 =	vunpack.i.l.bf16.f32 v18;
	[tilespmem:s12+$0xFFFFFFB0] =	vst v23  }
0xca: {  	v21 =	vmul.f32 v21, v8;
	v23 =	vld [tilespmem:s8+$0xFFFFFFF0];
	[tilespmem:s24+$0xFFFFFEE0] =	vst v22;
	v22 =	vmul.f32 v28, v8  }
0xcb: {  	s7 =	sadd.s32 $0x4, s7;
	v18 =	vmul.f32 v18, v7;
	v28 =	vld [tilespmem:s25+$0xFFFFFFF0];
	[tilespmem:s24+$0xFFFFFEF0] =	vst v27;
	v27 =	vmul.f32 v29, v7;
	v29 =	vunpack.i.l.bf16.f32 v19  }
0xcc: {  	v17 =	vmul.f32 v17, v2;
	p0 =	slt.u32 s7, $0x5C;
	v19 =	vunpack.i.u.bf16.f32 v19;
	v30 =	vld [tilespmem:s8+$0x0];
	[tilespmem:s24+$0xFFFFFF70] =	vst v21;
	v21 =	vmul.f32 v29, v11  }
0xcd: {  	v16 =	vmul.f32 v16, v2;
	v19 =	vmul.f32 v19, v11;
	v29 =	vld [tilespmem:s25+$0x0];
	v25 =	vadd.f32 v25, v26;
	[tilespmem:s24+$0xFFFFFF80] =	vst v22  }
0xce: {  	v15 =	vmul.f32 v15, v5;
	v5 =	vmov v11;
	v22 =	vld [tilespmem:s8+$0xFFFFFFE0];
	[tilespmem:s24+$0xB0] =	vst v21  }
0xcf: {  	v11 =	vmul.f32 $2.000000030e-01, v25;
	v21 =	vld [tilespmem:s26+$0xFFFFFF90];
	[tilespmem:s24+$0xC0] =	vst v19  }
0xd0: {  	vm1 =	vgt.f32 v25, $0.0e+00;
	v19 =	vadd.f32 v28, v23;
	[tilespmem:s24+$0x0] =	vst v18;
	v18 =	vld [tilespmem:s26+$0x60]  }
0xd1: {  	v11 =	vsel vm1, v25, v11;
	v23 =	vld [tilespmem:s26+$0xFFFFFFD0];
	[tilespmem:s24+$0x10] =	vst v27  }
0xd2: {  	v25 =	vmul.f32 $2.000000030e-01, v19;
	v26 =	vadd.f32 v29, v30;
	v11 =	vmul.f32 $1.442695020e+00, v11;
	v27 =	vld [tilespmem:s26+$0x10];
	[tilespmem:s12+$0xFFFFFFC0] =	vst v20  }
0xd3: {  	vm1 =	vgt.f32 v19, $0.0e+00;
	v20 =	vadd.f32 v24, v22;
	v22 =	vld [tilespmem:s4+$0xFFFFFFB0];
	[tilespmem:s12+$0x40] =	vst v17  }
0xd4: {  	vm2 =	vgt.f32 v26, $0.0e+00;
	v17 =	vmul.f32 $2.000000030e-01, v26;
	(erf) = vpow2.f32 v11;
	v11 =	vld [tilespmem:s4+$0xFFFFFFF0];
	[tilespmem:s12+$0x50] =	vst v16  }
0xd5: {  	vm3 =	vgt.f32 v20, $0.0e+00;
	v16 =	vmul.f32 $2.000000030e-01, v20;
	v24 =	vunpack.i.l.bf16.f32 v18;
	v28 =	vld [tilespmem:s4+$0x30];
	[tilespmem:s20+$0xFFFFFF50] =	vst v14;
	s4 =	smov.u32 s26  }
0xd6: {  	v14 =	vsel vm1, v19, v25;
	v18 =	vunpack.i.u.bf16.f32 v18;
	v19 =	vmul.f32 v24, v5;
	[tilespmem:s20+$0xFFFFFFD0] =	vst v13  }
0xd7: {  	v13 =	vsel vm3, v20, v16;
	v16 =	vsel vm2, v26, v17;
	v17 =	vmul.f32 v18, v5;
	[tilespmem:s20+$0xFFFFFFE0] =	vst v12  }
0xd8: {  	v12 =	vmul.f32 $1.442695020e+00, v13;
	v13 =	vmul.f32 $1.442695020e+00, v14;
	v14 =	vunpack.i.u.bf16.f32 v21;
	[tilespmem:s24+$0xD0] =	vst v19  }
0xd9: {  	v18 =	vunpack.i.l.bf16.f32 v21;
	v16 =	vmul.f32 $1.442695020e+00, v16;
	v19 =	vunpack.i.u.bf16.f32 v23;
	[tilespmem:s24+$0xE0] =	vst v17  }
0xda: {  	v17 =	vunpack.i.u.bf16.f32 v27;
	(erf) = vpow2.f32 v12;
	v12 =	vunpack.i.l.bf16.f32 v23;
	v20 =	vld [tilespmem:s26+$0x70];
	[tilespmem:s20+$0x60] =	vst v10  }
0xdb: {  	v10 =	vmul.f32 v18, v6;
	(erf) = vpow2.f32 v13;
	v13 =	vunpack.i.l.bf16.f32 v27;
	[tilespmem:s20+$0x70] =	vst v9;
	s20 =	smov.u32 s12;
	s12 =	smov.u32 s24  }
0xdc: {  	v9 =	vmul.f32 v14, v6;
	v14 =	vunpack.i.u.bf16.f32 v22;
	(erf) = vpow2.f32 v16;
	[tilespmem:s20+$0xF0] =	vst v15  }
0xdd: {  	v16 =	vunpack.i.l.bf16.f32 v22;
	v15 =	vpop (erf);
	[tilespmem:s24+$0xFFFFFF00] =	vst v10;
	v10 =	vmul.f32 v12, v8;
	v12 =	vmul.f32 v19, v8  }
0xde: {  	v17 =	vmul.f32 v17, v7;
	s24 =	sadd.s32 $0x240, s24;
	v18 =	vnsel vm0, $0x0, v15;
	[tilespmem:s12+$0xFFFFFF10] =	vst v9;
	v9 =	vmul.f32 v13, v7  }
0xdf: {  	v21 =	vunpack.i.u.bf16.f32 v11;
	v11 =	vunpack.i.l.bf16.f32 v11;
	s26 =	sadd.s32 $0x100, s26;
	[tilespmem:s24+$0x110] =	vst v18;
	v19 =	vld [tilespmem:s4+$0xFFFFFFA0];
	v13 =	vunpack.i.u.bf16.f32 v20  }
0xe0: {  	v24 =	vunpack.i.l.bf16.f32 v28;
	v22 =	vunpack.i.u.bf16.f32 v28;
	v23 =	vld [tilespmem:s26+$0x40];
	[tilespmem:s12+$0xFFFFFF90] =	vst v10;
	v10 =	vmul.f32 v13, v5  }
0xe1: {  	v14 =	vmul.f32 v14, v4;
	v26 =	vmul.f32 v16, v4;
	v4 =	vmovc v6;
	v15 =	vunpack.i.l.bf16.f32 v20;
	[tilespmem:s12+$0xFFFFFFA0] =	vst v12  }
0xe2: {  	v13 =	vmul.f32 v11, v3;
	v12 =	vmul.f32 v21, v3;
	v3 =	vmov v8;
	v16 =	vld [tilespmem:s4+$0xFFFFFFE0];
	[tilespmem:s12+$0x100] =	vst v10  }
0xe3: {  	v10 =	vmul.f32 v24, v2;
	v6 =	vpop (erf);
	[tilespmem:s12+$0x20] =	vst v9;
	v9 =	vmul.f32 v22, v2;
	v2 =	vmov v7  }
0xe4: {  	v11 =	vperm.xlane v18, v1;
	v6 =	vnsel vm0, $0x0, v6;
	v7 =	vpop (erf);
	v24 =	vunpack.i.u.bf16.f32 v19;
	[tilespmem:s12+$0x30] =	vst v17  }
0xe5: {  	[tilespmem:s24+$0xFFFFFF60] =	vst v6;
	v6 =	vperm.xlane v6, v1;
	v7 =	vnsel vm0, $0x0, v7;
	v8 =	vunpack.i.l.bf16.f32 v23;
	v17 =	vpop (erf);
	v27 =	vld [tilespmem:s4+$0x20]  }
.Ltmp1:
0xe6: {  	v18 =	vunpack.i.u.bf16.f32 v23;
	v22 =	vld [tilespmem:s26+$0xFFFFFF80];
	[tilespmem:s24+$0xFFFFFFF0] =	vst v7;
	v17 =	vnsel vm0, $0x0, v17;
	v20 =	vmul.f32 v8, v11;
	(pc) =	sbr.rel @p0 .LBB2_6-.Ltmp1, $4  }
0xe7: {  	v19 =	vunpack.i.l.bf16.f32 v19;
	v8 =	vperm.xlane v7, v1;
	v23 =	vmul.f32 v18, v11;
	v21 =	vld [tilespmem:s26+$0xFFFFFFC0];
	[tilespmem:s24+$0x80] =	vst v17  }
0xe8: {  	v7 =	vperm.xlane v17, v1;
	v18 =	vld [tilespmem:s26+$0x0];
	[tilespmem:s24+$0x90] =	vst v20;
	v20 =	vunpack.i.u.bf16.f32 v16;
	v16 =	vunpack.i.l.bf16.f32 v16  }
0xe9: {  	v25 =	vmul.f32 v19, v4;
	v24 =	vmul.f32 v24, v4;
	[tilespmem:s24+$0xA0] =	vst v23  }
0xea: {  	s8 =	sadd.s32 $0x40, s8;
	v23 =	vmul.f32 v16, v3;
	v19 =	vld [tilespmem:s26+$0x50];
	v16 =	vunpack.i.u.bf16.f32 v27;
	v17 =	vunpack.i.l.bf16.f32 v27;
	[tilespmem:s20+$0xFFFFFF40] =	vst v26  }
0xeb: {  	[tilespmem:s12+$0xFFFFFF20] =	vst v25  }
0xec: {  	[tilespmem:s12+$0xFFFFFF30] =	vst v24  }
0xed: {  	v26 =	vunpack.i.l.bf16.f32 v22;
	v22 =	vunpack.i.u.bf16.f32 v22;
	[tilespmem:s20+$0xFFFFFF50] =	vst v14  }
0xee: {  	[tilespmem:s20+$0xFFFFFFD0] =	vst v13;
	v22 =	vmul.f32 v22, v6  }
0xef: {  	v24 =	vunpack.i.l.bf16.f32 v21;
	[tilespmem:s12+$0xFFFFFFB0] =	vst v23  }
0xf0: {  	v23 =	vmul.f32 v24, v8;
	[tilespmem:s24+$0xFFFFFEF0] =	vst v22;
	v22 =	vunpack.i.l.bf16.f32 v19  }
0xf1: {  	[tilespmem:s20+$0xFFFFFFE0] =	vst v12;
	v19 =	vunpack.i.u.bf16.f32 v19;
	v22 =	vmul.f32 v22, v11  }
0xf2: {  	[tilespmem:s24+$0xFFFFFF70] =	vst v23;
	v19 =	vmul.f32 v19, v11  }
0xf3: {  	v17 =	vmul.f32 v17, v2;
	[tilespmem:s24+$0xB0] =	vst v22  }
0xf4: {  	v25 =	vmul.f32 v26, v6;
	v23 =	vunpack.i.l.bf16.f32 v18;
	v18 =	vunpack.i.u.bf16.f32 v18;
	[tilespmem:s24+$0xC0] =	vst v19  }
0xf5: {  	v21 =	vunpack.i.u.bf16.f32 v21;
	[tilespmem:s12+$0x40] =	vst v17;
	v18 =	vmul.f32 v18, v7;
	v19 =	vmul.f32 v20, v3;
	v20 =	vld [tilespmem:s26+$0x60]  }
0xf6: {  	v21 =	vmul.f32 v21, v8;
	[tilespmem:s24+$0xFFFFFEE0] =	vst v25  }
0xf7: {  	v16 =	vmul.f32 v16, v2;
	[tilespmem:s24+$0x10] =	vst v18;
	v18 =	vld [tilespmem:s26+$0xFFFFFF90]  }
0xf8: {  	[tilespmem:s24+$0xFFFFFF80] =	vst v21;
	v21 =	vmul.f32 v23, v7  }
0xf9: {  	[tilespmem:s12+$0x50] =	vst v16;
	v16 =	vld [tilespmem:s26+$0xFFFFFFD0]  }
0xfa: {  	[tilespmem:s24+$0x0] =	vst v21;
	v17 =	vunpack.i.l.bf16.f32 v20  }
0xfb: {  	[tilespmem:s20+$0x60] =	vst v10;
	v13 =	vld [tilespmem:s26+$0x10];
	v14 =	vunpack.i.u.bf16.f32 v20;
	v17 =	vmul.f32 v17, v11  }
0xfc: {  	[tilespmem:s20+$0x70] =	vst v9;
	v12 =	vunpack.i.l.bf16.f32 v18;
	v14 =	vmul.f32 v14, v11  }
0xfd: {  	v12 =	vmul.f32 v12, v6;
	[tilespmem:s24+$0xD0] =	vst v17;
	v17 =	vunpack.i.u.bf16.f32 v18  }
0xfe: {  	[tilespmem:s24+$0xE0] =	vst v14;
	v14 =	vunpack.i.l.bf16.f32 v16;
	v10 =	vmul.f32 v17, v6  }
0xff: {  	[tilespmem:s24+$0xFFFFFF00] =	vst v12;
	v16 =	vunpack.i.u.bf16.f32 v16;
	v17 =	vld [tilespmem:s26+$0x70];
	v12 =	vmul.f32 v14, v8  }
0x100: {  	v18 =	vunpack.i.l.bf16.f32 v13;
	v14 =	vld [tilespmem:s4+$0xFFFFFFB0];
	v16 =	vmul.f32 v16, v8;
	[tilespmem:s24+$0xFFFFFF10] =	vst v10  }
0x101: {  	v10 =	vunpack.i.u.bf16.f32 v13;
	v13 =	vmul.f32 v18, v7;
	[tilespmem:s24+$0xFFFFFF90] =	vst v12;
	v18 =	vld [tilespmem:s26+$0xFFFFFFA0]  }
0x102: {  	[tilespmem:s24+$0xFFFFFFA0] =	vst v16;
	v10 =	vmul.f32 v10, v7  }
0x103: {  	v5 =	vmul.f32 v15, v5;
	v12 =	vld [tilespmem:s26+$0xFFFFFFE0];
	[tilespmem:s24+$0x20] =	vst v13  }
0x104: {  	v13 =	vunpack.i.u.bf16.f32 v17;
	[tilespmem:s24+$0x30] =	vst v10  }
0x105: {  	[tilespmem:s12+$0xF0] =	vst v5;
	v9 =	vunpack.i.l.bf16.f32 v14;
	v10 =	vmul.f32 v13, v11;
	v13 =	vld [tilespmem:s26+$0x20]  }
0x106: {  	[tilespmem:s12+$0xFFFFFFC0] =	vst v19;
	v5 =	vmul.f32 v9, v4;
	v9 =	vunpack.i.l.bf16.f32 v18  }
0x107: {  	[tilespmem:s24+$0x100] =	vst v10;
	v10 =	vunpack.i.u.bf16.f32 v18;
	v9 =	vmul.f32 v9, v6  }
0x108: {  	v15 =	vld [tilespmem:s4+$0xFFFFFFF0];
	v16 =	vunpack.i.l.bf16.f32 v12;
	[tilespmem:s12+$0xFFFFFF40] =	vst v5;
	v10 =	vmul.f32 v10, v6  }
0x109: {  	v5 =	vunpack.i.u.bf16.f32 v12;
	v12 =	vmul.f32 v16, v8;
	[tilespmem:s24+$0xFFFFFF20] =	vst v9  }
0x10a: {  	v5 =	vmul.f32 v5, v8;
	v9 =	vld [tilespmem:s4+$0x30];
	v16 =	vunpack.i.l.bf16.f32 v13;
	[tilespmem:s24+$0xFFFFFF30] =	vst v10  }
0x10b: {  	v10 =	vunpack.i.u.bf16.f32 v13;
	[tilespmem:s24+$0xFFFFFFB0] =	vst v12;
	v12 =	vmul.f32 v16, v7  }
0x10c: {  	v13 =	vunpack.i.u.bf16.f32 v14;
	[tilespmem:s24+$0xFFFFFFC0] =	vst v5;
	v10 =	vmul.f32 v10, v7  }
0x10d: {  	v5 =	vunpack.i.l.bf16.f32 v15;
	v4 =	vmul.f32 v13, v4;
	v13 =	vld [tilespmem:s26+$0xFFFFFFB0];
	[tilespmem:s24+$0x40] =	vst v12  }
0x10e: {  	v5 =	vmul.f32 v5, v3;
	v12 =	vunpack.i.u.bf16.f32 v15;
	[tilespmem:s24+$0x50] =	vst v10  }
0x10f: {  	[tilespmem:s12+$0xFFFFFF50] =	vst v4;
	v3 =	vmul.f32 v12, v3;
	v12 =	vld [tilespmem:s26+$0xFFFFFFF0];
	v10 =	vunpack.i.l.bf16.f32 v9  }
0x110: {  	[tilespmem:s12+$0xFFFFFFD0] =	vst v5;
	v4 =	vunpack.i.u.bf16.f32 v9;
	v9 =	vmul.f32 v10, v2  }
0x111: {  	v5 =	vunpack.i.l.bf16.f32 v17;
	v2 =	vmul.f32 v4, v2;
	v4 =	vld [tilespmem:s26+$0x30];
	[tilespmem:s12+$0xFFFFFFE0] =	vst v3  }
0x112: {  	v3 =	vmul.f32 v5, v11;
	v5 =	vunpack.i.l.bf16.f32 v13;
	[tilespmem:s12+$0x60] =	vst v9  }
0x113: {  	v5 =	vmul.f32 v5, v6;
	[tilespmem:s12+$0x70] =	vst v2;
	v2 =	vunpack.i.u.bf16.f32 v13  }
0x114: {  	[tilespmem:s24+$0xF0] =	vst v3;
	v3 =	vunpack.i.l.bf16.f32 v12;
	v2 =	vmul.f32 v2, v6  }
0x115: {  	v6 =	vunpack.i.u.bf16.f32 v12;
	[tilespmem:s24+$0xFFFFFF40] =	vst v5;
	v3 =	vmul.f32 v3, v8  }
0x116: {  	v6 =	vmul.f32 v6, v8;
	v5 =	vunpack.i.l.bf16.f32 v4;
	[tilespmem:s24+$0xFFFFFF50] =	vst v2  }
0x117: {  	s20 =	smul.u32 $0x300, s18;
	v2 =	vunpack.i.u.bf16.f32 v4;
	v4 =	vmul.f32 v5, v7;
	[tilespmem:s24+$0xFFFFFFD0] =	vst v3  }
0x118: {  	v2 =	vmul.f32 v2, v7;
	[tilespmem:s24+$0xFFFFFFE0] =	vst v6  }
0x119: {  	s4 =	sshra.s32 s20, $0x2;
	[tilespmem:s24+$0x60] =	vst v4  }
0x11a: {  	p0 =	seq.s32 s18, $0x8;
	s4 =	sadd.s32 $0x6C0, s4;
	[tilespmem:s24+$0x70] =	vst v2  }
0x11b: {  	[spmem:s3] =	stream.indirect.scatter.add.f32 [tilespmem:s21], [sflag:$0x7], $0x90, s4, s23, $0xb8;
	[tilespmem:$0x1F380] =	vst v63  }
0x11c: {  	s4 =	smul.u32 @!p0 $0xC0, s18;
	_ =	swait.ge [sflag:s11], $0x3600  }
0x11d: {  	s8 =	simm.s32 @!p0 $0x60;
	[sflag:s11] =	ssyncset.done $0x0  }
0x11e: {  	s12 =	simm.s32 @!p0 $0xD80;
	s7 =	sadd.s32 @!p0 $0xC0, s4;
	[sflag:s11] =	ssyncadd.s32 $0xFFFFCA00  }
0x11f: {  	[tilespmem:s12], [sflag:$0x1] =	stream.indirect.gather @!p0 [hbm4b:s1+s8], $0x40, s7, s8, $0xb8;
	[tilespmem:$0x1F380] =	vst v63  }
0x120: {  	s12 =	simm.s32 @!p0 $0x3D80  }
0x121: {  	[tilespmem:s12], [sflag:$0x3] =	stream.indirect.gather @!p0 [hbm4b:s5+s8], $0x10, s7, s8, $0xb8;
	[tilespmem:$0x1F380] =	vst v63  }
0x122: {  	s4 =	sadd.s32 @!p0 $0x780, s4;
	s7 =	simm.s32 @!p0 $0x4980  }
0x123: {  	[tilespmem:s7], [sflag:$0x5] =	stream.indirect.gather @!p0 [hbm4b:s6+s8], $0x10, s4, s8, $0xb8;
	[tilespmem:$0x1F380] =	vst v63  }
0x124: {  	_ =	swait.ge [sflag:s13], $0x1800  }
0x125: {  	[sflag:s13] =	ssyncset.done $0x0  }
0x126: {  	[sflag:s13] =	ssyncadd.s32 $0xFFFFE800  }
0x127: {  	_ =	swait.ge [sflag:s14], $0x600  }
0x128: {  	[sflag:s14] =	ssyncset.done $0x0  }
0x129: {  	[sflag:s14] =	ssyncadd.s32 $0xFFFFFA00  }
0x12a: {  	_ =	swait.ge [sflag:s15], $0x600  }
0x12b: {  	[sflag:s15] =	ssyncset.done $0x0  }
0x12c: {  	s25 =	simm.s32 $0x43A0;
	[sflag:s15] =	ssyncadd.s32 $0xFFFFFA00  }
0x12d: {  	s26 =	simm.s32 $0x4FA0;
	v2 =	vld [tilespmem:s25+$0x10]  }
0x12e: {  	v3 =	vld [tilespmem:s26+$0x10];
	_ =	sdelay $0x4  }
0x12f: {  	v2 =	vadd.f32 v3, v2;
	_ =	sdelay $0x1  }
0x130: {  	v5 =	vld [tilespmem:s25+$0xFFFFFFE0];
	v4 =	vmul.f32 $2.000000030e-01, v2  }
0x131: {  	v6 =	vld [tilespmem:s25+$0xFFFFFFF0];
	vm1 =	vgt.f32 v2, $0.0e+00  }
0x132: {  	v3 =	vld [tilespmem:s26+$0xFFFFFFE0];
	v2 =	vsel vm1, v2, v4  }
0x133: {  	v7 =	vld [tilespmem:s25+$0x0];
	v2 =	vmul.f32 $1.442695020e+00, v2  }
0x134: {  	v4 =	vld [tilespmem:s26+$0xFFFFFFF0]  }
0x135: {  	v8 =	vld [tilespmem:s26+$0x0];
	(erf) = vpow2.f32 v2;
	_ =	sdelay $0x1  }
0x136: {  	v2 =	vadd.f32 v3, v5;
	_ =	sdelay $0x1  }
0x137: {  	v3 =	vmul.f32 $2.000000030e-01, v2;
	v4 =	vadd.f32 v4, v6  }
0x138: {  	v5 =	vadd.f32 v8, v7;
	vm1 =	vgt.f32 v2, $0.0e+00  }
0x139: {  	v2 =	vsel vm1, v2, v3;
	v3 =	vmul.f32 $2.000000030e-01, v4  }
0x13a: {  	v6 =	vmul.f32 $2.000000030e-01, v5;
	vm1 =	vgt.f32 v4, $0.0e+00;
	v2 =	vmul.f32 $1.442695020e+00, v2  }
0x13b: {  	vm2 =	vgt.f32 v5, $0.0e+00;
	v3 =	vsel vm1, v4, v3  }
0x13c: {  	(erf) = vpow2.f32 v2;
	v2 =	vsel vm2, v5, v6;
	v3 =	vmul.f32 $1.442695020e+00, v3;
	v4 =	vpop (erf)  }
0x13d: {  	s20 =	simm.s32 $0x56A0;
	v2 =	vmul.f32 $1.442695020e+00, v2;
	v4 =	vnsel vm0, $0x0, v4  }
0x13e: {  	s8 =	simm.s32 $0x2600;
	(erf) = vpow2.f32 v3;
	[tilespmem:s20+$0x110] =	vst v4  }
0x13f: {  	(erf) = vpow2.f32 v2;
	v2 =	vld [tilespmem:s8+$0x40];
	_ =	sdelay $0x3  }
0x140: {  	s12 =	simm.s32 $0x43E0;
	v9 =	vperm.xlane v4, v1  }
0x141: {  	s25 =	simm.s32 $0x4FE0;
	v5 =	vld [tilespmem:s12+$0x10];
	v4 =	vunpack.i.l.bf16.f32 v2  }
0x142: {  	v6 =	vld [tilespmem:s25+$0x10];
	v2 =	vunpack.i.u.bf16.f32 v2;
	v4 =	vmul.f32 v4, v9  }
0x143: {  	v2 =	vmul.f32 v2, v9  }
0x144: {  	[tilespmem:s20+$0x90] =	vst v4  }
0x145: {  	v16 =	vld [tilespmem:s25+$0xFFFFFFF0];
	v3 =	vpop (erf);
	[tilespmem:s20+$0xA0] =	vst v2  }
0x146: {  	v3 =	vnsel vm0, $0x0, v3;
	v11 =	vld [tilespmem:s8+$0x50]  }
0x147: {  	v5 =	vadd.f32 v6, v5;
	[tilespmem:s20+$0xFFFFFF60] =	vst v3;
	v7 =	vpop (erf);
	v8 =	vperm.xlane v3, v1;
	v3 =	vld [tilespmem:s25+$0xFFFFFFE0]  }
0x148: {  	v10 =	vld [tilespmem:s8+$0xFFFFFF80];
	v4 =	vnsel vm0, $0x0, v7;
	v7 =	vpop (erf)  }
0x149: {  	v14 =	vmul.f32 $2.000000030e-01, v5;
	[tilespmem:s20+$0xFFFFFFF0] =	vst v4;
	v2 =	vnsel vm0, $0x0, v7;
	v7 =	vperm.xlane v4, v1;
	v4 =	vld [tilespmem:s12+$0xFFFFFFE0]  }
0x14a: {  	vm1 =	vgt.f32 v5, $0.0e+00;
	v12 =	vld [tilespmem:s8+$0xFFFFFFC0]  }
0x14b: {  	v5 =	vsel vm1, v5, v14;
	[tilespmem:s20+$0x80] =	vst v2;
	v6 =	vperm.xlane v2, v1;
	v2 =	vld [tilespmem:s12+$0xFFFFFFF0];
	v15 =	vunpack.i.l.bf16.f32 v11  }
0x14c: {  	v5 =	vmul.f32 $1.442695020e+00, v5;
	v13 =	vld [tilespmem:s8+$0x0];
	v11 =	vunpack.i.u.bf16.f32 v11;
	v15 =	vmul.f32 v15, v9  }
0x14d: {  	v11 =	vmul.f32 v11, v9  }
0x14e: {  	v17 =	vld [tilespmem:s12+$0x0];
	(erf) = vpow2.f32 v5;
	v14 =	vunpack.i.l.bf16.f32 v10;
	[tilespmem:s20+$0xB0] =	vst v15  }
0x14f: {  	v19 =	vld [tilespmem:s25+$0x0];
	v10 =	vunpack.i.u.bf16.f32 v10;
	v14 =	vmul.f32 v14, v8;
	v3 =	vadd.f32 v3, v4;
	[tilespmem:s20+$0xC0] =	vst v11  }
0x150: {  	v4 =	vmul.f32 v10, v8;
	v18 =	vunpack.i.u.bf16.f32 v12;
	v12 =	vunpack.i.l.bf16.f32 v12;
	v11 =	vld [tilespmem:s8+$0x60]  }
0x151: {  	[tilespmem:s20+$0xFFFFFEE0] =	vst v14;
	v2 =	vadd.f32 v16, v2;
	v5 =	vunpack.i.u.bf16.f32 v13;
	v10 =	vmul.f32 v12, v7  }
0x152: {  	v12 =	vunpack.i.l.bf16.f32 v13;
	v13 =	vmul.f32 v18, v7;
	v14 =	vmul.f32 $2.000000030e-01, v3;
	[tilespmem:s20+$0xFFFFFEF0] =	vst v4  }
0x153: {  	vm1 =	vgt.f32 v3, $0.0e+00;
	v4 =	vmul.f32 v12, v6;
	v5 =	vmul.f32 v5, v6;
	[tilespmem:s20+$0xFFFFFF70] =	vst v10;
	v10 =	vld [tilespmem:s8+$0xFFFFFF90]  }
0x154: {  	v12 =	vadd.f32 v19, v17;
	v3 =	vsel vm1, v3, v14;
	[tilespmem:s20+$0xFFFFFF80] =	vst v13;
	v13 =	vmul.f32 $2.000000030e-01, v2  }
0x155: {  	vm1 =	vgt.f32 v2, $0.0e+00;
	v3 =	vmul.f32 $1.442695020e+00, v3;
	[tilespmem:s20+$0x0] =	vst v4;
	v4 =	vld [tilespmem:s8+$0xFFFFFFD0];
	v15 =	vunpack.i.l.bf16.f32 v11  }
0x156: {  	v14 =	vmul.f32 $2.000000030e-01, v12;
	[tilespmem:s20+$0x10] =	vst v5;
	v5 =	vunpack.i.u.bf16.f32 v11;
	v11 =	vmul.f32 v15, v9  }
0x157: {  	v2 =	vsel vm1, v2, v13;
	(erf) = vpow2.f32 v3;
	v3 =	vld [tilespmem:s8+$0x10];
	v5 =	vmul.f32 v5, v9  }
0x158: {  	vm2 =	vgt.f32 v12, $0.0e+00;
	v2 =	vmul.f32 $1.442695020e+00, v2;
	v13 =	vpop (erf);
	[tilespmem:s20+$0xD0] =	vst v11;
	v11 =	vunpack.i.l.bf16.f32 v10  }
0x159: {  	s12 =	simm.s32 $0x58E0;
	v10 =	vunpack.i.u.bf16.f32 v10;
	[tilespmem:s20+$0xE0] =	vst v5;
	v5 =	vmul.f32 v11, v8;
	v11 =	vnsel vm0, $0x0, v13  }
0x15a: {  	v12 =	vsel vm2, v12, v14;
	v13 =	vunpack.i.l.bf16.f32 v4;
	v10 =	vmul.f32 v10, v8;
	[tilespmem:s12+$0x110] =	vst v11  }
0x15b: {  	s4 =	simm.s32 $0x2700;
	(erf) = vpow2.f32 v2;
	v4 =	vunpack.i.u.bf16.f32 v4;
	v2 =	vmul.f32 v13, v7;
	[tilespmem:s20+$0xFFFFFF00] =	vst v5  }
0x15c: {  	v12 =	vmul.f32 $1.442695020e+00, v12;
	v4 =	vmul.f32 v4, v7;
	v13 =	vld [tilespmem:s4+$0x40];
	v5 =	vunpack.i.l.bf16.f32 v3;
	[tilespmem:s20+$0xFFFFFF10] =	vst v10  }
0x15d: {  	v3 =	vunpack.i.u.bf16.f32 v3;
	v5 =	vmul.f32 v5, v6;
	[tilespmem:s20+$0xFFFFFF90] =	vst v2  }
0x15e: {  	(erf) = vpow2.f32 v12;
	v2 =	vld [tilespmem:s8+$0x70];
	v3 =	vmul.f32 v3, v6;
	[tilespmem:s20+$0xFFFFFFA0] =	vst v4  }
0x15f: {  	v10 =	vld [tilespmem:s8+$0xFFFFFFA0];
	[tilespmem:s20+$0x20] =	vst v5  }
0x160: {  	v4 =	vpop (erf);
	v5 =	vperm.xlane v11, v1;
	[tilespmem:s20+$0x30] =	vst v3  }
0x161: {  	s26 =	simm.s32 $0x4420;
	v4 =	vnsel vm0, $0x0, v4;
	v12 =	vld [tilespmem:s8+$0x20];
	v3 =	vunpack.i.l.bf16.f32 v13  }
0x162: {  	v16 =	vld [tilespmem:s26+$0x10];
	[tilespmem:s12+$0xFFFFFF60] =	vst v4;
	v13 =	vunpack.i.u.bf16.f32 v13;
	v3 =	vmul.f32 v3, v5  }
0x163: {  	v4 =	vperm.xlane v4, v1;
	v14 =	vld [tilespmem:s4+$0xFFFFFF80];
	v13 =	vmul.f32 v13, v5  }
0x164: {  	s25 =	simm.s32 $0x5020;
	v11 =	vld [tilespmem:s8+$0xFFFFFFE0];
	v15 =	vunpack.i.u.bf16.f32 v2;
	v18 =	vunpack.i.u.bf16.f32 v10;
	v10 =	vunpack.i.l.bf16.f32 v10;
	[tilespmem:s12+$0x90] =	vst v3  }
0x165: {  	v17 =	vunpack.i.l.bf16.f32 v2;
	v15 =	vmul.f32 v15, v9;
	v10 =	vmul.f32 v10, v8;
	[tilespmem:s12+$0xA0] =	vst v13;
	v13 =	vld [tilespmem:s25+$0x10]  }
0x166: {  	v18 =	vmul.f32 v18, v8;
	v19 =	vld [tilespmem:s4+$0x50];
	v23 =	vunpack.i.u.bf16.f32 v12;
	v12 =	vunpack.i.l.bf16.f32 v12;
	v3 =	vpop (erf)  }
0x167: {  	v27 =	vld [tilespmem:s26+$0xFFFFFFE0];
	v9 =	vmul.f32 v17, v9;
	[tilespmem:s20+$0x100] =	vst v15;
	v12 =	vmul.f32 v12, v6;
	v2 =	vnsel vm0, $0x0, v3;
	v3 =	vpop (erf)  }
0x168: {  	v24 =	vld [tilespmem:s25+$0xFFFFFFE0];
	v15 =	vunpack.i.u.bf16.f32 v14;
	v14 =	vunpack.i.l.bf16.f32 v14;
	[tilespmem:s12+$0xFFFFFFF0] =	vst v2;
	v20 =	vnsel vm0, $0x0, v3  }
0x169: {  	v3 =	vperm.xlane v2, v1;
	v14 =	vmul.f32 v14, v4;
	v21 =	vld [tilespmem:s4+$0xFFFFFFC0];
	[tilespmem:s12+$0x80] =	vst v20  }
0x16a: {  	v15 =	vmul.f32 v15, v4;
	v2 =	vperm.xlane v20, v1;
	v13 =	vadd.f32 v13, v16;
	v22 =	vld [tilespmem:s4+$0x0]  }
0x16b: {  	[tilespmem:s20+$0xFFFFFF20] =	vst v10;
	v10 =	vld [tilespmem:s25+$0xFFFFFFF0];
	v20 =	vunpack.i.u.bf16.f32 v11;
	v11 =	vunpack.i.l.bf16.f32 v11;
	v25 =	vunpack.i.l.bf16.f32 v19  }
0x16c: {  	[tilespmem:s20+$0xFFFFFF30] =	vst v18;
	v16 =	vld [tilespmem:s26+$0xFFFFFFF0];
	v19 =	vunpack.i.u.bf16.f32 v19;
	v25 =	vmul.f32 v25, v5;
	v26 =	vmul.f32 $2.000000030e-01, v13  }
0x16d: {  	v11 =	vmul.f32 v11, v7;
	[tilespmem:s12+$0xFFFFFEF0] =	vst v15;
	v19 =	vmul.f32 v19, v5;
	vm1 =	vgt.f32 v13, $0.0e+00  }
0x16e: {  	v18 =	vld [tilespmem:s26+$0x0];
	v15 =	vadd.f32 v24, v27;
	v13 =	vsel vm1, v13, v26;
	[tilespmem:s12+$0xB0] =	vst v25;
	v26 =	vunpack.i.u.bf16.f32 v21  }
0x16f: {  	[tilespmem:s12+$0xC0] =	vst v19;
	v19 =	vld [tilespmem:s25+$0x0];
	v21 =	vunpack.i.l.bf16.f32 v21;
	v13 =	vmul.f32 $1.442695020e+00, v13;
	v25 =	vunpack.i.u.bf16.f32 v22  }
0x170: {  	[tilespmem:s20+$0xFFFFFFB0] =	vst v11;
	v22 =	vunpack.i.l.bf16.f32 v22;
	v11 =	vmul.f32 v21, v3;
	v21 =	vmul.f32 v26, v3;
	v26 =	vld [tilespmem:s4+$0x60]  }
0x171: {  	v20 =	vmul.f32 v20, v7;
	[tilespmem:s12+$0xFFFFFEE0] =	vst v14;
	v10 =	vadd.f32 v10, v16;
	v14 =	vmul.f32 v22, v2  }
0x172: {  	(erf) = vpow2.f32 v13;
	v13 =	vmul.f32 $2.000000030e-01, v15;
	[tilespmem:s12+$0xFFFFFF70] =	vst v11  }
0x173: {  	vm2 =	vgt.f32 v15, $0.0e+00;
	v16 =	vld [tilespmem:s4+$0xFFFFFF90];
	v22 =	vmul.f32 v25, v2;
	v17 =	vmul.f32 $2.000000030e-01, v10;
	[tilespmem:s12+$0xFFFFFF80] =	vst v21  }
0x174: {  	vm1 =	vgt.f32 v10, $0.0e+00;
	v18 =	vadd.f32 v19, v18;
	[tilespmem:s12+$0x0] =	vst v14;
	v19 =	vld [tilespmem:s4+$0xFFFFFFD0];
	v13 =	vsel vm2, v15, v13  }
0x175: {  	v11 =	vmul.f32 v23, v6;
	[tilespmem:s12+$0x10] =	vst v22;
	v13 =	vmul.f32 $1.442695020e+00, v13;
	v14 =	vunpack.i.l.bf16.f32 v26  }
0x176: {  	[tilespmem:s20+$0xFFFFFFC0] =	vst v20;
	v10 =	vsel vm1, v10, v17;
	v22 =	vld [tilespmem:s4+$0x10];
	v20 =	vmul.f32 $2.000000030e-01, v18;
	v14 =	vmul.f32 v14, v5  }
0x177: {  	[tilespmem:s20+$0x40] =	vst v12;
	v10 =	vmul.f32 $1.442695020e+00, v10;
	v21 =	vunpack.i.u.bf16.f32 v26;
	vm2 =	vgt.f32 v18, $0.0e+00  }
0x178: {  	v17 =	vunpack.i.u.bf16.f32 v16;
	v15 =	vmul.f32 v21, v5;
	v21 =	vld [tilespmem:s8+$0xFFFFFFB0];
	[tilespmem:s12+$0xD0] =	vst v14;
	v14 =	vsel vm2, v18, v20  }
0x179: {  	[tilespmem:s20+$0x50] =	vst v11;
	(erf) = vpow2.f32 v13;
	v13 =	vld [tilespmem:s8+$0xFFFFFFF0];
	v11 =	vunpack.i.u.bf16.f32 v19;
	v12 =	vmul.f32 $1.442695020e+00, v14  }
0x17a: {  	(erf) = vpow2.f32 v10;
	[tilespmem:s12+$0xE0] =	vst v15;
	v14 =	vunpack.i.l.bf16.f32 v16;
	v11 =	vmul.f32 v11, v3  }
0x17b: {  	[tilespmem:s20+$0xF0] =	vst v9;
	v15 =	vld [tilespmem:s4+$0x70];
	v9 =	vunpack.i.u.bf16.f32 v22;
	v10 =	vmul.f32 v14, v4;
	(erf) = vpow2.f32 v12  }
0x17c: {  	v16 =	vunpack.i.l.bf16.f32 v19;
	v14 =	vld [tilespmem:s8+$0x30];
	v19 =	vpop (erf);
	v20 =	vmul.f32 v9, v2;
	v12 =	vmul.f32 v17, v4;
	[tilespmem:s12+$0xFFFFFFA0] =	vst v11  }
0x17d: {  	s24 =	simm.s32 $0x5B20;
	v17 =	vunpack.i.l.bf16.f32 v22;
	[tilespmem:s12+$0xFFFFFF00] =	vst v10;
	v10 =	vmul.f32 v16, v3;
	v16 =	vnsel vm0, $0x0, v19  }
0x17e: {  	s26 =	simm.s32 $0x2800;
	v18 =	vunpack.i.u.bf16.f32 v21;
	v9 =	vunpack.i.u.bf16.f32 v13;
	v13 =	vunpack.i.l.bf16.f32 v13;
	[tilespmem:s24+$0x110] =	vst v16  }
0x17f: {  	v17 =	vmul.f32 v17, v2;
	v13 =	vmul.f32 v13, v7;
	[tilespmem:s12+$0xFFFFFF10] =	vst v12;
	v12 =	vunpack.i.l.bf16.f32 v21;
	v21 =	vld [tilespmem:s26+$0x40]  }
0x180: {  	[tilespmem:s12+$0x30] =	vst v20;
	v19 =	vunpack.i.u.bf16.f32 v15;
	v26 =	vmul.f32 v12, v8;
	v15 =	vunpack.i.l.bf16.f32 v15  }
0x181: {  	[tilespmem:s12+$0xFFFFFF90] =	vst v10;
	v23 =	vld [tilespmem:s4+$0xFFFFFFA0];
	v12 =	vmul.f32 v9, v7;
	v10 =	vmul.f32 v19, v5;
	v19 =	vunpack.i.u.bf16.f32 v14  }
0x182: {  	[tilespmem:s12+$0x20] =	vst v17;
	v11 =	vunpack.i.l.bf16.f32 v14;
	v14 =	vmul.f32 v18, v8;
	v24 =	vld [tilespmem:s4+$0xFFFFFFE0];
	v7 =	vpop (erf);
	v9 =	vmul.f32 v19, v6  }
0x183: {  	[tilespmem:s12+$0x100] =	vst v10;
	v10 =	vmul.f32 v11, v6;
	v6 =	vnsel vm0, $0x0, v7;
	v11 =	vperm.xlane v16, v1;
	v7 =	vpop (erf)  }
0x184: {  	v17 =	vld [tilespmem:s4+$0x20];
	[tilespmem:s24+$0xFFFFFF60] =	vst v6;
	v6 =	vperm.xlane v6, v1;
	v7 =	vnsel vm0, $0x0, v7;
	v8 =	vunpack.i.l.bf16.f32 v21;
	v16 =	vpop (erf)  }
0x185: {  	[tilespmem:s24+$0xFFFFFFF0] =	vst v7;
	v18 =	vunpack.i.u.bf16.f32 v21;
	v22 =	vld [tilespmem:s26+$0xFFFFFF80];
	v19 =	vmul.f32 v8, v11;
	v16 =	vnsel vm0, $0x0, v16  }
0x186: {  	v27 =	vunpack.i.u.bf16.f32 v23;
	v23 =	vunpack.i.l.bf16.f32 v23;
	v25 =	vmul.f32 v18, v11;
	v21 =	vld [tilespmem:s26+$0xFFFFFFC0];
	[tilespmem:s24+$0x80] =	vst v16  }
0x187: {  	v8 =	vperm.xlane v7, v1;
	v20 =	vunpack.i.u.bf16.f32 v24;
	v7 =	vperm.xlane v16, v1;
	[tilespmem:s24+$0x90] =	vst v19;
	v18 =	vld [tilespmem:s26+$0x0]  }
0x188: {  	v16 =	vunpack.i.l.bf16.f32 v24;
	[tilespmem:s24+$0xA0] =	vst v25;
	v25 =	vmul.f32 v23, v4;
	v24 =	vmul.f32 v27, v4  }
0x189: {  	s7 =	simm.s32 $0x8;
	s8 =	simm.s32 $0x4460;
	[tilespmem:s20+$0xFFFFFF40] =	vst v26;
	v19 =	vld [tilespmem:s26+$0x50];
	v23 =	vmul.f32 v16, v3;
	v16 =	vunpack.i.u.bf16.f32 v17;
	v17 =	vunpack.i.l.bf16.f32 v17  }
.LBB2_8:
0x18a: {  	v26 =	vld [tilespmem:s8+$0x10];
	v27 =	vunpack.i.u.bf16.f32 v22;
	v22 =	vunpack.i.l.bf16.f32 v22;
	s25 =	sadd.s32 $0x40, s25;
	[tilespmem:s12+$0xFFFFFF20] =	vst v25;
	v20 =	vmul.f32 v20, v3  }
0x18b: {  	v25 =	vld [tilespmem:s25+$0x10];
	v22 =	vmul.f32 v22, v6;
	v28 =	vunpack.i.u.bf16.f32 v21;
	v21 =	vunpack.i.l.bf16.f32 v21;
	[tilespmem:s12+$0xFFFFFF30] =	vst v24  }
0x18c: {  	v27 =	vmul.f32 v27, v6;
	v24 =	vld [tilespmem:s25+$0xFFFFFFE0];
	v29 =	vunpack.i.u.bf16.f32 v18;
	v18 =	vunpack.i.l.bf16.f32 v18;
	[tilespmem:s12+$0xFFFFFFB0] =	vst v23  }
0x18d: {  	v21 =	vmul.f32 v21, v8;
	v23 =	vld [tilespmem:s8+$0xFFFFFFF0];
	[tilespmem:s24+$0xFFFFFEE0] =	vst v22;
	v22 =	vmul.f32 v28, v8  }
0x18e: {  	s7 =	sadd.s32 $0x4, s7;
	v18 =	vmul.f32 v18, v7;
	v28 =	vld [tilespmem:s25+$0xFFFFFFF0];
	[tilespmem:s24+$0xFFFFFEF0] =	vst v27;
	v27 =	vmul.f32 v29, v7;
	v29 =	vunpack.i.l.bf16.f32 v19  }
0x18f: {  	v17 =	vmul.f32 v17, v2;
	p0 =	slt.u32 s7, $0x5C;
	v19 =	vunpack.i.u.bf16.f32 v19;
	v30 =	vld [tilespmem:s8+$0x0];
	[tilespmem:s24+$0xFFFFFF70] =	vst v21;
	v21 =	vmul.f32 v29, v11  }
0x190: {  	v16 =	vmul.f32 v16, v2;
	v19 =	vmul.f32 v19, v11;
	v29 =	vld [tilespmem:s25+$0x0];
	v25 =	vadd.f32 v25, v26;
	[tilespmem:s24+$0xFFFFFF80] =	vst v22  }
0x191: {  	v15 =	vmul.f32 v15, v5;
	v5 =	vmov v11;
	v22 =	vld [tilespmem:s8+$0xFFFFFFE0];
	[tilespmem:s24+$0xB0] =	vst v21  }
0x192: {  	v11 =	vmul.f32 $2.000000030e-01, v25;
	v21 =	vld [tilespmem:s26+$0xFFFFFF90];
	[tilespmem:s24+$0xC0] =	vst v19  }
0x193: {  	vm1 =	vgt.f32 v25, $0.0e+00;
	v19 =	vadd.f32 v28, v23;
	[tilespmem:s24+$0x0] =	vst v18;
	v18 =	vld [tilespmem:s26+$0x60]  }
0x194: {  	v11 =	vsel vm1, v25, v11;
	v23 =	vld [tilespmem:s26+$0xFFFFFFD0];
	[tilespmem:s24+$0x10] =	vst v27  }
0x195: {  	v25 =	vmul.f32 $2.000000030e-01, v19;
	v26 =	vadd.f32 v29, v30;
	v11 =	vmul.f32 $1.442695020e+00, v11;
	v27 =	vld [tilespmem:s26+$0x10];
	[tilespmem:s12+$0xFFFFFFC0] =	vst v20  }
0x196: {  	vm1 =	vgt.f32 v19, $0.0e+00;
	v20 =	vadd.f32 v24, v22;
	v22 =	vld [tilespmem:s4+$0xFFFFFFB0];
	[tilespmem:s12+$0x40] =	vst v17  }
0x197: {  	vm2 =	vgt.f32 v26, $0.0e+00;
	v17 =	vmul.f32 $2.000000030e-01, v26;
	(erf) = vpow2.f32 v11;
	v11 =	vld [tilespmem:s4+$0xFFFFFFF0];
	[tilespmem:s12+$0x50] =	vst v16  }
0x198: {  	vm3 =	vgt.f32 v20, $0.0e+00;
	v16 =	vmul.f32 $2.000000030e-01, v20;
	v24 =	vunpack.i.l.bf16.f32 v18;
	v28 =	vld [tilespmem:s4+$0x30];
	[tilespmem:s20+$0xFFFFFF50] =	vst v14;
	s4 =	smov.u32 s26  }
0x199: {  	v14 =	vsel vm1, v19, v25;
	v18 =	vunpack.i.u.bf16.f32 v18;
	v19 =	vmul.f32 v24, v5;
	[tilespmem:s20+$0xFFFFFFD0] =	vst v13  }
0x19a: {  	v13 =	vsel vm3, v20, v16;
	v16 =	vsel vm2, v26, v17;
	v17 =	vmul.f32 v18, v5;
	[tilespmem:s20+$0xFFFFFFE0] =	vst v12  }
0x19b: {  	v12 =	vmul.f32 $1.442695020e+00, v13;
	v13 =	vmul.f32 $1.442695020e+00, v14;
	v14 =	vunpack.i.u.bf16.f32 v21;
	[tilespmem:s24+$0xD0] =	vst v19  }
0x19c: {  	v18 =	vunpack.i.l.bf16.f32 v21;
	v16 =	vmul.f32 $1.442695020e+00, v16;
	v19 =	vunpack.i.u.bf16.f32 v23;
	[tilespmem:s24+$0xE0] =	vst v17  }
0x19d: {  	v17 =	vunpack.i.u.bf16.f32 v27;
	(erf) = vpow2.f32 v12;
	v12 =	vunpack.i.l.bf16.f32 v23;
	v20 =	vld [tilespmem:s26+$0x70];
	[tilespmem:s20+$0x60] =	vst v10  }
0x19e: {  	v10 =	vmul.f32 v18, v6;
	(erf) = vpow2.f32 v13;
	v13 =	vunpack.i.l.bf16.f32 v27;
	[tilespmem:s20+$0x70] =	vst v9;
	s20 =	smov.u32 s12;
	s12 =	smov.u32 s24  }
0x19f: {  	v9 =	vmul.f32 v14, v6;
	v14 =	vunpack.i.u.bf16.f32 v22;
	(erf) = vpow2.f32 v16;
	[tilespmem:s20+$0xF0] =	vst v15  }
0x1a0: {  	v16 =	vunpack.i.l.bf16.f32 v22;
	v15 =	vpop (erf);
	[tilespmem:s24+$0xFFFFFF00] =	vst v10;
	v10 =	vmul.f32 v12, v8;
	v12 =	vmul.f32 v19, v8  }
0x1a1: {  	v17 =	vmul.f32 v17, v7;
	s24 =	sadd.s32 $0x240, s24;
	v18 =	vnsel vm0, $0x0, v15;
	[tilespmem:s12+$0xFFFFFF10] =	vst v9;
	v9 =	vmul.f32 v13, v7  }
0x1a2: {  	v21 =	vunpack.i.u.bf16.f32 v11;
	v11 =	vunpack.i.l.bf16.f32 v11;
	s26 =	sadd.s32 $0x100, s26;
	[tilespmem:s24+$0x110] =	vst v18;
	v19 =	vld [tilespmem:s4+$0xFFFFFFA0];
	v13 =	vunpack.i.u.bf16.f32 v20  }
0x1a3: {  	v24 =	vunpack.i.l.bf16.f32 v28;
	v22 =	vunpack.i.u.bf16.f32 v28;
	v23 =	vld [tilespmem:s26+$0x40];
	[tilespmem:s12+$0xFFFFFF90] =	vst v10;
	v10 =	vmul.f32 v13, v5  }
0x1a4: {  	v14 =	vmul.f32 v14, v4;
	v26 =	vmul.f32 v16, v4;
	v4 =	vmovc v6;
	v15 =	vunpack.i.l.bf16.f32 v20;
	[tilespmem:s12+$0xFFFFFFA0] =	vst v12  }
0x1a5: {  	v13 =	vmul.f32 v11, v3;
	v12 =	vmul.f32 v21, v3;
	v3 =	vmov v8;
	v16 =	vld [tilespmem:s4+$0xFFFFFFE0];
	[tilespmem:s12+$0x100] =	vst v10  }
0x1a6: {  	v10 =	vmul.f32 v24, v2;
	v6 =	vpop (erf);
	[tilespmem:s12+$0x20] =	vst v9;
	v9 =	vmul.f32 v22, v2;
	v2 =	vmov v7  }
0x1a7: {  	v11 =	vperm.xlane v18, v1;
	v6 =	vnsel vm0, $0x0, v6;
	v7 =	vpop (erf);
	v24 =	vunpack.i.u.bf16.f32 v19;
	[tilespmem:s12+$0x30] =	vst v17  }
0x1a8: {  	[tilespmem:s24+$0xFFFFFF60] =	vst v6;
	v6 =	vperm.xlane v6, v1;
	v7 =	vnsel vm0, $0x0, v7;
	v8 =	vunpack.i.l.bf16.f32 v23;
	v17 =	vpop (erf);
	v27 =	vld [tilespmem:s4+$0x20]  }
.Ltmp2:
0x1a9: {  	v18 =	vunpack.i.u.bf16.f32 v23;
	v22 =	vld [tilespmem:s26+$0xFFFFFF80];
	[tilespmem:s24+$0xFFFFFFF0] =	vst v7;
	v17 =	vnsel vm0, $0x0, v17;
	v20 =	vmul.f32 v8, v11;
	(pc) =	sbr.rel @p0 .LBB2_8-.Ltmp2, $4  }
0x1aa: {  	v19 =	vunpack.i.l.bf16.f32 v19;
	v8 =	vperm.xlane v7, v1;
	v23 =	vmul.f32 v18, v11;
	v21 =	vld [tilespmem:s26+$0xFFFFFFC0];
	[tilespmem:s24+$0x80] =	vst v17  }
0x1ab: {  	v7 =	vperm.xlane v17, v1;
	v18 =	vld [tilespmem:s26+$0x0];
	[tilespmem:s24+$0x90] =	vst v20;
	v20 =	vunpack.i.u.bf16.f32 v16;
	v16 =	vunpack.i.l.bf16.f32 v16  }
0x1ac: {  	v25 =	vmul.f32 v19, v4;
	v24 =	vmul.f32 v24, v4;
	[tilespmem:s24+$0xA0] =	vst v23  }
0x1ad: {  	s8 =	sadd.s32 $0x40, s8;
	v23 =	vmul.f32 v16, v3;
	v19 =	vld [tilespmem:s26+$0x50];
	v16 =	vunpack.i.u.bf16.f32 v27;
	v17 =	vunpack.i.l.bf16.f32 v27;
	[tilespmem:s20+$0xFFFFFF40] =	vst v26  }
0x1ae: {  	[tilespmem:s12+$0xFFFFFF20] =	vst v25  }
0x1af: {  	[tilespmem:s12+$0xFFFFFF30] =	vst v24  }
0x1b0: {  	[tilespmem:s20+$0xFFFFFF50] =	vst v14  }
0x1b1: {  	[tilespmem:s20+$0xFFFFFFD0] =	vst v13  }
0x1b2: {  	[tilespmem:s20+$0xFFFFFFE0] =	vst v12  }
0x1b3: {  	[tilespmem:s20+$0x60] =	vst v10  }
0x1b4: {  	v59 =	vmul.f32 v20, v3;
	[tilespmem:s20+$0x70] =	vst v9  }
0x1b5: {  	v17 =	vmul.f32 v17, v2;
	[tilespmem:s12+$0xFFFFFFB0] =	vst v23  }
0x1b6: {  	v16 =	vmul.f32 v16, v2;
	[tilespmem:s12+$0xFFFFFFC0] =	vst v59  }
0x1b7: {  	v26 =	vunpack.i.l.bf16.f32 v22;
	v5 =	vmul.f32 v15, v5;
	[tilespmem:s12+$0x40] =	vst v17  }
0x1b8: {  	v49 =	vunpack.i.u.bf16.f32 v22;
	v50 =	vmul.f32 v26, v6;
	[tilespmem:s12+$0x50] =	vst v16  }
0x1b9: {  	v51 =	vunpack.i.l.bf16.f32 v21;
	v22 =	vmul.f32 v49, v6;
	[tilespmem:s12+$0xF0] =	vst v5  }
0x1ba: {  	v52 =	vunpack.i.u.bf16.f32 v21;
	v29 =	vld [tilespmem:s4+$0xFFFFFFB0];
	v53 =	vmul.f32 v51, v8;
	[tilespmem:s24+$0xFFFFFEE0] =	vst v50  }
0x1bb: {  	v21 =	vmul.f32 v52, v8;
	v56 =	vunpack.i.l.bf16.f32 v18;
	[tilespmem:s24+$0xFFFFFEF0] =	vst v22  }
0x1bc: {  	v57 =	vunpack.i.u.bf16.f32 v18;
	v58 =	vmul.f32 v56, v7;
	[tilespmem:s24+$0xFFFFFF70] =	vst v53;
	v61 =	vld [tilespmem:s26+$0xFFFFFF90]  }
0x1bd: {  	v18 =	vmul.f32 v57, v7;
	v54 =	vunpack.i.l.bf16.f32 v19;
	[tilespmem:s24+$0xFFFFFF80] =	vst v21  }
0x1be: {  	v55 =	vunpack.i.u.bf16.f32 v19;
	v22 =	vmul.f32 v54, v11;
	[tilespmem:s24+$0x0] =	vst v58;
	v62 =	vld [tilespmem:s26+$0xFFFFFFD0]  }
0x1bf: {  	v19 =	vmul.f32 v55, v11;
	[tilespmem:s24+$0x10] =	vst v18;
	v35 =	vunpack.i.l.bf16.f32 v29  }
0x1c0: {  	v49 =	vunpack.i.u.bf16.f32 v29;
	[tilespmem:s24+$0xB0] =	vst v22;
	v22 =	vld [tilespmem:s26+$0x10];
	v38 =	vmul.f32 v35, v4  }
0x1c1: {  	[tilespmem:s24+$0xC0] =	vst v19;
	v51 =	vmul.f32 v49, v4;
	v23 =	vunpack.i.l.bf16.f32 v61  }
0x1c2: {  	v45 =	vld [tilespmem:s4+$0x30];
	v24 =	vunpack.i.u.bf16.f32 v61;
	[tilespmem:s12+$0xFFFFFF40] =	vst v38;
	v12 =	vmul.f32 v23, v6  }
0x1c3: {  	[tilespmem:s12+$0xFFFFFF50] =	vst v51;
	v25 =	vunpack.i.l.bf16.f32 v62;
	v26 =	vmul.f32 v24, v6  }
0x1c4: {  	v60 =	vld [tilespmem:s26+$0x60];
	v16 =	vunpack.i.u.bf16.f32 v62;
	v28 =	vmul.f32 v25, v8;
	[tilespmem:s24+$0xFFFFFF00] =	vst v12  }
0x1c5: {  	v16 =	vmul.f32 v16, v8;
	v30 =	vunpack.i.l.bf16.f32 v22;
	[tilespmem:s24+$0xFFFFFF10] =	vst v26  }
0x1c6: {  	v31 =	vunpack.i.u.bf16.f32 v22;
	v32 =	vmul.f32 v30, v7;
	v33 =	vld [tilespmem:s26+$0xFFFFFFA0];
	[tilespmem:s24+$0xFFFFFF90] =	vst v28  }
0x1c7: {  	v54 =	vunpack.i.l.bf16.f32 v45;
	v10 =	vmul.f32 v31, v7;
	[tilespmem:s24+$0xFFFFFFA0] =	vst v16  }
0x1c8: {  	v56 =	vunpack.i.u.bf16.f32 v45;
	v57 =	vmul.f32 v54, v2;
	v12 =	vld [tilespmem:s26+$0xFFFFFFE0];
	[tilespmem:s24+$0x20] =	vst v32  }
0x1c9: {  	v2 =	vmul.f32 v56, v2;
	v63 =	vunpack.i.l.bf16.f32 v60;
	[tilespmem:s24+$0x30] =	vst v10  }
0x1ca: {  	[tilespmem:s12+$0x60] =	vst v57;
	v21 =	vunpack.i.u.bf16.f32 v60;
	v17 =	vmul.f32 v63, v11;
	v37 =	vld [tilespmem:s26+$0x20]  }
0x1cb: {  	[tilespmem:s12+$0x70] =	vst v2;
	v14 =	vmul.f32 v21, v11;
	v39 =	vunpack.i.l.bf16.f32 v33  }
0x1cc: {  	v41 =	vld [tilespmem:s4+$0xFFFFFFF0];
	[tilespmem:s24+$0xD0] =	vst v17;
	v40 =	vunpack.i.u.bf16.f32 v33;
	v9 =	vmul.f32 v39, v6  }
0x1cd: {  	[tilespmem:s24+$0xE0] =	vst v14;
	v42 =	vunpack.i.l.bf16.f32 v12;
	v10 =	vmul.f32 v40, v6  }
0x1ce: {  	v27 =	vld [tilespmem:s26+$0x70];
	v43 =	vunpack.i.u.bf16.f32 v12;
	v44 =	vmul.f32 v42, v8;
	[tilespmem:s24+$0xFFFFFF20] =	vst v9  }
0x1cf: {  	v5 =	vmul.f32 v43, v8;
	v46 =	vunpack.i.l.bf16.f32 v37;
	[tilespmem:s24+$0xFFFFFF30] =	vst v10  }
0x1d0: {  	v47 =	vunpack.i.u.bf16.f32 v37;
	[tilespmem:s24+$0xFFFFFFB0] =	vst v44;
	v48 =	vmul.f32 v46, v7;
	v52 =	vld [tilespmem:s26+$0xFFFFFFB0]  }
0x1d1: {  	v50 =	vunpack.i.l.bf16.f32 v41;
	v10 =	vmul.f32 v47, v7;
	[tilespmem:s24+$0xFFFFFFC0] =	vst v5  }
0x1d2: {  	v53 =	vunpack.i.u.bf16.f32 v41;
	v5 =	vmul.f32 v50, v3;
	v55 =	vld [tilespmem:s26+$0xFFFFFFF0];
	[tilespmem:s24+$0x40] =	vst v48  }
0x1d3: {  	v34 =	vunpack.i.u.bf16.f32 v27;
	v3 =	vmul.f32 v53, v3;
	[tilespmem:s24+$0x50] =	vst v10  }
0x1d4: {  	v58 =	vunpack.i.l.bf16.f32 v27;
	v36 =	vmul.f32 v34, v11;
	[tilespmem:s12+$0xFFFFFFD0] =	vst v5;
	v59 =	vld [tilespmem:s26+$0x30]  }
0x1d5: {  	[tilespmem:s12+$0xFFFFFFE0] =	vst v3;
	v3 =	vmul.f32 v58, v11;
	v60 =	vunpack.i.l.bf16.f32 v52  }
0x1d6: {  	[tilespmem:s24+$0x100] =	vst v36;
	v2 =	vunpack.i.u.bf16.f32 v52;
	v5 =	vmul.f32 v60, v6  }
0x1d7: {  	[tilespmem:s24+$0xF0] =	vst v3;
	v3 =	vunpack.i.l.bf16.f32 v55;
	v2 =	vmul.f32 v2, v6  }
0x1d8: {  	v61 =	vunpack.i.u.bf16.f32 v55;
	v3 =	vmul.f32 v3, v8;
	[tilespmem:s24+$0xFFFFFF40] =	vst v5  }
0x1d9: {  	v6 =	vmul.f32 v61, v8;
	v62 =	vunpack.i.l.bf16.f32 v59;
	[tilespmem:s24+$0xFFFFFF50] =	vst v2  }
0x1da: {  	s26 =	smul.u32 $0x180, s19;
	v2 =	vunpack.i.u.bf16.f32 v59;
	v63 =	vmul.f32 v62, v7;
	[tilespmem:s24+$0xFFFFFFD0] =	vst v3  }
0x1db: {  	s18 =	sadd.s32 $0x1, s18;
	v2 =	vmul.f32 v2, v7;
	[tilespmem:s24+$0xFFFFFFE0] =	vst v6  }
0x1dc: {  	p0 =	sne.s32 s18, $0x9;
	s4 =	sshra.s32 s26, $0x2;
	[tilespmem:s24+$0x60] =	vst v63  }
.Ltmp3:
0x1dd: {  	s4 =	sadd.s32 $0x6C0, s4;
	[tilespmem:s24+$0x70] =	vst v2;
	(pc) =	sbr.rel @p0 .LBB2_5-.Ltmp3, $4  }
0x1de: {  	[spmem:s3] =	stream.indirect.scatter.add.f32 [tilespmem:s21], [sflag:$0x7], $0x90, s4, s23, $0xb8;
	[tilespmem:$0x1F380] =	vst v63  }
0x1df: {  	_ =	swait.ge [sflag:s11], $0x3600  }
0x1e0: {  	[sflag:s11] =	ssyncset.done $0x0  }
0x1e1: {  	[sflag:s11] =	ssyncadd.s32 $0xFFFFCA00  }
0x1e2: {  	s17 =	sadd.s32 $0x1, s17  }
0x1e3: {  	p0 =	sne.s32 s17, s10  }
.Ltmp4:
0x1e4: {  	_ = 	snop;
	(pc) =	sbr.rel @p0 .LBB2_4-.Ltmp4, $1  }
0x1e5: {  	_ =	sdelay $0x3  }
0x1e6: {  	s4 =	stileid.u32;
	[bflag:$0x0] =	sbarrier.arrive $0xFFFF  }
0x1e7: {  	s4 =	sshll.u32 s4, $0x6;
	s8 =	rddreg [dreg:$0x7]  }
0x1e8: {  	s12 =	rddreg [dreg:$0xe];
	s4 =	sor.u32 $0x1C07, s4;
	s7 =	sshrl.u32 s8, $0x3  }
0x1e9: {  	[hbm:s12], [sflag:s4] =	dma.local [spmem:s7], $0x2D00  }
0x1ea: {  	_ =	swait.ge [sflag:s11], $0x2D00  }
0x1eb: {  	s25 =	rddreg [dreg:$0x4]  }
0x1ec: {  	s26 =	rddreg [dreg:$0xf];
	s12 =	sadd.s32 $0x1, s25  }
0x1ed: {  	p0 =	sne.s32 s12, s26  }
.Ltmp5:
0x1ee: {  	_ = 	snop;
	(pc) =	sbr.rel @p0 .LBB2_1-.Ltmp5, $3  }
0x1ef: {  	_ =	sdelay $0x1  }
0x1f0: {  	[sflag:s11] =	ssyncset.done $0x0  }
0x1f1: {  	[sflag:s11] =	ssyncadd.s32 $0xFFFFD300  }
0x1f2: {  	_ =	sfence.sel $0x180000  }
0x1f3: {  	[bflag:$0x0] =	sbarrier.arrive $0xFFFF  }
0x1f4: {  	_ =	strace $0x9000004A  }
0x1f5: {  	s0 =	stileid.u32;
	[bflag:$0x2] =	sbarrier.arrive $0xFFFF  }
0x1f6: {  	p0 =	sne.s32 s0, $0x0;
	s0 =	rddreg [dreg:$0x3]  }
0x1f7: {  	s0 =	sadd.s32 @!p0 $0x100000, s0  }
0x1f8: {  	[sflag:s0] =	ssyncadd.tile.s32 @!p0 $0x1;
	_ =	shalt  }
.Lfunc_end2:
_tile_overlayer_lowered:
.L_overlay_start_2:
0x1f9: {  	(tag) =	ssettag $0x2  }
0x1fa: {  	s0 =	rddreg [dreg:$0x0];
	s2 =	stileid.u32  }
0x1fb: {  	s1 =	rddreg [dreg:$0x1];
	p0 =	sne.s32 s2, $0x0  }
0x1fc: {  	s3 =	rddreg [dreg:$0x2];
	[bflag:$0x3] =	sbarrier.arrive $0xFFFF;
	s2 =	simm.s32 @!p0 $0x1C07  }
0x1fd: {  	[timem:s3], [sflag:s2] =	dma.local @!p0 [hbm:s0], s1  }
0x1fe: {  	s0 =	simm.s32 @!p0 $0x7  }
0x1ff: {  	_ =	swait.ge @!p0 [sflag:s0], s1  }
0x200: {  	s1 =	ssub.s32 @!p0 $0x0, s1;
	[sflag:s0] =	ssyncset.done @!p0 $0x0  }
0x201: {  	[sflag:s0] =	ssyncadd.s32 @!p0 s1  }
0x202: {  	[bflag:$0x3] =	sbarrier.arrive $0xFFFF  }
0x203: {  	_ =	shalt  }

// kernel: kernel.7.cloned.1.call-start
scs
__scs_entry_jumppad:
0x0: {  	(pc) =	sbr.rel $0x88, $3  }
0x1: {  	(tag) =	ssettag $0x0;
	lr =	simm.s32 $0x1  }
0x2: {  	[smem:$0x3F97] =	sst lr;
	_ =	strace $0xD0000000  }
0x3: {  	_ = 	snop  }
0x4: {  	_ = 	snop  }
0x5: {  	_ = 	snop  }
0x6: {  	_ = 	snop  }
0x7: {  	_ = 	snop  }
__scs_overlays_trampoline_lowered:
0x8: {  	[smem:$0x3FA6] =	sst s0  }
0x9: {  	[smem:$0x3FA7] =	sst s1  }
0xa: {  	[smem:$0x3FA8] =	sst s2  }
0xb: {  	[smem:$0x3FA9] =	sst s3  }
0xc: {  	[smem:$0x3FAA] =	sst s4  }
0xd: {  	[smem:$0x3FAB] =	sst s5  }
0xe: {  	[smem:$0x3FAC] =	sst s6  }
0xf: {  	[smem:$0x3FAD] =	sst s7  }
0x10: {  	[smem:$0x3FAE] =	sst s8  }
0x11: {  	[smem:$0x3FAF] =	sst s9;
	s0 =	simm.s32 @!p0 $0x0  }
0x12: {  	s1 =	sld [smem:$0x3F95];
	s0 =	simm.s32 @p0 $0x1  }
0x13: {  	[smem:$0x3FB0] =	sst s0;
	s0 =	simm.s32 @!p1 $0x0  }
0x14: {  	s2 =	sld [smem:$0x3F94];
	s0 =	simm.s32 @p1 $0x1  }
0x15: {  	[smem:$0x3FB1] =	sst s0;
	s0 =	simm.s32 @!p2 $0x0  }
0x16: {  	s3 =	sld [smem:$0x3FDB];
	s0 =	simm.s32 @p2 $0x1  }
0x17: {  	s4 =	simm.s32 $0x1BF5;
	[smem:$0x3FB3] =	sst s0  }
0x18: {  	s0 =	sld [smem:$0x3F96];
	_ =	swait.ge [sflag:s4], $0x0  }
0x19: {  	s7 =	sld [smem:$0x3F97]  }
0x1a: {  	s8 =	sadd.s32 $0xFFFFE003, lr  }
0x1b: {  	s9 =	sadd.s32 $0xFFFFFEF7, lr;
	s5 =	simm.s32 $0xFFFFFFFF;
	p2 =	slt.u32 s8, $0xFFFFF086  }
0x1c: {  	p1 =	slt.u32 s9, $0xF7A;
	s5 =	simm.s32 @!p2 $0x0  }
0x1d: {  	s5 =	simm.s32 @p1 $0x1;
	p0 =	seq.s32 s7, s2  }
0x1e: {  	s7 =	smul.u32 @!p0 $0xF7A, s2;
	p2 =	seq.s32 @!p0 s5, $0x0  }
0x1f: {  	s9 =	smul.u32 $0xF7A, s1;
	s8 =	simm.s32 @!p0 $0x1BF5;
	p2 =	por !p2, p0  }
0x20: {  	[sflag:s8] =	ssyncset.s32 @!p0 $0xFFFFF086;
	s6 =	sadd.s32 @!p0 s3, s7;
	s7 =	simm.s32 @!p0 $0x108  }
0x21: {  	s3 =	sadd.s32 s3, s9;
	s6 =	sadd.s32 @!p0 $0x88, s6;
	s7 =	simm.s32 @p2 $0x1082  }
0x22: {  	[simem:s7], [sflag:s8] =	dma.local @!p0 [hbm:s6], $0xF7A  }
0x23: {  	s9 =	sor.u32 $0xD0000000, s2;
	s6 =	simm.s32 $0x108;
	_ =	swait.ge @!p0 [sflag:s8], $0x0  }
0x24: {  	s3 =	sadd.s32 $0x88, s3;
	s6 =	simm.s32 @!p1 $0x1082;
	[sflag:s4] =	ssyncset.s32 $0xFFFFF086  }
0x25: {  	[simem:s6], [sflag:s4] =	dma.local [hbm:s3], $0xF7A  }
0x26: {  	[smem:$0x3F97] =	sst s1;
	(tag) =	ssettag s2;
	_ =	strace s9  }
0x27: {  	s1 =	sld [smem:$0x3FA7]  }
0x28: {  	s2 =	sld [smem:$0x3FA8]  }
0x29: {  	s4 =	sld [smem:$0x3FAA]  }
0x2a: {  	p0 =	seq.s32 s5, $0x0;
	s5 =	sld [smem:$0x3FAB]  }
0x2b: {  	s6 =	sld [smem:$0x3FAC]  }
0x2c: {  	s7 =	sld [smem:$0x3FAD]  }
0x2d: {  	s3 =	simm.s32 $0x108;
	s8 =	sld [smem:$0x3FAE]  }
0x2e: {  	s3 =	simm.s32 @!p0 $0x1082;
	s9 =	sld [smem:$0x3FAF]  }
0x2f: {  	lr =	sadd.s32 s0, s3;
	s0 =	sld [smem:$0x3FA6]  }
0x30: {  	s3 =	sld [smem:$0x3FA9]  }
0x31: {  	[smem:$0x3FB2] =	sst s10  }
0x32: {  	s10 =	sld [smem:$0x3FB0];
	_ =	sdelay $0x3  }
0x33: {  	p0 =	seq.s32 s10, $0x1;
	s10 =	sld [smem:$0x3FB2];
	_ =	sdelay $0x3  }
0x34: {  	[smem:$0x3FB2] =	sst s10  }
0x35: {  	s10 =	sld [smem:$0x3FB1];
	_ =	sdelay $0x3  }
0x36: {  	p1 =	seq.s32 s10, $0x1;
	s10 =	sld [smem:$0x3FB2];
	_ =	sdelay $0x3  }
0x37: {  	[smem:$0x3FB2] =	sst s10  }
0x38: {  	s10 =	sld [smem:$0x3FB3]  }
0x39: {  	_ = 	snop;
	(pc) =	sbr.ind lr, $3  }
0x3a: {  	_ = 	snop  }
0x3b: {  	_ = 	snop  }
0x3c: {  	p2 =	seq.s32 s10, $0x1;
	s10 =	sld [smem:$0x3FB2]  }
0x3d: {  	_ =	shalt  }
0x3e: {  	_ =	shalt  }
0x3f: {  	_ =	shalt  }
0x40: {  	_ =	shalt  }
0x41: {  	_ =	shalt  }
0x42: {  	_ =	shalt  }
0x43: {  	_ =	shalt  }
0x44: {  	_ =	shalt  }
0x45: {  	_ =	shalt  }
0x46: {  	_ =	shalt  }
0x47: {  	_ =	shalt  }
0x48: {  	_ =	shalt  }
0x49: {  	_ =	shalt  }
0x4a: {  	_ =	shalt  }
0x4b: {  	_ =	shalt  }
0x4c: {  	_ =	shalt  }
0x4d: {  	_ =	shalt  }
0x4e: {  	_ =	shalt  }
0x4f: {  	_ =	shalt  }
0x50: {  	_ =	shalt  }
0x51: {  	_ =	shalt  }
0x52: {  	_ =	shalt  }
0x53: {  	_ =	shalt  }
0x54: {  	_ =	shalt  }
0x55: {  	_ =	shalt  }
0x56: {  	_ =	shalt  }
0x57: {  	_ =	shalt  }
0x58: {  	_ =	shalt  }
0x59: {  	_ =	shalt  }
0x5a: {  	_ =	shalt  }
0x5b: {  	_ =	shalt  }
0x5c: {  	_ =	shalt  }
0x5d: {  	_ =	shalt  }
0x5e: {  	_ =	shalt  }
0x5f: {  	_ =	shalt  }
0x60: {  	_ =	shalt  }
0x61: {  	_ =	shalt  }
0x62: {  	_ =	shalt  }
0x63: {  	_ =	shalt  }
0x64: {  	_ =	shalt  }
0x65: {  	_ =	shalt  }
0x66: {  	_ =	shalt  }
0x67: {  	_ =	shalt  }
0x68: {  	_ =	shalt  }
0x69: {  	_ =	shalt  }
0x6a: {  	_ =	shalt  }
0x6b: {  	_ =	shalt  }
0x6c: {  	_ =	shalt  }
0x6d: {  	_ =	shalt  }
0x6e: {  	_ =	shalt  }
0x6f: {  	_ =	shalt  }
0x70: {  	_ =	shalt  }
0x71: {  	_ =	shalt  }
0x72: {  	_ =	shalt  }
0x73: {  	_ =	shalt  }
0x74: {  	_ =	shalt  }
0x75: {  	_ =	shalt  }
0x76: {  	_ =	shalt  }
0x77: {  	_ =	shalt  }
0x78: {  	_ =	shalt  }
0x79: {  	_ =	shalt  }
0x7a: {  	_ =	shalt  }
0x7b: {  	_ =	shalt  }
0x7c: {  	_ =	shalt  }
0x7d: {  	_ =	shalt  }
0x7e: {  	_ =	shalt  }
0x7f: {  	_ =	shalt  }
0x80: {  	_ =	shalt  }
0x81: {  	_ =	shalt  }
0x82: {  	_ =	shalt  }
0x83: {  	_ =	shalt  }
0x84: {  	_ =	shalt  }
0x85: {  	_ =	shalt  }
0x86: {  	_ =	shalt  }
0x87: {  	_ =	shalt  }
.Lfunc_end0:
.L_simem_size_0:
called_computation_lowered:
.L_overlay_start_0:
0x88: {  	s2 =	sld [smem:$0x3FD9]  }
0x89: {  	s3 =	sld [smem:$0x3FFE];
	_ =	sdelay $0x1  }
0x8a: {  	s1 =	srdreg.scid  }
0x8b: {  	s0 =	sand.u32 $0x1, s1  }
0x8c: {  	s17 =	sshll.u32 s0, $0xA;
	s2 =	sadd.s32 s3, s2  }
0x8d: {  	s2 =	sadd.s32 s2, s17  }
0x8e: {  	[smem:$0x3FBE] =	sst s2  }
0x8f: {  	_ = 	snop  }
0x90: {  	s2 =	sld [smem:$0x3FD0];
	(tm) =	ssettm $0x1  }
0x91: {  	s18 =	sld [smem:$0x3FFB];
	_ =	sdelay $0x3  }
0x92: {  	_ =	strace s18  }
0x93: {  	s3 =	sld [smem:$0x3FFC];
	_ =	sdelay $0x3  }
0x94: {  	_ =	strace s3  }
0x95: {  	s3 =	sld [smem:$0x3FFD];
	_ =	sdelay $0x3  }
0x96: {  	_ =	strace s3  }
0x97: {  	_ =	strace $0x8FFFFFFF  }
0x98: {  	s19 =	sld [smem:$0x3FDB];
	_ =	sdelay $0x1  }
0x99: {  	s4 =	simm.s32 $_scs_section_size  }
0x9a: {  	s5 =	simm.s32 $_size__tile_overlayer_lowered;
	s6 =	simm.s32 $_tile_overlayer_lowered  }
0x9b: {  	s22 =	simm.s32 $0x1BFF;
	s21 =	sshll.u32 s6, $0x1;
	s3 =	sadd.s32 s4, s19  }
0x9c: {  	s7 =	simm.s32 $0x0;
	s20 =	sshll.u32 s5, $0x1;
	s5 =	sadd.s32 s21, s3  }
0x9d: {  	[timem:s7], [sflag:s22] =	dma.local [hbm:s5], s20  }
0x9e: {  	_ =	swait.ge [sflag:s22], s20  }
0x9f: {  	s4 =	ssub.s32 $0x0, s20;
	[sflag:s22] =	ssyncset.done $0x0  }
0xa0: {  	[sflag:s22] =	ssyncadd.s32 s4;
	_ =	sdelay $0x1  }
0xa1: {  	s23 =	simm.s32 $0x1B8B  }
0xa2: {  	_ =	swait.ge [sflag:s23], $0x1  }
0xa3: {  	[sflag:s23] =	ssyncset.done $0x0  }
0xa4: {  	s25 =	simm.s32 $0x1B8E;
	s24 =	sld [smem:$0x3FFE];
	[sflag:s23] =	ssyncadd.s32 $0xFFFFFFFF  }
0xa5: {  	s26 =	simm.s32 $execute0_lowered;
	[smem:$0x3FD2] =	sst s25  }
0xa6: {  	s5 =	sshll.u32 s26, $0x1;
	_ =	strace $0x80000046;
	[dreg:$0x1] =	wrdreg $0xFFFFFFFF  }
0xa7: {  	s28 =	simm.s32 $_size_execute0_lowered;
	s3 =	sadd.s32 s3, s5;
	[dreg:$0x0] =	wrdreg $0x0  }
0xa8: {  	s5 =	sshll.u32 s28, $0x1;
	[dreg:$0x2] =	wrdreg s3  }
0xa9: {  	[dreg:$0x3] =	wrdreg s5  }
0xaa: {  	[dreg:$0x4] =	wrdreg $0xC0  }
0xab: {  	_ =	task [dreg:s7], $0x5FFFF  }
0xac: {  	[dreg:$0x1] =	wrdreg $0xFFFFFFFF  }
0xad: {  	[dreg:$0x0] =	wrdreg $0x60  }
0xae: {  	[dreg:$0x2] =	wrdreg s2  }
0xaf: {  	[dreg:$0x3] =	wrdreg s24  }
0xb0: {  	[dreg:$0x4] =	wrdreg $0x8B800  }
0xb1: {  	[dreg:$0x5] =	wrdreg $0x9  }
0xb2: {  	_ =	task.clear_ibuf [dreg:s7], $0x6FFFF;
	_ =	strace $0x90000046  }
0xb3: {  	s29 =	simm.s32 $0x9;
	_ =	strace $0x80000048  }
0xb4: {  	_ =	swait.ge [sflag:s29], $0x1  }
0xb5: {  	[sflag:s29] =	ssyncadd.s32 $0xFFFFFFFF  }
0xb6: {  	_ =	strace $0x90000048  }
0xb7: {  	_ =	sfence  }
0xb8: {  	s30 =	sld [smem:$0x0];
	_ =	sdelay $0x2  }
0xb9: {  	s31 =	sshll.u32 s1, $0xD;
	s1 =	sshrl.u32 s1, $0x2  }
0xba: {  	s3 =	sand.u32 $0x4000, s31;
	s1 =	sadd.s32 s1, s30  }
0xbb: {  	s0 =	sor.u32 s3, s0;
	s1 =	sshll.u32 s1, $0x11  }
0xbc: {  	s0 =	sor.u32 s1, s0  }
0xbd: {  	s0 =	sadd.s32 $0x8F2B, s0  }
0xbe: {  	[sflag:s0] =	ssyncadd.remote.s32 $0x1  }
0xbf: {  	_ =	sfence.sel $0xFFFF  }
0xc0: {  	[dreg:$0x0] =	wrdreg $0xFFFFFFFF;
	(pc) =	sbr.abs _section_cstart, $3  }
0xc1: {  	[dreg:$0x1] =	wrdreg $0xFFFFFFFF  }
0xc2: {  	_ =	task.clear_ibuf [dreg:s7], $0x2FFFF;
	_ =	strace $0x9FFFFFFF  }
0xc3: {  	(tm) =	ssettm $0x7FFFFFFF  }
tec
execute0_lowered:
.L_overlay_start_1:
0x0: {  	(tag) =	ssettag $0x1  }
0x1: {  	s1 =	rddreg [dreg:$0x0]  }
0x2: {  	s0 =	rddreg [dreg:$0x1]  }
0x3: {  	s3 =	rddreg [dreg:$0x2];
	s12 =	simm.s32 $0x0  }
0x4: {  	s2 =	srdreg.scid;
	s11 =	stileid.u32;
	s22 =	simm.s32 $0x7  }
0x5: {  	s28 =	simm.s32 $0x2580;
	s29 =	simm.s32 $0x4380;
	s30 =	simm.s32 $0x4F80  }
0x6: {  	s31 =	simm.s32 $0x1;
	s13 =	simm.s32 $0x2;
	s14 =	simm.s32 $0x4  }
0x7: {  	s15 =	simm.s32 $0x6;
	s16 =	simm.s32 $0x0;
	s4 =	smul.u32 $0x16800, s11  }
0x8: {  	[smem:$0x7FF] =	sst s12;
	s2 =	sand.u32 $0x1, s2;
	s10 =	smul.u32 $0x5A, s11  }
0x9: {  	s5 =	sadd.s32 $0x15E00, s0;
	s8 =	sadd.s32 $0xBC00, s0;
	s7 =	smul.u32 $0x168000, s2  }
0xa: {  	_ =	strace $0x80000047;
	[dreg:$0x5] =	wrdreg s8;
	s8 =	smul.u32 $0x7E, s11  }
0xb: {  	s6 =	sadd.s32 $0x1AE00, s0;
	s17 =	sadd.s32 $0x1A00, s0;
	s11 =	smul.u32 $0x5A000, s11  }
0xc: {  	[dreg:$0x6] =	wrdreg s17;
	s9 =	ssub.s32 $0x2, s2;
	p0 =	seq.s32 s2, $0x0  }
0xd: {  	s18 =	sshrl.u32 s9, $0x1;
	s10 =	sadd.s32 $0x7E0, s10;
	s19 =	sshrl.u32 s11, $0x2  }
0xe: {  	s10 =	smov.u32 @p0 s8;
	s8 =	sadd.s32 s4, s3;
	s2 =	sadd.s32 s19, s3  }
0xf: {  	s22 =	simm.s32 @!p0 $0x5;
	[dreg:$0x7] =	wrdreg s8;
	s20 =	sadd.s32 $0x3600, s2  }
0x10: {  	s7 =	sadd.s32 s4, s7;
	s21 =	sadd.s32 $0x6C00, s2;
	[dreg:$0x8] =	wrdreg s20  }
0x11: {  	s11 =	simm.s32 $0x7;
	s23 =	sadd.s32 $0xA200, s2;
	[dreg:$0x9] =	wrdreg s21  }
0x12: {  	s7 =	sshrl.u32 s7, $0x3;
	s24 =	sadd.s32 $0xD800, s2;
	[dreg:$0xa] =	wrdreg s23  }
0x13: {  	s0 =	sadd.s32 s7, s0;
	s25 =	sadd.s32 $0x10E00, s2;
	[dreg:$0xb] =	wrdreg s24  }
0x14: {  	v0 =	vimm.f32 $0.0e+00;
	s7 =	ssub.s32 s9, s18;
	s2 =	sadd.s32 $0x14400, s2;
	[dreg:$0xc] =	wrdreg s25  }
0x15: {  	vm0 =	vmmov $0xff;
	v1 =	vimm.s32 $0x0;
	v2 =	vimm.s32 $0x1;
	[dreg:$0xd] =	wrdreg s2;
	s0 =	sadd.s32 $0x1FE00, s0;
	s26 =	smax.u32 s7, $0x1  }
0x16: {  	v3 =	vimm.s32 $0x2;
	v4 =	vimm.s32 $0x3;
	v5 =	vimm.s32 $0x4;
	s21 =	simm.s32 $0x5580;
	s23 =	simm.s32 $0x60;
	[dreg:$0xe] =	wrdreg s0  }
0x17: {  	v6 =	vimm.s32 $0x5;
	v7 =	vimm.s32 $0x6;
	v8 =	vimm.s32 $0x7;
	s2 =	simm.s32 $0x5;
	[dreg:$0xf] =	wrdreg s26;
	s0 =	simm.s32 $0x3  }
.LBB2_1:
0x18: {  	[dreg:$0x4] =	wrdreg s12;
	s4 =	simm.s32 $0x0;
	s7 =	simm.s32 $0x240  }
.LBB2_2:
0x19: {  	p0 =	sne.s32 s7, $0xD5C0;
	[tilespmem:s4+$0x5600] =	vst v0  }
0x1a: {  	[tilespmem:s4+$0x5580] =	vst v0  }
0x1b: {  	[tilespmem:s4+$0x5590] =	vst v0  }
0x1c: {  	[tilespmem:s4+$0x55A0] =	vst v0  }
.Ltmp0:
0x1d: {  	[tilespmem:s4+$0x55B0] =	vst v0;
	(pc) =	sbr.rel @p0 .LBB2_2-.Ltmp0, $4  }
0x1e: {  	[tilespmem:s4+$0x55C0] =	vst v0  }
0x1f: {  	[tilespmem:s4+$0x55D0] =	vst v0  }
0x20: {  	[tilespmem:s4+$0x55E0] =	vst v0  }
0x21: {  	[tilespmem:s4+$0x55F0] =	vst v0;
	s4 =	sshra.s32 s7, $0x2;
	s7 =	sadd.s32 $0x240, s7  }
0x22: {  	[tilespmem:s4+$0x5600] =	vst v0  }
0x23: {  	[tilespmem:s4+$0x5580] =	vst v0  }
0x24: {  	[tilespmem:s4+$0x5590] =	vst v0  }
0x25: {  	[tilespmem:s4+$0x55A0] =	vst v0  }
0x26: {  	[tilespmem:s4+$0x55B0] =	vst v0  }
0x27: {  	[tilespmem:s4+$0x55C0] =	vst v0  }
0x28: {  	[tilespmem:s4+$0x55D0] =	vst v0  }
0x29: {  	[tilespmem:s4+$0x55E0] =	vst v0  }
0x2a: {  	[tilespmem:s4+$0x55F0] =	vst v0  }
0x2b: {  	[spmem:s8] =	stream.linear.scatter [tilespmem:s21], [sflag:$0x7], $0x3600, $0x38;
	[tilespmem:$0x1F380] =	vst v63  }
0x2c: {  	_ =	swait.ge [sflag:s11], $0x3600  }
0x2d: {  	[sflag:s11] =	ssyncset.done $0x0  }
0x2e: {  	s18 =	rddreg [dreg:$0x8];
	[sflag:s11] =	ssyncadd.s32 $0xFFFFCA00  }
0x2f: {  	[spmem:s18] =	stream.linear.scatter [tilespmem:s21], [sflag:$0x7], $0x3600, $0x38;
	[tilespmem:$0x1F380] =	vst v63  }
0x30: {  	_ =	swait.ge [sflag:s11], $0x3600  }
0x31: {  	[sflag:s11] =	ssyncset.done $0x0  }
0x32: {  	s19 =	rddreg [dreg:$0x9];
	[sflag:s11] =	ssyncadd.s32 $0xFFFFCA00  }
0x33: {  	[spmem:s19] =	stream.linear.scatter [tilespmem:s21], [sflag:$0x7], $0x3600, $0x38;
	[tilespmem:$0x1F380] =	vst v63  }
0x34: {  	_ =	swait.ge [sflag:s11], $0x3600  }
0x35: {  	[sflag:s11] =	ssyncset.done $0x0  }
0x36: {  	s20 =	rddreg [dreg:$0xa];
	[sflag:s11] =	ssyncadd.s32 $0xFFFFCA00  }
0x37: {  	[spmem:s20] =	stream.linear.scatter [tilespmem:s21], [sflag:$0x7], $0x3600, $0x38;
	[tilespmem:$0x1F380] =	vst v63  }
0x38: {  	_ =	swait.ge [sflag:s11], $0x3600  }
0x39: {  	[sflag:s11] =	ssyncset.done $0x0  }
0x3a: {  	s24 =	rddreg [dreg:$0xb];
	[sflag:s11] =	ssyncadd.s32 $0xFFFFCA00  }
0x3b: {  	[spmem:s24] =	stream.linear.scatter [tilespmem:s21], [sflag:$0x7], $0x3600, $0x38;
	[tilespmem:$0x1F380] =	vst v63  }
0x3c: {  	_ =	swait.ge [sflag:s11], $0x3600  }
0x3d: {  	[sflag:s11] =	ssyncset.done $0x0  }
0x3e: {  	s25 =	rddreg [dreg:$0xc];
	[sflag:s11] =	ssyncadd.s32 $0xFFFFCA00  }
0x3f: {  	[spmem:s25] =	stream.linear.scatter [tilespmem:s21], [sflag:$0x7], $0x3600, $0x38;
	[tilespmem:$0x1F380] =	vst v63  }
0x40: {  	_ =	swait.ge [sflag:s11], $0x3600  }
0x41: {  	[sflag:s11] =	ssyncset.done $0x0  }
0x42: {  	s26 =	rddreg [dreg:$0xd];
	[sflag:s11] =	ssyncadd.s32 $0xFFFFCA00  }
0x43: {  	[spmem:s26] =	stream.linear.scatter [tilespmem:s21], [sflag:$0x7], $0x2400, $0x38;
	[tilespmem:$0x1F380] =	vst v63  }
0x44: {  	_ =	swait.ge [sflag:s11], $0x2400  }
0x45: {  	[sflag:s11] =	ssyncset.done $0x0  }
0x46: {  	[sflag:s11] =	ssyncadd.s32 $0xFFFFDC00  }
0x47: {  	s17 =	simm.s32 $0x0;
	[bflag:$0x0] =	sbarrier.arrive $0xFFFF  }
.LBB2_4:
0x48: {  	s4 =	smul.u32 $0x12, s17;
	_ =	sdelay $0x1  }
0x49: {  	s4 =	sadd.s32 s10, s4  }
0x4a: {  	s4 =	smul.u32 $0xC, s4  }
0x4b: {  	s7 =	rddreg [dreg:$0x5]  }
0x4c: {  	s7 =	sadd.s32 s7, s4  }
0x4d: {  	[tilespmem:s16], [sflag:$0x7] =	stream.linear.gather [hbm4b:s7+s16], $0x6C0, $0x38;
	[tilespmem:$0x1F380] =	vst v63  }
0x4e: {  	_ =	swait.ge [sflag:s11], $0x6C0  }
0x4f: {  	[sflag:s11] =	ssyncset.done $0x0;
	s19 =	rddreg [dreg:$0x6]  }
0x50: {  	s20 =	simm.s32 $0x6C0;
	[sflag:s11] =	ssyncadd.s32 $0xFFFFF940;
	s4 =	sadd.s32 s19, s4  }
0x51: {  	[tilespmem:s20], [sflag:$0x7] =	stream.linear.gather [hbm4b:s4+s16], $0x6C0, $0x38;
	[tilespmem:$0x1F380] =	vst v63  }
0x52: {  	_ =	swait.ge [sflag:s11], $0x6C0  }
0x53: {  	[sflag:s11] =	ssyncset.done $0x0  }
0x54: {  	s24 =	simm.s32 $0xD80;
	[sflag:s11] =	ssyncadd.s32 $0xFFFFF940  }
0x55: {  	[tilespmem:s24], [sflag:$0x1] =	stream.indirect.gather [hbm4b:s1+s23], $0x40, s16, s23, $0xb8;
	[tilespmem:$0x1F380] =	vst v63  }
0x56: {  	s25 =	simm.s32 $0x3D80  }
0x57: {  	[tilespmem:s25], [sflag:$0x3] =	stream.indirect.gather [hbm4b:s5+s23], $0x10, s16, s23, $0xb8;
	[tilespmem:$0x1F380] =	vst v63  }
0x58: {  	s26 =	simm.s32 $0x4980;
	s18 =	simm.s32 $0x0  }
0x59: {  	[tilespmem:s26], [sflag:$0x5] =	stream.indirect.gather [hbm4b:s6+s23], $0x10, s20, s23, $0xb8;
	[tilespmem:$0x1F380] =	vst v63  }
.LBB2_5:
0x5a: {  	s19 =	sshllo.u32 s18, $0x1  }
0x5b: {  	s4 =	smul.u32 $0x60, s19;
	_ =	sdelay $0x1  }
0x5c: {  	[tilespmem:s28], [sflag:$0x2] =	stream.indirect.gather [hbm4b:s1+s23], $0x40, s4, s23, $0xb8;
	[tilespmem:$0x1F380] =	vst v63  }
0x5d: {  	_ = 	snop  }
0x5e: {  	[tilespmem:s29], [sflag:$0x4] =	stream.indirect.gather [hbm4b:s5+s23], $0x10, s4, s23, $0xb8;
	[tilespmem:$0x1F380] =	vst v63  }
0x5f: {  	s4 =	sadd.s32 $0x6C0, s4  }
0x60: {  	[tilespmem:s30], [sflag:$0x6] =	stream.indirect.gather [hbm4b:s6+s23], $0x10, s4, s23, $0xb8;
	[tilespmem:$0x1F380] =	vst v63  }
0x61: {  	_ =	swait.ge [sflag:s31], $0x1800  }
0x62: {  	[sflag:s31] =	ssyncset.done $0x0  }
0x63: {  	[sflag:s31] =	ssyncadd.s32 $0xFFFFE800  }
0x64: {  	_ =	swait.ge [sflag:s0], $0x600  }
0x65: {  	[sflag:s0] =	ssyncset.done $0x0  }
0x66: {  	[sflag:s0] =	ssyncadd.s32 $0xFFFFFA00  }
0x67: {  	_ =	swait.ge [sflag:s2], $0x600  }
0x68: {  	[sflag:s2] =	ssyncset.done $0x0  }
0x69: {  	s12 =	simm.s32 $0x3DA0;
	[sflag:s2] =	ssyncadd.s32 $0xFFFFFA00  }
0x6a: {  	s7 =	simm.s32 $0x49A0;
	v10 =	vld [tilespmem:s12+$0x0]  }
0x6b: {  	v11 =	vld [tilespmem:s7+$0x0]  }
0x6c: {  	v12 =	vld [tilespmem:s12+$0x10]  }
0x6d: {  	v13 =	vld [tilespmem:s7+$0x10]  }
0x6e: {  	v9 =	vld [tilespmem:s12+$0xFFFFFFE0]  }
0x6f: {  	v14 =	vld [tilespmem:s7+$0xFFFFFFE0]  }
0x70: {  	v10 =	vadd.f32 v11, v10;
	_ =	sdelay $0x1  }
0x71: {  	v12 =	vadd.f32 v13, v12;
	v11 =	vmul.f32 $2.000000030e-01, v10  }
0x72: {  	vm1 =	vgt.f32 v10, $0.0e+00  }
0x73: {  	v9 =	vadd.f32 v14, v9;
	v10 =	vsel vm1, v10, v11;
	v11 =	vmul.f32 $2.000000030e-01, v12  }
0x74: {  	s20 =	simm.s32 $0x3DE0;
	v14 =	vld [tilespmem:s12+$0xFFFFFFF0];
	vm1 =	vgt.f32 v12, $0.0e+00  }
0x75: {  	v13 =	vmul.f32 $2.000000030e-01, v9;
	v10 =	vmul.f32 $1.442695020e+00, v10;
	v11 =	vsel vm1, v12, v11;
	v12 =	vld [tilespmem:s7+$0xFFFFFFF0]  }
0x76: {  	s24 =	simm.s32 $0x49E0;
	v26 =	vld [tilespmem:s20+$0x0];
	vm2 =	vgt.f32 v9, $0.0e+00  }
0x77: {  	v28 =	vld [tilespmem:s24+$0x0];
	v9 =	vsel vm2, v9, v13;
	(erf) = vpow2.f32 v10;
	v10 =	vmul.f32 $1.442695020e+00, v11  }
0x78: {  	v9 =	vmul.f32 $1.442695020e+00, v9  }
0x79: {  	(erf) = vpow2.f32 v10  }
0x7a: {  	(erf) = vpow2.f32 v9;
	v9 =	vadd.f32 v12, v14;
	_ =	sdelay $0x1  }
0x7b: {  	v26 =	vadd.f32 v28, v26;
	v10 =	vmul.f32 $2.000000030e-01, v9  }
0x7c: {  	vm1 =	vgt.f32 v9, $0.0e+00  }
0x7d: {  	v37 =	vmul.f32 $2.000000030e-01, v26;
	v9 =	vsel vm1, v9, v10  }
0x7e: {  	v30 =	vld [tilespmem:s20+$0xFFFFFFE0];
	vm1 =	vgt.f32 v26, $0.0e+00;
	v9 =	vmul.f32 $1.442695020e+00, v9  }
0x7f: {  	v32 =	vld [tilespmem:s24+$0xFFFFFFE0];
	v26 =	vsel vm1, v26, v37;
	v10 =	vpop (erf)  }
0x80: {  	v26 =	vmul.f32 $1.442695020e+00, v26;
	v10 =	vnsel vm0, $0x0, v10;
	(erf) = vpow2.f32 v9  }
0x81: {  	s12 =	simm.s32 $0x56A0;
	v9 =	vperm.xlane v10, v6;
	v14 =	vperm.xlane v10, v5  }
0x82: {  	s25 =	simm.s32 $0xE00;
	v11 =	vpop (erf);
	[tilespmem:s12+$0x80] =	vst v10;
	v15 =	vperm.xlane v10, v2;
	v17 =	vperm.xlane v10, v1  }
0x83: {  	v13 =	vnsel vm0, $0x0, v11;
	v36 =	vperm.xlane v10, v3;
	(erf) = vpow2.f32 v26;
	v12 =	vld [tilespmem:s25+$0x0]  }
0x84: {  	v30 =	vadd.f32 v32, v30;
	v11 =	vpop (erf);
	v32 =	vperm.xlane v10, v7;
	[tilespmem:s12+$0x110] =	vst v13;
	v21 =	vperm.xlane v13, v5  }
0x85: {  	v16 =	vnsel vm0, $0x0, v11;
	v19 =	vperm.xlane v13, v8;
	v22 =	vperm.xlane v13, v2;
	v18 =	vld [tilespmem:s25+$0x40]  }
0x86: {  	v20 =	vperm.xlane v13, v6;
	v24 =	vperm.xlane v13, v7;
	[tilespmem:s12+$0xFFFFFF60] =	vst v16  }
0x87: {  	v35 =	vperm.xlane v13, v3;
	v23 =	vperm.xlane v16, v6;
	v25 =	vld [tilespmem:s25+$0xFFFFFF80]  }
0x88: {  	v33 =	vld [tilespmem:s20+$0x10];
	v11 =	vperm.xlane v16, v8;
	v34 =	vperm.xlane v16, v1;
	v27 =	vunpack.i.u.bf16.f32 v12  }
0x89: {  	v58 =	vld [tilespmem:s24+$0xFFFFFFF0];
	v12 =	vunpack.i.l.bf16.f32 v12;
	v15 =	vmul.f32 v15, v27;
	v27 =	vperm.xlane v13, v1  }
0x8a: {  	v28 =	vld [tilespmem:s20+$0xFFFFFFF0];
	v17 =	vmul.f32 v17, v12;
	v29 =	vunpack.i.u.bf16.f32 v18;
	v18 =	vunpack.i.l.bf16.f32 v18  }
0x8b: {  	v22 =	vmul.f32 v22, v29;
	v18 =	vmul.f32 v27, v18;
	v27 =	vld [tilespmem:s24+$0x10];
	[tilespmem:s12+$0x10] =	vst v15  }
0x8c: {  	v31 =	vperm.xlane v16, v2;
	v12 =	vperm.xlane v16, v7;
	v29 =	vunpack.i.l.bf16.f32 v25;
	[tilespmem:s12+$0x0] =	vst v17  }
0x8d: {  	v13 =	vperm.xlane v13, v4;
	v25 =	vunpack.i.u.bf16.f32 v25;
	v15 =	vmul.f32 v34, v29;
	[tilespmem:s12+$0xA0] =	vst v22  }
0x8e: {  	v29 =	vperm.xlane v16, v5;
	v25 =	vmul.f32 v31, v25;
	v59 =	vld [tilespmem:s25+$0x10];
	[tilespmem:s12+$0x90] =	vst v18  }
0x8f: {  	v17 =	vperm.xlane v16, v3;
	v16 =	vperm.xlane v16, v4;
	[tilespmem:s12+$0xFFFFFEE0] =	vst v15  }
0x90: {  	v15 =	vmul.f32 $2.000000030e-01, v30;
	[tilespmem:s12+$0xFFFFFEF0] =	vst v25;
	v25 =	vadd.f32 v58, v28;
	v60 =	vld [tilespmem:s25+$0x50];
	v27 =	vadd.f32 v27, v33  }
0x91: {  	vm1 =	vgt.f32 v30, $0.0e+00;
	v22 =	vperm.xlane v10, v8;
	v18 =	vperm.xlane v10, v4  }
0x92: {  	v28 =	vld [tilespmem:s25+$0xFFFFFF90];
	v15 =	vsel vm1, v30, v15;
	vm1 =	vgt.f32 v25, $0.0e+00;
	v31 =	vmul.f32 $2.000000030e-01, v27  }
0x93: {  	v15 =	vmul.f32 $1.442695020e+00, v15;
	v30 =	vunpack.i.u.bf16.f32 v59;
	vm2 =	vgt.f32 v27, $0.0e+00  }
0x94: {  	v18 =	vmul.f32 v18, v30;
	v26 =	vsel vm2, v27, v31;
	v31 =	vmul.f32 $2.000000030e-01, v25  }
0x95: {  	v10 =	vunpack.i.u.bf16.f32 v60;
	v27 =	vunpack.i.l.bf16.f32 v59;
	v26 =	vmul.f32 $1.442695020e+00, v26  }
0x96: {  	v10 =	vmul.f32 v13, v10;
	v27 =	vmul.f32 v36, v27;
	v13 =	vsel vm1, v25, v31  }
0x97: {  	v25 =	vunpack.i.l.bf16.f32 v28;
	(erf) = vpow2.f32 v26;
	v13 =	vmul.f32 $1.442695020e+00, v13  }
0x98: {  	[tilespmem:s12+$0x30] =	vst v18;
	v18 =	vpop (erf);
	v26 =	vunpack.i.l.bf16.f32 v60;
	v25 =	vmul.f32 v17, v25;
	(erf) = vpow2.f32 v15  }
0x99: {  	[tilespmem:s12+$0x20] =	vst v27;
	v17 =	vpop (erf);
	v15 =	vunpack.i.u.bf16.f32 v28;
	v26 =	vmul.f32 v35, v26;
	v35 =	vnsel vm0, $0x0, v18  }
0x9a: {  	s20 =	simm.s32 $0x58E0;
	v27 =	vld [tilespmem:s25+$0x20];
	v36 =	vnsel vm0, $0x0, v17;
	v33 =	vmul.f32 v16, v15;
	(erf) = vpow2.f32 v13;
	[tilespmem:s12+$0xFFFFFFF0] =	vst v35  }
0x9b: {  	s4 =	simm.s32 $0xF00;
	v37 =	vperm.xlane v35, v3;
	v31 =	vperm.xlane v36, v6;
	[tilespmem:s20+$0x80] =	vst v36;
	v28 =	vld [tilespmem:s25+$0xFFFFFFC0]  }
0x9c: {  	[tilespmem:s12+$0xC0] =	vst v10;
	v16 =	vperm.xlane v35, v2;
	v34 =	vperm.xlane v36, v5;
	v39 =	vld [tilespmem:s4+$0x0]  }
0x9d: {  	v30 =	vperm.xlane v35, v1;
	v38 =	vperm.xlane v36, v2;
	[tilespmem:s12+$0xB0] =	vst v26  }
0x9e: {  	v52 =	vperm.xlane v36, v3;
	v53 =	vperm.xlane v35, v5;
	v63 =	vld [tilespmem:s25+$0x60]  }
0x9f: {  	v15 =	vunpack.i.u.bf16.f32 v27;
	v18 =	vunpack.i.l.bf16.f32 v27;
	v27 =	vperm.xlane v36, v1  }
0xa0: {  	v9 =	vmul.f32 v9, v15;
	v43 =	vmul.f32 v14, v18  }
0xa1: {  	v45 =	vunpack.i.l.bf16.f32 v28;
	v46 =	vunpack.i.u.bf16.f32 v39;
	v10 =	vunpack.i.u.bf16.f32 v28  }
0xa2: {  	s26 =	simm.s32 $0x3E20;
	v39 =	vunpack.i.l.bf16.f32 v39;
	v28 =	vmul.f32 v38, v46;
	v30 =	vmul.f32 v30, v45  }
0xa3: {  	s8 =	simm.s32 $0x4A20;
	v48 =	vld [tilespmem:s26+$0x0];
	v13 =	vpop (erf);
	v16 =	vmul.f32 v16, v10;
	v27 =	vmul.f32 v27, v39;
	v54 =	vunpack.i.l.bf16.f32 v63  }
0xa4: {  	v51 =	vld [tilespmem:s8+$0x0];
	[tilespmem:s12+$0x50] =	vst v9;
	v40 =	vnsel vm0, $0x0, v13;
	v21 =	vmul.f32 v21, v54;
	v54 =	vperm.xlane v35, v6  }
0xa5: {  	v55 =	vld [tilespmem:s26+$0x10];
	[tilespmem:s12+$0x40] =	vst v43;
	v17 =	vperm.xlane v40, v5;
	v15 =	vperm.xlane v40, v8  }
0xa6: {  	v60 =	vld [tilespmem:s8+$0x10];
	v13 =	vpop (erf);
	[tilespmem:s20+$0x110] =	vst v40;
	v42 =	vperm.xlane v40, v2;
	v18 =	vperm.xlane v40, v6  }
0xa7: {  	v43 =	vld [tilespmem:s25+$0x30];
	v41 =	vnsel vm0, $0x0, v13;
	v13 =	vperm.xlane v40, v7;
	v61 =	vperm.xlane v40, v1;
	[tilespmem:s12+$0xFFFFFF80] =	vst v16  }
0xa8: {  	[tilespmem:s12+$0xFFFFFF70] =	vst v30;
	v14 =	vperm.xlane v41, v6;
	v9 =	vperm.xlane v41, v8  }
0xa9: {  	[tilespmem:s20+$0x10] =	vst v28;
	v26 =	vperm.xlane v41, v2;
	v10 =	vperm.xlane v41, v7  }
0xaa: {  	v28 =	vunpack.i.u.bf16.f32 v63;
	[tilespmem:s20+$0x0] =	vst v27;
	v44 =	vld [tilespmem:s4+$0x40];
	v58 =	vperm.xlane v41, v1;
	v45 =	vperm.xlane v41, v3  }
0xab: {  	v27 =	vadd.f32 v51, v48;
	[tilespmem:s20+$0xFFFFFF60] =	vst v41;
	v50 =	vld [tilespmem:s25+$0xFFFFFFD0];
	v20 =	vmul.f32 v20, v28;
	v28 =	vperm.xlane v35, v7  }
0xac: {  	[tilespmem:s12+$0xD0] =	vst v21;
	v21 =	vadd.f32 v60, v55;
	v55 =	vperm.xlane v36, v4;
	v47 =	vld [tilespmem:s4+$0xFFFFFF80];
	v59 =	vunpack.i.u.bf16.f32 v43  }
0xad: {  	[tilespmem:s12+$0xE0] =	vst v20;
	v20 =	vmul.f32 $2.000000030e-01, v27;
	v43 =	vunpack.i.l.bf16.f32 v43;
	v38 =	vmul.f32 v22, v59  }
0xae: {  	vm2 =	vgt.f32 v27, $0.0e+00;
	v22 =	vperm.xlane v36, v8;
	v32 =	vmul.f32 v32, v43  }
0xaf: {  	v62 =	vld [tilespmem:s26+$0xFFFFFFE0];
	v20 =	vsel vm2, v27, v20;
	v56 =	vunpack.i.u.bf16.f32 v44;
	v44 =	vunpack.i.l.bf16.f32 v44  }
0xb0: {  	v57 =	vld [tilespmem:s8+$0xFFFFFFE0];
	v27 =	vunpack.i.l.bf16.f32 v50;
	v20 =	vmul.f32 $1.442695020e+00, v20;
	v39 =	vmul.f32 v42, v56  }
0xb1: {  	v16 =	vunpack.i.l.bf16.f32 v47;
	v30 =	vmul.f32 v61, v44;
	v44 =	vperm.xlane v40, v3  }
0xb2: {  	v63 =	vld [tilespmem:s8+$0xFFFFFFF0];
	v49 =	vunpack.i.u.bf16.f32 v47;
	v27 =	vmul.f32 v37, v27;
	v47 =	vmul.f32 v58, v16  }
0xb3: {  	[tilespmem:s12+$0xFFFFFF00] =	vst v25;
	v61 =	vld [tilespmem:s26+$0xFFFFFFF0];
	v16 =	vperm.xlane v41, v5;
	v41 =	vperm.xlane v41, v4  }
0xb4: {  	vm2 =	vgt.f32 v21, $0.0e+00;
	v56 =	vld [tilespmem:s4+$0x10];
	v26 =	vmul.f32 v26, v49;
	v58 =	vmul.f32 $2.000000030e-01, v21;
	[tilespmem:s20+$0xA0] =	vst v39  }
0xb5: {  	v39 =	vadd.f32 v57, v62;
	[tilespmem:s20+$0x90] =	vst v30;
	v30 =	vperm.xlane v35, v8;
	v35 =	vperm.xlane v35, v4  }
0xb6: {  	(erf) = vpow2.f32 v20;
	v62 =	vunpack.i.u.bf16.f32 v50;
	v57 =	vld [tilespmem:s25+$0x70];
	[tilespmem:s12+$0xFFFFFF90] =	vst v27;
	v21 =	vsel vm2, v21, v58  }
0xb7: {  	v48 =	vld [tilespmem:s4+$0x50];
	[tilespmem:s20+$0xFFFFFEF0] =	vst v26;
	v26 =	vperm.xlane v36, v7;
	vm1 =	vgt.f32 v39, $0.0e+00;
	v35 =	vmul.f32 v35, v62  }
0xb8: {  	[tilespmem:s20+$0xFFFFFEE0] =	vst v47;
	v27 =	vmul.f32 $2.000000030e-01, v39;
	v21 =	vmul.f32 $1.442695020e+00, v21;
	v46 =	vadd.f32 v63, v61  }
0xb9: {  	[tilespmem:s12+$0xFFFFFF10] =	vst v33;
	v60 =	vld [tilespmem:s4+$0xFFFFFF90];
	v61 =	vunpack.i.u.bf16.f32 v56;
	v20 =	vunpack.i.l.bf16.f32 v56;
	v63 =	vperm.xlane v40, v4  }
0xba: {  	v51 =	vld [tilespmem:s25+$0xFFFFFFA0];
	v20 =	vmul.f32 v52, v20;
	v27 =	vsel vm1, v39, v27;
	(erf) = vpow2.f32 v21  }
0xbb: {  	v62 =	vunpack.i.u.bf16.f32 v57;
	vm2 =	vgt.f32 v46, $0.0e+00;
	v27 =	vmul.f32 $1.442695020e+00, v27  }
0xbc: {  	[tilespmem:s12+$0xFFFFFFA0] =	vst v35;
	v59 =	vunpack.i.l.bf16.f32 v48;
	v47 =	vunpack.i.u.bf16.f32 v48;
	v48 =	vmul.f32 $2.000000030e-01, v46  }
0xbd: {  	v57 =	vunpack.i.l.bf16.f32 v57;
	v19 =	vmul.f32 v19, v62;
	[tilespmem:s20+$0x20] =	vst v20;
	v20 =	vmul.f32 v55, v61  }
0xbe: {  	[tilespmem:s12+$0x70] =	vst v38;
	v25 =	vld [tilespmem:s25+$0xFFFFFFE0];
	v36 =	vmul.f32 v63, v47;
	v50 =	vunpack.i.u.bf16.f32 v60;
	v33 =	vunpack.i.l.bf16.f32 v60  }
0xbf: {  	[tilespmem:s12+$0x60] =	vst v32;
	(erf) = vpow2.f32 v27;
	v38 =	vmul.f32 v44, v59;
	v60 =	vunpack.i.l.bf16.f32 v51  }
0xc0: {  	v21 =	vsel vm2, v46, v48;
	[tilespmem:s12+$0x100] =	vst v19;
	v33 =	vmul.f32 v45, v33;
	v55 =	vmul.f32 v41, v50  }
0xc1: {  	[tilespmem:s20+$0x30] =	vst v20;
	v41 =	vmul.f32 v24, v57;
	v24 =	vunpack.i.u.bf16.f32 v51;
	v21 =	vmul.f32 $1.442695020e+00, v21  }
0xc2: {  	v29 =	vmul.f32 v29, v60;
	[tilespmem:s20+$0xC0] =	vst v36;
	v27 =	vpop (erf);
	v63 =	vmul.f32 v23, v24  }
0xc3: {  	v56 =	vld [tilespmem:s4+$0x20];
	v52 =	vunpack.i.l.bf16.f32 v25;
	v27 =	vnsel vm0, $0x0, v27;
	[tilespmem:s20+$0xFFFFFF10] =	vst v55;
	(erf) = vpow2.f32 v21  }
0xc4: {  	v19 =	vpop (erf);
	v25 =	vunpack.i.u.bf16.f32 v25;
	[tilespmem:s20+$0xFFFFFF00] =	vst v33;
	v36 =	vmul.f32 v53, v52;
	v32 =	vperm.xlane v27, v3  }
0xc5: {  	v19 =	vnsel vm0, $0x0, v19;
	[tilespmem:s20+$0xFFFFFFF0] =	vst v27;
	v39 =	vperm.xlane v27, v2;
	v59 =	vmul.f32 v54, v25  }
0xc6: {  	s24 =	simm.s32 $0x5B20;
	[tilespmem:s12+$0xFFFFFF20] =	vst v29;
	v42 =	vperm.xlane v27, v1;
	v21 =	vperm.xlane v19, v6;
	v58 =	vld [tilespmem:s4+$0xFFFFFFC0]  }
0xc7: {  	s26 =	simm.s32 $0x1000;
	v25 =	vld [tilespmem:s4+$0xFFFFFFA0];
	[tilespmem:s24+$0x80] =	vst v19;
	v20 =	vperm.xlane v19, v5;
	v43 =	vperm.xlane v19, v2;
	v61 =	vpop (erf)  }
0xc8: {  	v44 =	vperm.xlane v19, v1;
	[tilespmem:s12+$0xFFFFFFC0] =	vst v59;
	v47 =	vld [tilespmem:s26+$0x0];
	v62 =	vunpack.i.u.bf16.f32 v56;
	v24 =	vnsel vm0, $0x0, v61  }
0xc9: {  	[tilespmem:s12+$0xFFFFFFB0] =	vst v36;
	v35 =	vmul.f32 v31, v62;
	v33 =	vperm.xlane v24, v5  }
0xca: {  	[tilespmem:s12+$0xFFFFFF30] =	vst v63;
	v40 =	vunpack.i.l.bf16.f32 v56;
	v45 =	vld [tilespmem:s25+$0xFFFFFFF0];
	v23 =	vperm.xlane v24, v8;
	v46 =	vperm.xlane v24, v2;
	v29 =	vpop (erf)  }
0xcb: {  	s9 =	simm.s32 $0x3E60;
	[tilespmem:s24+$0x110] =	vst v24;
	v50 =	vmul.f32 v34, v40;
	v40 =	vld [tilespmem:s25+$0xFFFFFFB0];
	v49 =	vunpack.i.l.bf16.f32 v58;
	v31 =	vnsel vm0, $0x0, v29  }
0xcc: {  	s7 =	simm.s32 $0x8;
	s8 =	simm.s32 $0x4A60;
	s25 =	simm.s32 $0x1000;
	v48 =	vld [tilespmem:s26+$0x40];
	v29 =	vunpack.i.u.bf16.f32 v25;
	v51 =	vunpack.i.u.bf16.f32 v58;
	[tilespmem:s24+$0xFFFFFF60] =	vst v31;
	v36 =	vperm.xlane v31, v6;
	v34 =	vpop (erf)  }
.LBB2_6:
0xcd: {  	v52 =	vld [tilespmem:s9+$0xFFFFFFE0];
	s7 =	sadd.s32 $0x4, s7;
	v53 =	vunpack.i.u.bf16.f32 v47;
	v54 =	vperm.xlane v24, v6;
	v37 =	vperm.xlane v24, v7;
	[tilespmem:s20+$0x50] =	vst v35;
	v35 =	vmovc v14  }
0xce: {  	v56 =	vperm.xlane v31, v8;
	v47 =	vunpack.i.l.bf16.f32 v47;
	p0 =	slt.u32 s7, $0x5C;
	v55 =	vld [tilespmem:s26+$0xFFFFFF80];
	v43 =	vmul.f32 v43, v53;
	[tilespmem:s20+$0x40] =	vst v50;
	v14 =	vmovc v36  }
0xcf: {  	v42 =	vmul.f32 v42, v49;
	v36 =	vperm.xlane v24, v1;
	v49 =	vld [tilespmem:s4+$0x30];
	[tilespmem:s20+$0xB0] =	vst v38;
	v38 =	vunpack.i.u.bf16.f32 v45  }
0xd0: {  	v39 =	vmul.f32 v39, v51;
	v50 =	vperm.xlane v31, v2;
	v45 =	vunpack.i.l.bf16.f32 v45;
	v51 =	vld [tilespmem:s4+$0x60];
	[tilespmem:s12+$0xF0] =	vst v41  }
0xd1: {  	v44 =	vmul.f32 v44, v47;
	v47 =	vunpack.i.u.bf16.f32 v40;
	v41 =	vld [tilespmem:s9+$0x0];
	[tilespmem:s24+$0x10] =	vst v43;
	v43 =	vunpack.i.u.bf16.f32 v48  }
0xd2: {  	v57 =	vperm.xlane v31, v7;
	v48 =	vunpack.i.l.bf16.f32 v48;
	v53 =	vld [tilespmem:s8+$0xFFFFFFE0];
	v43 =	vmul.f32 v46, v43;
	[tilespmem:s20+$0xFFFFFF80] =	vst v39  }
0xd3: {  	v58 =	vperm.xlane v31, v1;
	v39 =	vld [tilespmem:s8+$0x0];
	v46 =	vunpack.i.u.bf16.f32 v55;
	v55 =	vunpack.i.l.bf16.f32 v55;
	[tilespmem:s24+$0x0] =	vst v44  }
0xd4: {  	v30 =	vmul.f32 v30, v38;
	v44 =	vmul.f32 v36, v48;
	[tilespmem:s20+$0xFFFFFF70] =	vst v42;
	v42 =	vunpack.i.u.bf16.f32 v49  }
0xd5: {  	v47 =	vmul.f32 v11, v47;
	v11 =	vmovc v9;
	v9 =	vmovc v56;
	v48 =	vperm.xlane v24, v3;
	v49 =	vunpack.i.l.bf16.f32 v49;
	v38 =	vld [tilespmem:s9+$0x10]  }
0xd6: {  	v28 =	vmul.f32 v28, v45;
	v56 =	vperm.xlane v19, v3;
	v60 =	vunpack.i.u.bf16.f32 v51;
	v59 =	vld [tilespmem:s4+$0xFFFFFFD0];
	[tilespmem:s12+$0xFFFFFFE0] =	vst v30  }
0xd7: {  	v45 =	vmul.f32 v58, v55;
	v30 =	vunpack.i.l.bf16.f32 v51;
	[tilespmem:s24+$0xA0] =	vst v43;
	v43 =	vperm.xlane v27, v5  }
0xd8: {  	v36 =	vperm.xlane v31, v5;
	v51 =	vmul.f32 v17, v30;
	v30 =	vunpack.i.l.bf16.f32 v40;
	v17 =	vmovc v33;
	[tilespmem:s12+$0xFFFFFFD0] =	vst v28  }
0xd9: {  	v40 =	vperm.xlane v31, v3;
	v28 =	vmul.f32 v12, v30;
	v12 =	vmovc v10;
	v10 =	vmov v57;
	v33 =	vld [tilespmem:s9+$0xFFFFFFF0];
	[tilespmem:s24+$0x90] =	vst v44  }
0xda: {  	v31 =	vperm.xlane v31, v4;
	v30 =	vmul.f32 v22, v42;
	v44 =	vadd.f32 v53, v52;
	v52 =	vld [tilespmem:s8+$0x10];
	[tilespmem:s12+$0xFFFFFF50] =	vst v47  }
0xdb: {  	v42 =	vmul.f32 v50, v46;
	v47 =	vmul.f32 v18, v60;
	v18 =	vmovc v54;
	v46 =	vunpack.i.u.bf16.f32 v59;
	[tilespmem:s12+$0xFFFFFF40] =	vst v28;
	s12 =	smov.u32 s20;
	s20 =	smov.u32 s24  }
0xdc: {  	v39 =	vadd.f32 v39, v41;
	v22 =	vperm.xlane v19, v8;
	v28 =	vperm.xlane v27, v7;
	v41 =	vld [tilespmem:s26+$0x50];
	[tilespmem:s12+$0x70] =	vst v30  }
0xdd: {  	v53 =	vperm.xlane v27, v6;
	vm1 =	vgt.f32 v44, $0.0e+00;
	v30 =	vperm.xlane v27, v8;
	v50 =	vld [tilespmem:s8+$0xFFFFFFF0];
	[tilespmem:s12+$0xE0] =	vst v47  }
0xde: {  	vm2 =	vgt.f32 v39, $0.0e+00;
	v27 =	vperm.xlane v27, v4;
	v47 =	vmul.f32 $2.000000030e-01, v39;
	v54 =	vld [tilespmem:s26+$0x10];
	[tilespmem:s12+$0xD0] =	vst v51  }
0xdf: {  	v26 =	vmul.f32 v26, v49;
	v38 =	vadd.f32 v52, v38;
	[tilespmem:s24+$0xFFFFFEE0] =	vst v45;
	v45 =	vperm.xlane v19, v4;
	v49 =	vld [tilespmem:s4+$0x70]  }
0xe0: {  	v27 =	vmul.f32 v27, v46;
	v39 =	vsel vm2, v39, v47;
	[tilespmem:s24+$0xFFFFFEF0] =	vst v42;
	v42 =	vunpack.i.l.bf16.f32 v59  }
0xe1: {  	vm2 =	vgt.f32 v38, $0.0e+00;
	v46 =	vmul.f32 $2.000000030e-01, v38;
	v47 =	vld [tilespmem:s26+$0xFFFFFF90];
	v51 =	vunpack.i.l.bf16.f32 v41;
	[tilespmem:s12+$0x60] =	vst v26  }
0xe2: {  	v39 =	vmul.f32 $1.442695020e+00, v39;
	v32 =	vmul.f32 v32, v42;
	v33 =	vadd.f32 v50, v33;
	[tilespmem:s12+$0xFFFFFFA0] =	vst v27  }
0xe3: {  	s24 =	sadd.s32 $0x240, s24;
	v26 =	vperm.xlane v19, v7;
	v27 =	vsel vm2, v38, v46;
	v38 =	vunpack.i.u.bf16.f32 v54  }
0xe4: {  	s26 =	sadd.s32 $0x100, s26;
	v19 =	vunpack.i.l.bf16.f32 v54;
	(erf) = vpow2.f32 v39;
	[tilespmem:s12+$0xFFFFFF90] =	vst v32;
	v32 =	vunpack.i.u.bf16.f32 v49  }
0xe5: {  	vm2 =	vgt.f32 v33, $0.0e+00;
	v27 =	vmul.f32 $1.442695020e+00, v27;
	v19 =	vmul.f32 v56, v19;
	v39 =	vld [tilespmem:s4+$0xFFFFFFE0]  }
0xe6: {  	v24 =	vperm.xlane v24, v4;
	v42 =	vmul.f32 $2.000000030e-01, v44;
	v46 =	vunpack.i.u.bf16.f32 v47  }
0xe7: {  	v50 =	vmul.f32 $2.000000030e-01, v33;
	v47 =	vunpack.i.l.bf16.f32 v47;
	[tilespmem:s20+$0x20] =	vst v19;
	v19 =	vunpack.i.u.bf16.f32 v41  }
0xe8: {  	v41 =	vsel vm1, v44, v42;
	v19 =	vmul.f32 v24, v19;
	v24 =	vunpack.i.l.bf16.f32 v49  }
0xe9: {  	v32 =	vmul.f32 v15, v32;
	v15 =	vmovc v23;
	v33 =	vsel vm2, v33, v50;
	v41 =	vmul.f32 $1.442695020e+00, v41  }
0xea: {  	v23 =	vmul.f32 v45, v38;
	(erf) = vpow2.f32 v27;
	[tilespmem:s20+$0xC0] =	vst v19;
	v42 =	vunpack.i.u.bf16.f32 v39  }
0xeb: {  	v38 =	vmul.f32 v48, v51;
	v19 =	vunpack.i.l.bf16.f32 v39;
	(erf) = vpow2.f32 v41;
	[tilespmem:s12+$0x100] =	vst v32  }
0xec: {  	v32 =	vmul.f32 $1.442695020e+00, v33;
	v33 =	vmul.f32 v40, v47  }
0xed: {  	v31 =	vmul.f32 v31, v46;
	v27 =	vnsel vm0, $0x0, v34;
	v39 =	vpop (erf);
	[tilespmem:s20+$0x30] =	vst v23;
	v23 =	vmul.f32 v43, v19  }
0xee: {  	v19 =	vnsel vm0, $0x0, v39;
	(erf) = vpow2.f32 v32;
	[tilespmem:s20+$0xFFFFFFF0] =	vst v27;
	v32 =	vperm.xlane v27, v3;
	v34 =	vld [tilespmem:s25+$0x20]  }
0xef: {  	v39 =	vperm.xlane v27, v2;
	[tilespmem:s24+$0x80] =	vst v19;
	v40 =	vperm.xlane v19, v6  }
0xf0: {  	v48 =	vperm.xlane v19, v5;
	[tilespmem:s20+$0xFFFFFF10] =	vst v31;
	v51 =	vld [tilespmem:s25+$0xFFFFFFC0];
	v31 =	vmul.f32 v53, v42  }
0xf1: {  	v41 =	vmul.f32 v13, v24;
	v13 =	vmovc v37;
	v42 =	vperm.xlane v27, v1;
	[tilespmem:s20+$0xFFFFFF00] =	vst v33;
	v33 =	vunpack.i.l.bf16.f32 v25  }
0xf2: {  	v43 =	vperm.xlane v19, v2;
	v25 =	vld [tilespmem:s25+$0xFFFFFFA0];
	v33 =	vmul.f32 v16, v33;
	[tilespmem:s12+$0xFFFFFFC0] =	vst v31;
	v16 =	vmov v36  }
.Ltmp1:
0xf3: {  	v29 =	vmul.f32 v35, v29;
	v47 =	vld [tilespmem:s26+$0x0];
	v24 =	vpop (erf);
	v31 =	vunpack.i.u.bf16.f32 v34;
	v34 =	vunpack.i.l.bf16.f32 v34;
	[tilespmem:s12+$0xFFFFFFB0] =	vst v23;
	(pc) =	sbr.rel @p0 .LBB2_6-.Ltmp1, $4  }
0xf4: {  	v44 =	vperm.xlane v19, v1;
	v24 =	vnsel vm0, $0x0, v24;
	v36 =	vpop (erf);
	v35 =	vmul.f32 v21, v31;
	[tilespmem:s12+$0xFFFFFF20] =	vst v33;
	v45 =	vld [tilespmem:s4+$0xFFFFFFF0]  }
0xf5: {  	v21 =	vmovc v40;
	v33 =	vperm.xlane v24, v5;
	v23 =	vperm.xlane v24, v8;
	v49 =	vunpack.i.l.bf16.f32 v51;
	[tilespmem:s12+$0xFFFFFF30] =	vst v29  }
0xf6: {  	v50 =	vmul.f32 v20, v34;
	v20 =	vmovc v48;
	v31 =	vnsel vm0, $0x0, v36;
	v46 =	vperm.xlane v24, v2;
	[tilespmem:s24+$0x110] =	vst v24;
	v40 =	vld [tilespmem:s4+$0xFFFFFFB0];
	s4 =	smov.u32 s25;
	s25 =	smov.u32 s26  }
0xf7: {  	s9 =	sadd.s32 $0x40, s9;
	s8 =	sadd.s32 $0x40, s8;
	v51 =	vunpack.i.u.bf16.f32 v51;
	v36 =	vperm.xlane v31, v6;
	[tilespmem:s24+$0xFFFFFF60] =	vst v31;
	v48 =	vld [tilespmem:s26+$0x40];
	v34 =	vpop (erf);
	v29 =	vunpack.i.u.bf16.f32 v25  }
0xf8: {  	[tilespmem:s20+$0x50] =	vst v35  }
0xf9: {  	[tilespmem:s20+$0x40] =	vst v50  }
0xfa: {  	[tilespmem:s20+$0xB0] =	vst v38;
	v62 =	vmul.f32 v39, v51  }
0xfb: {  	v61 =	vunpack.i.u.bf16.f32 v47;
	[tilespmem:s12+$0xF0] =	vst v41;
	v63 =	vmul.f32 v42, v49  }
0xfc: {  	v37 =	vunpack.i.l.bf16.f32 v47;
	v35 =	vmul.f32 v43, v61;
	[tilespmem:s20+$0xFFFFFF80] =	vst v62  }
0xfd: {  	v37 =	vmul.f32 v44, v37;
	v44 =	vunpack.i.u.bf16.f32 v45;
	[tilespmem:s20+$0xFFFFFF70] =	vst v63  }
0xfe: {  	v47 =	vld [tilespmem:s4+$0x30];
	v52 =	vunpack.i.l.bf16.f32 v45;
	v30 =	vmul.f32 v30, v44;
	[tilespmem:s24+$0x10] =	vst v35  }
0xff: {  	v50 =	vperm.xlane v24, v1;
	v51 =	vld [tilespmem:s4+$0x60];
	v28 =	vmul.f32 v28, v52;
	[tilespmem:s24+$0x0] =	vst v37;
	v49 =	vunpack.i.u.bf16.f32 v48  }
0x100: {  	v53 =	vunpack.i.l.bf16.f32 v48;
	[tilespmem:s12+$0xFFFFFFE0] =	vst v30;
	v41 =	vmul.f32 v46, v49  }
0x101: {  	v30 =	vunpack.i.u.bf16.f32 v40;
	[tilespmem:s12+$0xFFFFFFD0] =	vst v28;
	v35 =	vmul.f32 v50, v53  }
0x102: {  	v54 =	vld [tilespmem:s26+$0xFFFFFF80];
	v11 =	vmul.f32 v11, v30;
	v30 =	vunpack.i.l.bf16.f32 v40;
	[tilespmem:s24+$0xA0] =	vst v41  }
0x103: {  	v28 =	vunpack.i.u.bf16.f32 v47;
	v12 =	vmul.f32 v12, v30;
	[tilespmem:s24+$0x90] =	vst v35  }
0x104: {  	v30 =	vunpack.i.u.bf16.f32 v51;
	v22 =	vmul.f32 v22, v28;
	[tilespmem:s12+$0xFFFFFF50] =	vst v11  }
0x105: {  	v28 =	vld [tilespmem:s4+$0xFFFFFFD0];
	v11 =	vmul.f32 v18, v30;
	[tilespmem:s12+$0xFFFFFF40] =	vst v12  }
0x106: {  	v18 =	vperm.xlane v31, v1;
	v30 =	vunpack.i.l.bf16.f32 v51;
	v12 =	vperm.xlane v31, v2;
	[tilespmem:s20+$0x70] =	vst v22  }
0x107: {  	v17 =	vmul.f32 v17, v30;
	v30 =	vld [tilespmem:s26+$0x10];
	v22 =	vunpack.i.l.bf16.f32 v54;
	[tilespmem:s20+$0xE0] =	vst v11;
	v11 =	vnsel vm0, $0x0, v34  }
0x108: {  	v55 =	vunpack.i.u.bf16.f32 v54;
	v18 =	vmul.f32 v18, v22;
	v22 =	vld [tilespmem:s26+$0x50];
	[tilespmem:s24+$0xFFFFFFF0] =	vst v11  }
0x109: {  	v57 =	vperm.xlane v27, v4;
	v56 =	vunpack.i.l.bf16.f32 v47;
	v12 =	vmul.f32 v12, v55;
	[tilespmem:s20+$0xD0] =	vst v17;
	v17 =	vld [tilespmem:s25+$0xFFFFFFC0]  }
0x10a: {  	v58 =	vunpack.i.u.bf16.f32 v28;
	[tilespmem:s24+$0xFFFFFEE0] =	vst v18;
	v18 =	vmul.f32 v26, v56  }
0x10b: {  	v59 =	vld [tilespmem:s4+$0x70];
	v26 =	vperm.xlane v19, v3;
	[tilespmem:s24+$0xFFFFFEF0] =	vst v12;
	v12 =	vunpack.i.l.bf16.f32 v28;
	v28 =	vmul.f32 v57, v58  }
0x10c: {  	v60 =	vperm.xlane v24, v4;
	v12 =	vmul.f32 v32, v12;
	[tilespmem:s20+$0x60] =	vst v18;
	v18 =	vunpack.i.l.bf16.f32 v30  }
0x10d: {  	v61 =	vld [tilespmem:s26+$0xFFFFFF90];
	[tilespmem:s20+$0xFFFFFFA0] =	vst v28;
	v18 =	vmul.f32 v26, v18;
	v26 =	vunpack.i.u.bf16.f32 v22;
	v28 =	vperm.xlane v11, v2  }
0x10e: {  	[tilespmem:s20+$0xFFFFFF90] =	vst v12;
	v12 =	vmul.f32 v60, v26;
	v26 =	vperm.xlane v11, v1;
	v62 =	vunpack.i.u.bf16.f32 v17  }
0x10f: {  	v63 =	vld [tilespmem:s4+$0xFFFFFFE0];
	v17 =	vunpack.i.l.bf16.f32 v17;
	[tilespmem:s24+$0x20] =	vst v18;
	v18 =	vmul.f32 v28, v62  }
0x110: {  	v40 =	vunpack.i.u.bf16.f32 v59;
	v28 =	vperm.xlane v19, v4;
	[tilespmem:s24+$0xC0] =	vst v12;
	v12 =	vmul.f32 v26, v17  }
0x111: {  	v15 =	vmul.f32 v15, v40;
	v17 =	vperm.xlane v31, v4;
	v26 =	vunpack.i.u.bf16.f32 v30;
	[tilespmem:s24+$0xFFFFFF80] =	vst v18  }
0x112: {  	v30 =	vunpack.i.u.bf16.f32 v61;
	v18 =	vperm.xlane v31, v3;
	v26 =	vmul.f32 v28, v26;
	[tilespmem:s24+$0xFFFFFF70] =	vst v12  }
0x113: {  	v28 =	vunpack.i.l.bf16.f32 v61;
	[tilespmem:s20+$0x100] =	vst v15;
	v12 =	vperm.xlane v27, v6;
	v15 =	vmul.f32 v17, v30;
	v17 =	vld [tilespmem:s25+$0xFFFFFFD0]  }
0x114: {  	v30 =	vperm.xlane v27, v5;
	v41 =	vunpack.i.u.bf16.f32 v63;
	v18 =	vmul.f32 v18, v28;
	[tilespmem:s24+$0x30] =	vst v26  }
0x115: {  	v26 =	vunpack.i.l.bf16.f32 v63;
	[tilespmem:s24+$0xFFFFFF10] =	vst v15;
	v12 =	vmul.f32 v12, v41  }
0x116: {  	v15 =	vperm.xlane v24, v3;
	v26 =	vmul.f32 v30, v26;
	v28 =	vld [tilespmem:s25+$0x20];
	[tilespmem:s24+$0xFFFFFF00] =	vst v18;
	v18 =	vunpack.i.l.bf16.f32 v25  }
0x117: {  	v22 =	vunpack.i.l.bf16.f32 v22;
	v16 =	vmul.f32 v16, v18;
	[tilespmem:s20+$0xFFFFFFC0] =	vst v12;
	v12 =	vperm.xlane v11, v4  }
0x118: {  	v15 =	vmul.f32 v15, v22;
	v18 =	vperm.xlane v11, v3;
	[tilespmem:s20+$0xFFFFFFB0] =	vst v26;
	v22 =	vunpack.i.u.bf16.f32 v17  }
0x119: {  	[tilespmem:s20+$0xFFFFFF20] =	vst v16;
	v16 =	vld [tilespmem:s4+$0xFFFFFFF0];
	v17 =	vunpack.i.l.bf16.f32 v17;
	v12 =	vmul.f32 v12, v22  }
0x11a: {  	[tilespmem:s24+$0xB0] =	vst v15;
	v15 =	vmul.f32 v18, v17  }
0x11b: {  	v14 =	vmul.f32 v14, v29;
	v17 =	vunpack.i.u.bf16.f32 v28;
	v18 =	vld [tilespmem:s25+$0x60];
	[tilespmem:s24+$0xFFFFFFA0] =	vst v12  }
0x11c: {  	v17 =	vmul.f32 v21, v17;
	v12 =	vunpack.i.l.bf16.f32 v28;
	[tilespmem:s24+$0xFFFFFF90] =	vst v15  }
0x11d: {  	[tilespmem:s20+$0xFFFFFF30] =	vst v14;
	v21 =	vunpack.i.l.bf16.f32 v59;
	v15 =	vperm.xlane v27, v8;
	v12 =	vmul.f32 v20, v12;
	v14 =	vld [tilespmem:s25+$0xFFFFFFE0]  }
0x11e: {  	v13 =	vmul.f32 v13, v21;
	v20 =	vperm.xlane v27, v7;
	[tilespmem:s24+$0x50] =	vst v17;
	v17 =	vunpack.i.u.bf16.f32 v16  }
0x11f: {  	v22 =	vld [tilespmem:s25+$0xFFFFFFA0];
	v21 =	vperm.xlane v24, v6;
	[tilespmem:s24+$0x40] =	vst v12;
	v12 =	vunpack.i.l.bf16.f32 v16;
	v15 =	vmul.f32 v15, v17  }
0x120: {  	[tilespmem:s20+$0xF0] =	vst v13;
	v13 =	vunpack.i.u.bf16.f32 v18;
	v12 =	vmul.f32 v20, v12  }
0x121: {  	v16 =	vld [tilespmem:s4+$0xFFFFFFB0];
	v17 =	vperm.xlane v11, v6;
	v13 =	vmul.f32 v21, v13;
	[tilespmem:s20+$0xFFFFFFE0] =	vst v15;
	v15 =	vunpack.i.l.bf16.f32 v18  }
0x122: {  	v18 =	vperm.xlane v11, v5;
	v15 =	vmul.f32 v33, v15;
	[tilespmem:s20+$0xFFFFFFD0] =	vst v12;
	v12 =	vunpack.i.u.bf16.f32 v14  }
0x123: {  	v20 =	vperm.xlane v31, v5;
	v21 =	vld [tilespmem:s25+$0x30];
	[tilespmem:s24+$0xE0] =	vst v13;
	v13 =	vunpack.i.l.bf16.f32 v14;
	v12 =	vmul.f32 v17, v12  }
0x124: {  	v14 =	vunpack.i.l.bf16.f32 v22;
	v13 =	vmul.f32 v18, v13;
	[tilespmem:s24+$0xD0] =	vst v15  }
0x125: {  	v14 =	vmul.f32 v20, v14;
	v15 =	vunpack.i.u.bf16.f32 v22;
	v17 =	vld [tilespmem:s25+$0x70];
	[tilespmem:s24+$0xFFFFFFC0] =	vst v12  }
0x126: {  	v12 =	vunpack.i.u.bf16.f32 v16;
	v15 =	vmul.f32 v36, v15;
	[tilespmem:s24+$0xFFFFFFB0] =	vst v13  }
0x127: {  	v13 =	vperm.xlane v19, v8;
	[tilespmem:s24+$0xFFFFFF20] =	vst v14;
	v9 =	vmul.f32 v9, v12;
	v12 =	vunpack.i.l.bf16.f32 v16;
	v14 =	vld [tilespmem:s25+$0xFFFFFFF0]  }
0x128: {  	v18 =	vunpack.i.u.bf16.f32 v21;
	v16 =	vperm.xlane v19, v7;
	v10 =	vmul.f32 v10, v12;
	[tilespmem:s24+$0xFFFFFF30] =	vst v15  }
0x129: {  	v12 =	vunpack.i.l.bf16.f32 v21;
	v13 =	vmul.f32 v13, v18;
	[tilespmem:s20+$0xFFFFFF50] =	vst v9;
	v9 =	vld [tilespmem:s25+$0xFFFFFFB0]  }
0x12a: {  	v15 =	vperm.xlane v24, v7;
	[tilespmem:s20+$0xFFFFFF40] =	vst v10;
	v10 =	vmul.f32 v16, v12;
	v12 =	vunpack.i.u.bf16.f32 v17  }
0x12b: {  	[tilespmem:s24+$0x70] =	vst v13;
	v13 =	vperm.xlane v11, v8;
	v16 =	vunpack.i.l.bf16.f32 v17;
	v12 =	vmul.f32 v23, v12  }
0x12c: {  	v11 =	vperm.xlane v11, v7;
	[tilespmem:s24+$0x60] =	vst v10;
	v10 =	vmul.f32 v15, v16;
	v15 =	vunpack.i.u.bf16.f32 v14  }
0x12d: {  	v16 =	vperm.xlane v31, v8;
	v13 =	vmul.f32 v13, v15;
	[tilespmem:s24+$0x100] =	vst v12;
	v12 =	vunpack.i.l.bf16.f32 v14  }
0x12e: {  	v14 =	vperm.xlane v31, v7;
	[tilespmem:s24+$0xF0] =	vst v10;
	v10 =	vunpack.i.u.bf16.f32 v9;
	v11 =	vmul.f32 v11, v12  }
0x12f: {  	s26 =	smul.u32 $0x300, s18;
	v9 =	vunpack.i.l.bf16.f32 v9;
	v10 =	vmul.f32 v16, v10;
	[tilespmem:s24+$0xFFFFFFE0] =	vst v13  }
0x130: {  	v9 =	vmul.f32 v14, v9;
	[tilespmem:s24+$0xFFFFFFD0] =	vst v11  }
0x131: {  	s4 =	sshra.s32 s26, $0x2;
	[tilespmem:s24+$0xFFFFFF50] =	vst v10  }
0x132: {  	p0 =	seq.s32 s18, $0x8;
	s4 =	sadd.s32 $0x6C0, s4;
	[tilespmem:s24+$0xFFFFFF40] =	vst v9  }
0x133: {  	[spmem:s3] =	stream.indirect.scatter.add.f32 [tilespmem:s21], [sflag:$0x7], $0x90, s4, s23, $0xb8;
	[tilespmem:$0x1F380] =	vst v63  }
0x134: {  	s4 =	smul.u32 @!p0 $0xC0, s18;
	_ =	swait.ge [sflag:s11], $0x3600  }
0x135: {  	s8 =	simm.s32 @!p0 $0x60;
	[sflag:s11] =	ssyncset.done $0x0  }
0x136: {  	s9 =	simm.s32 @!p0 $0xD80;
	s7 =	sadd.s32 @!p0 $0xC0, s4;
	[sflag:s11] =	ssyncadd.s32 $0xFFFFCA00  }
0x137: {  	[tilespmem:s9], [sflag:$0x1] =	stream.indirect.gather @!p0 [hbm4b:s1+s8], $0x40, s7, s8, $0xb8;
	[tilespmem:$0x1F380] =	vst v63  }
0x138: {  	s9 =	simm.s32 @!p0 $0x3D80  }
0x139: {  	[tilespmem:s9], [sflag:$0x3] =	stream.indirect.gather @!p0 [hbm4b:s5+s8], $0x10, s7, s8, $0xb8;
	[tilespmem:$0x1F380] =	vst v63  }
0x13a: {  	s4 =	sadd.s32 @!p0 $0x780, s4;
	s7 =	simm.s32 @!p0 $0x4980  }
0x13b: {  	[tilespmem:s7], [sflag:$0x5] =	stream.indirect.gather @!p0 [hbm4b:s6+s8], $0x10, s4, s8, $0xb8;
	[tilespmem:$0x1F380] =	vst v63  }
0x13c: {  	_ =	swait.ge [sflag:s13], $0x1800  }
0x13d: {  	[sflag:s13] =	ssyncset.done $0x0  }
0x13e: {  	[sflag:s13] =	ssyncadd.s32 $0xFFFFE800  }
0x13f: {  	_ =	swait.ge [sflag:s14], $0x600  }
0x140: {  	[sflag:s14] =	ssyncset.done $0x0  }
0x141: {  	[sflag:s14] =	ssyncadd.s32 $0xFFFFFA00  }
0x142: {  	_ =	swait.ge [sflag:s15], $0x600  }
0x143: {  	[sflag:s15] =	ssyncset.done $0x0  }
0x144: {  	s7 =	simm.s32 $0x43A0;
	[sflag:s15] =	ssyncadd.s32 $0xFFFFFA00  }
0x145: {  	s8 =	simm.s32 $0x4FA0;
	v10 =	vld [tilespmem:s7+$0x0]  }
0x146: {  	v11 =	vld [tilespmem:s8+$0x0]  }
0x147: {  	v12 =	vld [tilespmem:s7+$0x10]  }
0x148: {  	v13 =	vld [tilespmem:s8+$0x10]  }
0x149: {  	v9 =	vld [tilespmem:s7+$0xFFFFFFE0]  }
0x14a: {  	v14 =	vld [tilespmem:s8+$0xFFFFFFE0]  }
0x14b: {  	v10 =	vadd.f32 v11, v10;
	_ =	sdelay $0x1  }
0x14c: {  	v12 =	vadd.f32 v13, v12;
	v11 =	vmul.f32 $2.000000030e-01, v10  }
0x14d: {  	vm1 =	vgt.f32 v10, $0.0e+00  }
0x14e: {  	v9 =	vadd.f32 v14, v9;
	v10 =	vsel vm1, v10, v11;
	v11 =	vmul.f32 $2.000000030e-01, v12  }
0x14f: {  	s9 =	simm.s32 $0x43E0;
	v14 =	vld [tilespmem:s7+$0xFFFFFFF0];
	vm1 =	vgt.f32 v12, $0.0e+00  }
0x150: {  	v13 =	vmul.f32 $2.000000030e-01, v9;
	v10 =	vmul.f32 $1.442695020e+00, v10;
	v11 =	vsel vm1, v12, v11;
	v12 =	vld [tilespmem:s8+$0xFFFFFFF0]  }
0x151: {  	s20 =	simm.s32 $0x4FE0;
	v26 =	vld [tilespmem:s9+$0x0];
	vm2 =	vgt.f32 v9, $0.0e+00  }
0x152: {  	v28 =	vld [tilespmem:s20+$0x0];
	v9 =	vsel vm2, v9, v13;
	(erf) = vpow2.f32 v10;
	v10 =	vmul.f32 $1.442695020e+00, v11  }
0x153: {  	v9 =	vmul.f32 $1.442695020e+00, v9  }
0x154: {  	(erf) = vpow2.f32 v10  }
0x155: {  	(erf) = vpow2.f32 v9;
	v9 =	vadd.f32 v12, v14;
	_ =	sdelay $0x1  }
0x156: {  	v26 =	vadd.f32 v28, v26;
	v10 =	vmul.f32 $2.000000030e-01, v9;
	_ =	sdelay $0x1  }
0x157: {  	v48 =	vmul.f32 $2.000000030e-01, v26;
	vm1 =	vgt.f32 v9, $0.0e+00  }
0x158: {  	v9 =	vsel vm1, v9, v10;
	vm1 =	vgt.f32 v26, $0.0e+00  }
0x159: {  	v9 =	vmul.f32 $1.442695020e+00, v9;
	v26 =	vsel vm1, v26, v48;
	v10 =	vpop (erf)  }
0x15a: {  	v26 =	vmul.f32 $1.442695020e+00, v26;
	v10 =	vnsel vm0, $0x0, v10  }
0x15b: {  	s12 =	simm.s32 $0x56A0;
	(erf) = vpow2.f32 v9;
	v9 =	vperm.xlane v10, v6  }
0x15c: {  	s25 =	simm.s32 $0x2600;
	v11 =	vpop (erf);
	[tilespmem:s12+$0x80] =	vst v10;
	v14 =	vperm.xlane v10, v5;
	v15 =	vperm.xlane v10, v2  }
0x15d: {  	v13 =	vnsel vm0, $0x0, v11;
	v17 =	vperm.xlane v10, v1;
	v46 =	vperm.xlane v10, v3;
	v12 =	vld [tilespmem:s25+$0x0]  }
0x15e: {  	(erf) = vpow2.f32 v26;
	v32 =	vperm.xlane v10, v7;
	[tilespmem:s12+$0x110] =	vst v13  }
0x15f: {  	v11 =	vpop (erf);
	v21 =	vperm.xlane v13, v5;
	v19 =	vperm.xlane v13, v8;
	v18 =	vld [tilespmem:s25+$0x40]  }
0x160: {  	v30 =	vld [tilespmem:s9+$0xFFFFFFE0];
	v16 =	vnsel vm0, $0x0, v11;
	v22 =	vperm.xlane v13, v2;
	v20 =	vperm.xlane v13, v6  }
0x161: {  	v42 =	vld [tilespmem:s20+$0xFFFFFFE0];
	v24 =	vperm.xlane v13, v7;
	v45 =	vperm.xlane v13, v3;
	[tilespmem:s12+$0xFFFFFF60] =	vst v16  }
0x162: {  	v23 =	vperm.xlane v16, v6;
	v11 =	vperm.xlane v16, v8;
	v25 =	vld [tilespmem:s25+$0xFFFFFF80];
	v27 =	vunpack.i.u.bf16.f32 v12  }
0x163: {  	v43 =	vld [tilespmem:s9+$0x10];
	v12 =	vunpack.i.l.bf16.f32 v12;
	v15 =	vmul.f32 v15, v27;
	v27 =	vperm.xlane v13, v1  }
0x164: {  	v47 =	vld [tilespmem:s20+$0xFFFFFFF0];
	v17 =	vmul.f32 v17, v12;
	v29 =	vunpack.i.u.bf16.f32 v18;
	v18 =	vunpack.i.l.bf16.f32 v18  }
0x165: {  	v31 =	vperm.xlane v16, v2;
	v18 =	vmul.f32 v27, v18;
	v27 =	vld [tilespmem:s20+$0x10];
	[tilespmem:s12+$0x10] =	vst v15  }
0x166: {  	v28 =	vld [tilespmem:s9+$0xFFFFFFF0];
	v30 =	vadd.f32 v42, v30;
	v44 =	vperm.xlane v16, v1;
	v22 =	vmul.f32 v22, v29;
	[tilespmem:s12+$0x0] =	vst v17  }
0x167: {  	v12 =	vperm.xlane v16, v7;
	v13 =	vperm.xlane v13, v4;
	v29 =	vunpack.i.l.bf16.f32 v25;
	v49 =	vld [tilespmem:s25+$0x10]  }
0x168: {  	v25 =	vunpack.i.u.bf16.f32 v25;
	v15 =	vmul.f32 v44, v29;
	v29 =	vperm.xlane v16, v5;
	[tilespmem:s12+$0xA0] =	vst v22  }
0x169: {  	vm1 =	vgt.f32 v30, $0.0e+00;
	v17 =	vperm.xlane v16, v3;
	v25 =	vmul.f32 v31, v25;
	[tilespmem:s12+$0x90] =	vst v18  }
0x16a: {  	v16 =	vperm.xlane v16, v4;
	[tilespmem:s12+$0xFFFFFEE0] =	vst v15;
	v15 =	vmul.f32 $2.000000030e-01, v30;
	v50 =	vld [tilespmem:s25+$0x50];
	v27 =	vadd.f32 v27, v43  }
0x16b: {  	v22 =	vperm.xlane v10, v8;
	v18 =	vperm.xlane v10, v4;
	[tilespmem:s12+$0xFFFFFEF0] =	vst v25;
	v25 =	vadd.f32 v47, v28  }
0x16c: {  	v28 =	vld [tilespmem:s25+$0xFFFFFF90];
	v15 =	vsel vm1, v30, v15;
	v30 =	vunpack.i.u.bf16.f32 v49;
	v31 =	vmul.f32 $2.000000030e-01, v27  }
0x16d: {  	vm1 =	vgt.f32 v25, $0.0e+00;
	vm2 =	vgt.f32 v27, $0.0e+00;
	v18 =	vmul.f32 v18, v30  }
0x16e: {  	v15 =	vmul.f32 $1.442695020e+00, v15;
	v26 =	vsel vm2, v27, v31;
	v31 =	vmul.f32 $2.000000030e-01, v25  }
0x16f: {  	v10 =	vunpack.i.u.bf16.f32 v50;
	v27 =	vunpack.i.l.bf16.f32 v49;
	v26 =	vmul.f32 $1.442695020e+00, v26  }
0x170: {  	v10 =	vmul.f32 v13, v10;
	v27 =	vmul.f32 v46, v27;
	v13 =	vsel vm1, v25, v31  }
0x171: {  	[tilespmem:s12+$0x30] =	vst v18;
	v18 =	vpop (erf);
	v25 =	vunpack.i.l.bf16.f32 v28;
	(erf) = vpow2.f32 v26;
	v26 =	vunpack.i.l.bf16.f32 v50  }
0x172: {  	[tilespmem:s12+$0x20] =	vst v27;
	v13 =	vmul.f32 $1.442695020e+00, v13;
	v25 =	vmul.f32 v17, v25;
	v17 =	vpop (erf);
	v35 =	vnsel vm0, $0x0, v18  }
0x173: {  	s20 =	simm.s32 $0x58E0;
	(erf) = vpow2.f32 v15;
	v26 =	vmul.f32 v45, v26;
	v27 =	vld [tilespmem:s25+$0x20];
	v36 =	vnsel vm0, $0x0, v17;
	[tilespmem:s12+$0xFFFFFFF0] =	vst v35  }
0x174: {  	s4 =	simm.s32 $0x2700;
	v15 =	vunpack.i.u.bf16.f32 v28;
	v37 =	vperm.xlane v35, v3;
	v30 =	vperm.xlane v35, v1;
	[tilespmem:s20+$0x80] =	vst v36;
	v28 =	vld [tilespmem:s25+$0xFFFFFFC0]  }
0x175: {  	[tilespmem:s12+$0xC0] =	vst v10;
	v33 =	vmul.f32 v16, v15;
	(erf) = vpow2.f32 v13;
	v52 =	vld [tilespmem:s4+$0x0]  }
0x176: {  	v31 =	vperm.xlane v36, v6;
	v16 =	vperm.xlane v35, v2;
	[tilespmem:s12+$0xB0] =	vst v26  }
0x177: {  	v34 =	vperm.xlane v36, v5;
	v51 =	vperm.xlane v36, v2;
	v60 =	vld [tilespmem:s25+$0x60]  }
0x178: {  	v15 =	vunpack.i.u.bf16.f32 v27;
	v18 =	vunpack.i.l.bf16.f32 v27;
	v27 =	vperm.xlane v36, v1  }
0x179: {  	v9 =	vmul.f32 v9, v15;
	v54 =	vmul.f32 v14, v18  }
0x17a: {  	v56 =	vunpack.i.l.bf16.f32 v28;
	v10 =	vunpack.i.u.bf16.f32 v28;
	v57 =	vunpack.i.u.bf16.f32 v52  }
0x17b: {  	v39 =	vunpack.i.l.bf16.f32 v52;
	v30 =	vmul.f32 v30, v56;
	v16 =	vmul.f32 v16, v10  }
0x17c: {  	v52 =	vperm.xlane v36, v3;
	v13 =	vpop (erf);
	[tilespmem:s12+$0x40] =	vst v54;
	v28 =	vmul.f32 v51, v57;
	v54 =	vunpack.i.l.bf16.f32 v60  }
0x17d: {  	s26 =	simm.s32 $0x5020;
	v27 =	vmul.f32 v27, v39;
	v40 =	vnsel vm0, $0x0, v13;
	v21 =	vmul.f32 v21, v54  }
0x17e: {  	s24 =	simm.s32 $0x4420;
	v62 =	vld [tilespmem:s26+$0xFFFFFFE0];
	[tilespmem:s12+$0x50] =	vst v9;
	v54 =	vperm.xlane v35, v6;
	v17 =	vperm.xlane v40, v5  }
0x17f: {  	v48 =	vld [tilespmem:s24+$0x0];
	v13 =	vpop (erf);
	v15 =	vperm.xlane v40, v8;
	[tilespmem:s20+$0x110] =	vst v40;
	v53 =	vperm.xlane v40, v2  }
0x180: {  	[tilespmem:s12+$0xFFFFFF80] =	vst v16;
	v41 =	vnsel vm0, $0x0, v13;
	v18 =	vperm.xlane v40, v6;
	v13 =	vperm.xlane v40, v7;
	v55 =	vld [tilespmem:s4+$0x40]  }
0x181: {  	v46 =	vld [tilespmem:s24+$0xFFFFFFE0];
	v59 =	vperm.xlane v40, v1;
	[tilespmem:s20+$0xFFFFFF60] =	vst v41;
	v14 =	vperm.xlane v41, v6  }
0x182: {  	[tilespmem:s12+$0xFFFFFF70] =	vst v30;
	v9 =	vperm.xlane v41, v8;
	v26 =	vperm.xlane v41, v2;
	v58 =	vld [tilespmem:s4+$0xFFFFFF80]  }
0x183: {  	v43 =	vld [tilespmem:s25+$0x30];
	[tilespmem:s20+$0x10] =	vst v28;
	v28 =	vunpack.i.u.bf16.f32 v60;
	v10 =	vperm.xlane v41, v7;
	v57 =	vperm.xlane v41, v1  }
0x184: {  	v50 =	vld [tilespmem:s25+$0xFFFFFFD0];
	v45 =	vperm.xlane v41, v3;
	v20 =	vmul.f32 v20, v28  }
0x185: {  	[tilespmem:s12+$0xFFFFFF00] =	vst v25;
	v60 =	vld [tilespmem:s26+$0x10];
	v28 =	vperm.xlane v35, v7;
	v61 =	vunpack.i.u.bf16.f32 v55;
	v44 =	vunpack.i.l.bf16.f32 v55  }
0x186: {  	[tilespmem:s12+$0xFFFFFF10] =	vst v33;
	v55 =	vld [tilespmem:s24+$0x10];
	v39 =	vmul.f32 v53, v61;
	v30 =	vmul.f32 v59, v44  }
0x187: {  	[tilespmem:s12+$0xD0] =	vst v21;
	v16 =	vunpack.i.l.bf16.f32 v58;
	v44 =	vperm.xlane v40, v3;
	v59 =	vld [tilespmem:s26+$0x0];
	v53 =	vperm.xlane v35, v5  }
0x188: {  	[tilespmem:s12+$0xE0] =	vst v20;
	v63 =	vunpack.i.u.bf16.f32 v58;
	v61 =	vld [tilespmem:s24+$0xFFFFFFF0];
	v47 =	vmul.f32 v57, v16;
	v16 =	vperm.xlane v41, v5  }
0x189: {  	v58 =	vunpack.i.u.bf16.f32 v43;
	v41 =	vperm.xlane v41, v4;
	v26 =	vmul.f32 v26, v63;
	v63 =	vld [tilespmem:s26+$0xFFFFFFF0];
	[tilespmem:s20+$0xA0] =	vst v39  }
0x18a: {  	v43 =	vunpack.i.l.bf16.f32 v43;
	v38 =	vmul.f32 v22, v58;
	v22 =	vperm.xlane v36, v8;
	v57 =	vld [tilespmem:s25+$0x70];
	[tilespmem:s20+$0x90] =	vst v30  }
0x18b: {  	v32 =	vmul.f32 v32, v43;
	v39 =	vadd.f32 v62, v46;
	v62 =	vunpack.i.u.bf16.f32 v50;
	[tilespmem:s20+$0xFFFFFEE0] =	vst v47  }
0x18c: {  	v51 =	vld [tilespmem:s25+$0xFFFFFFA0];
	v30 =	vperm.xlane v35, v8;
	v35 =	vperm.xlane v35, v4;
	[tilespmem:s20+$0xFFFFFEF0] =	vst v26;
	v21 =	vadd.f32 v60, v55  }
0x18d: {  	[tilespmem:s20+$0x0] =	vst v27;
	v26 =	vperm.xlane v36, v7;
	v55 =	vperm.xlane v36, v4;
	v60 =	vld [tilespmem:s4+$0xFFFFFF90];
	v27 =	vadd.f32 v59, v48  }
0x18e: {  	vm1 =	vgt.f32 v39, $0.0e+00;
	v35 =	vmul.f32 v35, v62;
	v48 =	vld [tilespmem:s4+$0x50];
	v58 =	vmul.f32 $2.000000030e-01, v21  }
0x18f: {  	v46 =	vadd.f32 v63, v61;
	v62 =	vunpack.i.u.bf16.f32 v57;
	v20 =	vmul.f32 $2.000000030e-01, v27  }
0x190: {  	v63 =	vperm.xlane v40, v4;
	vm2 =	vgt.f32 v27, $0.0e+00;
	v19 =	vmul.f32 v19, v62  }
0x191: {  	v56 =	vld [tilespmem:s4+$0x10];
	v20 =	vsel vm2, v27, v20;
	v27 =	vunpack.i.l.bf16.f32 v50;
	vm2 =	vgt.f32 v21, $0.0e+00  }
0x192: {  	v50 =	vunpack.i.u.bf16.f32 v60;
	v33 =	vunpack.i.l.bf16.f32 v60;
	v60 =	vunpack.i.l.bf16.f32 v51  }
0x193: {  	v20 =	vmul.f32 $1.442695020e+00, v20;
	v59 =	vunpack.i.l.bf16.f32 v48;
	v27 =	vmul.f32 v37, v27  }
0x194: {  	v47 =	vunpack.i.u.bf16.f32 v48;
	v48 =	vmul.f32 $2.000000030e-01, v46;
	v33 =	vmul.f32 v45, v33  }
0x195: {  	[tilespmem:s12+$0x70] =	vst v38;
	v21 =	vsel vm2, v21, v58;
	v29 =	vmul.f32 v29, v60;
	(erf) = vpow2.f32 v20  }
0x196: {  	v21 =	vmul.f32 $1.442695020e+00, v21;
	v20 =	vunpack.i.l.bf16.f32 v56;
	[tilespmem:s12+$0xFFFFFF90] =	vst v27;
	v27 =	vmul.f32 $2.000000030e-01, v39  }
0x197: {  	[tilespmem:s12+$0xFFFFFFA0] =	vst v35;
	vm2 =	vgt.f32 v46, $0.0e+00;
	v36 =	vmul.f32 v63, v47;
	v20 =	vmul.f32 v52, v20  }
0x198: {  	[tilespmem:s12+$0x60] =	vst v32;
	v25 =	vld [tilespmem:s25+$0xFFFFFFE0];
	(erf) = vpow2.f32 v21;
	v21 =	vsel vm2, v46, v48;
	v27 =	vsel vm1, v39, v27  }
0x199: {  	v61 =	vunpack.i.u.bf16.f32 v56;
	[tilespmem:s12+$0x100] =	vst v19;
	v21 =	vmul.f32 $1.442695020e+00, v21;
	v27 =	vmul.f32 $1.442695020e+00, v27  }
0x19a: {  	v57 =	vunpack.i.l.bf16.f32 v57;
	[tilespmem:s20+$0x20] =	vst v20;
	v20 =	vmul.f32 v55, v61;
	v55 =	vmul.f32 v41, v50  }
0x19b: {  	[tilespmem:s20+$0xFFFFFF00] =	vst v33;
	v41 =	vmul.f32 v24, v57;
	v24 =	vunpack.i.u.bf16.f32 v51;
	(erf) = vpow2.f32 v27  }
0x19c: {  	v38 =	vmul.f32 v44, v59;
	v63 =	vmul.f32 v23, v24;
	[tilespmem:s20+$0x30] =	vst v20  }
0x19d: {  	[tilespmem:s12+$0xFFFFFF20] =	vst v29;
	v52 =	vunpack.i.l.bf16.f32 v25;
	v56 =	vld [tilespmem:s4+$0x20];
	v25 =	vunpack.i.u.bf16.f32 v25;
	v27 =	vpop (erf);
	(erf) = vpow2.f32 v21  }
0x19e: {  	[tilespmem:s20+$0xC0] =	vst v36;
	v36 =	vmul.f32 v53, v52;
	v59 =	vmul.f32 v54, v25;
	v27 =	vnsel vm0, $0x0, v27;
	v19 =	vpop (erf)  }
0x19f: {  	[tilespmem:s20+$0xFFFFFFF0] =	vst v27;
	v32 =	vperm.xlane v27, v3;
	v39 =	vperm.xlane v27, v2;
	v19 =	vnsel vm0, $0x0, v19  }
0x1a0: {  	s24 =	simm.s32 $0x5B20;
	[tilespmem:s20+$0xFFFFFF10] =	vst v55;
	v42 =	vperm.xlane v27, v1;
	v58 =	vld [tilespmem:s4+$0xFFFFFFC0];
	v21 =	vperm.xlane v19, v6  }
0x1a1: {  	s26 =	simm.s32 $0x2800;
	v25 =	vld [tilespmem:s4+$0xFFFFFFA0];
	v61 =	vpop (erf);
	[tilespmem:s24+$0x80] =	vst v19;
	v20 =	vperm.xlane v19, v5;
	v43 =	vperm.xlane v19, v2  }
0x1a2: {  	[tilespmem:s12+$0xFFFFFFC0] =	vst v59;
	v62 =	vunpack.i.u.bf16.f32 v56;
	v44 =	vperm.xlane v19, v1;
	v24 =	vnsel vm0, $0x0, v61;
	v47 =	vld [tilespmem:s26+$0x0]  }
0x1a3: {  	[tilespmem:s12+$0xFFFFFFB0] =	vst v36;
	v35 =	vmul.f32 v31, v62;
	v33 =	vperm.xlane v24, v5  }
0x1a4: {  	[tilespmem:s12+$0xFFFFFF30] =	vst v63;
	v45 =	vld [tilespmem:s25+$0xFFFFFFF0];
	v40 =	vunpack.i.l.bf16.f32 v56;
	v23 =	vperm.xlane v24, v8;
	v46 =	vperm.xlane v24, v2;
	v29 =	vpop (erf)  }
0x1a5: {  	s7 =	simm.s32 $0x8;
	[tilespmem:s24+$0x110] =	vst v24;
	v50 =	vmul.f32 v34, v40;
	v40 =	vld [tilespmem:s25+$0xFFFFFFB0];
	v49 =	vunpack.i.l.bf16.f32 v58;
	v31 =	vnsel vm0, $0x0, v29  }
0x1a6: {  	s9 =	simm.s32 $0x4460;
	s8 =	simm.s32 $0x5060;
	s25 =	simm.s32 $0x2800;
	v48 =	vld [tilespmem:s26+$0x40];
	v29 =	vunpack.i.u.bf16.f32 v25;
	v51 =	vunpack.i.u.bf16.f32 v58;
	[tilespmem:s24+$0xFFFFFF60] =	vst v31;
	v36 =	vperm.xlane v31, v6;
	v34 =	vpop (erf)  }
.LBB2_8:
0x1a7: {  	v52 =	vld [tilespmem:s9+$0xFFFFFFE0];
	s7 =	sadd.s32 $0x4, s7;
	v53 =	vunpack.i.u.bf16.f32 v47;
	v54 =	vperm.xlane v24, v6;
	v37 =	vperm.xlane v24, v7;
	[tilespmem:s20+$0x50] =	vst v35;
	v35 =	vmovc v14  }
0x1a8: {  	v56 =	vperm.xlane v31, v8;
	v47 =	vunpack.i.l.bf16.f32 v47;
	p0 =	slt.u32 s7, $0x5C;
	v55 =	vld [tilespmem:s26+$0xFFFFFF80];
	v43 =	vmul.f32 v43, v53;
	[tilespmem:s20+$0x40] =	vst v50;
	v14 =	vmovc v36  }
0x1a9: {  	v42 =	vmul.f32 v42, v49;
	v36 =	vperm.xlane v24, v1;
	v49 =	vld [tilespmem:s4+$0x30];
	[tilespmem:s20+$0xB0] =	vst v38;
	v38 =	vunpack.i.u.bf16.f32 v45  }
0x1aa: {  	v39 =	vmul.f32 v39, v51;
	v50 =	vperm.xlane v31, v2;
	v45 =	vunpack.i.l.bf16.f32 v45;
	v51 =	vld [tilespmem:s4+$0x60];
	[tilespmem:s12+$0xF0] =	vst v41  }
0x1ab: {  	v44 =	vmul.f32 v44, v47;
	v47 =	vunpack.i.u.bf16.f32 v40;
	v41 =	vld [tilespmem:s9+$0x0];
	[tilespmem:s24+$0x10] =	vst v43;
	v43 =	vunpack.i.u.bf16.f32 v48  }
0x1ac: {  	v57 =	vperm.xlane v31, v7;
	v48 =	vunpack.i.l.bf16.f32 v48;
	v53 =	vld [tilespmem:s8+$0xFFFFFFE0];
	v43 =	vmul.f32 v46, v43;
	[tilespmem:s20+$0xFFFFFF80] =	vst v39  }
0x1ad: {  	v58 =	vperm.xlane v31, v1;
	v39 =	vld [tilespmem:s8+$0x0];
	v46 =	vunpack.i.u.bf16.f32 v55;
	v55 =	vunpack.i.l.bf16.f32 v55;
	[tilespmem:s24+$0x0] =	vst v44  }
0x1ae: {  	v30 =	vmul.f32 v30, v38;
	v44 =	vmul.f32 v36, v48;
	[tilespmem:s20+$0xFFFFFF70] =	vst v42;
	v42 =	vunpack.i.u.bf16.f32 v49  }
0x1af: {  	v47 =	vmul.f32 v11, v47;
	v11 =	vmovc v9;
	v9 =	vmovc v56;
	v48 =	vperm.xlane v24, v3;
	v49 =	vunpack.i.l.bf16.f32 v49;
	v38 =	vld [tilespmem:s9+$0x10]  }
0x1b0: {  	v28 =	vmul.f32 v28, v45;
	v56 =	vperm.xlane v19, v3;
	v60 =	vunpack.i.u.bf16.f32 v51;
	v59 =	vld [tilespmem:s4+$0xFFFFFFD0];
	[tilespmem:s12+$0xFFFFFFE0] =	vst v30  }
0x1b1: {  	v45 =	vmul.f32 v58, v55;
	v30 =	vunpack.i.l.bf16.f32 v51;
	[tilespmem:s24+$0xA0] =	vst v43;
	v43 =	vperm.xlane v27, v5  }
0x1b2: {  	v36 =	vperm.xlane v31, v5;
	v51 =	vmul.f32 v17, v30;
	v30 =	vunpack.i.l.bf16.f32 v40;
	v17 =	vmovc v33;
	[tilespmem:s12+$0xFFFFFFD0] =	vst v28  }
0x1b3: {  	v40 =	vperm.xlane v31, v3;
	v28 =	vmul.f32 v12, v30;
	v12 =	vmovc v10;
	v10 =	vmov v57;
	v33 =	vld [tilespmem:s9+$0xFFFFFFF0];
	[tilespmem:s24+$0x90] =	vst v44  }
0x1b4: {  	v31 =	vperm.xlane v31, v4;
	v30 =	vmul.f32 v22, v42;
	v44 =	vadd.f32 v53, v52;
	v52 =	vld [tilespmem:s8+$0x10];
	[tilespmem:s12+$0xFFFFFF50] =	vst v47  }
0x1b5: {  	v42 =	vmul.f32 v50, v46;
	v47 =	vmul.f32 v18, v60;
	v18 =	vmovc v54;
	v46 =	vunpack.i.u.bf16.f32 v59;
	[tilespmem:s12+$0xFFFFFF40] =	vst v28;
	s12 =	smov.u32 s20;
	s20 =	smov.u32 s24  }
0x1b6: {  	v39 =	vadd.f32 v39, v41;
	v22 =	vperm.xlane v19, v8;
	v28 =	vperm.xlane v27, v7;
	v41 =	vld [tilespmem:s26+$0x50];
	[tilespmem:s12+$0x70] =	vst v30  }
0x1b7: {  	v53 =	vperm.xlane v27, v6;
	vm1 =	vgt.f32 v44, $0.0e+00;
	v30 =	vperm.xlane v27, v8;
	v50 =	vld [tilespmem:s8+$0xFFFFFFF0];
	[tilespmem:s12+$0xE0] =	vst v47  }
0x1b8: {  	vm2 =	vgt.f32 v39, $0.0e+00;
	v27 =	vperm.xlane v27, v4;
	v47 =	vmul.f32 $2.000000030e-01, v39;
	v54 =	vld [tilespmem:s26+$0x10];
	[tilespmem:s12+$0xD0] =	vst v51  }
0x1b9: {  	v26 =	vmul.f32 v26, v49;
	v38 =	vadd.f32 v52, v38;
	[tilespmem:s24+$0xFFFFFEE0] =	vst v45;
	v45 =	vperm.xlane v19, v4;
	v49 =	vld [tilespmem:s4+$0x70]  }
0x1ba: {  	v27 =	vmul.f32 v27, v46;
	v39 =	vsel vm2, v39, v47;
	[tilespmem:s24+$0xFFFFFEF0] =	vst v42;
	v42 =	vunpack.i.l.bf16.f32 v59  }
0x1bb: {  	vm2 =	vgt.f32 v38, $0.0e+00;
	v46 =	vmul.f32 $2.000000030e-01, v38;
	v47 =	vld [tilespmem:s26+$0xFFFFFF90];
	v51 =	vunpack.i.l.bf16.f32 v41;
	[tilespmem:s12+$0x60] =	vst v26  }
0x1bc: {  	v39 =	vmul.f32 $1.442695020e+00, v39;
	v32 =	vmul.f32 v32, v42;
	v33 =	vadd.f32 v50, v33;
	[tilespmem:s12+$0xFFFFFFA0] =	vst v27  }
0x1bd: {  	s24 =	sadd.s32 $0x240, s24;
	v26 =	vperm.xlane v19, v7;
	v27 =	vsel vm2, v38, v46;
	v38 =	vunpack.i.u.bf16.f32 v54  }
0x1be: {  	s26 =	sadd.s32 $0x100, s26;
	v19 =	vunpack.i.l.bf16.f32 v54;
	(erf) = vpow2.f32 v39;
	[tilespmem:s12+$0xFFFFFF90] =	vst v32;
	v32 =	vunpack.i.u.bf16.f32 v49  }
0x1bf: {  	vm2 =	vgt.f32 v33, $0.0e+00;
	v27 =	vmul.f32 $1.442695020e+00, v27;
	v19 =	vmul.f32 v56, v19;
	v39 =	vld [tilespmem:s4+$0xFFFFFFE0]  }
0x1c0: {  	v24 =	vperm.xlane v24, v4;
	v42 =	vmul.f32 $2.000000030e-01, v44;
	v46 =	vunpack.i.u.bf16.f32 v47  }
0x1c1: {  	v50 =	vmul.f32 $2.000000030e-01, v33;
	v47 =	vunpack.i.l.bf16.f32 v47;
	[tilespmem:s20+$0x20] =	vst v19;
	v19 =	vunpack.i.u.bf16.f32 v41  }
0x1c2: {  	v41 =	vsel vm1, v44, v42;
	v19 =	vmul.f32 v24, v19;
	v24 =	vunpack.i.l.bf16.f32 v49  }
0x1c3: {  	v32 =	vmul.f32 v15, v32;
	v15 =	vmovc v23;
	v33 =	vsel vm2, v33, v50;
	v41 =	vmul.f32 $1.442695020e+00, v41  }
0x1c4: {  	v23 =	vmul.f32 v45, v38;
	(erf) = vpow2.f32 v27;
	[tilespmem:s20+$0xC0] =	vst v19;
	v42 =	vunpack.i.u.bf16.f32 v39  }
0x1c5: {  	v38 =	vmul.f32 v48, v51;
	v19 =	vunpack.i.l.bf16.f32 v39;
	(erf) = vpow2.f32 v41;
	[tilespmem:s12+$0x100] =	vst v32  }
0x1c6: {  	v32 =	vmul.f32 $1.442695020e+00, v33;
	v33 =	vmul.f32 v40, v47  }
0x1c7: {  	v31 =	vmul.f32 v31, v46;
	v27 =	vnsel vm0, $0x0, v34;
	v39 =	vpop (erf);
	[tilespmem:s20+$0x30] =	vst v23;
	v23 =	vmul.f32 v43, v19  }
0x1c8: {  	v19 =	vnsel vm0, $0x0, v39;
	(erf) = vpow2.f32 v32;
	[tilespmem:s20+$0xFFFFFFF0] =	vst v27;
	v32 =	vperm.xlane v27, v3;
	v34 =	vld [tilespmem:s25+$0x20]  }
0x1c9: {  	v39 =	vperm.xlane v27, v2;
	[tilespmem:s24+$0x80] =	vst v19;
	v40 =	vperm.xlane v19, v6  }
0x1ca: {  	v48 =	vperm.xlane v19, v5;
	[tilespmem:s20+$0xFFFFFF10] =	vst v31;
	v51 =	vld [tilespmem:s25+$0xFFFFFFC0];
	v31 =	vmul.f32 v53, v42  }
0x1cb: {  	v41 =	vmul.f32 v13, v24;
	v13 =	vmovc v37;
	v42 =	vperm.xlane v27, v1;
	[tilespmem:s20+$0xFFFFFF00] =	vst v33;
	v33 =	vunpack.i.l.bf16.f32 v25  }
0x1cc: {  	v43 =	vperm.xlane v19, v2;
	v25 =	vld [tilespmem:s25+$0xFFFFFFA0];
	v33 =	vmul.f32 v16, v33;
	[tilespmem:s12+$0xFFFFFFC0] =	vst v31;
	v16 =	vmov v36  }
.Ltmp2:
0x1cd: {  	v29 =	vmul.f32 v35, v29;
	v47 =	vld [tilespmem:s26+$0x0];
	v24 =	vpop (erf);
	v31 =	vunpack.i.u.bf16.f32 v34;
	v34 =	vunpack.i.l.bf16.f32 v34;
	[tilespmem:s12+$0xFFFFFFB0] =	vst v23;
	(pc) =	sbr.rel @p0 .LBB2_8-.Ltmp2, $4  }
0x1ce: {  	v44 =	vperm.xlane v19, v1;
	v24 =	vnsel vm0, $0x0, v24;
	v36 =	vpop (erf);
	v35 =	vmul.f32 v21, v31;
	[tilespmem:s12+$0xFFFFFF20] =	vst v33;
	v45 =	vld [tilespmem:s4+$0xFFFFFFF0]  }
0x1cf: {  	v21 =	vmovc v40;
	v33 =	vperm.xlane v24, v5;
	v23 =	vperm.xlane v24, v8;
	v49 =	vunpack.i.l.bf16.f32 v51;
	[tilespmem:s12+$0xFFFFFF30] =	vst v29  }
0x1d0: {  	v50 =	vmul.f32 v20, v34;
	v20 =	vmovc v48;
	v31 =	vnsel vm0, $0x0, v36;
	v46 =	vperm.xlane v24, v2;
	[tilespmem:s24+$0x110] =	vst v24;
	v40 =	vld [tilespmem:s4+$0xFFFFFFB0];
	s4 =	smov.u32 s25;
	s25 =	smov.u32 s26  }
0x1d1: {  	s9 =	sadd.s32 $0x40, s9;
	s8 =	sadd.s32 $0x40, s8;
	v51 =	vunpack.i.u.bf16.f32 v51;
	v36 =	vperm.xlane v31, v6;
	[tilespmem:s24+$0xFFFFFF60] =	vst v31;
	v48 =	vld [tilespmem:s26+$0x40];
	v34 =	vpop (erf);
	v29 =	vunpack.i.u.bf16.f32 v25  }
0x1d2: {  	[tilespmem:s20+$0x50] =	vst v35  }
0x1d3: {  	[tilespmem:s20+$0x40] =	vst v50  }
0x1d4: {  	[tilespmem:s20+$0xB0] =	vst v38;
	v51 =	vmul.f32 v39, v51  }
0x1d5: {  	[tilespmem:s12+$0xF0] =	vst v41;
	v52 =	vmul.f32 v42, v49  }
0x1d6: {  	v37 =	vunpack.i.u.bf16.f32 v47;
	v14 =	vmul.f32 v14, v29;
	[tilespmem:s20+$0xFFFFFF80] =	vst v51  }
0x1d7: {  	v35 =	vmul.f32 v43, v37;
	v37 =	vunpack.i.l.bf16.f32 v47;
	[tilespmem:s20+$0xFFFFFF70] =	vst v52  }
0x1d8: {  	v53 =	vunpack.i.u.bf16.f32 v45;
	v37 =	vmul.f32 v44, v37;
	[tilespmem:s20+$0xFFFFFF30] =	vst v14  }
0x1d9: {  	v54 =	vld [tilespmem:s4+$0x30];
	v58 =	vunpack.i.l.bf16.f32 v45;
	v30 =	vmul.f32 v30, v53;
	[tilespmem:s24+$0x10] =	vst v35  }
0x1da: {  	v57 =	vld [tilespmem:s4+$0x60];
	v28 =	vmul.f32 v28, v58;
	v60 =	vunpack.i.u.bf16.f32 v40;
	[tilespmem:s24+$0x0] =	vst v37  }
0x1db: {  	v62 =	vunpack.i.l.bf16.f32 v40;
	[tilespmem:s12+$0xFFFFFFE0] =	vst v30;
	v11 =	vmul.f32 v11, v60  }
0x1dc: {  	v56 =	vperm.xlane v24, v1;
	v55 =	vunpack.i.u.bf16.f32 v48;
	[tilespmem:s12+$0xFFFFFFD0] =	vst v28;
	v12 =	vmul.f32 v12, v62  }
0x1dd: {  	v59 =	vunpack.i.l.bf16.f32 v48;
	v41 =	vmul.f32 v46, v55;
	[tilespmem:s12+$0xFFFFFF50] =	vst v11  }
0x1de: {  	v61 =	vld [tilespmem:s26+$0xFFFFFF80];
	v35 =	vmul.f32 v56, v59;
	v63 =	vunpack.i.u.bf16.f32 v54;
	[tilespmem:s12+$0xFFFFFF40] =	vst v12  }
0x1df: {  	v43 =	vunpack.i.l.bf16.f32 v57;
	[tilespmem:s24+$0xA0] =	vst v41;
	v22 =	vmul.f32 v22, v63  }
0x1e0: {  	v40 =	vld [tilespmem:s4+$0xFFFFFFD0];
	v47 =	vunpack.i.l.bf16.f32 v54;
	[tilespmem:s24+$0x90] =	vst v35;
	v17 =	vmul.f32 v17, v43  }
0x1e1: {  	v35 =	vunpack.i.u.bf16.f32 v57;
	v51 =	vmul.f32 v26, v47;
	[tilespmem:s20+$0x70] =	vst v22  }
0x1e2: {  	v42 =	vperm.xlane v31, v1;
	v45 =	vld [tilespmem:s26+$0x10];
	v11 =	vmul.f32 v18, v35;
	[tilespmem:s20+$0xD0] =	vst v17  }
0x1e3: {  	v48 =	vperm.xlane v27, v4;
	v44 =	vunpack.i.l.bf16.f32 v61;
	v41 =	vperm.xlane v31, v2;
	[tilespmem:s20+$0x60] =	vst v51  }
0x1e4: {  	v46 =	vunpack.i.u.bf16.f32 v61;
	v18 =	vmul.f32 v42, v44;
	[tilespmem:s20+$0xE0] =	vst v11;
	v11 =	vnsel vm0, $0x0, v34  }
0x1e5: {  	v50 =	vunpack.i.u.bf16.f32 v40;
	v22 =	vld [tilespmem:s26+$0x50];
	v12 =	vmul.f32 v41, v46;
	[tilespmem:s24+$0xFFFFFFF0] =	vst v11  }
0x1e6: {  	v52 =	vperm.xlane v19, v3;
	v53 =	vunpack.i.l.bf16.f32 v40;
	v54 =	vmul.f32 v48, v50;
	[tilespmem:s24+$0xFFFFFEE0] =	vst v18;
	v49 =	vld [tilespmem:s25+$0xFFFFFFC0]  }
0x1e7: {  	v39 =	vperm.xlane v19, v4;
	v55 =	vunpack.i.l.bf16.f32 v45;
	[tilespmem:s24+$0xFFFFFEF0] =	vst v12;
	v12 =	vmul.f32 v32, v53  }
0x1e8: {  	v43 =	vunpack.i.u.bf16.f32 v45;
	v35 =	vld [tilespmem:s4+$0x70];
	[tilespmem:s20+$0xFFFFFFA0] =	vst v54;
	v18 =	vmul.f32 v52, v55  }
0x1e9: {  	v56 =	vperm.xlane v24, v4;
	v26 =	vmul.f32 v39, v43;
	v55 =	vunpack.i.l.bf16.f32 v25;
	v57 =	vld [tilespmem:s26+$0xFFFFFF90];
	[tilespmem:s20+$0xFFFFFF90] =	vst v12  }
0x1ea: {  	v59 =	vperm.xlane v11, v2;
	v16 =	vmul.f32 v16, v55;
	[tilespmem:s24+$0x20] =	vst v18;
	v58 =	vunpack.i.u.bf16.f32 v22  }
0x1eb: {  	v61 =	vperm.xlane v11, v1;
	[tilespmem:s24+$0x30] =	vst v26;
	v63 =	vld [tilespmem:s4+$0xFFFFFFE0];
	v60 =	vmul.f32 v56, v58;
	v62 =	vunpack.i.u.bf16.f32 v49  }
0x1ec: {  	[tilespmem:s20+$0xFFFFFF20] =	vst v16;
	v17 =	vunpack.i.l.bf16.f32 v49;
	v38 =	vmul.f32 v59, v62  }
0x1ed: {  	v42 =	vperm.xlane v31, v4;
	v40 =	vunpack.i.u.bf16.f32 v35;
	[tilespmem:s24+$0xC0] =	vst v60;
	v41 =	vmul.f32 v61, v17  }
0x1ee: {  	v44 =	vperm.xlane v31, v3;
	v15 =	vmul.f32 v15, v40;
	v45 =	vunpack.i.u.bf16.f32 v57;
	[tilespmem:s24+$0xFFFFFF80] =	vst v38  }
0x1ef: {  	v50 =	vperm.xlane v27, v5;
	v47 =	vunpack.i.l.bf16.f32 v57;
	v48 =	vmul.f32 v42, v45;
	[tilespmem:s24+$0xFFFFFF70] =	vst v41;
	v38 =	vld [tilespmem:s4+$0xFFFFFFB0]  }
0x1f0: {  	v46 =	vperm.xlane v27, v6;
	v18 =	vmul.f32 v44, v47;
	[tilespmem:s20+$0x100] =	vst v15;
	v52 =	vunpack.i.l.bf16.f32 v63;
	v49 =	vld [tilespmem:s25+$0xFFFFFFD0]  }
0x1f1: {  	v53 =	vperm.xlane v24, v3;
	v51 =	vunpack.i.u.bf16.f32 v63;
	[tilespmem:s24+$0xFFFFFF10] =	vst v48;
	v26 =	vmul.f32 v50, v52  }
0x1f2: {  	v54 =	vld [tilespmem:s25+$0x20];
	v22 =	vunpack.i.l.bf16.f32 v22;
	v12 =	vmul.f32 v46, v51;
	[tilespmem:s24+$0xFFFFFF00] =	vst v18  }
0x1f3: {  	v15 =	vmul.f32 v53, v22;
	v34 =	vld [tilespmem:s25+$0xFFFFFFA0];
	[tilespmem:s20+$0xFFFFFFB0] =	vst v26;
	v26 =	vunpack.i.l.bf16.f32 v35  }
0x1f4: {  	v56 =	vperm.xlane v11, v4;
	[tilespmem:s20+$0xFFFFFFC0] =	vst v12;
	v13 =	vmul.f32 v13, v26;
	v51 =	vunpack.i.l.bf16.f32 v38  }
0x1f5: {  	v57 =	vperm.xlane v11, v3;
	[tilespmem:s24+$0xB0] =	vst v15;
	v59 =	vld [tilespmem:s4+$0xFFFFFFF0];
	v58 =	vunpack.i.u.bf16.f32 v49;
	v10 =	vmul.f32 v10, v51  }
0x1f6: {  	v62 =	vld [tilespmem:s25+$0x60];
	[tilespmem:s20+$0xF0] =	vst v13;
	v17 =	vunpack.i.l.bf16.f32 v49;
	v12 =	vmul.f32 v56, v58  }
0x1f7: {  	v43 =	vperm.xlane v31, v5;
	v61 =	vunpack.i.u.bf16.f32 v54;
	v60 =	vmul.f32 v57, v17;
	[tilespmem:s20+$0xFFFFFF40] =	vst v10  }
0x1f8: {  	v46 =	vunpack.i.l.bf16.f32 v34;
	v17 =	vmul.f32 v21, v61;
	[tilespmem:s24+$0xFFFFFFA0] =	vst v12  }
0x1f9: {  	v25 =	vperm.xlane v27, v8;
	v63 =	vunpack.i.l.bf16.f32 v54;
	v14 =	vmul.f32 v43, v46;
	[tilespmem:s24+$0xFFFFFF90] =	vst v60  }
0x1fa: {  	v32 =	vperm.xlane v24, v6;
	v30 =	vunpack.i.u.bf16.f32 v59;
	v12 =	vmul.f32 v20, v63;
	[tilespmem:s24+$0x50] =	vst v17  }
0x1fb: {  	v37 =	vunpack.i.u.bf16.f32 v62;
	v15 =	vmul.f32 v25, v30;
	[tilespmem:s24+$0xFFFFFF20] =	vst v14;
	v28 =	vld [tilespmem:s25+$0xFFFFFFE0]  }
0x1fc: {  	v39 =	vunpack.i.l.bf16.f32 v62;
	v13 =	vmul.f32 v32, v37;
	[tilespmem:s24+$0x40] =	vst v12  }
0x1fd: {  	v29 =	vperm.xlane v27, v7;
	v49 =	vunpack.i.u.bf16.f32 v38;
	[tilespmem:s20+$0xFFFFFFE0] =	vst v15;
	v15 =	vmul.f32 v33, v39  }
0x1fe: {  	v9 =	vmul.f32 v9, v49;
	v35 =	vunpack.i.l.bf16.f32 v59;
	[tilespmem:s24+$0xE0] =	vst v13;
	v44 =	vld [tilespmem:s25+$0x30]  }
0x1ff: {  	v40 =	vperm.xlane v11, v6;
	v47 =	vunpack.i.u.bf16.f32 v34;
	v12 =	vmul.f32 v29, v35;
	[tilespmem:s24+$0xD0] =	vst v15  }
0x200: {  	v41 =	vperm.xlane v11, v5;
	[tilespmem:s20+$0xFFFFFF50] =	vst v9;
	v15 =	vmul.f32 v36, v47;
	v48 =	vld [tilespmem:s25+$0x70];
	v42 =	vunpack.i.u.bf16.f32 v28  }
0x201: {  	[tilespmem:s20+$0xFFFFFFD0] =	vst v12;
	v45 =	vunpack.i.l.bf16.f32 v28;
	v12 =	vmul.f32 v40, v42  }
0x202: {  	v53 =	vperm.xlane v19, v7;
	[tilespmem:s24+$0xFFFFFF30] =	vst v15;
	v13 =	vmul.f32 v41, v45  }
0x203: {  	v9 =	vld [tilespmem:s25+$0xFFFFFFB0];
	v55 =	vunpack.i.l.bf16.f32 v44;
	[tilespmem:s24+$0xFFFFFFC0] =	vst v12  }
0x204: {  	v56 =	vperm.xlane v24, v7;
	[tilespmem:s24+$0xFFFFFFB0] =	vst v13;
	v10 =	vmul.f32 v53, v55  }
0x205: {  	v50 =	vperm.xlane v19, v8;
	v52 =	vld [tilespmem:s25+$0xFFFFFFF0];
	v59 =	vunpack.i.l.bf16.f32 v48  }
0x206: {  	v54 =	vunpack.i.u.bf16.f32 v44;
	[tilespmem:s24+$0x60] =	vst v10;
	v10 =	vmul.f32 v56, v59  }
0x207: {  	v61 =	vperm.xlane v31, v8;
	v13 =	vmul.f32 v50, v54;
	v57 =	vunpack.i.u.bf16.f32 v48  }
0x208: {  	v63 =	vperm.xlane v31, v7;
	v12 =	vmul.f32 v23, v57;
	[tilespmem:s24+$0xF0] =	vst v10;
	v10 =	vunpack.i.u.bf16.f32 v9  }
0x209: {  	v58 =	vperm.xlane v11, v8;
	[tilespmem:s24+$0x70] =	vst v13;
	v9 =	vunpack.i.l.bf16.f32 v9;
	v10 =	vmul.f32 v61, v10  }
0x20a: {  	v11 =	vperm.xlane v11, v7;
	[tilespmem:s24+$0x100] =	vst v12;
	v9 =	vmul.f32 v63, v9;
	v60 =	vunpack.i.u.bf16.f32 v52  }
0x20b: {  	s26 =	smul.u32 $0x180, s19;
	v62 =	vunpack.i.l.bf16.f32 v52;
	v13 =	vmul.f32 v58, v60;
	[tilespmem:s24+$0xFFFFFF50] =	vst v10  }
0x20c: {  	s18 =	sadd.s32 $0x1, s18;
	v11 =	vmul.f32 v11, v62;
	[tilespmem:s24+$0xFFFFFF40] =	vst v9  }
0x20d: {  	p0 =	sne.s32 s18, $0x9;
	s4 =	sshra.s32 s26, $0x2;
	[tilespmem:s24+$0xFFFFFFE0] =	vst v13  }
.Ltmp3:
0x20e: {  	s4 =	sadd.s32 $0x6C0, s4;
	[tilespmem:s24+$0xFFFFFFD0] =	vst v11;
	(pc) =	sbr.rel @p0 .LBB2_5-.Ltmp3, $4  }
0x20f: {  	[spmem:s3] =	stream.indirect.scatter.add.f32 [tilespmem:s21], [sflag:$0x7], $0x90, s4, s23, $0xb8;
	[tilespmem:$0x1F380] =	vst v63  }
0x210: {  	_ =	swait.ge [sflag:s11], $0x3600  }
0x211: {  	[sflag:s11] =	ssyncset.done $0x0  }
0x212: {  	[sflag:s11] =	ssyncadd.s32 $0xFFFFCA00  }
0x213: {  	s17 =	sadd.s32 $0x1, s17  }
0x214: {  	p0 =	sne.s32 s17, s22  }
.Ltmp4:
0x215: {  	_ = 	snop;
	(pc) =	sbr.rel @p0 .LBB2_4-.Ltmp4, $1  }
0x216: {  	_ =	sdelay $0x3  }
0x217: {  	s4 =	stileid.u32;
	[bflag:$0x0] =	sbarrier.arrive $0xFFFF  }
0x218: {  	s4 =	sshll.u32 s4, $0x6;
	s8 =	rddreg [dreg:$0x7]  }
0x219: {  	s9 =	rddreg [dreg:$0xe];
	s4 =	sor.u32 $0x1C07, s4;
	s7 =	sshrl.u32 s8, $0x3  }
0x21a: {  	[hbm:s9], [sflag:s4] =	dma.local [spmem:s7], $0x2D00  }
0x21b: {  	_ =	swait.ge [sflag:s11], $0x2D00  }
0x21c: {  	s12 =	rddreg [dreg:$0x4]  }
0x21d: {  	s26 =	rddreg [dreg:$0xf];
	s12 =	sadd.s32 $0x1, s12  }
0x21e: {  	p0 =	sne.s32 s12, s26  }
.Ltmp5:
0x21f: {  	_ = 	snop;
	(pc) =	sbr.rel @p0 .LBB2_1-.Ltmp5, $3  }
0x220: {  	_ =	sdelay $0x1  }
0x221: {  	[sflag:s11] =	ssyncset.done $0x0  }
0x222: {  	[sflag:s11] =	ssyncadd.s32 $0xFFFFD300  }
0x223: {  	_ =	sfence.sel $0x180000  }
0x224: {  	[bflag:$0x0] =	sbarrier.arrive $0xFFFF  }
0x225: {  	_ =	strace $0x90000047  }
0x226: {  	s0 =	stileid.u32;
	[bflag:$0x2] =	sbarrier.arrive $0xFFFF  }
0x227: {  	p0 =	sne.s32 s0, $0x0;
	s0 =	rddreg [dreg:$0x3]  }
0x228: {  	s0 =	sadd.s32 @!p0 $0x100000, s0  }
0x229: {  	[sflag:s0] =	ssyncadd.tile.s32 @!p0 $0x1;
	_ =	shalt  }
.Lfunc_end2:
_tile_overlayer_lowered:
.L_overlay_start_2:
0x22a: {  	(tag) =	ssettag $0x2  }
0x22b: {  	s0 =	rddreg [dreg:$0x0];
	s2 =	stileid.u32  }
0x22c: {  	s1 =	rddreg [dreg:$0x1];
	p0 =	sne.s32 s2, $0x0  }
0x22d: {  	s3 =	rddreg [dreg:$0x2];
	[bflag:$0x3] =	sbarrier.arrive $0xFFFF;
	s2 =	simm.s32 @!p0 $0x1C07  }
0x22e: {  	[timem:s3], [sflag:s2] =	dma.local @!p0 [hbm:s0], s1  }
0x22f: {  	s0 =	simm.s32 @!p0 $0x7  }
0x230: {  	_ =	swait.ge @!p0 [sflag:s0], s1  }
0x231: {  	s1 =	ssub.s32 @!p0 $0x0, s1;
	[sflag:s0] =	ssyncset.done @!p0 $0x0  }
0x232: {  	[sflag:s0] =	ssyncadd.s32 @!p0 s1  }
0x233: {  	[bflag:$0x3] =	sbarrier.arrive $0xFFFF  }
0x234: {  	_ =	shalt  }

</sc_bundles>
